<compile_context>
chip_gen: v7x
topology: tpu7x:2x2x1
jax: 0.10.2.dev20260603
libtpu: 0.0.44.dev20260713+nightly
codegen_flags: <defaults>
</compile_context>

<pallas_src>
import functools

import jax
import jax.numpy as jnp
from jax import lax
from jax.experimental import pallas as pl
from jax.experimental.pallas import tpu as pltpu
from jax.experimental.pallas import tpu_sc as plsc

DIM = 64
SEQ = 128
EPS = 1e-5
NC = 2
NS = 16
NW = NC * NS
CHUNK = 128
NBUF = 4
OBUF = 2
SPAD = SEQ + 1


def _rsqrt(x):
    i = plsc.bitcast(x, jnp.int32)
    i = jnp.int32(0x5F3759DF) - lax.shift_right_logical(i, 1)
    y = plsc.bitcast(i, jnp.float32)
    hx = 0.5 * x
    for _ in range(2):
        y = y * (1.5 - hx * y * y)
    return y


def _lane_sum(v):
    idx = lax.iota(jnp.int32, 16)
    dnums = lax.GatherDimensionNumbers(
        offset_dims=(), collapsed_slice_dims=(0,), start_index_map=(0,))
    for k in (8, 4, 2, 1):
        perm = lax.bitwise_xor(idx, jnp.int32(k))
        v = v + lax.gather(v, perm[:, None], dnums, slice_sizes=(1,),
                           mode=lax.GatherScatterMode.PROMISE_IN_BOUNDS)
    return v


DSLAB = 256
DPAD = 2 * DIM + 1
NFULL = 1000000 // DSLAB
NTAIL = 1000000 - NFULL * DSLAB


def _detile_body(tt_hbm, tail_hbm, out_hbm, vin, vout, vtail, in_sems,
                 out_sems):
    wid = lax.axis_index("s") * NC + lax.axis_index("c")

    half = lax.iota(jnp.int32, 16) // 2
    colp = (lax.iota(jnp.int32, 16) & 1) * DIM
    rows_tb = [tb * 8 + half for tb in range(DSLAB // 16)]

    niter = (NFULL + NW - 1) // NW

    def start_in(s, slot):
        pltpu.async_copy(tt_hbm.at[:, pl.ds(s * DSLAB, DSLAB)],
                         vin.at[slot], in_sems.at[slot])

    def wait_in(slot):
        pltpu.make_async_copy(tt_hbm.at[:, pl.ds(0, DSLAB)],
                              vin.at[slot], in_sems.at[slot]).wait()

    def wait_out(slot):
        pltpu.make_async_copy(out_hbm.at[pl.ds(0, DSLAB // 2)],
                              vout.at[slot].at[:, pl.ds(0, 2 * DIM)],
                              out_sems.at[slot]).wait()

    def slab_id(i):
        return wid + NW * i

    @pl.when(slab_id(0) < NFULL)
    def _():
        start_in(slab_id(0), 0)

    @pl.when(slab_id(1) < NFULL)
    def _():
        start_in(slab_id(1), 1)

    def detile_group(g, _):
        for slot in range(2):
            i = g * 2 + slot
            s = slab_id(i)

            @pl.when(s < NFULL)
            def _():
                wait_in(slot)

                @pl.when(i >= 2)
                def _():
                    wait_out(slot)

                @plsc.parallel_loop(0, (DSLAB // 16) * DIM,
                                    unroll=16)
                def td_body(k):
                    tb = k >> 6
                    d = k & 63
                    x = vin[slot, d, pl.ds(tb * 16, 16)]
                    plsc.store_scatter(vout.at[slot],
                                       [tb * 8 + half, colp + d], x)
                pltpu.async_copy(
                    vout.at[slot].at[:, pl.ds(0, 2 * DIM)],
                    out_hbm.at[pl.ds(s * (DSLAB // 2), DSLAB // 2)],
                    out_sems.at[slot])
                nxt = slab_id(i + 2)

                @pl.when(nxt < NFULL)
                def _():
                    start_in(nxt, slot)
        return 0

    lax.fori_loop(0, (niter + 1) // 2, detile_group, 0)

    for slot in range(2):
        @pl.when(slab_id(slot) < NFULL)
        def _():
            wait_out(slot)

    @pl.when(wid == 0)
    def _():
        pltpu.sync_copy(tail_hbm, vtail)
        pltpu.sync_copy(vtail,
                        out_hbm.at[pl.ds(NFULL * (DSLAB // 2),
                                         NTAIL // 2)])


def _sc_body(total_rows, ids_hbm, table_hbm, pos_hbm, gamma_hbm, beta_hbm,
             out_hbm, idx_v, rows_v, stage_v, pos_v, gamma_v, beta_v,
             in_sems, out_sems):
    wid = lax.axis_index("s") * NC + lax.axis_index("c")
    rows_per_w = total_rows // NW
    base = pl.multiple_of(wid * rows_per_w, CHUNK)
    seq_base = base // SEQ

    pltpu.sync_copy(ids_hbm.at[pl.ds(base, rows_per_w)], idx_v)
    pltpu.sync_copy(pos_hbm, pos_v)
    pltpu.sync_copy(gamma_hbm, gamma_v)
    pltpu.sync_copy(beta_hbm, beta_v)

    g = [gamma_v[pl.ds(16 * j, 16)] for j in range(4)]
    b = [beta_v[pl.ds(16 * j, 16)] for j in range(4)]
    row_ids = [lax.iota(jnp.int32, 16) + 16 * j for j in range(4)]
    inv_d = jnp.float32(1.0 / DIM)

    nchunks = rows_per_w // CHUNK

    def start_gather(c, buf):
        off = pl.multiple_of(c * CHUNK, CHUNK)
        pltpu.async_copy(table_hbm.at[idx_v.at[pl.ds(off, CHUNK)]],
                         rows_v.at[buf], in_sems.at[buf])

    def wait_dma(dst, sem):
        pltpu.make_async_copy(table_hbm.at[pl.ds(0, dst.shape[0])], dst,
                              sem).wait()

    def wait_out(oi):
        pltpu.make_async_copy(
            out_hbm.at[pl.ds(0, DIM)],
            stage_v.at[oi].at[:, pl.ds(0, SEQ)], out_sems.at[oi]).wait()

    start_gather(0, 0)
    start_gather(1, 1)

    def group_body(grp, _):
        for bi in range(NBUF):
            c = grp * NBUF + bi
            oi = bi % OBUF
            buf = rows_v.at[bi]
            stage = stage_v.at[oi]

            wait_dma(buf, in_sems.at[bi])

            @pl.when(c >= OBUF)
            def _():
                wait_out(oi)

            @plsc.parallel_loop(0, CHUNK, unroll=4)
            def row_body(r):
                x = [buf[r, pl.ds(16 * j, 16)] + pos_v[r, pl.ds(16 * j, 16)]
                     for j in range(4)]
                s = _lane_sum(x[0] + x[1] + x[2] + x[3])
                q = _lane_sum(x[0] * x[0] + x[1] * x[1]
                              + x[2] * x[2] + x[3] * x[3])
                mean = s * inv_d
                var = q * inv_d - mean * mean
                rstd = _rsqrt(var + EPS)
                col = jnp.full((16,), r, jnp.int32)
                for j in range(4):
                    y = (x[j] - mean) * rstd * g[j] + b[j]
                    plsc.store_scatter(stage, [row_ids[j], col], y)

            pltpu.async_copy(stage.at[:, pl.ds(0, SEQ)],
                             out_hbm.at[pl.ds((seq_base + c) * DIM, DIM)],
                             out_sems.at[oi])

            nxt = c + 2

            @pl.when(nxt < nchunks)
            def _():
                start_gather(nxt, (bi + 2) % NBUF)
        return 0

    lax.fori_loop(0, nchunks // NBUF, group_body, 0)

    for oi in range(OBUF):
        wait_out(oi)


def kernel(input_ids, token_table, pos_table, gamma, beta):
    batch, seq = input_ids.shape
    total_rows = batch * seq
    vocab = token_table.shape[0]
    ids_flat = input_ids.reshape(total_rows).astype(jnp.int32)
    rows_per_w = total_rows // NW

    mesh = plsc.VectorSubcoreMesh(core_axis_name="c", subcore_axis_name="s")

    tt = token_table.T
    tail_pairs = token_table[NFULL * DSLAB:].reshape(NTAIL // 2, 2 * DIM)
    pairs = pl.kernel(
        _detile_body,
        out_type=jax.ShapeDtypeStruct((vocab // 2, 2 * DIM), jnp.float32),
        mesh=mesh,
        compiler_params=pltpu.CompilerParams(
            needs_layout_passes=False, use_tc_tiling_on_sc=True),
        scratch_types=[
            pltpu.VMEM((2, DIM, DSLAB), jnp.float32),
            pltpu.VMEM((2, DSLAB // 2, DPAD), jnp.float32),
            pltpu.VMEM((NTAIL // 2, 2 * DIM), jnp.float32),
            pltpu.SemaphoreType.DMA((2,)),
            pltpu.SemaphoreType.DMA((2,)),
        ],
    )(tt, tail_pairs)
    token_lin = pairs.reshape(vocab, DIM)
    out_t = pl.kernel(
        functools.partial(_sc_body, total_rows),
        out_type=jax.ShapeDtypeStruct((batch * DIM, SEQ), jnp.float32),
        mesh=mesh,
        compiler_params=pltpu.CompilerParams(
            needs_layout_passes=False, use_tc_tiling_on_sc=False),
        scratch_types=[
            pltpu.VMEM((rows_per_w,), jnp.int32),
            pltpu.VMEM((NBUF, CHUNK, DIM), jnp.float32),
            pltpu.VMEM((OBUF, DIM, SPAD), jnp.float32),
            pltpu.VMEM((SEQ, DIM), jnp.float32),
            pltpu.VMEM((DIM,), jnp.float32),
            pltpu.VMEM((DIM,), jnp.float32),
            pltpu.SemaphoreType.DMA((NBUF,)),
            pltpu.SemaphoreType.DMA((OBUF,)),
        ],
    )(ids_flat, token_lin, pos_table, gamma, beta)
    return out_t.reshape(batch, DIM, SEQ).transpose(0, 2, 1)

# --- scband reference (transcript-rebuilt; emitter-appended) ---
"""Pipeline reference for scband-token-embedding-83863531421748 (READ-ONLY COPY).

The authoritative reference and input builder live on the scoring server;
editing this copy changes nothing except your own understanding.
"""

import jax, jax.numpy as jnp
import numpy as np

VOCAB = 1000000
DIM = 64
MAXLEN = 128
BATCH = 4096
SEQ = 128
EPS = 1e-5


def setup_inputs(seed: int = 0) -> dict:
    key = jax.random.key(seed)
    k1, k2, k3 = jax.random.split(key, 3)
    input_ids = jax.random.randint(k1, (BATCH, SEQ), 0, VOCAB, dtype=jnp.int64 if jax.config.jax_enable_x64 else jnp.int32)
    token_table = jax.random.normal(k2, (VOCAB, DIM), dtype=jnp.float32) * 0.02
    token_table = token_table.at[0].set(0.0)  # padding_idx=0
    pos_table = jax.random.normal(k3, (MAXLEN, DIM), dtype=jnp.float32) * 0.02
    gamma = jnp.ones((DIM,), dtype=jnp.float32)
    beta = jnp.zeros((DIM,), dtype=jnp.float32)
    return {"input_ids": input_ids, "token_table": token_table, "pos_table": pos_table, "gamma": gamma, "beta": beta}


def reference(input_ids, token_table, pos_table, gamma, beta):
    # token embedding gather
    emb = jnp.take(token_table, input_ids, axis=0)  # (B, S, D)
    # positional embedding
    positions = jnp.arange(SEQ)
    pos_emb = jnp.take(pos_table, positions, axis=0)  # (S, D)
    emb = emb + pos_emb[None, :, :]
    # layer norm over last dim
    mean = jnp.mean(emb, axis=-1, keepdims=True)
    var = jnp.var(emb, axis=-1, keepdims=True)
    normed = (emb - mean) / jnp.sqrt(var + EPS)
    out = normed * gamma + beta
    # dropout p=0.0 (eval/identity); no attention_mask
    return out

if __name__ == "__main__":
    import jax
    _d = setup_inputs()
    print(jax.jit(kernel)(*tuple(_d.values())))

</pallas_src>

<mosaic_0001>
#map = affine_map<(d0, d1) -> (0, 0)>
module attributes {stable_mosaic.version = 14 : i64} {
  func.func @_detile_body(%arg0: i32, %arg1: i32, %arg2: memref<64x1000000xf32, #tpu.memory_space<hbm>>, %arg3: memref<32x128xf32, #tpu.memory_space<hbm>>, %arg4: memref<500000x128xf32, #tpu.memory_space<hbm>>, %arg5: memref<2x64x256xf32, #tpu.memory_space<vmem>>, %arg6: memref<2x128x129xf32, #tpu.memory_space<vmem>>, %arg7: memref<32x128xf32, #tpu.memory_space<vmem>>, %arg8: memref<2x!tpu.dma_semaphore, #tpu.memory_space<semaphore_mem>>, %arg9: memref<2x!tpu.dma_semaphore, #tpu.memory_space<semaphore_mem>>) attributes {dimension_semantics = [#tpu.dimension_semantics<core_parallel>, #tpu.dimension_semantics<subcore_parallel>], iteration_bounds = array<i64: 2, 16>, scalar_prefetch = 0 : i64, scratch_operands = 5 : i64, tpu.core_type = #tpu.core_type<sc_vector_subcore>, window_params = [{transform_indices = #map}, {transform_indices = #map}, {transform_indices = #map}]} {
    %mul3A = arith.constant 2 : i32
    %mul3A_0 = arith.muli %arg1, %mul3A : i32
    %add3A = arith.addi %mul3A_0, %arg0 : i32
    %iota3A = tpu.iota {dimensions = array<i32: 0>} : vector<16xi32>
    %jit3A = arith.constant 2 : i32
    %div3A = vector.broadcast %jit3A : i32 to vector<16xi32>
    %div3A_1 = arith.divsi %iota3A, %div3A : vector<16xi32>
    %sign3A = arith.constant 0 : i32
    %sign3A_2 = vector.broadcast %sign3A : i32 to vector<16xi32>
    %sign3A_3 = arith.cmpi sgt, %iota3A, %sign3A_2 : vector<16xi32>
    %sign3A_4 = arith.extui %sign3A_3 : vector<16xi1> to vector<16xi32>
    %sign3A_5 = arith.constant 0 : i32
    %sign3A_6 = vector.broadcast %sign3A_5 : i32 to vector<16xi32>
    %sign3A_7 = arith.cmpi slt, %iota3A, %sign3A_6 : vector<16xi32>
    %sign3A_8 = arith.extui %sign3A_7 : vector<16xi1> to vector<16xi32>
    %sign3A_9 = arith.subi %sign3A_4, %sign3A_8 : vector<16xi32>
    %sign3A_10 = arith.constant 0 : i32
    %sign3A_11 = arith.cmpi sgt, %jit3A, %sign3A_10 : i32
    %sign3A_12 = arith.extui %sign3A_11 : i1 to i32
    %sign3A_13 = arith.constant 0 : i32
    %sign3A_14 = arith.cmpi slt, %jit3A, %sign3A_13 : i32
    %sign3A_15 = arith.extui %sign3A_14 : i1 to i32
    %sign3A_16 = arith.subi %sign3A_12, %sign3A_15 : i32
    %ne3A = vector.broadcast %sign3A_16 : i32 to vector<16xi32>
    %ne3A_17 = arith.cmpi ne, %sign3A_9, %ne3A : vector<16xi32>
    %rem3A = vector.broadcast %jit3A : i32 to vector<16xi32>
    %rem3A_18 = arith.remsi %iota3A, %rem3A : vector<16xi32>
    %ne3A_19 = arith.constant 0 : i32
    %ne3A_20 = vector.broadcast %ne3A_19 : i32 to vector<16xi32>
    %ne3A_21 = arith.cmpi ne, %rem3A_18, %ne3A_20 : vector<16xi32>
    %and3A = arith.andi %ne3A_17, %ne3A_21 : vector<16xi1>
    %sub3A = arith.constant 1 : i32
    %sub3A_22 = vector.broadcast %sub3A : i32 to vector<16xi32>
    %sub3A_23 = arith.subi %div3A_1, %sub3A_22 : vector<16xi32>
    %select_n3A = arith.select %and3A, %sub3A_23, %div3A_1 : vector<16xi1>, vector<16xi32>
    %iota3A_24 = tpu.iota {dimensions = array<i32: 0>} : vector<16xi32>
    %and3A_25 = arith.constant 1 : i32
    %and3A_26 = vector.broadcast %and3A_25 : i32 to vector<16xi32>
    %and3A_27 = arith.andi %iota3A_24, %and3A_26 : vector<16xi32>
    %mul3A_28 = arith.constant 64 : i32
    %mul3A_29 = vector.broadcast %mul3A_28 : i32 to vector<16xi32>
    %mul3A_30 = arith.muli %and3A_27, %mul3A_29 : vector<16xi32>
    %add3A_31 = arith.constant 0 : i32
    %add3A_32 = vector.broadcast %add3A_31 : i32 to vector<16xi32>
    %add3A_33 = arith.addi %add3A_32, %select_n3A : vector<16xi32>
    %add3A_34 = arith.constant 8 : i32
    %add3A_35 = vector.broadcast %add3A_34 : i32 to vector<16xi32>
    %add3A_36 = arith.addi %add3A_35, %select_n3A : vector<16xi32>
    %add3A_37 = arith.constant 16 : i32
    %add3A_38 = vector.broadcast %add3A_37 : i32 to vector<16xi32>
    %add3A_39 = arith.addi %add3A_38, %select_n3A : vector<16xi32>
    %add3A_40 = arith.constant 24 : i32
    %add3A_41 = vector.broadcast %add3A_40 : i32 to vector<16xi32>
    %add3A_42 = arith.addi %add3A_41, %select_n3A : vector<16xi32>
    %add3A_43 = arith.constant 32 : i32
    %add3A_44 = vector.broadcast %add3A_43 : i32 to vector<16xi32>
    %add3A_45 = arith.addi %add3A_44, %select_n3A : vector<16xi32>
    %add3A_46 = arith.constant 40 : i32
    %add3A_47 = vector.broadcast %add3A_46 : i32 to vector<16xi32>
    %add3A_48 = arith.addi %add3A_47, %select_n3A : vector<16xi32>
    %add3A_49 = arith.constant 48 : i32
    %add3A_50 = vector.broadcast %add3A_49 : i32 to vector<16xi32>
    %add3A_51 = arith.addi %add3A_50, %select_n3A : vector<16xi32>
    %add3A_52 = arith.constant 56 : i32
    %add3A_53 = vector.broadcast %add3A_52 : i32 to vector<16xi32>
    %add3A_54 = arith.addi %add3A_53, %select_n3A : vector<16xi32>
    %add3A_55 = arith.constant 64 : i32
    %add3A_56 = vector.broadcast %add3A_55 : i32 to vector<16xi32>
    %add3A_57 = arith.addi %add3A_56, %select_n3A : vector<16xi32>
    %add3A_58 = arith.constant 72 : i32
    %add3A_59 = vector.broadcast %add3A_58 : i32 to vector<16xi32>
    %add3A_60 = arith.addi %add3A_59, %select_n3A : vector<16xi32>
    %add3A_61 = arith.constant 80 : i32
    %add3A_62 = vector.broadcast %add3A_61 : i32 to vector<16xi32>
    %add3A_63 = arith.addi %add3A_62, %select_n3A : vector<16xi32>
    %add3A_64 = arith.constant 88 : i32
    %add3A_65 = vector.broadcast %add3A_64 : i32 to vector<16xi32>
    %add3A_66 = arith.addi %add3A_65, %select_n3A : vector<16xi32>
    %add3A_67 = arith.constant 96 : i32
    %add3A_68 = vector.broadcast %add3A_67 : i32 to vector<16xi32>
    %add3A_69 = arith.addi %add3A_68, %select_n3A : vector<16xi32>
    %add3A_70 = arith.constant 104 : i32
    %add3A_71 = vector.broadcast %add3A_70 : i32 to vector<16xi32>
    %add3A_72 = arith.addi %add3A_71, %select_n3A : vector<16xi32>
    %add3A_73 = arith.constant 112 : i32
    %add3A_74 = vector.broadcast %add3A_73 : i32 to vector<16xi32>
    %add3A_75 = arith.addi %add3A_74, %select_n3A : vector<16xi32>
    %add3A_76 = arith.constant 120 : i32
    %add3A_77 = vector.broadcast %add3A_76 : i32 to vector<16xi32>
    %add3A_78 = arith.addi %add3A_77, %select_n3A : vector<16xi32>
    %add3A_79 = arith.constant 0 : i32
    %add3A_80 = arith.addi %add3A, %add3A_79 : i32
    %lt3A = arith.constant 3906 : i32
    %lt3A_81 = arith.cmpi slt, %add3A_80, %lt3A : i32
    %convert_element_type3A = arith.extui %lt3A_81 : i1 to i32
    %cond3A = arith.constant 0 : i32
    %cond3A_82 = arith.cmpi ne, %convert_element_type3A, %cond3A : i32
    scf.if %cond3A_82 {
      %add3A_114 = arith.constant 0 : i32
      %add3A_115 = arith.addi %add3A, %add3A_114 : i32
      %mul3A_116 = arith.constant 256 : i32
      %mul3A_117 = arith.muli %add3A_115, %mul3A_116 : i32
      %dma_start3A = arith.constant 0 : i32
      %dma_start3A_118 = arith.constant 0 : i32
      %dma_start3A_119 = arith.constant 0 : i32
      %dma_start3A_120 = arith.constant 0 : i32
      %dma_start3A_121 = tpu.memref_slice %arg5[%dma_start3A, %dma_start3A_119, %dma_start3A_120] : memref<2x64x256xf32, #tpu.memory_space<vmem>> -> memref<1x64x256xf32, #tpu.memory_space<vmem>>
      %dma_start3A_122 = tpu.memref_squeeze %dma_start3A_121 : memref<1x64x256xf32, #tpu.memory_space<vmem>> -> memref<64x256xf32, #tpu.memory_space<vmem>>
      %dma_start3A_123 = arith.constant 0 : i32
      %dma_start3A_124 = tpu.memref_slice %arg2[%dma_start3A_123, %mul3A_117] : memref<64x1000000xf32, #tpu.memory_space<hbm>> -> memref<64x256xf32, #tpu.memory_space<hbm>>
      %dma_start3A_125 = tpu.memref_slice %arg8[%dma_start3A_118] : memref<2x!tpu.dma_semaphore, #tpu.memory_space<semaphore_mem>> -> memref<1x!tpu.dma_semaphore, #tpu.memory_space<semaphore_mem>>
      %dma_start3A_126 = tpu.memref_squeeze %dma_start3A_125 : memref<1x!tpu.dma_semaphore, #tpu.memory_space<semaphore_mem>> -> memref<!tpu.dma_semaphore, #tpu.memory_space<semaphore_mem>>
      %dma_start3A_127 = arith.constant 0 : i32
      %dma_start3A_128 = arith.constant 0 : i32
      %dma_start3A_129 = tpu.memref_slice %arg5[%dma_start3A, %dma_start3A_127, %dma_start3A_128] : memref<2x64x256xf32, #tpu.memory_space<vmem>> -> memref<1x64x256xf32, #tpu.memory_space<vmem>>
      %dma_start3A_130 = tpu.memref_squeeze %dma_start3A_129 : memref<1x64x256xf32, #tpu.memory_space<vmem>> -> memref<64x256xf32, #tpu.memory_space<vmem>>
      %dma_start3A_131 = arith.constant 0 : i32
      %dma_start3A_132 = tpu.memref_slice %arg2[%dma_start3A_131, %mul3A_117] : memref<64x1000000xf32, #tpu.memory_space<hbm>> -> memref<64x256xf32, #tpu.memory_space<hbm>>
      tpu.enqueue_dma source(%dma_start3A_132 : memref<64x256xf32, #tpu.memory_space<hbm>>) target(%dma_start3A_130 : memref<64x256xf32, #tpu.memory_space<vmem>>) target_semaphore(%dma_start3A_126 : memref<!tpu.dma_semaphore, #tpu.memory_space<semaphore_mem>>)
    } else {
    }
    %add3A_83 = arith.constant 32 : i32
    %add3A_84 = arith.addi %add3A, %add3A_83 : i32
    %lt3A_85 = arith.constant 3906 : i32
    %lt3A_86 = arith.cmpi slt, %add3A_84, %lt3A_85 : i32
    %convert_element_type3A_87 = arith.extui %lt3A_86 : i1 to i32
    %cond3A_88 = arith.constant 0 : i32
    %cond3A_89 = arith.cmpi ne, %convert_element_type3A_87, %cond3A_88 : i32
    scf.if %cond3A_89 {
      %add3A_114 = arith.constant 32 : i32
      %add3A_115 = arith.addi %add3A, %add3A_114 : i32
      %mul3A_116 = arith.constant 256 : i32
      %mul3A_117 = arith.muli %add3A_115, %mul3A_116 : i32
      %dma_start3A = arith.constant 1 : i32
      %dma_start3A_118 = arith.constant 1 : i32
      %dma_start3A_119 = arith.constant 0 : i32
      %dma_start3A_120 = arith.constant 0 : i32
      %dma_start3A_121 = tpu.memref_slice %arg5[%dma_start3A, %dma_start3A_119, %dma_start3A_120] : memref<2x64x256xf32, #tpu.memory_space<vmem>> -> memref<1x64x256xf32, #tpu.memory_space<vmem>>
      %dma_start3A_122 = tpu.memref_squeeze %dma_start3A_121 : memref<1x64x256xf32, #tpu.memory_space<vmem>> -> memref<64x256xf32, #tpu.memory_space<vmem>>
      %dma_start3A_123 = arith.constant 0 : i32
      %dma_start3A_124 = tpu.memref_slice %arg2[%dma_start3A_123, %mul3A_117] : memref<64x1000000xf32, #tpu.memory_space<hbm>> -> memref<64x256xf32, #tpu.memory_space<hbm>>
      %dma_start3A_125 = tpu.memref_slice %arg8[%dma_start3A_118] : memref<2x!tpu.dma_semaphore, #tpu.memory_space<semaphore_mem>> -> memref<1x!tpu.dma_semaphore, #tpu.memory_space<semaphore_mem>>
      %dma_start3A_126 = tpu.memref_squeeze %dma_start3A_125 : memref<1x!tpu.dma_semaphore, #tpu.memory_space<semaphore_mem>> -> memref<!tpu.dma_semaphore, #tpu.memory_space<semaphore_mem>>
      %dma_start3A_127 = arith.constant 0 : i32
      %dma_start3A_128 = arith.constant 0 : i32
      %dma_start3A_129 = tpu.memref_slice %arg5[%dma_start3A, %dma_start3A_127, %dma_start3A_128] : memref<2x64x256xf32, #tpu.memory_space<vmem>> -> memref<1x64x256xf32, #tpu.memory_space<vmem>>
      %dma_start3A_130 = tpu.memref_squeeze %dma_start3A_129 : memref<1x64x256xf32, #tpu.memory_space<vmem>> -> memref<64x256xf32, #tpu.memory_space<vmem>>
      %dma_start3A_131 = arith.constant 0 : i32
      %dma_start3A_132 = tpu.memref_slice %arg2[%dma_start3A_131, %mul3A_117] : memref<64x1000000xf32, #tpu.memory_space<hbm>> -> memref<64x256xf32, #tpu.memory_space<hbm>>
      tpu.enqueue_dma source(%dma_start3A_132 : memref<64x256xf32, #tpu.memory_space<hbm>>) target(%dma_start3A_130 : memref<64x256xf32, #tpu.memory_space<vmem>>) target_semaphore(%dma_start3A_126 : memref<!tpu.dma_semaphore, #tpu.memory_space<semaphore_mem>>)
    } else {
    }
    %scan3A = arith.constant 0 : i32
    %scan3A_90 = arith.constant 0 : i32
    %scan3A_91 = arith.constant 62 : i32
    %scan3A_92 = arith.addi %scan3A_90, %scan3A_91 : i32
    %scan3A_93 = arith.constant 1 : i32
    %scan3A_94 = scf.for %scan3A_114 = %scan3A_90 to %scan3A_92 step %scan3A_93 iter_args(%scan3A_115 = %scan3A) -> (i32)  : i32 {
      %mul3A_116 = arith.constant 2 : i32
      %mul3A_117 = arith.muli %scan3A_114, %mul3A_116 : i32
      %add3A_118 = arith.constant 0 : i32
      %add3A_119 = arith.addi %mul3A_117, %add3A_118 : i32
      %mul3A_120 = arith.constant 32 : i32
      %mul3A_121 = arith.muli %mul3A_120, %add3A_119 : i32
      %add3A_122 = arith.addi %add3A, %mul3A_121 : i32
      %lt3A_123 = arith.constant 3906 : i32
      %lt3A_124 = arith.cmpi slt, %add3A_122, %lt3A_123 : i32
      %convert_element_type3A_125 = arith.extui %lt3A_124 : i1 to i32
      %cond3A_126 = arith.constant 0 : i32
      %cond3A_127 = arith.cmpi ne, %convert_element_type3A_125, %cond3A_126 : i32
      scf.if %cond3A_127 {
        %dma_wait3A = arith.constant 0 : i32
        %dma_wait3A_141 = arith.constant 0 : i32
        %dma_wait3A_142 = arith.constant 0 : i32
        %dma_wait3A_143 = arith.constant 0 : i32
        %dma_wait3A_144 = tpu.memref_slice %arg5[%dma_wait3A, %dma_wait3A_142, %dma_wait3A_143] : memref<2x64x256xf32, #tpu.memory_space<vmem>> -> memref<1x64x256xf32, #tpu.memory_space<vmem>>
        %dma_wait3A_145 = tpu.memref_squeeze %dma_wait3A_144 : memref<1x64x256xf32, #tpu.memory_space<vmem>> -> memref<64x256xf32, #tpu.memory_space<vmem>>
        %dma_wait3A_146 = arith.constant 0 : i32
        %dma_wait3A_147 = arith.constant 0 : i32
        %dma_wait3A_148 = tpu.memref_slice %arg2[%dma_wait3A_146, %dma_wait3A_147] : memref<64x1000000xf32, #tpu.memory_space<hbm>> -> memref<64x256xf32, #tpu.memory_space<hbm>>
        %dma_wait3A_149 = tpu.memref_slice %arg8[%dma_wait3A_141] : memref<2x!tpu.dma_semaphore, #tpu.memory_space<semaphore_mem>> -> memref<1x!tpu.dma_semaphore, #tpu.memory_space<semaphore_mem>>
        %dma_wait3A_150 = tpu.memref_squeeze %dma_wait3A_149 : memref<1x!tpu.dma_semaphore, #tpu.memory_space<semaphore_mem>> -> memref<!tpu.dma_semaphore, #tpu.memory_space<semaphore_mem>>
        %dma_wait3A_151 = arith.constant 0 : i32
        %dma_wait3A_152 = arith.constant 0 : i32
        %dma_wait3A_153 = tpu.memref_slice %arg5[%dma_wait3A, %dma_wait3A_151, %dma_wait3A_152] : memref<2x64x256xf32, #tpu.memory_space<vmem>> -> memref<1x64x256xf32, #tpu.memory_space<vmem>>
        %dma_wait3A_154 = tpu.memref_squeeze %dma_wait3A_153 : memref<1x64x256xf32, #tpu.memory_space<vmem>> -> memref<64x256xf32, #tpu.memory_space<vmem>>
        %dma_wait3A_155 = arith.constant 0 : i32
        %dma_wait3A_156 = arith.constant 0 : i32
        %dma_wait3A_157 = tpu.memref_slice %arg2[%dma_wait3A_155, %dma_wait3A_156] : memref<64x1000000xf32, #tpu.memory_space<hbm>> -> memref<64x256xf32, #tpu.memory_space<hbm>>
        tpu.wait_dma2 semaphore(%dma_wait3A_150 : memref<!tpu.dma_semaphore, #tpu.memory_space<semaphore_mem>>) src(%dma_wait3A_157 : memref<64x256xf32, #tpu.memory_space<hbm>>) dst(%dma_wait3A_154 : memref<64x256xf32, #tpu.memory_space<vmem>>)
        %ge3A = arith.constant 2 : i32
        %ge3A_158 = arith.cmpi sge, %add3A_119, %ge3A : i32
        %convert_element_type3A_159 = arith.extui %ge3A_158 : i1 to i32
        %cond3A_160 = arith.constant 0 : i32
        %cond3A_161 = arith.cmpi ne, %convert_element_type3A_159, %cond3A_160 : i32
        scf.if %cond3A_161 {
          %dma_wait3A_197 = arith.constant 0 : i32
          %dma_wait3A_198 = arith.constant 0 : i32
          %dma_wait3A_199 = arith.constant 0 : i32
          %dma_wait3A_200 = arith.constant 0 : i32
          %dma_wait3A_201 = tpu.memref_slice %arg6[%dma_wait3A_197, %dma_wait3A_199, %dma_wait3A_200] : memref<2x128x129xf32, #tpu.memory_space<vmem>> -> memref<1x128x129xf32, #tpu.memory_space<vmem>>
          %dma_wait3A_202 = tpu.memref_squeeze %dma_wait3A_201 : memref<1x128x129xf32, #tpu.memory_space<vmem>> -> memref<128x129xf32, #tpu.memory_space<vmem>>
          %dma_wait3A_203 = arith.constant 0 : i32
          %dma_wait3A_204 = arith.constant 0 : i32
          %dma_wait3A_205 = tpu.memref_slice %dma_wait3A_202[%dma_wait3A_203, %dma_wait3A_204] : memref<128x129xf32, #tpu.memory_space<vmem>> -> memref<128x128xf32, #tpu.memory_space<vmem>>
          %dma_wait3A_206 = arith.constant 0 : i32
          %dma_wait3A_207 = arith.constant 0 : i32
          %dma_wait3A_208 = tpu.memref_slice %arg4[%dma_wait3A_206, %dma_wait3A_207] : memref<500000x128xf32, #tpu.memory_space<hbm>> -> memref<128x128xf32, #tpu.memory_space<hbm>>
          %dma_wait3A_209 = tpu.memref_slice %arg9[%dma_wait3A_198] : memref<2x!tpu.dma_semaphore, #tpu.memory_space<semaphore_mem>> -> memref<1x!tpu.dma_semaphore, #tpu.memory_space<semaphore_mem>>
          %dma_wait3A_210 = tpu.memref_squeeze %dma_wait3A_209 : memref<1x!tpu.dma_semaphore, #tpu.memory_space<semaphore_mem>> -> memref<!tpu.dma_semaphore, #tpu.memory_space<semaphore_mem>>
          %dma_wait3A_211 = arith.constant 0 : i32
          %dma_wait3A_212 = arith.constant 0 : i32
          %dma_wait3A_213 = tpu.memref_slice %arg6[%dma_wait3A_197, %dma_wait3A_211, %dma_wait3A_212] : memref<2x128x129xf32, #tpu.memory_space<vmem>> -> memref<1x128x129xf32, #tpu.memory_space<vmem>>
          %dma_wait3A_214 = tpu.memref_squeeze %dma_wait3A_213 : memref<1x128x129xf32, #tpu.memory_space<vmem>> -> memref<128x129xf32, #tpu.memory_space<vmem>>
          %dma_wait3A_215 = arith.constant 0 : i32
          %dma_wait3A_216 = arith.constant 0 : i32
          %dma_wait3A_217 = tpu.memref_slice %dma_wait3A_214[%dma_wait3A_215, %dma_wait3A_216] : memref<128x129xf32, #tpu.memory_space<vmem>> -> memref<128x128xf32, #tpu.memory_space<vmem>>
          %dma_wait3A_218 = arith.constant 0 : i32
          %dma_wait3A_219 = arith.constant 0 : i32
          %dma_wait3A_220 = tpu.memref_slice %arg4[%dma_wait3A_218, %dma_wait3A_219] : memref<500000x128xf32, #tpu.memory_space<hbm>> -> memref<128x128xf32, #tpu.memory_space<hbm>>
          tpu.wait_dma2 semaphore(%dma_wait3A_210 : memref<!tpu.dma_semaphore, #tpu.memory_space<semaphore_mem>>) src(%dma_wait3A_220 : memref<128x128xf32, #tpu.memory_space<hbm>>) dst(%dma_wait3A_217 : memref<128x128xf32, #tpu.memory_space<vmem>>)
        } else {
        }
        %parallel_loop3A = arith.constant 0 : i32
        %parallel_loop3A_162 = arith.constant 1024 : i32
        %parallel_loop3A_163 = arith.constant 1 : i32
        scf.for %parallel_loop3A_197 = %parallel_loop3A to %parallel_loop3A_162 step %parallel_loop3A_163  : i32 {
          %parallel_loop3A_198 = arith.constant 6 : i32
          %parallel_loop3A_199 = arith.shrsi %parallel_loop3A_197, %parallel_loop3A_198 : i32
          %parallel_loop3A_200 = arith.constant 63 : i32
          %parallel_loop3A_201 = arith.andi %parallel_loop3A_197, %parallel_loop3A_200 : i32
          %parallel_loop3A_202 = arith.constant 16 : i32
          %parallel_loop3A_203 = arith.muli %parallel_loop3A_199, %parallel_loop3A_202 : i32
          %parallel_loop3A_204 = arith.constant 0 : i32
          %parallel_loop3A_205 = arith.index_cast %parallel_loop3A_204 : i32 to index
          %parallel_loop3A_206 = arith.index_cast %parallel_loop3A_201 : i32 to index
          %parallel_loop3A_207 = arith.index_cast %parallel_loop3A_203 : i32 to index
          %parallel_loop3A_208 = tpu.vector_load %arg5[%parallel_loop3A_205, %parallel_loop3A_206, %parallel_loop3A_207] {strides = array<i32>} : memref<2x64x256xf32, #tpu.memory_space<vmem>>, vector<16xf32>,
          %parallel_loop3A_209 = arith.constant 8 : i32
          %parallel_loop3A_210 = arith.muli %parallel_loop3A_199, %parallel_loop3A_209 : i32
          %parallel_loop3A_211 = vector.broadcast %parallel_loop3A_210 : i32 to vector<16xi32>
          %parallel_loop3A_212 = arith.addi %parallel_loop3A_211, %select_n3A : vector<16xi32>
          %parallel_loop3A_213 = vector.broadcast %parallel_loop3A_201 : i32 to vector<16xi32>
          %parallel_loop3A_214 = arith.addi %mul3A_30, %parallel_loop3A_213 : vector<16xi32>
          %parallel_loop3A_215 = arith.constant 0 : i32
          %parallel_loop3A_216 = arith.constant 0 : i32
          %parallel_loop3A_217 = arith.constant 0 : i32
          %parallel_loop3A_218 = tpu.memref_slice %arg6[%parallel_loop3A_215, %parallel_loop3A_216, %parallel_loop3A_217] : memref<2x128x129xf32, #tpu.memory_space<vmem>> -> memref<1x128x129xf32, #tpu.memory_space<vmem>>
          %parallel_loop3A_219 = tpu.memref_squeeze %parallel_loop3A_218 : memref<1x128x129xf32, #tpu.memory_space<vmem>> -> memref<128x129xf32, #tpu.memory_space<vmem>>
          tpu.vector_store_idx %parallel_loop3A_219[%parallel_loop3A_212, %parallel_loop3A_214], %parallel_loop3A_208 : memref<128x129xf32, #tpu.memory_space<vmem>>[vector<16xi32>, vector<16xi32>], vector<16xf32>,
        } {sc.loop_unroll_factor = 16 : i64, sc.parallel_access}
        %mul3A_164 = arith.constant 128 : i32
        %mul3A_165 = arith.muli %add3A_122, %mul3A_164 : i32
        %dma_start3A = arith.constant 0 : i32
        %dma_start3A_166 = arith.constant 0 : i32
        %dma_start3A_167 = arith.constant 0 : i32
        %dma_start3A_168 = arith.constant 0 : i32
        %dma_start3A_169 = tpu.memref_slice %arg6[%dma_start3A, %dma_start3A_167, %dma_start3A_168] : memref<2x128x129xf32, #tpu.memory_space<vmem>> -> memref<1x128x129xf32, #tpu.memory_space<vmem>>
        %dma_start3A_170 = tpu.memref_squeeze %dma_start3A_169 : memref<1x128x129xf32, #tpu.memory_space<vmem>> -> memref<128x129xf32, #tpu.memory_space<vmem>>
        %dma_start3A_171 = arith.constant 0 : i32
        %dma_start3A_172 = arith.constant 0 : i32
        %dma_start3A_173 = tpu.memref_slice %dma_start3A_170[%dma_start3A_171, %dma_start3A_172] : memref<128x129xf32, #tpu.memory_space<vmem>> -> memref<128x128xf32, #tpu.memory_space<vmem>>
        %dma_start3A_174 = arith.constant 0 : i32
        %dma_start3A_175 = tpu.memref_slice %arg4[%mul3A_165, %dma_start3A_174] : memref<500000x128xf32, #tpu.memory_space<hbm>> -> memref<128x128xf32, #tpu.memory_space<hbm>>
        %dma_start3A_176 = tpu.memref_slice %arg9[%dma_start3A_166] : memref<2x!tpu.dma_semaphore, #tpu.memory_space<semaphore_mem>> -> memref<1x!tpu.dma_semaphore, #tpu.memory_space<semaphore_mem>>
        %dma_start3A_177 = tpu.memref_squeeze %dma_start3A_176 : memref<1x!tpu.dma_semaphore, #tpu.memory_space<semaphore_mem>> -> memref<!tpu.dma_semaphore, #tpu.memory_space<semaphore_mem>>
        %dma_start3A_178 = arith.constant 0 : i32
        %dma_start3A_179 = tpu.memref_slice %arg4[%mul3A_165, %dma_start3A_178] : memref<500000x128xf32, #tpu.memory_space<hbm>> -> memref<128x128xf32, #tpu.memory_space<hbm>>
        %dma_start3A_180 = arith.constant 0 : i32
        %dma_start3A_181 = arith.constant 0 : i32
        %dma_start3A_182 = tpu.memref_slice %arg6[%dma_start3A, %dma_start3A_180, %dma_start3A_181] : memref<2x128x129xf32, #tpu.memory_space<vmem>> -> memref<1x128x129xf32, #tpu.memory_space<vmem>>
        %dma_start3A_183 = tpu.memref_squeeze %dma_start3A_182 : memref<1x128x129xf32, #tpu.memory_space<vmem>> -> memref<128x129xf32, #tpu.memory_space<vmem>>
        %dma_start3A_184 = arith.constant 0 : i32
        %dma_start3A_185 = arith.constant 0 : i32
        %dma_start3A_186 = tpu.memref_slice %dma_start3A_183[%dma_start3A_184, %dma_start3A_185] : memref<128x129xf32, #tpu.memory_space<vmem>> -> memref<128x128xf32, #tpu.memory_space<vmem>>
        tpu.enqueue_dma source(%dma_start3A_186 : memref<128x128xf32, #tpu.memory_space<vmem>>) target(%dma_start3A_179 : memref<128x128xf32, #tpu.memory_space<hbm>>) target_semaphore(%dma_start3A_177 : memref<!tpu.dma_semaphore, #tpu.memory_space<semaphore_mem>>)
        %add3A_187 = arith.constant 2 : i32
        %add3A_188 = arith.addi %add3A_119, %add3A_187 : i32
        %mul3A_189 = arith.constant 32 : i32
        %mul3A_190 = arith.muli %mul3A_189, %add3A_188 : i32
        %add3A_191 = arith.addi %add3A, %mul3A_190 : i32
        %lt3A_192 = arith.constant 3906 : i32
        %lt3A_193 = arith.cmpi slt, %add3A_191, %lt3A_192 : i32
        %convert_element_type3A_194 = arith.extui %lt3A_193 : i1 to i32
        %cond3A_195 = arith.constant 0 : i32
        %cond3A_196 = arith.cmpi ne, %convert_element_type3A_194, %cond3A_195 : i32
        scf.if %cond3A_196 {
          %mul3A_197 = arith.constant 256 : i32
          %mul3A_198 = arith.muli %add3A_191, %mul3A_197 : i32
          %dma_start3A_199 = arith.constant 0 : i32
          %dma_start3A_200 = arith.constant 0 : i32
          %dma_start3A_201 = arith.constant 0 : i32
          %dma_start3A_202 = arith.constant 0 : i32
          %dma_start3A_203 = tpu.memref_slice %arg5[%dma_start3A_199, %dma_start3A_201, %dma_start3A_202] : memref<2x64x256xf32, #tpu.memory_space<vmem>> -> memref<1x64x256xf32, #tpu.memory_space<vmem>>
          %dma_start3A_204 = tpu.memref_squeeze %dma_start3A_203 : memref<1x64x256xf32, #tpu.memory_space<vmem>> -> memref<64x256xf32, #tpu.memory_space<vmem>>
          %dma_start3A_205 = arith.constant 0 : i32
          %dma_start3A_206 = tpu.memref_slice %arg2[%dma_start3A_205, %mul3A_198] : memref<64x1000000xf32, #tpu.memory_space<hbm>> -> memref<64x256xf32, #tpu.memory_space<hbm>>
          %dma_start3A_207 = tpu.memref_slice %arg8[%dma_start3A_200] : memref<2x!tpu.dma_semaphore, #tpu.memory_space<semaphore_mem>> -> memref<1x!tpu.dma_semaphore, #tpu.memory_space<semaphore_mem>>
          %dma_start3A_208 = tpu.memref_squeeze %dma_start3A_207 : memref<1x!tpu.dma_semaphore, #tpu.memory_space<semaphore_mem>> -> memref<!tpu.dma_semaphore, #tpu.memory_space<semaphore_mem>>
          %dma_start3A_209 = arith.constant 0 : i32
          %dma_start3A_210 = arith.constant 0 : i32
          %dma_start3A_211 = tpu.memref_slice %arg5[%dma_start3A_199, %dma_start3A_209, %dma_start3A_210] : memref<2x64x256xf32, #tpu.memory_space<vmem>> -> memref<1x64x256xf32, #tpu.memory_space<vmem>>
          %dma_start3A_212 = tpu.memref_squeeze %dma_start3A_211 : memref<1x64x256xf32, #tpu.memory_space<vmem>> -> memref<64x256xf32, #tpu.memory_space<vmem>>
          %dma_start3A_213 = arith.constant 0 : i32
          %dma_start3A_214 = tpu.memref_slice %arg2[%dma_start3A_213, %mul3A_198] : memref<64x1000000xf32, #tpu.memory_space<hbm>> -> memref<64x256xf32, #tpu.memory_space<hbm>>
          tpu.enqueue_dma source(%dma_start3A_214 : memref<64x256xf32, #tpu.memory_space<hbm>>) target(%dma_start3A_212 : memref<64x256xf32, #tpu.memory_space<vmem>>) target_semaphore(%dma_start3A_208 : memref<!tpu.dma_semaphore, #tpu.memory_space<semaphore_mem>>)
        } else {
        }
      } else {
      }
      %mul3A_128 = arith.constant 2 : i32
      %mul3A_129 = arith.muli %scan3A_114, %mul3A_128 : i32
      %add3A_130 = arith.constant 1 : i32
      %add3A_131 = arith.addi %mul3A_129, %add3A_130 : i32
      %mul3A_132 = arith.constant 32 : i32
      %mul3A_133 = arith.muli %mul3A_132, %add3A_131 : i32
      %add3A_134 = arith.addi %add3A, %mul3A_133 : i32
      %lt3A_135 = arith.constant 3906 : i32
      %lt3A_136 = arith.cmpi slt, %add3A_134, %lt3A_135 : i32
      %convert_element_type3A_137 = arith.extui %lt3A_136 : i1 to i32
      %cond3A_138 = arith.constant 0 : i32
      %cond3A_139 = arith.cmpi ne, %convert_element_type3A_137, %cond3A_138 : i32
      scf.if %cond3A_139 {
        %dma_wait3A = arith.constant 1 : i32
        %dma_wait3A_141 = arith.constant 1 : i32
        %dma_wait3A_142 = arith.constant 0 : i32
        %dma_wait3A_143 = arith.constant 0 : i32
        %dma_wait3A_144 = tpu.memref_slice %arg5[%dma_wait3A, %dma_wait3A_142, %dma_wait3A_143] : memref<2x64x256xf32, #tpu.memory_space<vmem>> -> memref<1x64x256xf32, #tpu.memory_space<vmem>>
        %dma_wait3A_145 = tpu.memref_squeeze %dma_wait3A_144 : memref<1x64x256xf32, #tpu.memory_space<vmem>> -> memref<64x256xf32, #tpu.memory_space<vmem>>
        %dma_wait3A_146 = arith.constant 0 : i32
        %dma_wait3A_147 = arith.constant 0 : i32
        %dma_wait3A_148 = tpu.memref_slice %arg2[%dma_wait3A_146, %dma_wait3A_147] : memref<64x1000000xf32, #tpu.memory_space<hbm>> -> memref<64x256xf32, #tpu.memory_space<hbm>>
        %dma_wait3A_149 = tpu.memref_slice %arg8[%dma_wait3A_141] : memref<2x!tpu.dma_semaphore, #tpu.memory_space<semaphore_mem>> -> memref<1x!tpu.dma_semaphore, #tpu.memory_space<semaphore_mem>>
        %dma_wait3A_150 = tpu.memref_squeeze %dma_wait3A_149 : memref<1x!tpu.dma_semaphore, #tpu.memory_space<semaphore_mem>> -> memref<!tpu.dma_semaphore, #tpu.memory_space<semaphore_mem>>
        %dma_wait3A_151 = arith.constant 0 : i32
        %dma_wait3A_152 = arith.constant 0 : i32
        %dma_wait3A_153 = tpu.memref_slice %arg5[%dma_wait3A, %dma_wait3A_151, %dma_wait3A_152] : memref<2x64x256xf32, #tpu.memory_space<vmem>> -> memref<1x64x256xf32, #tpu.memory_space<vmem>>
        %dma_wait3A_154 = tpu.memref_squeeze %dma_wait3A_153 : memref<1x64x256xf32, #tpu.memory_space<vmem>> -> memref<64x256xf32, #tpu.memory_space<vmem>>
        %dma_wait3A_155 = arith.constant 0 : i32
        %dma_wait3A_156 = arith.constant 0 : i32
        %dma_wait3A_157 = tpu.memref_slice %arg2[%dma_wait3A_155, %dma_wait3A_156] : memref<64x1000000xf32, #tpu.memory_space<hbm>> -> memref<64x256xf32, #tpu.memory_space<hbm>>
        tpu.wait_dma2 semaphore(%dma_wait3A_150 : memref<!tpu.dma_semaphore, #tpu.memory_space<semaphore_mem>>) src(%dma_wait3A_157 : memref<64x256xf32, #tpu.memory_space<hbm>>) dst(%dma_wait3A_154 : memref<64x256xf32, #tpu.memory_space<vmem>>)
        %ge3A = arith.constant 2 : i32
        %ge3A_158 = arith.cmpi sge, %add3A_131, %ge3A : i32
        %convert_element_type3A_159 = arith.extui %ge3A_158 : i1 to i32
        %cond3A_160 = arith.constant 0 : i32
        %cond3A_161 = arith.cmpi ne, %convert_element_type3A_159, %cond3A_160 : i32
        scf.if %cond3A_161 {
          %dma_wait3A_197 = arith.constant 1 : i32
          %dma_wait3A_198 = arith.constant 1 : i32
          %dma_wait3A_199 = arith.constant 0 : i32
          %dma_wait3A_200 = arith.constant 0 : i32
          %dma_wait3A_201 = tpu.memref_slice %arg6[%dma_wait3A_197, %dma_wait3A_199, %dma_wait3A_200] : memref<2x128x129xf32, #tpu.memory_space<vmem>> -> memref<1x128x129xf32, #tpu.memory_space<vmem>>
          %dma_wait3A_202 = tpu.memref_squeeze %dma_wait3A_201 : memref<1x128x129xf32, #tpu.memory_space<vmem>> -> memref<128x129xf32, #tpu.memory_space<vmem>>
          %dma_wait3A_203 = arith.constant 0 : i32
          %dma_wait3A_204 = arith.constant 0 : i32
          %dma_wait3A_205 = tpu.memref_slice %dma_wait3A_202[%dma_wait3A_203, %dma_wait3A_204] : memref<128x129xf32, #tpu.memory_space<vmem>> -> memref<128x128xf32, #tpu.memory_space<vmem>>
          %dma_wait3A_206 = arith.constant 0 : i32
          %dma_wait3A_207 = arith.constant 0 : i32
          %dma_wait3A_208 = tpu.memref_slice %arg4[%dma_wait3A_206, %dma_wait3A_207] : memref<500000x128xf32, #tpu.memory_space<hbm>> -> memref<128x128xf32, #tpu.memory_space<hbm>>
          %dma_wait3A_209 = tpu.memref_slice %arg9[%dma_wait3A_198] : memref<2x!tpu.dma_semaphore, #tpu.memory_space<semaphore_mem>> -> memref<1x!tpu.dma_semaphore, #tpu.memory_space<semaphore_mem>>
          %dma_wait3A_210 = tpu.memref_squeeze %dma_wait3A_209 : memref<1x!tpu.dma_semaphore, #tpu.memory_space<semaphore_mem>> -> memref<!tpu.dma_semaphore, #tpu.memory_space<semaphore_mem>>
          %dma_wait3A_211 = arith.constant 0 : i32
          %dma_wait3A_212 = arith.constant 0 : i32
          %dma_wait3A_213 = tpu.memref_slice %arg6[%dma_wait3A_197, %dma_wait3A_211, %dma_wait3A_212] : memref<2x128x129xf32, #tpu.memory_space<vmem>> -> memref<1x128x129xf32, #tpu.memory_space<vmem>>
          %dma_wait3A_214 = tpu.memref_squeeze %dma_wait3A_213 : memref<1x128x129xf32, #tpu.memory_space<vmem>> -> memref<128x129xf32, #tpu.memory_space<vmem>>
          %dma_wait3A_215 = arith.constant 0 : i32
          %dma_wait3A_216 = arith.constant 0 : i32
          %dma_wait3A_217 = tpu.memref_slice %dma_wait3A_214[%dma_wait3A_215, %dma_wait3A_216] : memref<128x129xf32, #tpu.memory_space<vmem>> -> memref<128x128xf32, #tpu.memory_space<vmem>>
          %dma_wait3A_218 = arith.constant 0 : i32
          %dma_wait3A_219 = arith.constant 0 : i32
          %dma_wait3A_220 = tpu.memref_slice %arg4[%dma_wait3A_218, %dma_wait3A_219] : memref<500000x128xf32, #tpu.memory_space<hbm>> -> memref<128x128xf32, #tpu.memory_space<hbm>>
          tpu.wait_dma2 semaphore(%dma_wait3A_210 : memref<!tpu.dma_semaphore, #tpu.memory_space<semaphore_mem>>) src(%dma_wait3A_220 : memref<128x128xf32, #tpu.memory_space<hbm>>) dst(%dma_wait3A_217 : memref<128x128xf32, #tpu.memory_space<vmem>>)
        } else {
        }
        %parallel_loop3A = arith.constant 0 : i32
        %parallel_loop3A_162 = arith.constant 1024 : i32
        %parallel_loop3A_163 = arith.constant 1 : i32
        scf.for %parallel_loop3A_197 = %parallel_loop3A to %parallel_loop3A_162 step %parallel_loop3A_163  : i32 {
          %parallel_loop3A_198 = arith.constant 6 : i32
          %parallel_loop3A_199 = arith.shrsi %parallel_loop3A_197, %parallel_loop3A_198 : i32
          %parallel_loop3A_200 = arith.constant 63 : i32
          %parallel_loop3A_201 = arith.andi %parallel_loop3A_197, %parallel_loop3A_200 : i32
          %parallel_loop3A_202 = arith.constant 16 : i32
          %parallel_loop3A_203 = arith.muli %parallel_loop3A_199, %parallel_loop3A_202 : i32
          %parallel_loop3A_204 = arith.constant 1 : i32
          %parallel_loop3A_205 = arith.index_cast %parallel_loop3A_204 : i32 to index
          %parallel_loop3A_206 = arith.index_cast %parallel_loop3A_201 : i32 to index
          %parallel_loop3A_207 = arith.index_cast %parallel_loop3A_203 : i32 to index
          %parallel_loop3A_208 = tpu.vector_load %arg5[%parallel_loop3A_205, %parallel_loop3A_206, %parallel_loop3A_207] {strides = array<i32>} : memref<2x64x256xf32, #tpu.memory_space<vmem>>, vector<16xf32>,
          %parallel_loop3A_209 = arith.constant 8 : i32
          %parallel_loop3A_210 = arith.muli %parallel_loop3A_199, %parallel_loop3A_209 : i32
          %parallel_loop3A_211 = vector.broadcast %parallel_loop3A_210 : i32 to vector<16xi32>
          %parallel_loop3A_212 = arith.addi %parallel_loop3A_211, %select_n3A : vector<16xi32>
          %parallel_loop3A_213 = vector.broadcast %parallel_loop3A_201 : i32 to vector<16xi32>
          %parallel_loop3A_214 = arith.addi %mul3A_30, %parallel_loop3A_213 : vector<16xi32>
          %parallel_loop3A_215 = arith.constant 1 : i32
          %parallel_loop3A_216 = arith.constant 0 : i32
          %parallel_loop3A_217 = arith.constant 0 : i32
          %parallel_loop3A_218 = tpu.memref_slice %arg6[%parallel_loop3A_215, %parallel_loop3A_216, %parallel_loop3A_217] : memref<2x128x129xf32, #tpu.memory_space<vmem>> -> memref<1x128x129xf32, #tpu.memory_space<vmem>>
          %parallel_loop3A_219 = tpu.memref_squeeze %parallel_loop3A_218 : memref<1x128x129xf32, #tpu.memory_space<vmem>> -> memref<128x129xf32, #tpu.memory_space<vmem>>
          tpu.vector_store_idx %parallel_loop3A_219[%parallel_loop3A_212, %parallel_loop3A_214], %parallel_loop3A_208 : memref<128x129xf32, #tpu.memory_space<vmem>>[vector<16xi32>, vector<16xi32>], vector<16xf32>,
        } {sc.loop_unroll_factor = 16 : i64, sc.parallel_access}
        %mul3A_164 = arith.constant 128 : i32
        %mul3A_165 = arith.muli %add3A_134, %mul3A_164 : i32
        %dma_start3A = arith.constant 1 : i32
        %dma_start3A_166 = arith.constant 1 : i32
        %dma_start3A_167 = arith.constant 0 : i32
        %dma_start3A_168 = arith.constant 0 : i32
        %dma_start3A_169 = tpu.memref_slice %arg6[%dma_start3A, %dma_start3A_167, %dma_start3A_168] : memref<2x128x129xf32, #tpu.memory_space<vmem>> -> memref<1x128x129xf32, #tpu.memory_space<vmem>>
        %dma_start3A_170 = tpu.memref_squeeze %dma_start3A_169 : memref<1x128x129xf32, #tpu.memory_space<vmem>> -> memref<128x129xf32, #tpu.memory_space<vmem>>
        %dma_start3A_171 = arith.constant 0 : i32
        %dma_start3A_172 = arith.constant 0 : i32
        %dma_start3A_173 = tpu.memref_slice %dma_start3A_170[%dma_start3A_171, %dma_start3A_172] : memref<128x129xf32, #tpu.memory_space<vmem>> -> memref<128x128xf32, #tpu.memory_space<vmem>>
        %dma_start3A_174 = arith.constant 0 : i32
        %dma_start3A_175 = tpu.memref_slice %arg4[%mul3A_165, %dma_start3A_174] : memref<500000x128xf32, #tpu.memory_space<hbm>> -> memref<128x128xf32, #tpu.memory_space<hbm>>
        %dma_start3A_176 = tpu.memref_slice %arg9[%dma_start3A_166] : memref<2x!tpu.dma_semaphore, #tpu.memory_space<semaphore_mem>> -> memref<1x!tpu.dma_semaphore, #tpu.memory_space<semaphore_mem>>
        %dma_start3A_177 = tpu.memref_squeeze %dma_start3A_176 : memref<1x!tpu.dma_semaphore, #tpu.memory_space<semaphore_mem>> -> memref<!tpu.dma_semaphore, #tpu.memory_space<semaphore_mem>>
        %dma_start3A_178 = arith.constant 0 : i32
        %dma_start3A_179 = tpu.memref_slice %arg4[%mul3A_165, %dma_start3A_178] : memref<500000x128xf32, #tpu.memory_space<hbm>> -> memref<128x128xf32, #tpu.memory_space<hbm>>
        %dma_start3A_180 = arith.constant 0 : i32
        %dma_start3A_181 = arith.constant 0 : i32
        %dma_start3A_182 = tpu.memref_slice %arg6[%dma_start3A, %dma_start3A_180, %dma_start3A_181] : memref<2x128x129xf32, #tpu.memory_space<vmem>> -> memref<1x128x129xf32, #tpu.memory_space<vmem>>
        %dma_start3A_183 = tpu.memref_squeeze %dma_start3A_182 : memref<1x128x129xf32, #tpu.memory_space<vmem>> -> memref<128x129xf32, #tpu.memory_space<vmem>>
        %dma_start3A_184 = arith.constant 0 : i32
        %dma_start3A_185 = arith.constant 0 : i32
        %dma_start3A_186 = tpu.memref_slice %dma_start3A_183[%dma_start3A_184, %dma_start3A_185] : memref<128x129xf32, #tpu.memory_space<vmem>> -> memref<128x128xf32, #tpu.memory_space<vmem>>
        tpu.enqueue_dma source(%dma_start3A_186 : memref<128x128xf32, #tpu.memory_space<vmem>>) target(%dma_start3A_179 : memref<128x128xf32, #tpu.memory_space<hbm>>) target_semaphore(%dma_start3A_177 : memref<!tpu.dma_semaphore, #tpu.memory_space<semaphore_mem>>)
        %add3A_187 = arith.constant 2 : i32
        %add3A_188 = arith.addi %add3A_131, %add3A_187 : i32
        %mul3A_189 = arith.constant 32 : i32
        %mul3A_190 = arith.muli %mul3A_189, %add3A_188 : i32
        %add3A_191 = arith.addi %add3A, %mul3A_190 : i32
        %lt3A_192 = arith.constant 3906 : i32
        %lt3A_193 = arith.cmpi slt, %add3A_191, %lt3A_192 : i32
        %convert_element_type3A_194 = arith.extui %lt3A_193 : i1 to i32
        %cond3A_195 = arith.constant 0 : i32
        %cond3A_196 = arith.cmpi ne, %convert_element_type3A_194, %cond3A_195 : i32
        scf.if %cond3A_196 {
          %mul3A_197 = arith.constant 256 : i32
          %mul3A_198 = arith.muli %add3A_191, %mul3A_197 : i32
          %dma_start3A_199 = arith.constant 1 : i32
          %dma_start3A_200 = arith.constant 1 : i32
          %dma_start3A_201 = arith.constant 0 : i32
          %dma_start3A_202 = arith.constant 0 : i32
          %dma_start3A_203 = tpu.memref_slice %arg5[%dma_start3A_199, %dma_start3A_201, %dma_start3A_202] : memref<2x64x256xf32, #tpu.memory_space<vmem>> -> memref<1x64x256xf32, #tpu.memory_space<vmem>>
          %dma_start3A_204 = tpu.memref_squeeze %dma_start3A_203 : memref<1x64x256xf32, #tpu.memory_space<vmem>> -> memref<64x256xf32, #tpu.memory_space<vmem>>
          %dma_start3A_205 = arith.constant 0 : i32
          %dma_start3A_206 = tpu.memref_slice %arg2[%dma_start3A_205, %mul3A_198] : memref<64x1000000xf32, #tpu.memory_space<hbm>> -> memref<64x256xf32, #tpu.memory_space<hbm>>
          %dma_start3A_207 = tpu.memref_slice %arg8[%dma_start3A_200] : memref<2x!tpu.dma_semaphore, #tpu.memory_space<semaphore_mem>> -> memref<1x!tpu.dma_semaphore, #tpu.memory_space<semaphore_mem>>
          %dma_start3A_208 = tpu.memref_squeeze %dma_start3A_207 : memref<1x!tpu.dma_semaphore, #tpu.memory_space<semaphore_mem>> -> memref<!tpu.dma_semaphore, #tpu.memory_space<semaphore_mem>>
          %dma_start3A_209 = arith.constant 0 : i32
          %dma_start3A_210 = arith.constant 0 : i32
          %dma_start3A_211 = tpu.memref_slice %arg5[%dma_start3A_199, %dma_start3A_209, %dma_start3A_210] : memref<2x64x256xf32, #tpu.memory_space<vmem>> -> memref<1x64x256xf32, #tpu.memory_space<vmem>>
          %dma_start3A_212 = tpu.memref_squeeze %dma_start3A_211 : memref<1x64x256xf32, #tpu.memory_space<vmem>> -> memref<64x256xf32, #tpu.memory_space<vmem>>
          %dma_start3A_213 = arith.constant 0 : i32
          %dma_start3A_214 = tpu.memref_slice %arg2[%dma_start3A_213, %mul3A_198] : memref<64x1000000xf32, #tpu.memory_space<hbm>> -> memref<64x256xf32, #tpu.memory_space<hbm>>
          tpu.enqueue_dma source(%dma_start3A_214 : memref<64x256xf32, #tpu.memory_space<hbm>>) target(%dma_start3A_212 : memref<64x256xf32, #tpu.memory_space<vmem>>) target_semaphore(%dma_start3A_208 : memref<!tpu.dma_semaphore, #tpu.memory_space<semaphore_mem>>)
        } else {
        }
      } else {
      }
      %scan3A_140 = arith.constant 0 : i32
      scf.yield %scan3A_140 : i32
    }
    %scan3A_95 = arith.constant 62 : i32
    %add3A_96 = arith.constant 0 : i32
    %add3A_97 = arith.addi %add3A, %add3A_96 : i32
    %lt3A_98 = arith.constant 3906 : i32
    %lt3A_99 = arith.cmpi slt, %add3A_97, %lt3A_98 : i32
    %convert_element_type3A_100 = arith.extui %lt3A_99 : i1 to i32
    %cond3A_101 = arith.constant 0 : i32
    %cond3A_102 = arith.cmpi ne, %convert_element_type3A_100, %cond3A_101 : i32
    scf.if %cond3A_102 {
      %dma_wait3A = arith.constant 0 : i32
      %dma_wait3A_114 = arith.constant 0 : i32
      %dma_wait3A_115 = arith.constant 0 : i32
      %dma_wait3A_116 = arith.constant 0 : i32
      %dma_wait3A_117 = tpu.memref_slice %arg6[%dma_wait3A, %dma_wait3A_115, %dma_wait3A_116] : memref<2x128x129xf32, #tpu.memory_space<vmem>> -> memref<1x128x129xf32, #tpu.memory_space<vmem>>
      %dma_wait3A_118 = tpu.memref_squeeze %dma_wait3A_117 : memref<1x128x129xf32, #tpu.memory_space<vmem>> -> memref<128x129xf32, #tpu.memory_space<vmem>>
      %dma_wait3A_119 = arith.constant 0 : i32
      %dma_wait3A_120 = arith.constant 0 : i32
      %dma_wait3A_121 = tpu.memref_slice %dma_wait3A_118[%dma_wait3A_119, %dma_wait3A_120] : memref<128x129xf32, #tpu.memory_space<vmem>> -> memref<128x128xf32, #tpu.memory_space<vmem>>
      %dma_wait3A_122 = arith.constant 0 : i32
      %dma_wait3A_123 = arith.constant 0 : i32
      %dma_wait3A_124 = tpu.memref_slice %arg4[%dma_wait3A_122, %dma_wait3A_123] : memref<500000x128xf32, #tpu.memory_space<hbm>> -> memref<128x128xf32, #tpu.memory_space<hbm>>
      %dma_wait3A_125 = tpu.memref_slice %arg9[%dma_wait3A_114] : memref<2x!tpu.dma_semaphore, #tpu.memory_space<semaphore_mem>> -> memref<1x!tpu.dma_semaphore, #tpu.memory_space<semaphore_mem>>
      %dma_wait3A_126 = tpu.memref_squeeze %dma_wait3A_125 : memref<1x!tpu.dma_semaphore, #tpu.memory_space<semaphore_mem>> -> memref<!tpu.dma_semaphore, #tpu.memory_space<semaphore_mem>>
      %dma_wait3A_127 = arith.constant 0 : i32
      %dma_wait3A_128 = arith.constant 0 : i32
      %dma_wait3A_129 = tpu.memref_slice %arg6[%dma_wait3A, %dma_wait3A_127, %dma_wait3A_128] : memref<2x128x129xf32, #tpu.memory_space<vmem>> -> memref<1x128x129xf32, #tpu.memory_space<vmem>>
      %dma_wait3A_130 = tpu.memref_squeeze %dma_wait3A_129 : memref<1x128x129xf32, #tpu.memory_space<vmem>> -> memref<128x129xf32, #tpu.memory_space<vmem>>
      %dma_wait3A_131 = arith.constant 0 : i32
      %dma_wait3A_132 = arith.constant 0 : i32
      %dma_wait3A_133 = tpu.memref_slice %dma_wait3A_130[%dma_wait3A_131, %dma_wait3A_132] : memref<128x129xf32, #tpu.memory_space<vmem>> -> memref<128x128xf32, #tpu.memory_space<vmem>>
      %dma_wait3A_134 = arith.constant 0 : i32
      %dma_wait3A_135 = arith.constant 0 : i32
      %dma_wait3A_136 = tpu.memref_slice %arg4[%dma_wait3A_134, %dma_wait3A_135] : memref<500000x128xf32, #tpu.memory_space<hbm>> -> memref<128x128xf32, #tpu.memory_space<hbm>>
      tpu.wait_dma2 semaphore(%dma_wait3A_126 : memref<!tpu.dma_semaphore, #tpu.memory_space<semaphore_mem>>) src(%dma_wait3A_136 : memref<128x128xf32, #tpu.memory_space<hbm>>) dst(%dma_wait3A_133 : memref<128x128xf32, #tpu.memory_space<vmem>>)
    } else {
    }
    %add3A_103 = arith.constant 32 : i32
    %add3A_104 = arith.addi %add3A, %add3A_103 : i32
    %lt3A_105 = arith.constant 3906 : i32
    %lt3A_106 = arith.cmpi slt, %add3A_104, %lt3A_105 : i32
    %convert_element_type3A_107 = arith.extui %lt3A_106 : i1 to i32
    %cond3A_108 = arith.constant 0 : i32
    %cond3A_109 = arith.cmpi ne, %convert_element_type3A_107, %cond3A_108 : i32
    scf.if %cond3A_109 {
      %dma_wait3A = arith.constant 1 : i32
      %dma_wait3A_114 = arith.constant 1 : i32
      %dma_wait3A_115 = arith.constant 0 : i32
      %dma_wait3A_116 = arith.constant 0 : i32
      %dma_wait3A_117 = tpu.memref_slice %arg6[%dma_wait3A, %dma_wait3A_115, %dma_wait3A_116] : memref<2x128x129xf32, #tpu.memory_space<vmem>> -> memref<1x128x129xf32, #tpu.memory_space<vmem>>
      %dma_wait3A_118 = tpu.memref_squeeze %dma_wait3A_117 : memref<1x128x129xf32, #tpu.memory_space<vmem>> -> memref<128x129xf32, #tpu.memory_space<vmem>>
      %dma_wait3A_119 = arith.constant 0 : i32
      %dma_wait3A_120 = arith.constant 0 : i32
      %dma_wait3A_121 = tpu.memref_slice %dma_wait3A_118[%dma_wait3A_119, %dma_wait3A_120] : memref<128x129xf32, #tpu.memory_space<vmem>> -> memref<128x128xf32, #tpu.memory_space<vmem>>
      %dma_wait3A_122 = arith.constant 0 : i32
      %dma_wait3A_123 = arith.constant 0 : i32
      %dma_wait3A_124 = tpu.memref_slice %arg4[%dma_wait3A_122, %dma_wait3A_123] : memref<500000x128xf32, #tpu.memory_space<hbm>> -> memref<128x128xf32, #tpu.memory_space<hbm>>
      %dma_wait3A_125 = tpu.memref_slice %arg9[%dma_wait3A_114] : memref<2x!tpu.dma_semaphore, #tpu.memory_space<semaphore_mem>> -> memref<1x!tpu.dma_semaphore, #tpu.memory_space<semaphore_mem>>
      %dma_wait3A_126 = tpu.memref_squeeze %dma_wait3A_125 : memref<1x!tpu.dma_semaphore, #tpu.memory_space<semaphore_mem>> -> memref<!tpu.dma_semaphore, #tpu.memory_space<semaphore_mem>>
      %dma_wait3A_127 = arith.constant 0 : i32
      %dma_wait3A_128 = arith.constant 0 : i32
      %dma_wait3A_129 = tpu.memref_slice %arg6[%dma_wait3A, %dma_wait3A_127, %dma_wait3A_128] : memref<2x128x129xf32, #tpu.memory_space<vmem>> -> memref<1x128x129xf32, #tpu.memory_space<vmem>>
      %dma_wait3A_130 = tpu.memref_squeeze %dma_wait3A_129 : memref<1x128x129xf32, #tpu.memory_space<vmem>> -> memref<128x129xf32, #tpu.memory_space<vmem>>
      %dma_wait3A_131 = arith.constant 0 : i32
      %dma_wait3A_132 = arith.constant 0 : i32
      %dma_wait3A_133 = tpu.memref_slice %dma_wait3A_130[%dma_wait3A_131, %dma_wait3A_132] : memref<128x129xf32, #tpu.memory_space<vmem>> -> memref<128x128xf32, #tpu.memory_space<vmem>>
      %dma_wait3A_134 = arith.constant 0 : i32
      %dma_wait3A_135 = arith.constant 0 : i32
      %dma_wait3A_136 = tpu.memref_slice %arg4[%dma_wait3A_134, %dma_wait3A_135] : memref<500000x128xf32, #tpu.memory_space<hbm>> -> memref<128x128xf32, #tpu.memory_space<hbm>>
      tpu.wait_dma2 semaphore(%dma_wait3A_126 : memref<!tpu.dma_semaphore, #tpu.memory_space<semaphore_mem>>) src(%dma_wait3A_136 : memref<128x128xf32, #tpu.memory_space<hbm>>) dst(%dma_wait3A_133 : memref<128x128xf32, #tpu.memory_space<vmem>>)
    } else {
    }
    %eq3A = arith.constant 0 : i32
    %eq3A_110 = arith.cmpi eq, %add3A, %eq3A : i32
    %convert_element_type3A_111 = arith.extui %eq3A_110 : i1 to i32
    %cond3A_112 = arith.constant 0 : i32
    %cond3A_113 = arith.cmpi ne, %convert_element_type3A_111, %cond3A_112 : i32
    scf.if %cond3A_113 {
      "tpu.region"() ({
        %run_scoped3A = tpu.sem_alloc : memref<!tpu.dma_semaphore, #tpu.memory_space<semaphore_mem>>
        tpu.enqueue_dma source(%arg3 : memref<32x128xf32, #tpu.memory_space<hbm>>) target(%arg7 : memref<32x128xf32, #tpu.memory_space<vmem>>) target_semaphore(%run_scoped3A : memref<!tpu.dma_semaphore, #tpu.memory_space<semaphore_mem>>)
        tpu.wait_dma2 semaphore(%run_scoped3A : memref<!tpu.dma_semaphore, #tpu.memory_space<semaphore_mem>>) src(%arg3 : memref<32x128xf32, #tpu.memory_space<hbm>>) dst(%arg7 : memref<32x128xf32, #tpu.memory_space<vmem>>)
        tpu.yield
      }) : () -> ()
      "tpu.region"() ({
        %run_scoped3A = tpu.sem_alloc : memref<!tpu.dma_semaphore, #tpu.memory_space<semaphore_mem>>
        %dma_start3A = arith.constant 499968 : i32
        %dma_start3A_114 = arith.constant 0 : i32
        %dma_start3A_115 = tpu.memref_slice %arg4[%dma_start3A, %dma_start3A_114] : memref<500000x128xf32, #tpu.memory_space<hbm>> -> memref<32x128xf32, #tpu.memory_space<hbm>>
        %dma_start3A_116 = arith.constant 499968 : i32
        %dma_start3A_117 = arith.constant 0 : i32
        %dma_start3A_118 = tpu.memref_slice %arg4[%dma_start3A_116, %dma_start3A_117] : memref<500000x128xf32, #tpu.memory_space<hbm>> -> memref<32x128xf32, #tpu.memory_space<hbm>>
        tpu.enqueue_dma source(%arg7 : memref<32x128xf32, #tpu.memory_space<vmem>>) target(%dma_start3A_118 : memref<32x128xf32, #tpu.memory_space<hbm>>) target_semaphore(%run_scoped3A : memref<!tpu.dma_semaphore, #tpu.memory_space<semaphore_mem>>)
        %dma_wait3A = arith.constant 499968 : i32
        %dma_wait3A_119 = arith.constant 0 : i32
        %dma_wait3A_120 = tpu.memref_slice %arg4[%dma_wait3A, %dma_wait3A_119] : memref<500000x128xf32, #tpu.memory_space<hbm>> -> memref<32x128xf32, #tpu.memory_space<hbm>>
        %dma_wait3A_121 = arith.constant 499968 : i32
        %dma_wait3A_122 = arith.constant 0 : i32
        %dma_wait3A_123 = tpu.memref_slice %arg4[%dma_wait3A_121, %dma_wait3A_122] : memref<500000x128xf32, #tpu.memory_space<hbm>> -> memref<32x128xf32, #tpu.memory_space<hbm>>
        tpu.wait_dma2 semaphore(%run_scoped3A : memref<!tpu.dma_semaphore, #tpu.memory_space<semaphore_mem>>) src(%arg7 : memref<32x128xf32, #tpu.memory_space<vmem>>) dst(%dma_wait3A_123 : memref<32x128xf32, #tpu.memory_space<hbm>>)
        tpu.yield
      }) : () -> ()
    } else {
    }
    return
  }
}

#map = affine_map<(d0, d1) -> (0)>
#map1 = affine_map<(d0, d1) -> (0, 0)>
module attributes {stable_mosaic.version = 14 : i64} {
  func.func @_sc_body(%arg0: i32, %arg1: i32, %arg2: memref<524288xi32, #tpu.memory_space<hbm>>, %arg3: memref<1000000x64xf32, #tpu.memory_space<hbm>>, %arg4: memref<128x64xf32, #tpu.memory_space<hbm>>, %arg5: memref<64xf32, #tpu.memory_space<hbm>>, %arg6: memref<64xf32, #tpu.memory_space<hbm>>, %arg7: memref<262144x128xf32, #tpu.memory_space<hbm>>, %arg8: memref<16384xi32, #tpu.memory_space<vmem>>, %arg9: memref<4x128x64xf32, #tpu.memory_space<vmem>>, %arg10: memref<2x64x129xf32, #tpu.memory_space<vmem>>, %arg11: memref<128x64xf32, #tpu.memory_space<vmem>>, %arg12: memref<64xf32, #tpu.memory_space<vmem>>, %arg13: memref<64xf32, #tpu.memory_space<vmem>>, %arg14: memref<4x!tpu.dma_semaphore, #tpu.memory_space<semaphore_mem>>, %arg15: memref<2x!tpu.dma_semaphore, #tpu.memory_space<semaphore_mem>>) attributes {dimension_semantics = [#tpu.dimension_semantics<core_parallel>, #tpu.dimension_semantics<subcore_parallel>], iteration_bounds = array<i64: 2, 16>, scalar_prefetch = 0 : i64, scratch_operands = 8 : i64, tpu.core_type = #tpu.core_type<sc_vector_subcore>, window_params = [{transform_indices = #map}, {transform_indices = #map1}, {transform_indices = #map1}, {transform_indices = #map}, {transform_indices = #map}, {transform_indices = #map1}]} {
    %mul3A = arith.constant 2 : i32
    %mul3A_0 = arith.muli %arg1, %mul3A : i32
    %add3A = arith.addi %mul3A_0, %arg0 : i32
    %mul3A_1 = arith.constant 16384 : i32
    %mul3A_2 = arith.muli %add3A, %mul3A_1 : i32
    %multiple_of3A = tpu.assume_multiple %mul3A_2, 128 : i32
    %jit3A = arith.constant 128 : i32
    %div3A = arith.divsi %multiple_of3A, %jit3A : i32
    %sign3A = arith.constant 0 : i32
    %sign3A_3 = arith.cmpi sgt, %multiple_of3A, %sign3A : i32
    %sign3A_4 = arith.extui %sign3A_3 : i1 to i32
    %sign3A_5 = arith.constant 0 : i32
    %sign3A_6 = arith.cmpi slt, %multiple_of3A, %sign3A_5 : i32
    %sign3A_7 = arith.extui %sign3A_6 : i1 to i32
    %sign3A_8 = arith.subi %sign3A_4, %sign3A_7 : i32
    %sign3A_9 = arith.constant 0 : i32
    %sign3A_10 = arith.cmpi sgt, %jit3A, %sign3A_9 : i32
    %sign3A_11 = arith.extui %sign3A_10 : i1 to i32
    %sign3A_12 = arith.constant 0 : i32
    %sign3A_13 = arith.cmpi slt, %jit3A, %sign3A_12 : i32
    %sign3A_14 = arith.extui %sign3A_13 : i1 to i32
    %sign3A_15 = arith.subi %sign3A_11, %sign3A_14 : i32
    %ne3A = arith.cmpi ne, %sign3A_8, %sign3A_15 : i32
    %rem3A = arith.remsi %multiple_of3A, %jit3A : i32
    %ne3A_16 = arith.constant 0 : i32
    %ne3A_17 = arith.cmpi ne, %rem3A, %ne3A_16 : i32
    %and3A = arith.andi %ne3A, %ne3A_17 : i1
    %sub3A = arith.constant 1 : i32
    %sub3A_18 = arith.subi %div3A, %sub3A : i32
    %select_n3A = arith.select %and3A, %sub3A_18, %div3A : i32
    "tpu.region"() ({
      %run_scoped3A = tpu.sem_alloc : memref<!tpu.dma_semaphore, #tpu.memory_space<semaphore_mem>>
      %dma_start3A_130 = tpu.memref_slice %arg2[%multiple_of3A] : memref<524288xi32, #tpu.memory_space<hbm>> -> memref<16384xi32, #tpu.memory_space<hbm>>
      %dma_start3A_131 = tpu.memref_slice %arg2[%multiple_of3A] : memref<524288xi32, #tpu.memory_space<hbm>> -> memref<16384xi32, #tpu.memory_space<hbm>>
      tpu.enqueue_dma source(%dma_start3A_131 : memref<16384xi32, #tpu.memory_space<hbm>>) target(%arg8 : memref<16384xi32, #tpu.memory_space<vmem>>) target_semaphore(%run_scoped3A : memref<!tpu.dma_semaphore, #tpu.memory_space<semaphore_mem>>)
      %dma_wait3A_132 = tpu.memref_slice %arg2[%multiple_of3A] : memref<524288xi32, #tpu.memory_space<hbm>> -> memref<16384xi32, #tpu.memory_space<hbm>>
      %dma_wait3A_133 = tpu.memref_slice %arg2[%multiple_of3A] : memref<524288xi32, #tpu.memory_space<hbm>> -> memref<16384xi32, #tpu.memory_space<hbm>>
      tpu.wait_dma2 semaphore(%run_scoped3A : memref<!tpu.dma_semaphore, #tpu.memory_space<semaphore_mem>>) src(%dma_wait3A_133 : memref<16384xi32, #tpu.memory_space<hbm>>) dst(%arg8 : memref<16384xi32, #tpu.memory_space<vmem>>)
      tpu.yield
    }) : () -> ()
    "tpu.region"() ({
      %run_scoped3A = tpu.sem_alloc : memref<!tpu.dma_semaphore, #tpu.memory_space<semaphore_mem>>
      tpu.enqueue_dma source(%arg4 : memref<128x64xf32, #tpu.memory_space<hbm>>) target(%arg11 : memref<128x64xf32, #tpu.memory_space<vmem>>) target_semaphore(%run_scoped3A : memref<!tpu.dma_semaphore, #tpu.memory_space<semaphore_mem>>)
      tpu.wait_dma2 semaphore(%run_scoped3A : memref<!tpu.dma_semaphore, #tpu.memory_space<semaphore_mem>>) src(%arg4 : memref<128x64xf32, #tpu.memory_space<hbm>>) dst(%arg11 : memref<128x64xf32, #tpu.memory_space<vmem>>)
      tpu.yield
    }) : () -> ()
    "tpu.region"() ({
      %run_scoped3A = tpu.sem_alloc : memref<!tpu.dma_semaphore, #tpu.memory_space<semaphore_mem>>
      tpu.enqueue_dma source(%arg5 : memref<64xf32, #tpu.memory_space<hbm>>) target(%arg12 : memref<64xf32, #tpu.memory_space<vmem>>) target_semaphore(%run_scoped3A : memref<!tpu.dma_semaphore, #tpu.memory_space<semaphore_mem>>)
      tpu.wait_dma2 semaphore(%run_scoped3A : memref<!tpu.dma_semaphore, #tpu.memory_space<semaphore_mem>>) src(%arg5 : memref<64xf32, #tpu.memory_space<hbm>>) dst(%arg12 : memref<64xf32, #tpu.memory_space<vmem>>)
      tpu.yield
    }) : () -> ()
    "tpu.region"() ({
      %run_scoped3A = tpu.sem_alloc : memref<!tpu.dma_semaphore, #tpu.memory_space<semaphore_mem>>
      tpu.enqueue_dma source(%arg6 : memref<64xf32, #tpu.memory_space<hbm>>) target(%arg13 : memref<64xf32, #tpu.memory_space<vmem>>) target_semaphore(%run_scoped3A : memref<!tpu.dma_semaphore, #tpu.memory_space<semaphore_mem>>)
      tpu.wait_dma2 semaphore(%run_scoped3A : memref<!tpu.dma_semaphore, #tpu.memory_space<semaphore_mem>>) src(%arg6 : memref<64xf32, #tpu.memory_space<hbm>>) dst(%arg13 : memref<64xf32, #tpu.memory_space<vmem>>)
      tpu.yield
    }) : () -> ()
    %get3A = arith.constant 0 : index
    %get3A_19 = tpu.vector_load %arg12[%get3A] {strides = array<i32>} : memref<64xf32, #tpu.memory_space<vmem>>, vector<16xf32>,
    %get3A_20 = arith.constant 16 : index
    %get3A_21 = tpu.vector_load %arg12[%get3A_20] {strides = array<i32>} : memref<64xf32, #tpu.memory_space<vmem>>, vector<16xf32>,
    %get3A_22 = arith.constant 32 : index
    %get3A_23 = tpu.vector_load %arg12[%get3A_22] {strides = array<i32>} : memref<64xf32, #tpu.memory_space<vmem>>, vector<16xf32>,
    %get3A_24 = arith.constant 48 : index
    %get3A_25 = tpu.vector_load %arg12[%get3A_24] {strides = array<i32>} : memref<64xf32, #tpu.memory_space<vmem>>, vector<16xf32>,
    %get3A_26 = arith.constant 0 : index
    %get3A_27 = tpu.vector_load %arg13[%get3A_26] {strides = array<i32>} : memref<64xf32, #tpu.memory_space<vmem>>, vector<16xf32>,
    %get3A_28 = arith.constant 16 : index
    %get3A_29 = tpu.vector_load %arg13[%get3A_28] {strides = array<i32>} : memref<64xf32, #tpu.memory_space<vmem>>, vector<16xf32>,
    %get3A_30 = arith.constant 32 : index
    %get3A_31 = tpu.vector_load %arg13[%get3A_30] {strides = array<i32>} : memref<64xf32, #tpu.memory_space<vmem>>, vector<16xf32>,
    %get3A_32 = arith.constant 48 : index
    %get3A_33 = tpu.vector_load %arg13[%get3A_32] {strides = array<i32>} : memref<64xf32, #tpu.memory_space<vmem>>, vector<16xf32>,
    %iota3A = tpu.iota {dimensions = array<i32: 0>} : vector<16xi32>
    %add3A_34 = arith.constant 0 : i32
    %add3A_35 = vector.broadcast %add3A_34 : i32 to vector<16xi32>
    %add3A_36 = arith.addi %iota3A, %add3A_35 : vector<16xi32>
    %iota3A_37 = tpu.iota {dimensions = array<i32: 0>} : vector<16xi32>
    %add3A_38 = arith.constant 16 : i32
    %add3A_39 = vector.broadcast %add3A_38 : i32 to vector<16xi32>
    %add3A_40 = arith.addi %iota3A_37, %add3A_39 : vector<16xi32>
    %iota3A_41 = tpu.iota {dimensions = array<i32: 0>} : vector<16xi32>
    %add3A_42 = arith.constant 32 : i32
    %add3A_43 = vector.broadcast %add3A_42 : i32 to vector<16xi32>
    %add3A_44 = arith.addi %iota3A_41, %add3A_43 : vector<16xi32>
    %iota3A_45 = tpu.iota {dimensions = array<i32: 0>} : vector<16xi32>
    %add3A_46 = arith.constant 48 : i32
    %add3A_47 = vector.broadcast %add3A_46 : i32 to vector<16xi32>
    %add3A_48 = arith.addi %iota3A_45, %add3A_47 : vector<16xi32>
    %multiple_of3A_49 = arith.constant 0 : i32
    %multiple_of3A_50 = tpu.assume_multiple %multiple_of3A_49, 128 : i32
    %dma_start3A = arith.constant 0 : i32
    %dma_start3A_51 = arith.constant 0 : i32
    %dma_start3A_52 = arith.constant 0 : i32
    %dma_start3A_53 = arith.constant 0 : i32
    %dma_start3A_54 = tpu.memref_slice %arg9[%dma_start3A, %dma_start3A_52, %dma_start3A_53] : memref<4x128x64xf32, #tpu.memory_space<vmem>> -> memref<1x128x64xf32, #tpu.memory_space<vmem>>
    %dma_start3A_55 = tpu.memref_squeeze %dma_start3A_54 : memref<1x128x64xf32, #tpu.memory_space<vmem>> -> memref<128x64xf32, #tpu.memory_space<vmem>>
    %dma_start3A_56 = tpu.memref_slice %arg8[%multiple_of3A_50] : memref<16384xi32, #tpu.memory_space<vmem>> -> memref<128xi32, #tpu.memory_space<vmem>>
    %dma_start3A_57 = arith.constant 0 : i32
    %dma_start3A_58 = arith.constant 0 : i32
    %dma_start3A_59 = tpu.memref_slice %arg3[%dma_start3A_57, %dma_start3A_58] : memref<1000000x64xf32, #tpu.memory_space<hbm>> -> memref<1000000x64xf32, #tpu.memory_space<hbm>>
    %dma_start3A_60 = tpu.memref_slice %arg14[%dma_start3A_51] : memref<4x!tpu.dma_semaphore, #tpu.memory_space<semaphore_mem>> -> memref<1x!tpu.dma_semaphore, #tpu.memory_space<semaphore_mem>>
    %dma_start3A_61 = tpu.memref_squeeze %dma_start3A_60 : memref<1x!tpu.dma_semaphore, #tpu.memory_space<semaphore_mem>> -> memref<!tpu.dma_semaphore, #tpu.memory_space<semaphore_mem>>
    tpu.enqueue_indirect_dma source(%dma_start3A_59 : memref<1000000x64xf32, #tpu.memory_space<hbm>>) target(%dma_start3A_55 : memref<128x64xf32, #tpu.memory_space<vmem>>) offsets(%dma_start3A_56 : memref<128xi32, #tpu.memory_space<vmem>>) semaphore(%dma_start3A_61 : memref<!tpu.dma_semaphore, #tpu.memory_space<semaphore_mem>>)
    %multiple_of3A_62 = arith.constant 128 : i32
    %multiple_of3A_63 = tpu.assume_multiple %multiple_of3A_62, 128 : i32
    %dma_start3A_64 = arith.constant 1 : i32
    %dma_start3A_65 = arith.constant 1 : i32
    %dma_start3A_66 = arith.constant 0 : i32
    %dma_start3A_67 = arith.constant 0 : i32
    %dma_start3A_68 = tpu.memref_slice %arg9[%dma_start3A_64, %dma_start3A_66, %dma_start3A_67] : memref<4x128x64xf32, #tpu.memory_space<vmem>> -> memref<1x128x64xf32, #tpu.memory_space<vmem>>
    %dma_start3A_69 = tpu.memref_squeeze %dma_start3A_68 : memref<1x128x64xf32, #tpu.memory_space<vmem>> -> memref<128x64xf32, #tpu.memory_space<vmem>>
    %dma_start3A_70 = tpu.memref_slice %arg8[%multiple_of3A_63] : memref<16384xi32, #tpu.memory_space<vmem>> -> memref<128xi32, #tpu.memory_space<vmem>>
    %dma_start3A_71 = arith.constant 0 : i32
    %dma_start3A_72 = arith.constant 0 : i32
    %dma_start3A_73 = tpu.memref_slice %arg3[%dma_start3A_71, %dma_start3A_72] : memref<1000000x64xf32, #tpu.memory_space<hbm>> -> memref<1000000x64xf32, #tpu.memory_space<hbm>>
    %dma_start3A_74 = tpu.memref_slice %arg14[%dma_start3A_65] : memref<4x!tpu.dma_semaphore, #tpu.memory_space<semaphore_mem>> -> memref<1x!tpu.dma_semaphore, #tpu.memory_space<semaphore_mem>>
    %dma_start3A_75 = tpu.memref_squeeze %dma_start3A_74 : memref<1x!tpu.dma_semaphore, #tpu.memory_space<semaphore_mem>> -> memref<!tpu.dma_semaphore, #tpu.memory_space<semaphore_mem>>
    tpu.enqueue_indirect_dma source(%dma_start3A_73 : memref<1000000x64xf32, #tpu.memory_space<hbm>>) target(%dma_start3A_69 : memref<128x64xf32, #tpu.memory_space<vmem>>) offsets(%dma_start3A_70 : memref<128xi32, #tpu.memory_space<vmem>>) semaphore(%dma_start3A_75 : memref<!tpu.dma_semaphore, #tpu.memory_space<semaphore_mem>>)
    %scan3A = arith.constant 1.562500e-02 : f32
    %scan3A_76 = arith.constant 0 : i32
    %scan3A_77 = arith.constant 0 : i32
    %scan3A_78 = arith.constant 32 : i32
    %scan3A_79 = arith.addi %scan3A_77, %scan3A_78 : i32
    %scan3A_80 = arith.constant 1 : i32
    %scan3A_81 = scf.for %scan3A_130 = %scan3A_77 to %scan3A_79 step %scan3A_80 iter_args(%scan3A_131 = %scan3A_76) -> (i32)  : i32 {
      %mul3A_132 = arith.constant 4 : i32
      %mul3A_133 = arith.muli %scan3A_130, %mul3A_132 : i32
      %add3A_134 = arith.constant 0 : i32
      %add3A_135 = arith.addi %mul3A_133, %add3A_134 : i32
      %dma_wait3A_136 = arith.constant 0 : i32
      %dma_wait3A_137 = arith.constant 0 : i32
      %dma_wait3A_138 = arith.constant 0 : i32
      %dma_wait3A_139 = arith.constant 0 : i32
      %dma_wait3A_140 = tpu.memref_slice %arg9[%dma_wait3A_136, %dma_wait3A_138, %dma_wait3A_139] : memref<4x128x64xf32, #tpu.memory_space<vmem>> -> memref<1x128x64xf32, #tpu.memory_space<vmem>>
      %dma_wait3A_141 = tpu.memref_squeeze %dma_wait3A_140 : memref<1x128x64xf32, #tpu.memory_space<vmem>> -> memref<128x64xf32, #tpu.memory_space<vmem>>
      %dma_wait3A_142 = arith.constant 0 : i32
      %dma_wait3A_143 = arith.constant 0 : i32
      %dma_wait3A_144 = tpu.memref_slice %arg3[%dma_wait3A_142, %dma_wait3A_143] : memref<1000000x64xf32, #tpu.memory_space<hbm>> -> memref<128x64xf32, #tpu.memory_space<hbm>>
      %dma_wait3A_145 = tpu.memref_slice %arg14[%dma_wait3A_137] : memref<4x!tpu.dma_semaphore, #tpu.memory_space<semaphore_mem>> -> memref<1x!tpu.dma_semaphore, #tpu.memory_space<semaphore_mem>>
      %dma_wait3A_146 = tpu.memref_squeeze %dma_wait3A_145 : memref<1x!tpu.dma_semaphore, #tpu.memory_space<semaphore_mem>> -> memref<!tpu.dma_semaphore, #tpu.memory_space<semaphore_mem>>
      %dma_wait3A_147 = arith.constant 0 : i32
      %dma_wait3A_148 = arith.constant 0 : i32
      %dma_wait3A_149 = tpu.memref_slice %arg9[%dma_wait3A_136, %dma_wait3A_147, %dma_wait3A_148] : memref<4x128x64xf32, #tpu.memory_space<vmem>> -> memref<1x128x64xf32, #tpu.memory_space<vmem>>
      %dma_wait3A_150 = tpu.memref_squeeze %dma_wait3A_149 : memref<1x128x64xf32, #tpu.memory_space<vmem>> -> memref<128x64xf32, #tpu.memory_space<vmem>>
      %dma_wait3A_151 = arith.constant 0 : i32
      %dma_wait3A_152 = arith.constant 0 : i32
      %dma_wait3A_153 = tpu.memref_slice %arg3[%dma_wait3A_151, %dma_wait3A_152] : memref<1000000x64xf32, #tpu.memory_space<hbm>> -> memref<128x64xf32, #tpu.memory_space<hbm>>
      tpu.wait_dma2 semaphore(%dma_wait3A_146 : memref<!tpu.dma_semaphore, #tpu.memory_space<semaphore_mem>>) src(%dma_wait3A_153 : memref<128x64xf32, #tpu.memory_space<hbm>>) dst(%dma_wait3A_150 : memref<128x64xf32, #tpu.memory_space<vmem>>)
      %ge3A = arith.constant 2 : i32
      %ge3A_154 = arith.cmpi sge, %add3A_135, %ge3A : i32
      %convert_element_type3A = arith.extui %ge3A_154 : i1 to i32
      %cond3A = arith.constant 0 : i32
      %cond3A_155 = arith.cmpi ne, %convert_element_type3A, %cond3A : i32
      scf.if %cond3A_155 {
        %dma_wait3A_384 = arith.constant 0 : i32
        %dma_wait3A_385 = arith.constant 0 : i32
        %dma_wait3A_386 = arith.constant 0 : i32
        %dma_wait3A_387 = arith.constant 0 : i32
        %dma_wait3A_388 = tpu.memref_slice %arg10[%dma_wait3A_384, %dma_wait3A_386, %dma_wait3A_387] : memref<2x64x129xf32, #tpu.memory_space<vmem>> -> memref<1x64x129xf32, #tpu.memory_space<vmem>>
        %dma_wait3A_389 = tpu.memref_squeeze %dma_wait3A_388 : memref<1x64x129xf32, #tpu.memory_space<vmem>> -> memref<64x129xf32, #tpu.memory_space<vmem>>
        %dma_wait3A_390 = arith.constant 0 : i32
        %dma_wait3A_391 = arith.constant 0 : i32
        %dma_wait3A_392 = tpu.memref_slice %dma_wait3A_389[%dma_wait3A_390, %dma_wait3A_391] : memref<64x129xf32, #tpu.memory_space<vmem>> -> memref<64x128xf32, #tpu.memory_space<vmem>>
        %dma_wait3A_393 = arith.constant 0 : i32
        %dma_wait3A_394 = arith.constant 0 : i32
        %dma_wait3A_395 = tpu.memref_slice %arg7[%dma_wait3A_393, %dma_wait3A_394] : memref<262144x128xf32, #tpu.memory_space<hbm>> -> memref<64x128xf32, #tpu.memory_space<hbm>>
        %dma_wait3A_396 = tpu.memref_slice %arg15[%dma_wait3A_385] : memref<2x!tpu.dma_semaphore, #tpu.memory_space<semaphore_mem>> -> memref<1x!tpu.dma_semaphore, #tpu.memory_space<semaphore_mem>>
        %dma_wait3A_397 = tpu.memref_squeeze %dma_wait3A_396 : memref<1x!tpu.dma_semaphore, #tpu.memory_space<semaphore_mem>> -> memref<!tpu.dma_semaphore, #tpu.memory_space<semaphore_mem>>
        %dma_wait3A_398 = arith.constant 0 : i32
        %dma_wait3A_399 = arith.constant 0 : i32
        %dma_wait3A_400 = tpu.memref_slice %arg10[%dma_wait3A_384, %dma_wait3A_398, %dma_wait3A_399] : memref<2x64x129xf32, #tpu.memory_space<vmem>> -> memref<1x64x129xf32, #tpu.memory_space<vmem>>
        %dma_wait3A_401 = tpu.memref_squeeze %dma_wait3A_400 : memref<1x64x129xf32, #tpu.memory_space<vmem>> -> memref<64x129xf32, #tpu.memory_space<vmem>>
        %dma_wait3A_402 = arith.constant 0 : i32
        %dma_wait3A_403 = arith.constant 0 : i32
        %dma_wait3A_404 = tpu.memref_slice %dma_wait3A_401[%dma_wait3A_402, %dma_wait3A_403] : memref<64x129xf32, #tpu.memory_space<vmem>> -> memref<64x128xf32, #tpu.memory_space<vmem>>
        %dma_wait3A_405 = arith.constant 0 : i32
        %dma_wait3A_406 = arith.constant 0 : i32
        %dma_wait3A_407 = tpu.memref_slice %arg7[%dma_wait3A_405, %dma_wait3A_406] : memref<262144x128xf32, #tpu.memory_space<hbm>> -> memref<64x128xf32, #tpu.memory_space<hbm>>
        tpu.wait_dma2 semaphore(%dma_wait3A_397 : memref<!tpu.dma_semaphore, #tpu.memory_space<semaphore_mem>>) src(%dma_wait3A_407 : memref<64x128xf32, #tpu.memory_space<hbm>>) dst(%dma_wait3A_404 : memref<64x128xf32, #tpu.memory_space<vmem>>)
      } else {
      }
      %parallel_loop3A = arith.constant 0 : i32
      %parallel_loop3A_156 = arith.constant 128 : i32
      %parallel_loop3A_157 = arith.constant 1 : i32
      %parallel_loop3A_158 = arith.constant 0 : i32
      %parallel_loop3A_159 = arith.constant 0 : i32
      scf.for %parallel_loop3A_384 = %parallel_loop3A to %parallel_loop3A_156 step %parallel_loop3A_157  : i32 {
        %parallel_loop3A_385 = arith.constant 0 : i32
        %parallel_loop3A_386 = arith.constant 0 : i32
        %parallel_loop3A_387 = tpu.memref_slice %arg9[%parallel_loop3A_158, %parallel_loop3A_385, %parallel_loop3A_386] : memref<4x128x64xf32, #tpu.memory_space<vmem>> -> memref<1x128x64xf32, #tpu.memory_space<vmem>>
        %parallel_loop3A_388 = tpu.memref_squeeze %parallel_loop3A_387 : memref<1x128x64xf32, #tpu.memory_space<vmem>> -> memref<128x64xf32, #tpu.memory_space<vmem>>
        %parallel_loop3A_389 = arith.index_cast %parallel_loop3A_384 : i32 to index
        %parallel_loop3A_390 = arith.constant 0 : index
        %parallel_loop3A_391 = tpu.vector_load %parallel_loop3A_388[%parallel_loop3A_389, %parallel_loop3A_390] {strides = array<i32>} : memref<128x64xf32, #tpu.memory_space<vmem>>, vector<16xf32>,
        %parallel_loop3A_392 = arith.index_cast %parallel_loop3A_384 : i32 to index
        %parallel_loop3A_393 = arith.constant 0 : index
        %parallel_loop3A_394 = tpu.vector_load %arg11[%parallel_loop3A_392, %parallel_loop3A_393] {strides = array<i32>} : memref<128x64xf32, #tpu.memory_space<vmem>>, vector<16xf32>,
        %parallel_loop3A_395 = arith.addf %parallel_loop3A_391, %parallel_loop3A_394 : vector<16xf32>
        %parallel_loop3A_396 = arith.constant 0 : i32
        %parallel_loop3A_397 = arith.constant 0 : i32
        %parallel_loop3A_398 = tpu.memref_slice %arg9[%parallel_loop3A_158, %parallel_loop3A_396, %parallel_loop3A_397] : memref<4x128x64xf32, #tpu.memory_space<vmem>> -> memref<1x128x64xf32, #tpu.memory_space<vmem>>
        %parallel_loop3A_399 = tpu.memref_squeeze %parallel_loop3A_398 : memref<1x128x64xf32, #tpu.memory_space<vmem>> -> memref<128x64xf32, #tpu.memory_space<vmem>>
        %parallel_loop3A_400 = arith.index_cast %parallel_loop3A_384 : i32 to index
        %parallel_loop3A_401 = arith.constant 16 : index
        %parallel_loop3A_402 = tpu.vector_load %parallel_loop3A_399[%parallel_loop3A_400, %parallel_loop3A_401] {strides = array<i32>} : memref<128x64xf32, #tpu.memory_space<vmem>>, vector<16xf32>,
        %parallel_loop3A_403 = arith.index_cast %parallel_loop3A_384 : i32 to index
        %parallel_loop3A_404 = arith.constant 16 : index
        %parallel_loop3A_405 = tpu.vector_load %arg11[%parallel_loop3A_403, %parallel_loop3A_404] {strides = array<i32>} : memref<128x64xf32, #tpu.memory_space<vmem>>, vector<16xf32>,
        %parallel_loop3A_406 = arith.addf %parallel_loop3A_402, %parallel_loop3A_405 : vector<16xf32>
        %parallel_loop3A_407 = arith.constant 0 : i32
        %parallel_loop3A_408 = arith.constant 0 : i32
        %parallel_loop3A_409 = tpu.memref_slice %arg9[%parallel_loop3A_158, %parallel_loop3A_407, %parallel_loop3A_408] : memref<4x128x64xf32, #tpu.memory_space<vmem>> -> memref<1x128x64xf32, #tpu.memory_space<vmem>>
        %parallel_loop3A_410 = tpu.memref_squeeze %parallel_loop3A_409 : memref<1x128x64xf32, #tpu.memory_space<vmem>> -> memref<128x64xf32, #tpu.memory_space<vmem>>
        %parallel_loop3A_411 = arith.index_cast %parallel_loop3A_384 : i32 to index
        %parallel_loop3A_412 = arith.constant 32 : index
        %parallel_loop3A_413 = tpu.vector_load %parallel_loop3A_410[%parallel_loop3A_411, %parallel_loop3A_412] {strides = array<i32>} : memref<128x64xf32, #tpu.memory_space<vmem>>, vector<16xf32>,
        %parallel_loop3A_414 = arith.index_cast %parallel_loop3A_384 : i32 to index
        %parallel_loop3A_415 = arith.constant 32 : index
        %parallel_loop3A_416 = tpu.vector_load %arg11[%parallel_loop3A_414, %parallel_loop3A_415] {strides = array<i32>} : memref<128x64xf32, #tpu.memory_space<vmem>>, vector<16xf32>,
        %parallel_loop3A_417 = arith.addf %parallel_loop3A_413, %parallel_loop3A_416 : vector<16xf32>
        %parallel_loop3A_418 = arith.constant 0 : i32
        %parallel_loop3A_419 = arith.constant 0 : i32
        %parallel_loop3A_420 = tpu.memref_slice %arg9[%parallel_loop3A_158, %parallel_loop3A_418, %parallel_loop3A_419] : memref<4x128x64xf32, #tpu.memory_space<vmem>> -> memref<1x128x64xf32, #tpu.memory_space<vmem>>
        %parallel_loop3A_421 = tpu.memref_squeeze %parallel_loop3A_420 : memref<1x128x64xf32, #tpu.memory_space<vmem>> -> memref<128x64xf32, #tpu.memory_space<vmem>>
        %parallel_loop3A_422 = arith.index_cast %parallel_loop3A_384 : i32 to index
        %parallel_loop3A_423 = arith.constant 48 : index
        %parallel_loop3A_424 = tpu.vector_load %parallel_loop3A_421[%parallel_loop3A_422, %parallel_loop3A_423] {strides = array<i32>} : memref<128x64xf32, #tpu.memory_space<vmem>>, vector<16xf32>,
        %parallel_loop3A_425 = arith.index_cast %parallel_loop3A_384 : i32 to index
        %parallel_loop3A_426 = arith.constant 48 : index
        %parallel_loop3A_427 = tpu.vector_load %arg11[%parallel_loop3A_425, %parallel_loop3A_426] {strides = array<i32>} : memref<128x64xf32, #tpu.memory_space<vmem>>, vector<16xf32>,
        %parallel_loop3A_428 = arith.addf %parallel_loop3A_424, %parallel_loop3A_427 : vector<16xf32>
        %parallel_loop3A_429 = arith.addf %parallel_loop3A_395, %parallel_loop3A_406 : vector<16xf32>
        %parallel_loop3A_430 = arith.addf %parallel_loop3A_429, %parallel_loop3A_417 : vector<16xf32>
        %parallel_loop3A_431 = arith.addf %parallel_loop3A_430, %parallel_loop3A_428 : vector<16xf32>
        %parallel_loop3A_432 = tpu.iota {dimensions = array<i32: 0>} : vector<16xi32>
        %parallel_loop3A_433 = arith.constant 8 : i32
        %parallel_loop3A_434 = vector.broadcast %parallel_loop3A_433 : i32 to vector<16xi32>
        %parallel_loop3A_435 = arith.xori %parallel_loop3A_432, %parallel_loop3A_434 : vector<16xi32>
        %parallel_loop3A_436 = vector.shape_cast %parallel_loop3A_435 : vector<16xi32> to vector<16x1xi32>
        %parallel_loop3A_437 = vector.shape_cast %parallel_loop3A_436 : vector<16x1xi32> to vector<16xi32>
        %parallel_loop3A_438 = tpu.dynamic_gather %parallel_loop3A_431[%parallel_loop3A_437] in [0] : vector<16xf32>, vector<16xi32> -> vector<16xf32>
        %parallel_loop3A_439 = arith.addf %parallel_loop3A_431, %parallel_loop3A_438 : vector<16xf32>
        %parallel_loop3A_440 = arith.constant 4 : i32
        %parallel_loop3A_441 = vector.broadcast %parallel_loop3A_440 : i32 to vector<16xi32>
        %parallel_loop3A_442 = arith.xori %parallel_loop3A_432, %parallel_loop3A_441 : vector<16xi32>
        %parallel_loop3A_443 = vector.shape_cast %parallel_loop3A_442 : vector<16xi32> to vector<16x1xi32>
        %parallel_loop3A_444 = vector.shape_cast %parallel_loop3A_443 : vector<16x1xi32> to vector<16xi32>
        %parallel_loop3A_445 = tpu.dynamic_gather %parallel_loop3A_439[%parallel_loop3A_444] in [0] : vector<16xf32>, vector<16xi32> -> vector<16xf32>
        %parallel_loop3A_446 = arith.addf %parallel_loop3A_439, %parallel_loop3A_445 : vector<16xf32>
        %parallel_loop3A_447 = arith.constant 2 : i32
        %parallel_loop3A_448 = vector.broadcast %parallel_loop3A_447 : i32 to vector<16xi32>
        %parallel_loop3A_449 = arith.xori %parallel_loop3A_432, %parallel_loop3A_448 : vector<16xi32>
        %parallel_loop3A_450 = vector.shape_cast %parallel_loop3A_449 : vector<16xi32> to vector<16x1xi32>
        %parallel_loop3A_451 = vector.shape_cast %parallel_loop3A_450 : vector<16x1xi32> to vector<16xi32>
        %parallel_loop3A_452 = tpu.dynamic_gather %parallel_loop3A_446[%parallel_loop3A_451] in [0] : vector<16xf32>, vector<16xi32> -> vector<16xf32>
        %parallel_loop3A_453 = arith.addf %parallel_loop3A_446, %parallel_loop3A_452 : vector<16xf32>
        %parallel_loop3A_454 = arith.constant 1 : i32
        %parallel_loop3A_455 = vector.broadcast %parallel_loop3A_454 : i32 to vector<16xi32>
        %parallel_loop3A_456 = arith.xori %parallel_loop3A_432, %parallel_loop3A_455 : vector<16xi32>
        %parallel_loop3A_457 = vector.shape_cast %parallel_loop3A_456 : vector<16xi32> to vector<16x1xi32>
        %parallel_loop3A_458 = vector.shape_cast %parallel_loop3A_457 : vector<16x1xi32> to vector<16xi32>
        %parallel_loop3A_459 = tpu.dynamic_gather %parallel_loop3A_453[%parallel_loop3A_458] in [0] : vector<16xf32>, vector<16xi32> -> vector<16xf32>
        %parallel_loop3A_460 = arith.addf %parallel_loop3A_453, %parallel_loop3A_459 : vector<16xf32>
        %parallel_loop3A_461 = arith.mulf %parallel_loop3A_395, %parallel_loop3A_395 : vector<16xf32>
        %parallel_loop3A_462 = arith.mulf %parallel_loop3A_406, %parallel_loop3A_406 : vector<16xf32>
        %parallel_loop3A_463 = arith.addf %parallel_loop3A_461, %parallel_loop3A_462 : vector<16xf32>
        %parallel_loop3A_464 = arith.mulf %parallel_loop3A_417, %parallel_loop3A_417 : vector<16xf32>
        %parallel_loop3A_465 = arith.addf %parallel_loop3A_463, %parallel_loop3A_464 : vector<16xf32>
        %parallel_loop3A_466 = arith.mulf %parallel_loop3A_428, %parallel_loop3A_428 : vector<16xf32>
        %parallel_loop3A_467 = arith.addf %parallel_loop3A_465, %parallel_loop3A_466 : vector<16xf32>
        %parallel_loop3A_468 = tpu.iota {dimensions = array<i32: 0>} : vector<16xi32>
        %parallel_loop3A_469 = arith.constant 8 : i32
        %parallel_loop3A_470 = vector.broadcast %parallel_loop3A_469 : i32 to vector<16xi32>
        %parallel_loop3A_471 = arith.xori %parallel_loop3A_468, %parallel_loop3A_470 : vector<16xi32>
        %parallel_loop3A_472 = vector.shape_cast %parallel_loop3A_471 : vector<16xi32> to vector<16x1xi32>
        %parallel_loop3A_473 = vector.shape_cast %parallel_loop3A_472 : vector<16x1xi32> to vector<16xi32>
        %parallel_loop3A_474 = tpu.dynamic_gather %parallel_loop3A_467[%parallel_loop3A_473] in [0] : vector<16xf32>, vector<16xi32> -> vector<16xf32>
        %parallel_loop3A_475 = arith.addf %parallel_loop3A_467, %parallel_loop3A_474 : vector<16xf32>
        %parallel_loop3A_476 = arith.constant 4 : i32
        %parallel_loop3A_477 = vector.broadcast %parallel_loop3A_476 : i32 to vector<16xi32>
        %parallel_loop3A_478 = arith.xori %parallel_loop3A_468, %parallel_loop3A_477 : vector<16xi32>
        %parallel_loop3A_479 = vector.shape_cast %parallel_loop3A_478 : vector<16xi32> to vector<16x1xi32>
        %parallel_loop3A_480 = vector.shape_cast %parallel_loop3A_479 : vector<16x1xi32> to vector<16xi32>
        %parallel_loop3A_481 = tpu.dynamic_gather %parallel_loop3A_475[%parallel_loop3A_480] in [0] : vector<16xf32>, vector<16xi32> -> vector<16xf32>
        %parallel_loop3A_482 = arith.addf %parallel_loop3A_475, %parallel_loop3A_481 : vector<16xf32>
        %parallel_loop3A_483 = arith.constant 2 : i32
        %parallel_loop3A_484 = vector.broadcast %parallel_loop3A_483 : i32 to vector<16xi32>
        %parallel_loop3A_485 = arith.xori %parallel_loop3A_468, %parallel_loop3A_484 : vector<16xi32>
        %parallel_loop3A_486 = vector.shape_cast %parallel_loop3A_485 : vector<16xi32> to vector<16x1xi32>
        %parallel_loop3A_487 = vector.shape_cast %parallel_loop3A_486 : vector<16x1xi32> to vector<16xi32>
        %parallel_loop3A_488 = tpu.dynamic_gather %parallel_loop3A_482[%parallel_loop3A_487] in [0] : vector<16xf32>, vector<16xi32> -> vector<16xf32>
        %parallel_loop3A_489 = arith.addf %parallel_loop3A_482, %parallel_loop3A_488 : vector<16xf32>
        %parallel_loop3A_490 = arith.constant 1 : i32
        %parallel_loop3A_491 = vector.broadcast %parallel_loop3A_490 : i32 to vector<16xi32>
        %parallel_loop3A_492 = arith.xori %parallel_loop3A_468, %parallel_loop3A_491 : vector<16xi32>
        %parallel_loop3A_493 = vector.shape_cast %parallel_loop3A_492 : vector<16xi32> to vector<16x1xi32>
        %parallel_loop3A_494 = vector.shape_cast %parallel_loop3A_493 : vector<16x1xi32> to vector<16xi32>
        %parallel_loop3A_495 = tpu.dynamic_gather %parallel_loop3A_489[%parallel_loop3A_494] in [0] : vector<16xf32>, vector<16xi32> -> vector<16xf32>
        %parallel_loop3A_496 = arith.addf %parallel_loop3A_489, %parallel_loop3A_495 : vector<16xf32>
        %parallel_loop3A_497 = vector.broadcast %scan3A : f32 to vector<16xf32>
        %parallel_loop3A_498 = arith.mulf %parallel_loop3A_460, %parallel_loop3A_497 : vector<16xf32>
        %parallel_loop3A_499 = vector.broadcast %scan3A : f32 to vector<16xf32>
        %parallel_loop3A_500 = arith.mulf %parallel_loop3A_496, %parallel_loop3A_499 : vector<16xf32>
        %parallel_loop3A_501 = arith.mulf %parallel_loop3A_498, %parallel_loop3A_498 : vector<16xf32>
        %parallel_loop3A_502 = arith.subf %parallel_loop3A_500, %parallel_loop3A_501 : vector<16xf32>
        %parallel_loop3A_503 = arith.constant 9.99999974E-6 : f32
        %parallel_loop3A_504 = vector.broadcast %parallel_loop3A_503 : f32 to vector<16xf32>
        %parallel_loop3A_505 = arith.addf %parallel_loop3A_502, %parallel_loop3A_504 : vector<16xf32>
        %parallel_loop3A_506 = vector.bitcast %parallel_loop3A_505 : vector<16xf32> to vector<16xi32>
        %parallel_loop3A_507 = arith.constant 1 : i32
        %parallel_loop3A_508 = vector.broadcast %parallel_loop3A_507 : i32 to vector<16xi32>
        %parallel_loop3A_509 = arith.shrui %parallel_loop3A_506, %parallel_loop3A_508 : vector<16xi32>
        %parallel_loop3A_510 = arith.constant 1597463007 : i32
        %parallel_loop3A_511 = vector.broadcast %parallel_loop3A_510 : i32 to vector<16xi32>
        %parallel_loop3A_512 = arith.subi %parallel_loop3A_511, %parallel_loop3A_509 : vector<16xi32>
        %parallel_loop3A_513 = vector.bitcast %parallel_loop3A_512 : vector<16xi32> to vector<16xf32>
        %parallel_loop3A_514 = arith.constant 5.000000e-01 : f32
        %parallel_loop3A_515 = vector.broadcast %parallel_loop3A_514 : f32 to vector<16xf32>
        %parallel_loop3A_516 = arith.mulf %parallel_loop3A_515, %parallel_loop3A_505 : vector<16xf32>
        %parallel_loop3A_517 = arith.mulf %parallel_loop3A_516, %parallel_loop3A_513 : vector<16xf32>
        %parallel_loop3A_518 = arith.mulf %parallel_loop3A_517, %parallel_loop3A_513 : vector<16xf32>
        %parallel_loop3A_519 = arith.constant 1.500000e+00 : f32
        %parallel_loop3A_520 = vector.broadcast %parallel_loop3A_519 : f32 to vector<16xf32>
        %parallel_loop3A_521 = arith.subf %parallel_loop3A_520, %parallel_loop3A_518 : vector<16xf32>
        %parallel_loop3A_522 = arith.mulf %parallel_loop3A_513, %parallel_loop3A_521 : vector<16xf32>
        %parallel_loop3A_523 = arith.mulf %parallel_loop3A_516, %parallel_loop3A_522 : vector<16xf32>
        %parallel_loop3A_524 = arith.mulf %parallel_loop3A_523, %parallel_loop3A_522 : vector<16xf32>
        %parallel_loop3A_525 = arith.constant 1.500000e+00 : f32
        %parallel_loop3A_526 = vector.broadcast %parallel_loop3A_525 : f32 to vector<16xf32>
        %parallel_loop3A_527 = arith.subf %parallel_loop3A_526, %parallel_loop3A_524 : vector<16xf32>
        %parallel_loop3A_528 = arith.mulf %parallel_loop3A_522, %parallel_loop3A_527 : vector<16xf32>
        %parallel_loop3A_529 = vector.broadcast %parallel_loop3A_384 : i32 to vector<16xi32>
        %parallel_loop3A_530 = arith.subf %parallel_loop3A_395, %parallel_loop3A_498 : vector<16xf32>
        %parallel_loop3A_531 = arith.mulf %parallel_loop3A_530, %parallel_loop3A_528 : vector<16xf32>
        %parallel_loop3A_532 = arith.mulf %parallel_loop3A_531, %get3A_19 : vector<16xf32>
        %parallel_loop3A_533 = arith.addf %parallel_loop3A_532, %get3A_27 : vector<16xf32>
        %parallel_loop3A_534 = arith.constant 0 : i32
        %parallel_loop3A_535 = arith.constant 0 : i32
        %parallel_loop3A_536 = tpu.memref_slice %arg10[%parallel_loop3A_159, %parallel_loop3A_534, %parallel_loop3A_535] : memref<2x64x129xf32, #tpu.memory_space<vmem>> -> memref<1x64x129xf32, #tpu.memory_space<vmem>>
        %parallel_loop3A_537 = tpu.memref_squeeze %parallel_loop3A_536 : memref<1x64x129xf32, #tpu.memory_space<vmem>> -> memref<64x129xf32, #tpu.memory_space<vmem>>
        tpu.vector_store_idx %parallel_loop3A_537[%add3A_36, %parallel_loop3A_529], %parallel_loop3A_533 : memref<64x129xf32, #tpu.memory_space<vmem>>[vector<16xi32>, vector<16xi32>], vector<16xf32>,
        %parallel_loop3A_538 = arith.subf %parallel_loop3A_406, %parallel_loop3A_498 : vector<16xf32>
        %parallel_loop3A_539 = arith.mulf %parallel_loop3A_538, %parallel_loop3A_528 : vector<16xf32>
        %parallel_loop3A_540 = arith.mulf %parallel_loop3A_539, %get3A_21 : vector<16xf32>
        %parallel_loop3A_541 = arith.addf %parallel_loop3A_540, %get3A_29 : vector<16xf32>
        %parallel_loop3A_542 = arith.constant 0 : i32
        %parallel_loop3A_543 = arith.constant 0 : i32
        %parallel_loop3A_544 = tpu.memref_slice %arg10[%parallel_loop3A_159, %parallel_loop3A_542, %parallel_loop3A_543] : memref<2x64x129xf32, #tpu.memory_space<vmem>> -> memref<1x64x129xf32, #tpu.memory_space<vmem>>
        %parallel_loop3A_545 = tpu.memref_squeeze %parallel_loop3A_544 : memref<1x64x129xf32, #tpu.memory_space<vmem>> -> memref<64x129xf32, #tpu.memory_space<vmem>>
        tpu.vector_store_idx %parallel_loop3A_545[%add3A_40, %parallel_loop3A_529], %parallel_loop3A_541 : memref<64x129xf32, #tpu.memory_space<vmem>>[vector<16xi32>, vector<16xi32>], vector<16xf32>,
        %parallel_loop3A_546 = arith.subf %parallel_loop3A_417, %parallel_loop3A_498 : vector<16xf32>
        %parallel_loop3A_547 = arith.mulf %parallel_loop3A_546, %parallel_loop3A_528 : vector<16xf32>
        %parallel_loop3A_548 = arith.mulf %parallel_loop3A_547, %get3A_23 : vector<16xf32>
        %parallel_loop3A_549 = arith.addf %parallel_loop3A_548, %get3A_31 : vector<16xf32>
        %parallel_loop3A_550 = arith.constant 0 : i32
        %parallel_loop3A_551 = arith.constant 0 : i32
        %parallel_loop3A_552 = tpu.memref_slice %arg10[%parallel_loop3A_159, %parallel_loop3A_550, %parallel_loop3A_551] : memref<2x64x129xf32, #tpu.memory_space<vmem>> -> memref<1x64x129xf32, #tpu.memory_space<vmem>>
        %parallel_loop3A_553 = tpu.memref_squeeze %parallel_loop3A_552 : memref<1x64x129xf32, #tpu.memory_space<vmem>> -> memref<64x129xf32, #tpu.memory_space<vmem>>
        tpu.vector_store_idx %parallel_loop3A_553[%add3A_44, %parallel_loop3A_529], %parallel_loop3A_549 : memref<64x129xf32, #tpu.memory_space<vmem>>[vector<16xi32>, vector<16xi32>], vector<16xf32>,
        %parallel_loop3A_554 = arith.subf %parallel_loop3A_428, %parallel_loop3A_498 : vector<16xf32>
        %parallel_loop3A_555 = arith.mulf %parallel_loop3A_554, %parallel_loop3A_528 : vector<16xf32>
        %parallel_loop3A_556 = arith.mulf %parallel_loop3A_555, %get3A_25 : vector<16xf32>
        %parallel_loop3A_557 = arith.addf %parallel_loop3A_556, %get3A_33 : vector<16xf32>
        %parallel_loop3A_558 = arith.constant 0 : i32
        %parallel_loop3A_559 = arith.constant 0 : i32
        %parallel_loop3A_560 = tpu.memref_slice %arg10[%parallel_loop3A_159, %parallel_loop3A_558, %parallel_loop3A_559] : memref<2x64x129xf32, #tpu.memory_space<vmem>> -> memref<1x64x129xf32, #tpu.memory_space<vmem>>
        %parallel_loop3A_561 = tpu.memref_squeeze %parallel_loop3A_560 : memref<1x64x129xf32, #tpu.memory_space<vmem>> -> memref<64x129xf32, #tpu.memory_space<vmem>>
        tpu.vector_store_idx %parallel_loop3A_561[%add3A_48, %parallel_loop3A_529], %parallel_loop3A_557 : memref<64x129xf32, #tpu.memory_space<vmem>>[vector<16xi32>, vector<16xi32>], vector<16xf32>,
      } {sc.loop_unroll_factor = 4 : i64, sc.parallel_access}
      %add3A_160 = arith.addi %select_n3A, %add3A_135 : i32
      %mul3A_161 = arith.constant 64 : i32
      %mul3A_162 = arith.muli %add3A_160, %mul3A_161 : i32
      %dma_start3A_163 = arith.constant 0 : i32
      %dma_start3A_164 = arith.constant 0 : i32
      %dma_start3A_165 = arith.constant 0 : i32
      %dma_start3A_166 = arith.constant 0 : i32
      %dma_start3A_167 = tpu.memref_slice %arg10[%dma_start3A_163, %dma_start3A_165, %dma_start3A_166] : memref<2x64x129xf32, #tpu.memory_space<vmem>> -> memref<1x64x129xf32, #tpu.memory_space<vmem>>
      %dma_start3A_168 = tpu.memref_squeeze %dma_start3A_167 : memref<1x64x129xf32, #tpu.memory_space<vmem>> -> memref<64x129xf32, #tpu.memory_space<vmem>>
      %dma_start3A_169 = arith.constant 0 : i32
      %dma_start3A_170 = arith.constant 0 : i32
      %dma_start3A_171 = tpu.memref_slice %dma_start3A_168[%dma_start3A_169, %dma_start3A_170] : memref<64x129xf32, #tpu.memory_space<vmem>> -> memref<64x128xf32, #tpu.memory_space<vmem>>
      %dma_start3A_172 = arith.constant 0 : i32
      %dma_start3A_173 = tpu.memref_slice %arg7[%mul3A_162, %dma_start3A_172] : memref<262144x128xf32, #tpu.memory_space<hbm>> -> memref<64x128xf32, #tpu.memory_space<hbm>>
      %dma_start3A_174 = tpu.memref_slice %arg15[%dma_start3A_164] : memref<2x!tpu.dma_semaphore, #tpu.memory_space<semaphore_mem>> -> memref<1x!tpu.dma_semaphore, #tpu.memory_space<semaphore_mem>>
      %dma_start3A_175 = tpu.memref_squeeze %dma_start3A_174 : memref<1x!tpu.dma_semaphore, #tpu.memory_space<semaphore_mem>> -> memref<!tpu.dma_semaphore, #tpu.memory_space<semaphore_mem>>
      %dma_start3A_176 = arith.constant 0 : i32
      %dma_start3A_177 = tpu.memref_slice %arg7[%mul3A_162, %dma_start3A_176] : memref<262144x128xf32, #tpu.memory_space<hbm>> -> memref<64x128xf32, #tpu.memory_space<hbm>>
      %dma_start3A_178 = arith.constant 0 : i32
      %dma_start3A_179 = arith.constant 0 : i32
      %dma_start3A_180 = tpu.memref_slice %arg10[%dma_start3A_163, %dma_start3A_178, %dma_start3A_179] : memref<2x64x129xf32, #tpu.memory_space<vmem>> -> memref<1x64x129xf32, #tpu.memory_space<vmem>>
      %dma_start3A_181 = tpu.memref_squeeze %dma_start3A_180 : memref<1x64x129xf32, #tpu.memory_space<vmem>> -> memref<64x129xf32, #tpu.memory_space<vmem>>
      %dma_start3A_182 = arith.constant 0 : i32
      %dma_start3A_183 = arith.constant 0 : i32
      %dma_start3A_184 = tpu.memref_slice %dma_start3A_181[%dma_start3A_182, %dma_start3A_183] : memref<64x129xf32, #tpu.memory_space<vmem>> -> memref<64x128xf32, #tpu.memory_space<vmem>>
      tpu.enqueue_dma source(%dma_start3A_184 : memref<64x128xf32, #tpu.memory_space<vmem>>) target(%dma_start3A_177 : memref<64x128xf32, #tpu.memory_space<hbm>>) target_semaphore(%dma_start3A_175 : memref<!tpu.dma_semaphore, #tpu.memory_space<semaphore_mem>>)
      %add3A_185 = arith.constant 2 : i32
      %add3A_186 = arith.addi %add3A_135, %add3A_185 : i32
      %lt3A = arith.constant 128 : i32
      %lt3A_187 = arith.cmpi slt, %add3A_186, %lt3A : i32
      %convert_element_type3A_188 = arith.extui %lt3A_187 : i1 to i32
      %cond3A_189 = arith.constant 0 : i32
      %cond3A_190 = arith.cmpi ne, %convert_element_type3A_188, %cond3A_189 : i32
      scf.if %cond3A_190 {
        %mul3A_384 = arith.constant 128 : i32
        %mul3A_385 = arith.muli %add3A_186, %mul3A_384 : i32
        %multiple_of3A_386 = tpu.assume_multiple %mul3A_385, 128 : i32
        %dma_start3A_387 = arith.constant 2 : i32
        %dma_start3A_388 = arith.constant 2 : i32
        %dma_start3A_389 = arith.constant 0 : i32
        %dma_start3A_390 = arith.constant 0 : i32
        %dma_start3A_391 = tpu.memref_slice %arg9[%dma_start3A_387, %dma_start3A_389, %dma_start3A_390] : memref<4x128x64xf32, #tpu.memory_space<vmem>> -> memref<1x128x64xf32, #tpu.memory_space<vmem>>
        %dma_start3A_392 = tpu.memref_squeeze %dma_start3A_391 : memref<1x128x64xf32, #tpu.memory_space<vmem>> -> memref<128x64xf32, #tpu.memory_space<vmem>>
        %dma_start3A_393 = tpu.memref_slice %arg8[%multiple_of3A_386] : memref<16384xi32, #tpu.memory_space<vmem>> -> memref<128xi32, #tpu.memory_space<vmem>>
        %dma_start3A_394 = arith.constant 0 : i32
        %dma_start3A_395 = arith.constant 0 : i32
        %dma_start3A_396 = tpu.memref_slice %arg3[%dma_start3A_394, %dma_start3A_395] : memref<1000000x64xf32, #tpu.memory_space<hbm>> -> memref<1000000x64xf32, #tpu.memory_space<hbm>>
        %dma_start3A_397 = tpu.memref_slice %arg14[%dma_start3A_388] : memref<4x!tpu.dma_semaphore, #tpu.memory_space<semaphore_mem>> -> memref<1x!tpu.dma_semaphore, #tpu.memory_space<semaphore_mem>>
        %dma_start3A_398 = tpu.memref_squeeze %dma_start3A_397 : memref<1x!tpu.dma_semaphore, #tpu.memory_space<semaphore_mem>> -> memref<!tpu.dma_semaphore, #tpu.memory_space<semaphore_mem>>
        tpu.enqueue_indirect_dma source(%dma_start3A_396 : memref<1000000x64xf32, #tpu.memory_space<hbm>>) target(%dma_start3A_392 : memref<128x64xf32, #tpu.memory_space<vmem>>) offsets(%dma_start3A_393 : memref<128xi32, #tpu.memory_space<vmem>>) semaphore(%dma_start3A_398 : memref<!tpu.dma_semaphore, #tpu.memory_space<semaphore_mem>>)
      } else {
      }
      %mul3A_191 = arith.constant 4 : i32
      %mul3A_192 = arith.muli %scan3A_130, %mul3A_191 : i32
      %add3A_193 = arith.constant 1 : i32
      %add3A_194 = arith.addi %mul3A_192, %add3A_193 : i32
      %dma_wait3A_195 = arith.constant 1 : i32
      %dma_wait3A_196 = arith.constant 1 : i32
      %dma_wait3A_197 = arith.constant 0 : i32
      %dma_wait3A_198 = arith.constant 0 : i32
      %dma_wait3A_199 = tpu.memref_slice %arg9[%dma_wait3A_195, %dma_wait3A_197, %dma_wait3A_198] : memref<4x128x64xf32, #tpu.memory_space<vmem>> -> memref<1x128x64xf32, #tpu.memory_space<vmem>>
      %dma_wait3A_200 = tpu.memref_squeeze %dma_wait3A_199 : memref<1x128x64xf32, #tpu.memory_space<vmem>> -> memref<128x64xf32, #tpu.memory_space<vmem>>
      %dma_wait3A_201 = arith.constant 0 : i32
      %dma_wait3A_202 = arith.constant 0 : i32
      %dma_wait3A_203 = tpu.memref_slice %arg3[%dma_wait3A_201, %dma_wait3A_202] : memref<1000000x64xf32, #tpu.memory_space<hbm>> -> memref<128x64xf32, #tpu.memory_space<hbm>>
      %dma_wait3A_204 = tpu.memref_slice %arg14[%dma_wait3A_196] : memref<4x!tpu.dma_semaphore, #tpu.memory_space<semaphore_mem>> -> memref<1x!tpu.dma_semaphore, #tpu.memory_space<semaphore_mem>>
      %dma_wait3A_205 = tpu.memref_squeeze %dma_wait3A_204 : memref<1x!tpu.dma_semaphore, #tpu.memory_space<semaphore_mem>> -> memref<!tpu.dma_semaphore, #tpu.memory_space<semaphore_mem>>
      %dma_wait3A_206 = arith.constant 0 : i32
      %dma_wait3A_207 = arith.constant 0 : i32
      %dma_wait3A_208 = tpu.memref_slice %arg9[%dma_wait3A_195, %dma_wait3A_206, %dma_wait3A_207] : memref<4x128x64xf32, #tpu.memory_space<vmem>> -> memref<1x128x64xf32, #tpu.memory_space<vmem>>
      %dma_wait3A_209 = tpu.memref_squeeze %dma_wait3A_208 : memref<1x128x64xf32, #tpu.memory_space<vmem>> -> memref<128x64xf32, #tpu.memory_space<vmem>>
      %dma_wait3A_210 = arith.constant 0 : i32
      %dma_wait3A_211 = arith.constant 0 : i32
      %dma_wait3A_212 = tpu.memref_slice %arg3[%dma_wait3A_210, %dma_wait3A_211] : memref<1000000x64xf32, #tpu.memory_space<hbm>> -> memref<128x64xf32, #tpu.memory_space<hbm>>
      tpu.wait_dma2 semaphore(%dma_wait3A_205 : memref<!tpu.dma_semaphore, #tpu.memory_space<semaphore_mem>>) src(%dma_wait3A_212 : memref<128x64xf32, #tpu.memory_space<hbm>>) dst(%dma_wait3A_209 : memref<128x64xf32, #tpu.memory_space<vmem>>)
      %ge3A_213 = arith.constant 2 : i32
      %ge3A_214 = arith.cmpi sge, %add3A_194, %ge3A_213 : i32
      %convert_element_type3A_215 = arith.extui %ge3A_214 : i1 to i32
      %cond3A_216 = arith.constant 0 : i32
      %cond3A_217 = arith.cmpi ne, %convert_element_type3A_215, %cond3A_216 : i32
      scf.if %cond3A_217 {
        %dma_wait3A_384 = arith.constant 1 : i32
        %dma_wait3A_385 = arith.constant 1 : i32
        %dma_wait3A_386 = arith.constant 0 : i32
        %dma_wait3A_387 = arith.constant 0 : i32
        %dma_wait3A_388 = tpu.memref_slice %arg10[%dma_wait3A_384, %dma_wait3A_386, %dma_wait3A_387] : memref<2x64x129xf32, #tpu.memory_space<vmem>> -> memref<1x64x129xf32, #tpu.memory_space<vmem>>
        %dma_wait3A_389 = tpu.memref_squeeze %dma_wait3A_388 : memref<1x64x129xf32, #tpu.memory_space<vmem>> -> memref<64x129xf32, #tpu.memory_space<vmem>>
        %dma_wait3A_390 = arith.constant 0 : i32
        %dma_wait3A_391 = arith.constant 0 : i32
        %dma_wait3A_392 = tpu.memref_slice %dma_wait3A_389[%dma_wait3A_390, %dma_wait3A_391] : memref<64x129xf32, #tpu.memory_space<vmem>> -> memref<64x128xf32, #tpu.memory_space<vmem>>
        %dma_wait3A_393 = arith.constant 0 : i32
        %dma_wait3A_394 = arith.constant 0 : i32
        %dma_wait3A_395 = tpu.memref_slice %arg7[%dma_wait3A_393, %dma_wait3A_394] : memref<262144x128xf32, #tpu.memory_space<hbm>> -> memref<64x128xf32, #tpu.memory_space<hbm>>
        %dma_wait3A_396 = tpu.memref_slice %arg15[%dma_wait3A_385] : memref<2x!tpu.dma_semaphore, #tpu.memory_space<semaphore_mem>> -> memref<1x!tpu.dma_semaphore, #tpu.memory_space<semaphore_mem>>
        %dma_wait3A_397 = tpu.memref_squeeze %dma_wait3A_396 : memref<1x!tpu.dma_semaphore, #tpu.memory_space<semaphore_mem>> -> memref<!tpu.dma_semaphore, #tpu.memory_space<semaphore_mem>>
        %dma_wait3A_398 = arith.constant 0 : i32
        %dma_wait3A_399 = arith.constant 0 : i32
        %dma_wait3A_400 = tpu.memref_slice %arg10[%dma_wait3A_384, %dma_wait3A_398, %dma_wait3A_399] : memref<2x64x129xf32, #tpu.memory_space<vmem>> -> memref<1x64x129xf32, #tpu.memory_space<vmem>>
        %dma_wait3A_401 = tpu.memref_squeeze %dma_wait3A_400 : memref<1x64x129xf32, #tpu.memory_space<vmem>> -> memref<64x129xf32, #tpu.memory_space<vmem>>
        %dma_wait3A_402 = arith.constant 0 : i32
        %dma_wait3A_403 = arith.constant 0 : i32
        %dma_wait3A_404 = tpu.memref_slice %dma_wait3A_401[%dma_wait3A_402, %dma_wait3A_403] : memref<64x129xf32, #tpu.memory_space<vmem>> -> memref<64x128xf32, #tpu.memory_space<vmem>>
        %dma_wait3A_405 = arith.constant 0 : i32
        %dma_wait3A_406 = arith.constant 0 : i32
        %dma_wait3A_407 = tpu.memref_slice %arg7[%dma_wait3A_405, %dma_wait3A_406] : memref<262144x128xf32, #tpu.memory_space<hbm>> -> memref<64x128xf32, #tpu.memory_space<hbm>>
        tpu.wait_dma2 semaphore(%dma_wait3A_397 : memref<!tpu.dma_semaphore, #tpu.memory_space<semaphore_mem>>) src(%dma_wait3A_407 : memref<64x128xf32, #tpu.memory_space<hbm>>) dst(%dma_wait3A_404 : memref<64x128xf32, #tpu.memory_space<vmem>>)
      } else {
      }
      %parallel_loop3A_218 = arith.constant 0 : i32
      %parallel_loop3A_219 = arith.constant 128 : i32
      %parallel_loop3A_220 = arith.constant 1 : i32
      %parallel_loop3A_221 = arith.constant 1 : i32
      %parallel_loop3A_222 = arith.constant 1 : i32
      scf.for %parallel_loop3A_384 = %parallel_loop3A_218 to %parallel_loop3A_219 step %parallel_loop3A_220  : i32 {
        %parallel_loop3A_385 = arith.constant 0 : i32
        %parallel_loop3A_386 = arith.constant 0 : i32
        %parallel_loop3A_387 = tpu.memref_slice %arg9[%parallel_loop3A_221, %parallel_loop3A_385, %parallel_loop3A_386] : memref<4x128x64xf32, #tpu.memory_space<vmem>> -> memref<1x128x64xf32, #tpu.memory_space<vmem>>
        %parallel_loop3A_388 = tpu.memref_squeeze %parallel_loop3A_387 : memref<1x128x64xf32, #tpu.memory_space<vmem>> -> memref<128x64xf32, #tpu.memory_space<vmem>>
        %parallel_loop3A_389 = arith.index_cast %parallel_loop3A_384 : i32 to index
        %parallel_loop3A_390 = arith.constant 0 : index
        %parallel_loop3A_391 = tpu.vector_load %parallel_loop3A_388[%parallel_loop3A_389, %parallel_loop3A_390] {strides = array<i32>} : memref<128x64xf32, #tpu.memory_space<vmem>>, vector<16xf32>,
        %parallel_loop3A_392 = arith.index_cast %parallel_loop3A_384 : i32 to index
        %parallel_loop3A_393 = arith.constant 0 : index
        %parallel_loop3A_394 = tpu.vector_load %arg11[%parallel_loop3A_392, %parallel_loop3A_393] {strides = array<i32>} : memref<128x64xf32, #tpu.memory_space<vmem>>, vector<16xf32>,
        %parallel_loop3A_395 = arith.addf %parallel_loop3A_391, %parallel_loop3A_394 : vector<16xf32>
        %parallel_loop3A_396 = arith.constant 0 : i32
        %parallel_loop3A_397 = arith.constant 0 : i32
        %parallel_loop3A_398 = tpu.memref_slice %arg9[%parallel_loop3A_221, %parallel_loop3A_396, %parallel_loop3A_397] : memref<4x128x64xf32, #tpu.memory_space<vmem>> -> memref<1x128x64xf32, #tpu.memory_space<vmem>>
        %parallel_loop3A_399 = tpu.memref_squeeze %parallel_loop3A_398 : memref<1x128x64xf32, #tpu.memory_space<vmem>> -> memref<128x64xf32, #tpu.memory_space<vmem>>
        %parallel_loop3A_400 = arith.index_cast %parallel_loop3A_384 : i32 to index
        %parallel_loop3A_401 = arith.constant 16 : index
        %parallel_loop3A_402 = tpu.vector_load %parallel_loop3A_399[%parallel_loop3A_400, %parallel_loop3A_401] {strides = array<i32>} : memref<128x64xf32, #tpu.memory_space<vmem>>, vector<16xf32>,
        %parallel_loop3A_403 = arith.index_cast %parallel_loop3A_384 : i32 to index
        %parallel_loop3A_404 = arith.constant 16 : index
        %parallel_loop3A_405 = tpu.vector_load %arg11[%parallel_loop3A_403, %parallel_loop3A_404] {strides = array<i32>} : memref<128x64xf32, #tpu.memory_space<vmem>>, vector<16xf32>,
        %parallel_loop3A_406 = arith.addf %parallel_loop3A_402, %parallel_loop3A_405 : vector<16xf32>
        %parallel_loop3A_407 = arith.constant 0 : i32
        %parallel_loop3A_408 = arith.constant 0 : i32
        %parallel_loop3A_409 = tpu.memref_slice %arg9[%parallel_loop3A_221, %parallel_loop3A_407, %parallel_loop3A_408] : memref<4x128x64xf32, #tpu.memory_space<vmem>> -> memref<1x128x64xf32, #tpu.memory_space<vmem>>
        %parallel_loop3A_410 = tpu.memref_squeeze %parallel_loop3A_409 : memref<1x128x64xf32, #tpu.memory_space<vmem>> -> memref<128x64xf32, #tpu.memory_space<vmem>>
        %parallel_loop3A_411 = arith.index_cast %parallel_loop3A_384 : i32 to index
        %parallel_loop3A_412 = arith.constant 32 : index
        %parallel_loop3A_413 = tpu.vector_load %parallel_loop3A_410[%parallel_loop3A_411, %parallel_loop3A_412] {strides = array<i32>} : memref<128x64xf32, #tpu.memory_space<vmem>>, vector<16xf32>,
        %parallel_loop3A_414 = arith.index_cast %parallel_loop3A_384 : i32 to index
        %parallel_loop3A_415 = arith.constant 32 : index
        %parallel_loop3A_416 = tpu.vector_load %arg11[%parallel_loop3A_414, %parallel_loop3A_415] {strides = array<i32>} : memref<128x64xf32, #tpu.memory_space<vmem>>, vector<16xf32>,
        %parallel_loop3A_417 = arith.addf %parallel_loop3A_413, %parallel_loop3A_416 : vector<16xf32>
        %parallel_loop3A_418 = arith.constant 0 : i32
        %parallel_loop3A_419 = arith.constant 0 : i32
        %parallel_loop3A_420 = tpu.memref_slice %arg9[%parallel_loop3A_221, %parallel_loop3A_418, %parallel_loop3A_419] : memref<4x128x64xf32, #tpu.memory_space<vmem>> -> memref<1x128x64xf32, #tpu.memory_space<vmem>>
        %parallel_loop3A_421 = tpu.memref_squeeze %parallel_loop3A_420 : memref<1x128x64xf32, #tpu.memory_space<vmem>> -> memref<128x64xf32, #tpu.memory_space<vmem>>
        %parallel_loop3A_422 = arith.index_cast %parallel_loop3A_384 : i32 to index
        %parallel_loop3A_423 = arith.constant 48 : index
        %parallel_loop3A_424 = tpu.vector_load %parallel_loop3A_421[%parallel_loop3A_422, %parallel_loop3A_423] {strides = array<i32>} : memref<128x64xf32, #tpu.memory_space<vmem>>, vector<16xf32>,
        %parallel_loop3A_425 = arith.index_cast %parallel_loop3A_384 : i32 to index
        %parallel_loop3A_426 = arith.constant 48 : index
        %parallel_loop3A_427 = tpu.vector_load %arg11[%parallel_loop3A_425, %parallel_loop3A_426] {strides = array<i32>} : memref<128x64xf32, #tpu.memory_space<vmem>>, vector<16xf32>,
        %parallel_loop3A_428 = arith.addf %parallel_loop3A_424, %parallel_loop3A_427 : vector<16xf32>
        %parallel_loop3A_429 = arith.addf %parallel_loop3A_395, %parallel_loop3A_406 : vector<16xf32>
        %parallel_loop3A_430 = arith.addf %parallel_loop3A_429, %parallel_loop3A_417 : vector<16xf32>
        %parallel_loop3A_431 = arith.addf %parallel_loop3A_430, %parallel_loop3A_428 : vector<16xf32>
        %parallel_loop3A_432 = tpu.iota {dimensions = array<i32: 0>} : vector<16xi32>
        %parallel_loop3A_433 = arith.constant 8 : i32
        %parallel_loop3A_434 = vector.broadcast %parallel_loop3A_433 : i32 to vector<16xi32>
        %parallel_loop3A_435 = arith.xori %parallel_loop3A_432, %parallel_loop3A_434 : vector<16xi32>
        %parallel_loop3A_436 = vector.shape_cast %parallel_loop3A_435 : vector<16xi32> to vector<16x1xi32>
        %parallel_loop3A_437 = vector.shape_cast %parallel_loop3A_436 : vector<16x1xi32> to vector<16xi32>
        %parallel_loop3A_438 = tpu.dynamic_gather %parallel_loop3A_431[%parallel_loop3A_437] in [0] : vector<16xf32>, vector<16xi32> -> vector<16xf32>
        %parallel_loop3A_439 = arith.addf %parallel_loop3A_431, %parallel_loop3A_438 : vector<16xf32>
        %parallel_loop3A_440 = arith.constant 4 : i32
        %parallel_loop3A_441 = vector.broadcast %parallel_loop3A_440 : i32 to vector<16xi32>
        %parallel_loop3A_442 = arith.xori %parallel_loop3A_432, %parallel_loop3A_441 : vector<16xi32>
        %parallel_loop3A_443 = vector.shape_cast %parallel_loop3A_442 : vector<16xi32> to vector<16x1xi32>
        %parallel_loop3A_444 = vector.shape_cast %parallel_loop3A_443 : vector<16x1xi32> to vector<16xi32>
        %parallel_loop3A_445 = tpu.dynamic_gather %parallel_loop3A_439[%parallel_loop3A_444] in [0] : vector<16xf32>, vector<16xi32> -> vector<16xf32>
        %parallel_loop3A_446 = arith.addf %parallel_loop3A_439, %parallel_loop3A_445 : vector<16xf32>
        %parallel_loop3A_447 = arith.constant 2 : i32
        %parallel_loop3A_448 = vector.broadcast %parallel_loop3A_447 : i32 to vector<16xi32>
        %parallel_loop3A_449 = arith.xori %parallel_loop3A_432, %parallel_loop3A_448 : vector<16xi32>
        %parallel_loop3A_450 = vector.shape_cast %parallel_loop3A_449 : vector<16xi32> to vector<16x1xi32>
        %parallel_loop3A_451 = vector.shape_cast %parallel_loop3A_450 : vector<16x1xi32> to vector<16xi32>
        %parallel_loop3A_452 = tpu.dynamic_gather %parallel_loop3A_446[%parallel_loop3A_451] in [0] : vector<16xf32>, vector<16xi32> -> vector<16xf32>
        %parallel_loop3A_453 = arith.addf %parallel_loop3A_446, %parallel_loop3A_452 : vector<16xf32>
        %parallel_loop3A_454 = arith.constant 1 : i32
        %parallel_loop3A_455 = vector.broadcast %parallel_loop3A_454 : i32 to vector<16xi32>
        %parallel_loop3A_456 = arith.xori %parallel_loop3A_432, %parallel_loop3A_455 : vector<16xi32>
        %parallel_loop3A_457 = vector.shape_cast %parallel_loop3A_456 : vector<16xi32> to vector<16x1xi32>
        %parallel_loop3A_458 = vector.shape_cast %parallel_loop3A_457 : vector<16x1xi32> to vector<16xi32>
        %parallel_loop3A_459 = tpu.dynamic_gather %parallel_loop3A_453[%parallel_loop3A_458] in [0] : vector<16xf32>, vector<16xi32> -> vector<16xf32>
        %parallel_loop3A_460 = arith.addf %parallel_loop3A_453, %parallel_loop3A_459 : vector<16xf32>
        %parallel_loop3A_461 = arith.mulf %parallel_loop3A_395, %parallel_loop3A_395 : vector<16xf32>
        %parallel_loop3A_462 = arith.mulf %parallel_loop3A_406, %parallel_loop3A_406 : vector<16xf32>
        %parallel_loop3A_463 = arith.addf %parallel_loop3A_461, %parallel_loop3A_462 : vector<16xf32>
        %parallel_loop3A_464 = arith.mulf %parallel_loop3A_417, %parallel_loop3A_417 : vector<16xf32>
        %parallel_loop3A_465 = arith.addf %parallel_loop3A_463, %parallel_loop3A_464 : vector<16xf32>
        %parallel_loop3A_466 = arith.mulf %parallel_loop3A_428, %parallel_loop3A_428 : vector<16xf32>
        %parallel_loop3A_467 = arith.addf %parallel_loop3A_465, %parallel_loop3A_466 : vector<16xf32>
        %parallel_loop3A_468 = tpu.iota {dimensions = array<i32: 0>} : vector<16xi32>
        %parallel_loop3A_469 = arith.constant 8 : i32
        %parallel_loop3A_470 = vector.broadcast %parallel_loop3A_469 : i32 to vector<16xi32>
        %parallel_loop3A_471 = arith.xori %parallel_loop3A_468, %parallel_loop3A_470 : vector<16xi32>
        %parallel_loop3A_472 = vector.shape_cast %parallel_loop3A_471 : vector<16xi32> to vector<16x1xi32>
        %parallel_loop3A_473 = vector.shape_cast %parallel_loop3A_472 : vector<16x1xi32> to vector<16xi32>
        %parallel_loop3A_474 = tpu.dynamic_gather %parallel_loop3A_467[%parallel_loop3A_473] in [0] : vector<16xf32>, vector<16xi32> -> vector<16xf32>
        %parallel_loop3A_475 = arith.addf %parallel_loop3A_467, %parallel_loop3A_474 : vector<16xf32>
        %parallel_loop3A_476 = arith.constant 4 : i32
        %parallel_loop3A_477 = vector.broadcast %parallel_loop3A_476 : i32 to vector<16xi32>
        %parallel_loop3A_478 = arith.xori %parallel_loop3A_468, %parallel_loop3A_477 : vector<16xi32>
        %parallel_loop3A_479 = vector.shape_cast %parallel_loop3A_478 : vector<16xi32> to vector<16x1xi32>
        %parallel_loop3A_480 = vector.shape_cast %parallel_loop3A_479 : vector<16x1xi32> to vector<16xi32>
        %parallel_loop3A_481 = tpu.dynamic_gather %parallel_loop3A_475[%parallel_loop3A_480] in [0] : vector<16xf32>, vector<16xi32> -> vector<16xf32>
        %parallel_loop3A_482 = arith.addf %parallel_loop3A_475, %parallel_loop3A_481 : vector<16xf32>
        %parallel_loop3A_483 = arith.constant 2 : i32
        %parallel_loop3A_484 = vector.broadcast %parallel_loop3A_483 : i32 to vector<16xi32>
        %parallel_loop3A_485 = arith.xori %parallel_loop3A_468, %parallel_loop3A_484 : vector<16xi32>
        %parallel_loop3A_486 = vector.shape_cast %parallel_loop3A_485 : vector<16xi32> to vector<16x1xi32>
        %parallel_loop3A_487 = vector.shape_cast %parallel_loop3A_486 : vector<16x1xi32> to vector<16xi32>
        %parallel_loop3A_488 = tpu.dynamic_gather %parallel_loop3A_482[%parallel_loop3A_487] in [0] : vector<16xf32>, vector<16xi32> -> vector<16xf32>
        %parallel_loop3A_489 = arith.addf %parallel_loop3A_482, %parallel_loop3A_488 : vector<16xf32>
        %parallel_loop3A_490 = arith.constant 1 : i32
        %parallel_loop3A_491 = vector.broadcast %parallel_loop3A_490 : i32 to vector<16xi32>
        %parallel_loop3A_492 = arith.xori %parallel_loop3A_468, %parallel_loop3A_491 : vector<16xi32>
        %parallel_loop3A_493 = vector.shape_cast %parallel_loop3A_492 : vector<16xi32> to vector<16x1xi32>
        %parallel_loop3A_494 = vector.shape_cast %parallel_loop3A_493 : vector<16x1xi32> to vector<16xi32>
        %parallel_loop3A_495 = tpu.dynamic_gather %parallel_loop3A_489[%parallel_loop3A_494] in [0] : vector<16xf32>, vector<16xi32> -> vector<16xf32>
        %parallel_loop3A_496 = arith.addf %parallel_loop3A_489, %parallel_loop3A_495 : vector<16xf32>
        %parallel_loop3A_497 = vector.broadcast %scan3A : f32 to vector<16xf32>
        %parallel_loop3A_498 = arith.mulf %parallel_loop3A_460, %parallel_loop3A_497 : vector<16xf32>
        %parallel_loop3A_499 = vector.broadcast %scan3A : f32 to vector<16xf32>
        %parallel_loop3A_500 = arith.mulf %parallel_loop3A_496, %parallel_loop3A_499 : vector<16xf32>
        %parallel_loop3A_501 = arith.mulf %parallel_loop3A_498, %parallel_loop3A_498 : vector<16xf32>
        %parallel_loop3A_502 = arith.subf %parallel_loop3A_500, %parallel_loop3A_501 : vector<16xf32>
        %parallel_loop3A_503 = arith.constant 9.99999974E-6 : f32
        %parallel_loop3A_504 = vector.broadcast %parallel_loop3A_503 : f32 to vector<16xf32>
        %parallel_loop3A_505 = arith.addf %parallel_loop3A_502, %parallel_loop3A_504 : vector<16xf32>
        %parallel_loop3A_506 = vector.bitcast %parallel_loop3A_505 : vector<16xf32> to vector<16xi32>
        %parallel_loop3A_507 = arith.constant 1 : i32
        %parallel_loop3A_508 = vector.broadcast %parallel_loop3A_507 : i32 to vector<16xi32>
        %parallel_loop3A_509 = arith.shrui %parallel_loop3A_506, %parallel_loop3A_508 : vector<16xi32>
        %parallel_loop3A_510 = arith.constant 1597463007 : i32
        %parallel_loop3A_511 = vector.broadcast %parallel_loop3A_510 : i32 to vector<16xi32>
        %parallel_loop3A_512 = arith.subi %parallel_loop3A_511, %parallel_loop3A_509 : vector<16xi32>
        %parallel_loop3A_513 = vector.bitcast %parallel_loop3A_512 : vector<16xi32> to vector<16xf32>
        %parallel_loop3A_514 = arith.constant 5.000000e-01 : f32
        %parallel_loop3A_515 = vector.broadcast %parallel_loop3A_514 : f32 to vector<16xf32>
        %parallel_loop3A_516 = arith.mulf %parallel_loop3A_515, %parallel_loop3A_505 : vector<16xf32>
        %parallel_loop3A_517 = arith.mulf %parallel_loop3A_516, %parallel_loop3A_513 : vector<16xf32>
        %parallel_loop3A_518 = arith.mulf %parallel_loop3A_517, %parallel_loop3A_513 : vector<16xf32>
        %parallel_loop3A_519 = arith.constant 1.500000e+00 : f32
        %parallel_loop3A_520 = vector.broadcast %parallel_loop3A_519 : f32 to vector<16xf32>
        %parallel_loop3A_521 = arith.subf %parallel_loop3A_520, %parallel_loop3A_518 : vector<16xf32>
        %parallel_loop3A_522 = arith.mulf %parallel_loop3A_513, %parallel_loop3A_521 : vector<16xf32>
        %parallel_loop3A_523 = arith.mulf %parallel_loop3A_516, %parallel_loop3A_522 : vector<16xf32>
        %parallel_loop3A_524 = arith.mulf %parallel_loop3A_523, %parallel_loop3A_522 : vector<16xf32>
        %parallel_loop3A_525 = arith.constant 1.500000e+00 : f32
        %parallel_loop3A_526 = vector.broadcast %parallel_loop3A_525 : f32 to vector<16xf32>
        %parallel_loop3A_527 = arith.subf %parallel_loop3A_526, %parallel_loop3A_524 : vector<16xf32>
        %parallel_loop3A_528 = arith.mulf %parallel_loop3A_522, %parallel_loop3A_527 : vector<16xf32>
        %parallel_loop3A_529 = vector.broadcast %parallel_loop3A_384 : i32 to vector<16xi32>
        %parallel_loop3A_530 = arith.subf %parallel_loop3A_395, %parallel_loop3A_498 : vector<16xf32>
        %parallel_loop3A_531 = arith.mulf %parallel_loop3A_530, %parallel_loop3A_528 : vector<16xf32>
        %parallel_loop3A_532 = arith.mulf %parallel_loop3A_531, %get3A_19 : vector<16xf32>
        %parallel_loop3A_533 = arith.addf %parallel_loop3A_532, %get3A_27 : vector<16xf32>
        %parallel_loop3A_534 = arith.constant 0 : i32
        %parallel_loop3A_535 = arith.constant 0 : i32
        %parallel_loop3A_536 = tpu.memref_slice %arg10[%parallel_loop3A_222, %parallel_loop3A_534, %parallel_loop3A_535] : memref<2x64x129xf32, #tpu.memory_space<vmem>> -> memref<1x64x129xf32, #tpu.memory_space<vmem>>
        %parallel_loop3A_537 = tpu.memref_squeeze %parallel_loop3A_536 : memref<1x64x129xf32, #tpu.memory_space<vmem>> -> memref<64x129xf32, #tpu.memory_space<vmem>>
        tpu.vector_store_idx %parallel_loop3A_537[%add3A_36, %parallel_loop3A_529], %parallel_loop3A_533 : memref<64x129xf32, #tpu.memory_space<vmem>>[vector<16xi32>, vector<16xi32>], vector<16xf32>,
        %parallel_loop3A_538 = arith.subf %parallel_loop3A_406, %parallel_loop3A_498 : vector<16xf32>
        %parallel_loop3A_539 = arith.mulf %parallel_loop3A_538, %parallel_loop3A_528 : vector<16xf32>
        %parallel_loop3A_540 = arith.mulf %parallel_loop3A_539, %get3A_21 : vector<16xf32>
        %parallel_loop3A_541 = arith.addf %parallel_loop3A_540, %get3A_29 : vector<16xf32>
        %parallel_loop3A_542 = arith.constant 0 : i32
        %parallel_loop3A_543 = arith.constant 0 : i32
        %parallel_loop3A_544 = tpu.memref_slice %arg10[%parallel_loop3A_222, %parallel_loop3A_542, %parallel_loop3A_543] : memref<2x64x129xf32, #tpu.memory_space<vmem>> -> memref<1x64x129xf32, #tpu.memory_space<vmem>>
        %parallel_loop3A_545 = tpu.memref_squeeze %parallel_loop3A_544 : memref<1x64x129xf32, #tpu.memory_space<vmem>> -> memref<64x129xf32, #tpu.memory_space<vmem>>
        tpu.vector_store_idx %parallel_loop3A_545[%add3A_40, %parallel_loop3A_529], %parallel_loop3A_541 : memref<64x129xf32, #tpu.memory_space<vmem>>[vector<16xi32>, vector<16xi32>], vector<16xf32>,
        %parallel_loop3A_546 = arith.subf %parallel_loop3A_417, %parallel_loop3A_498 : vector<16xf32>
        %parallel_loop3A_547 = arith.mulf %parallel_loop3A_546, %parallel_loop3A_528 : vector<16xf32>
        %parallel_loop3A_548 = arith.mulf %parallel_loop3A_547, %get3A_23 : vector<16xf32>
        %parallel_loop3A_549 = arith.addf %parallel_loop3A_548, %get3A_31 : vector<16xf32>
        %parallel_loop3A_550 = arith.constant 0 : i32
        %parallel_loop3A_551 = arith.constant 0 : i32
        %parallel_loop3A_552 = tpu.memref_slice %arg10[%parallel_loop3A_222, %parallel_loop3A_550, %parallel_loop3A_551] : memref<2x64x129xf32, #tpu.memory_space<vmem>> -> memref<1x64x129xf32, #tpu.memory_space<vmem>>
        %parallel_loop3A_553 = tpu.memref_squeeze %parallel_loop3A_552 : memref<1x64x129xf32, #tpu.memory_space<vmem>> -> memref<64x129xf32, #tpu.memory_space<vmem>>
        tpu.vector_store_idx %parallel_loop3A_553[%add3A_44, %parallel_loop3A_529], %parallel_loop3A_549 : memref<64x129xf32, #tpu.memory_space<vmem>>[vector<16xi32>, vector<16xi32>], vector<16xf32>,
        %parallel_loop3A_554 = arith.subf %parallel_loop3A_428, %parallel_loop3A_498 : vector<16xf32>
        %parallel_loop3A_555 = arith.mulf %parallel_loop3A_554, %parallel_loop3A_528 : vector<16xf32>
        %parallel_loop3A_556 = arith.mulf %parallel_loop3A_555, %get3A_25 : vector<16xf32>
        %parallel_loop3A_557 = arith.addf %parallel_loop3A_556, %get3A_33 : vector<16xf32>
        %parallel_loop3A_558 = arith.constant 0 : i32
        %parallel_loop3A_559 = arith.constant 0 : i32
        %parallel_loop3A_560 = tpu.memref_slice %arg10[%parallel_loop3A_222, %parallel_loop3A_558, %parallel_loop3A_559] : memref<2x64x129xf32, #tpu.memory_space<vmem>> -> memref<1x64x129xf32, #tpu.memory_space<vmem>>
        %parallel_loop3A_561 = tpu.memref_squeeze %parallel_loop3A_560 : memref<1x64x129xf32, #tpu.memory_space<vmem>> -> memref<64x129xf32, #tpu.memory_space<vmem>>
        tpu.vector_store_idx %parallel_loop3A_561[%add3A_48, %parallel_loop3A_529], %parallel_loop3A_557 : memref<64x129xf32, #tpu.memory_space<vmem>>[vector<16xi32>, vector<16xi32>], vector<16xf32>,
      } {sc.loop_unroll_factor = 4 : i64, sc.parallel_access}
      %add3A_223 = arith.addi %select_n3A, %add3A_194 : i32
      %mul3A_224 = arith.constant 64 : i32
      %mul3A_225 = arith.muli %add3A_223, %mul3A_224 : i32
      %dma_start3A_226 = arith.constant 1 : i32
      %dma_start3A_227 = arith.constant 1 : i32
      %dma_start3A_228 = arith.constant 0 : i32
      %dma_start3A_229 = arith.constant 0 : i32
      %dma_start3A_230 = tpu.memref_slice %arg10[%dma_start3A_226, %dma_start3A_228, %dma_start3A_229] : memref<2x64x129xf32, #tpu.memory_space<vmem>> -> memref<1x64x129xf32, #tpu.memory_space<vmem>>
      %dma_start3A_231 = tpu.memref_squeeze %dma_start3A_230 : memref<1x64x129xf32, #tpu.memory_space<vmem>> -> memref<64x129xf32, #tpu.memory_space<vmem>>
      %dma_start3A_232 = arith.constant 0 : i32
      %dma_start3A_233 = arith.constant 0 : i32
      %dma_start3A_234 = tpu.memref_slice %dma_start3A_231[%dma_start3A_232, %dma_start3A_233] : memref<64x129xf32, #tpu.memory_space<vmem>> -> memref<64x128xf32, #tpu.memory_space<vmem>>
      %dma_start3A_235 = arith.constant 0 : i32
      %dma_start3A_236 = tpu.memref_slice %arg7[%mul3A_225, %dma_start3A_235] : memref<262144x128xf32, #tpu.memory_space<hbm>> -> memref<64x128xf32, #tpu.memory_space<hbm>>
      %dma_start3A_237 = tpu.memref_slice %arg15[%dma_start3A_227] : memref<2x!tpu.dma_semaphore, #tpu.memory_space<semaphore_mem>> -> memref<1x!tpu.dma_semaphore, #tpu.memory_space<semaphore_mem>>
      %dma_start3A_238 = tpu.memref_squeeze %dma_start3A_237 : memref<1x!tpu.dma_semaphore, #tpu.memory_space<semaphore_mem>> -> memref<!tpu.dma_semaphore, #tpu.memory_space<semaphore_mem>>
      %dma_start3A_239 = arith.constant 0 : i32
      %dma_start3A_240 = tpu.memref_slice %arg7[%mul3A_225, %dma_start3A_239] : memref<262144x128xf32, #tpu.memory_space<hbm>> -> memref<64x128xf32, #tpu.memory_space<hbm>>
      %dma_start3A_241 = arith.constant 0 : i32
      %dma_start3A_242 = arith.constant 0 : i32
      %dma_start3A_243 = tpu.memref_slice %arg10[%dma_start3A_226, %dma_start3A_241, %dma_start3A_242] : memref<2x64x129xf32, #tpu.memory_space<vmem>> -> memref<1x64x129xf32, #tpu.memory_space<vmem>>
      %dma_start3A_244 = tpu.memref_squeeze %dma_start3A_243 : memref<1x64x129xf32, #tpu.memory_space<vmem>> -> memref<64x129xf32, #tpu.memory_space<vmem>>
      %dma_start3A_245 = arith.constant 0 : i32
      %dma_start3A_246 = arith.constant 0 : i32
      %dma_start3A_247 = tpu.memref_slice %dma_start3A_244[%dma_start3A_245, %dma_start3A_246] : memref<64x129xf32, #tpu.memory_space<vmem>> -> memref<64x128xf32, #tpu.memory_space<vmem>>
      tpu.enqueue_dma source(%dma_start3A_247 : memref<64x128xf32, #tpu.memory_space<vmem>>) target(%dma_start3A_240 : memref<64x128xf32, #tpu.memory_space<hbm>>) target_semaphore(%dma_start3A_238 : memref<!tpu.dma_semaphore, #tpu.memory_space<semaphore_mem>>)
      %add3A_248 = arith.constant 2 : i32
      %add3A_249 = arith.addi %add3A_194, %add3A_248 : i32
      %lt3A_250 = arith.constant 128 : i32
      %lt3A_251 = arith.cmpi slt, %add3A_249, %lt3A_250 : i32
      %convert_element_type3A_252 = arith.extui %lt3A_251 : i1 to i32
      %cond3A_253 = arith.constant 0 : i32
      %cond3A_254 = arith.cmpi ne, %convert_element_type3A_252, %cond3A_253 : i32
      scf.if %cond3A_254 {
        %mul3A_384 = arith.constant 128 : i32
        %mul3A_385 = arith.muli %add3A_249, %mul3A_384 : i32
        %multiple_of3A_386 = tpu.assume_multiple %mul3A_385, 128 : i32
        %dma_start3A_387 = arith.constant 3 : i32
        %dma_start3A_388 = arith.constant 3 : i32
        %dma_start3A_389 = arith.constant 0 : i32
        %dma_start3A_390 = arith.constant 0 : i32
        %dma_start3A_391 = tpu.memref_slice %arg9[%dma_start3A_387, %dma_start3A_389, %dma_start3A_390] : memref<4x128x64xf32, #tpu.memory_space<vmem>> -> memref<1x128x64xf32, #tpu.memory_space<vmem>>
        %dma_start3A_392 = tpu.memref_squeeze %dma_start3A_391 : memref<1x128x64xf32, #tpu.memory_space<vmem>> -> memref<128x64xf32, #tpu.memory_space<vmem>>
        %dma_start3A_393 = tpu.memref_slice %arg8[%multiple_of3A_386] : memref<16384xi32, #tpu.memory_space<vmem>> -> memref<128xi32, #tpu.memory_space<vmem>>
        %dma_start3A_394 = arith.constant 0 : i32
        %dma_start3A_395 = arith.constant 0 : i32
        %dma_start3A_396 = tpu.memref_slice %arg3[%dma_start3A_394, %dma_start3A_395] : memref<1000000x64xf32, #tpu.memory_space<hbm>> -> memref<1000000x64xf32, #tpu.memory_space<hbm>>
        %dma_start3A_397 = tpu.memref_slice %arg14[%dma_start3A_388] : memref<4x!tpu.dma_semaphore, #tpu.memory_space<semaphore_mem>> -> memref<1x!tpu.dma_semaphore, #tpu.memory_space<semaphore_mem>>
        %dma_start3A_398 = tpu.memref_squeeze %dma_start3A_397 : memref<1x!tpu.dma_semaphore, #tpu.memory_space<semaphore_mem>> -> memref<!tpu.dma_semaphore, #tpu.memory_space<semaphore_mem>>
        tpu.enqueue_indirect_dma source(%dma_start3A_396 : memref<1000000x64xf32, #tpu.memory_space<hbm>>) target(%dma_start3A_392 : memref<128x64xf32, #tpu.memory_space<vmem>>) offsets(%dma_start3A_393 : memref<128xi32, #tpu.memory_space<vmem>>) semaphore(%dma_start3A_398 : memref<!tpu.dma_semaphore, #tpu.memory_space<semaphore_mem>>)
      } else {
      }
      %mul3A_255 = arith.constant 4 : i32
      %mul3A_256 = arith.muli %scan3A_130, %mul3A_255 : i32
      %add3A_257 = arith.constant 2 : i32
      %add3A_258 = arith.addi %mul3A_256, %add3A_257 : i32
      %dma_wait3A_259 = arith.constant 2 : i32
      %dma_wait3A_260 = arith.constant 2 : i32
      %dma_wait3A_261 = arith.constant 0 : i32
      %dma_wait3A_262 = arith.constant 0 : i32
      %dma_wait3A_263 = tpu.memref_slice %arg9[%dma_wait3A_259, %dma_wait3A_261, %dma_wait3A_262] : memref<4x128x64xf32, #tpu.memory_space<vmem>> -> memref<1x128x64xf32, #tpu.memory_space<vmem>>
      %dma_wait3A_264 = tpu.memref_squeeze %dma_wait3A_263 : memref<1x128x64xf32, #tpu.memory_space<vmem>> -> memref<128x64xf32, #tpu.memory_space<vmem>>
      %dma_wait3A_265 = arith.constant 0 : i32
      %dma_wait3A_266 = arith.constant 0 : i32
      %dma_wait3A_267 = tpu.memref_slice %arg3[%dma_wait3A_265, %dma_wait3A_266] : memref<1000000x64xf32, #tpu.memory_space<hbm>> -> memref<128x64xf32, #tpu.memory_space<hbm>>
      %dma_wait3A_268 = tpu.memref_slice %arg14[%dma_wait3A_260] : memref<4x!tpu.dma_semaphore, #tpu.memory_space<semaphore_mem>> -> memref<1x!tpu.dma_semaphore, #tpu.memory_space<semaphore_mem>>
      %dma_wait3A_269 = tpu.memref_squeeze %dma_wait3A_268 : memref<1x!tpu.dma_semaphore, #tpu.memory_space<semaphore_mem>> -> memref<!tpu.dma_semaphore, #tpu.memory_space<semaphore_mem>>
      %dma_wait3A_270 = arith.constant 0 : i32
      %dma_wait3A_271 = arith.constant 0 : i32
      %dma_wait3A_272 = tpu.memref_slice %arg9[%dma_wait3A_259, %dma_wait3A_270, %dma_wait3A_271] : memref<4x128x64xf32, #tpu.memory_space<vmem>> -> memref<1x128x64xf32, #tpu.memory_space<vmem>>
      %dma_wait3A_273 = tpu.memref_squeeze %dma_wait3A_272 : memref<1x128x64xf32, #tpu.memory_space<vmem>> -> memref<128x64xf32, #tpu.memory_space<vmem>>
      %dma_wait3A_274 = arith.constant 0 : i32
      %dma_wait3A_275 = arith.constant 0 : i32
      %dma_wait3A_276 = tpu.memref_slice %arg3[%dma_wait3A_274, %dma_wait3A_275] : memref<1000000x64xf32, #tpu.memory_space<hbm>> -> memref<128x64xf32, #tpu.memory_space<hbm>>
      tpu.wait_dma2 semaphore(%dma_wait3A_269 : memref<!tpu.dma_semaphore, #tpu.memory_space<semaphore_mem>>) src(%dma_wait3A_276 : memref<128x64xf32, #tpu.memory_space<hbm>>) dst(%dma_wait3A_273 : memref<128x64xf32, #tpu.memory_space<vmem>>)
      %ge3A_277 = arith.constant 2 : i32
      %ge3A_278 = arith.cmpi sge, %add3A_258, %ge3A_277 : i32
      %convert_element_type3A_279 = arith.extui %ge3A_278 : i1 to i32
      %cond3A_280 = arith.constant 0 : i32
      %cond3A_281 = arith.cmpi ne, %convert_element_type3A_279, %cond3A_280 : i32
      scf.if %cond3A_281 {
        %dma_wait3A_384 = arith.constant 0 : i32
        %dma_wait3A_385 = arith.constant 0 : i32
        %dma_wait3A_386 = arith.constant 0 : i32
        %dma_wait3A_387 = arith.constant 0 : i32
        %dma_wait3A_388 = tpu.memref_slice %arg10[%dma_wait3A_384, %dma_wait3A_386, %dma_wait3A_387] : memref<2x64x129xf32, #tpu.memory_space<vmem>> -> memref<1x64x129xf32, #tpu.memory_space<vmem>>
        %dma_wait3A_389 = tpu.memref_squeeze %dma_wait3A_388 : memref<1x64x129xf32, #tpu.memory_space<vmem>> -> memref<64x129xf32, #tpu.memory_space<vmem>>
        %dma_wait3A_390 = arith.constant 0 : i32
        %dma_wait3A_391 = arith.constant 0 : i32
        %dma_wait3A_392 = tpu.memref_slice %dma_wait3A_389[%dma_wait3A_390, %dma_wait3A_391] : memref<64x129xf32, #tpu.memory_space<vmem>> -> memref<64x128xf32, #tpu.memory_space<vmem>>
        %dma_wait3A_393 = arith.constant 0 : i32
        %dma_wait3A_394 = arith.constant 0 : i32
        %dma_wait3A_395 = tpu.memref_slice %arg7[%dma_wait3A_393, %dma_wait3A_394] : memref<262144x128xf32, #tpu.memory_space<hbm>> -> memref<64x128xf32, #tpu.memory_space<hbm>>
        %dma_wait3A_396 = tpu.memref_slice %arg15[%dma_wait3A_385] : memref<2x!tpu.dma_semaphore, #tpu.memory_space<semaphore_mem>> -> memref<1x!tpu.dma_semaphore, #tpu.memory_space<semaphore_mem>>
        %dma_wait3A_397 = tpu.memref_squeeze %dma_wait3A_396 : memref<1x!tpu.dma_semaphore, #tpu.memory_space<semaphore_mem>> -> memref<!tpu.dma_semaphore, #tpu.memory_space<semaphore_mem>>
        %dma_wait3A_398 = arith.constant 0 : i32
        %dma_wait3A_399 = arith.constant 0 : i32
        %dma_wait3A_400 = tpu.memref_slice %arg10[%dma_wait3A_384, %dma_wait3A_398, %dma_wait3A_399] : memref<2x64x129xf32, #tpu.memory_space<vmem>> -> memref<1x64x129xf32, #tpu.memory_space<vmem>>
        %dma_wait3A_401 = tpu.memref_squeeze %dma_wait3A_400 : memref<1x64x129xf32, #tpu.memory_space<vmem>> -> memref<64x129xf32, #tpu.memory_space<vmem>>
        %dma_wait3A_402 = arith.constant 0 : i32
        %dma_wait3A_403 = arith.constant 0 : i32
        %dma_wait3A_404 = tpu.memref_slice %dma_wait3A_401[%dma_wait3A_402, %dma_wait3A_403] : memref<64x129xf32, #tpu.memory_space<vmem>> -> memref<64x128xf32, #tpu.memory_space<vmem>>
        %dma_wait3A_405 = arith.constant 0 : i32
        %dma_wait3A_406 = arith.constant 0 : i32
        %dma_wait3A_407 = tpu.memref_slice %arg7[%dma_wait3A_405, %dma_wait3A_406] : memref<262144x128xf32, #tpu.memory_space<hbm>> -> memref<64x128xf32, #tpu.memory_space<hbm>>
        tpu.wait_dma2 semaphore(%dma_wait3A_397 : memref<!tpu.dma_semaphore, #tpu.memory_space<semaphore_mem>>) src(%dma_wait3A_407 : memref<64x128xf32, #tpu.memory_space<hbm>>) dst(%dma_wait3A_404 : memref<64x128xf32, #tpu.memory_space<vmem>>)
      } else {
      }
      %parallel_loop3A_282 = arith.constant 0 : i32
      %parallel_loop3A_283 = arith.constant 128 : i32
      %parallel_loop3A_284 = arith.constant 1 : i32
      %parallel_loop3A_285 = arith.constant 2 : i32
      %parallel_loop3A_286 = arith.constant 0 : i32
      scf.for %parallel_loop3A_384 = %parallel_loop3A_282 to %parallel_loop3A_283 step %parallel_loop3A_284  : i32 {
        %parallel_loop3A_385 = arith.constant 0 : i32
        %parallel_loop3A_386 = arith.constant 0 : i32
        %parallel_loop3A_387 = tpu.memref_slice %arg9[%parallel_loop3A_285, %parallel_loop3A_385, %parallel_loop3A_386] : memref<4x128x64xf32, #tpu.memory_space<vmem>> -> memref<1x128x64xf32, #tpu.memory_space<vmem>>
        %parallel_loop3A_388 = tpu.memref_squeeze %parallel_loop3A_387 : memref<1x128x64xf32, #tpu.memory_space<vmem>> -> memref<128x64xf32, #tpu.memory_space<vmem>>
        %parallel_loop3A_389 = arith.index_cast %parallel_loop3A_384 : i32 to index
        %parallel_loop3A_390 = arith.constant 0 : index
        %parallel_loop3A_391 = tpu.vector_load %parallel_loop3A_388[%parallel_loop3A_389, %parallel_loop3A_390] {strides = array<i32>} : memref<128x64xf32, #tpu.memory_space<vmem>>, vector<16xf32>,
        %parallel_loop3A_392 = arith.index_cast %parallel_loop3A_384 : i32 to index
        %parallel_loop3A_393 = arith.constant 0 : index
        %parallel_loop3A_394 = tpu.vector_load %arg11[%parallel_loop3A_392, %parallel_loop3A_393] {strides = array<i32>} : memref<128x64xf32, #tpu.memory_space<vmem>>, vector<16xf32>,
        %parallel_loop3A_395 = arith.addf %parallel_loop3A_391, %parallel_loop3A_394 : vector<16xf32>
        %parallel_loop3A_396 = arith.constant 0 : i32
        %parallel_loop3A_397 = arith.constant 0 : i32
        %parallel_loop3A_398 = tpu.memref_slice %arg9[%parallel_loop3A_285, %parallel_loop3A_396, %parallel_loop3A_397] : memref<4x128x64xf32, #tpu.memory_space<vmem>> -> memref<1x128x64xf32, #tpu.memory_space<vmem>>
        %parallel_loop3A_399 = tpu.memref_squeeze %parallel_loop3A_398 : memref<1x128x64xf32, #tpu.memory_space<vmem>> -> memref<128x64xf32, #tpu.memory_space<vmem>>
        %parallel_loop3A_400 = arith.index_cast %parallel_loop3A_384 : i32 to index
        %parallel_loop3A_401 = arith.constant 16 : index
        %parallel_loop3A_402 = tpu.vector_load %parallel_loop3A_399[%parallel_loop3A_400, %parallel_loop3A_401] {strides = array<i32>} : memref<128x64xf32, #tpu.memory_space<vmem>>, vector<16xf32>,
        %parallel_loop3A_403 = arith.index_cast %parallel_loop3A_384 : i32 to index
        %parallel_loop3A_404 = arith.constant 16 : index
        %parallel_loop3A_405 = tpu.vector_load %arg11[%parallel_loop3A_403, %parallel_loop3A_404] {strides = array<i32>} : memref<128x64xf32, #tpu.memory_space<vmem>>, vector<16xf32>,
        %parallel_loop3A_406 = arith.addf %parallel_loop3A_402, %parallel_loop3A_405 : vector<16xf32>
        %parallel_loop3A_407 = arith.constant 0 : i32
        %parallel_loop3A_408 = arith.constant 0 : i32
        %parallel_loop3A_409 = tpu.memref_slice %arg9[%parallel_loop3A_285, %parallel_loop3A_407, %parallel_loop3A_408] : memref<4x128x64xf32, #tpu.memory_space<vmem>> -> memref<1x128x64xf32, #tpu.memory_space<vmem>>
        %parallel_loop3A_410 = tpu.memref_squeeze %parallel_loop3A_409 : memref<1x128x64xf32, #tpu.memory_space<vmem>> -> memref<128x64xf32, #tpu.memory_space<vmem>>
        %parallel_loop3A_411 = arith.index_cast %parallel_loop3A_384 : i32 to index
        %parallel_loop3A_412 = arith.constant 32 : index
        %parallel_loop3A_413 = tpu.vector_load %parallel_loop3A_410[%parallel_loop3A_411, %parallel_loop3A_412] {strides = array<i32>} : memref<128x64xf32, #tpu.memory_space<vmem>>, vector<16xf32>,
        %parallel_loop3A_414 = arith.index_cast %parallel_loop3A_384 : i32 to index
        %parallel_loop3A_415 = arith.constant 32 : index
        %parallel_loop3A_416 = tpu.vector_load %arg11[%parallel_loop3A_414, %parallel_loop3A_415] {strides = array<i32>} : memref<128x64xf32, #tpu.memory_space<vmem>>, vector<16xf32>,
        %parallel_loop3A_417 = arith.addf %parallel_loop3A_413, %parallel_loop3A_416 : vector<16xf32>
        %parallel_loop3A_418 = arith.constant 0 : i32
        %parallel_loop3A_419 = arith.constant 0 : i32
        %parallel_loop3A_420 = tpu.memref_slice %arg9[%parallel_loop3A_285, %parallel_loop3A_418, %parallel_loop3A_419] : memref<4x128x64xf32, #tpu.memory_space<vmem>> -> memref<1x128x64xf32, #tpu.memory_space<vmem>>
        %parallel_loop3A_421 = tpu.memref_squeeze %parallel_loop3A_420 : memref<1x128x64xf32, #tpu.memory_space<vmem>> -> memref<128x64xf32, #tpu.memory_space<vmem>>
        %parallel_loop3A_422 = arith.index_cast %parallel_loop3A_384 : i32 to index
        %parallel_loop3A_423 = arith.constant 48 : index
        %parallel_loop3A_424 = tpu.vector_load %parallel_loop3A_421[%parallel_loop3A_422, %parallel_loop3A_423] {strides = array<i32>} : memref<128x64xf32, #tpu.memory_space<vmem>>, vector<16xf32>,
        %parallel_loop3A_425 = arith.index_cast %parallel_loop3A_384 : i32 to index
        %parallel_loop3A_426 = arith.constant 48 : index
        %parallel_loop3A_427 = tpu.vector_load %arg11[%parallel_loop3A_425, %parallel_loop3A_426] {strides = array<i32>} : memref<128x64xf32, #tpu.memory_space<vmem>>, vector<16xf32>,
        %parallel_loop3A_428 = arith.addf %parallel_loop3A_424, %parallel_loop3A_427 : vector<16xf32>
        %parallel_loop3A_429 = arith.addf %parallel_loop3A_395, %parallel_loop3A_406 : vector<16xf32>
        %parallel_loop3A_430 = arith.addf %parallel_loop3A_429, %parallel_loop3A_417 : vector<16xf32>
        %parallel_loop3A_431 = arith.addf %parallel_loop3A_430, %parallel_loop3A_428 : vector<16xf32>
        %parallel_loop3A_432 = tpu.iota {dimensions = array<i32: 0>} : vector<16xi32>
        %parallel_loop3A_433 = arith.constant 8 : i32
        %parallel_loop3A_434 = vector.broadcast %parallel_loop3A_433 : i32 to vector<16xi32>
        %parallel_loop3A_435 = arith.xori %parallel_loop3A_432, %parallel_loop3A_434 : vector<16xi32>
        %parallel_loop3A_436 = vector.shape_cast %parallel_loop3A_435 : vector<16xi32> to vector<16x1xi32>
        %parallel_loop3A_437 = vector.shape_cast %parallel_loop3A_436 : vector<16x1xi32> to vector<16xi32>
        %parallel_loop3A_438 = tpu.dynamic_gather %parallel_loop3A_431[%parallel_loop3A_437] in [0] : vector<16xf32>, vector<16xi32> -> vector<16xf32>
        %parallel_loop3A_439 = arith.addf %parallel_loop3A_431, %parallel_loop3A_438 : vector<16xf32>
        %parallel_loop3A_440 = arith.constant 4 : i32
        %parallel_loop3A_441 = vector.broadcast %parallel_loop3A_440 : i32 to vector<16xi32>
        %parallel_loop3A_442 = arith.xori %parallel_loop3A_432, %parallel_loop3A_441 : vector<16xi32>
        %parallel_loop3A_443 = vector.shape_cast %parallel_loop3A_442 : vector<16xi32> to vector<16x1xi32>
        %parallel_loop3A_444 = vector.shape_cast %parallel_loop3A_443 : vector<16x1xi32> to vector<16xi32>
        %parallel_loop3A_445 = tpu.dynamic_gather %parallel_loop3A_439[%parallel_loop3A_444] in [0] : vector<16xf32>, vector<16xi32> -> vector<16xf32>
        %parallel_loop3A_446 = arith.addf %parallel_loop3A_439, %parallel_loop3A_445 : vector<16xf32>
        %parallel_loop3A_447 = arith.constant 2 : i32
        %parallel_loop3A_448 = vector.broadcast %parallel_loop3A_447 : i32 to vector<16xi32>
        %parallel_loop3A_449 = arith.xori %parallel_loop3A_432, %parallel_loop3A_448 : vector<16xi32>
        %parallel_loop3A_450 = vector.shape_cast %parallel_loop3A_449 : vector<16xi32> to vector<16x1xi32>
        %parallel_loop3A_451 = vector.shape_cast %parallel_loop3A_450 : vector<16x1xi32> to vector<16xi32>
        %parallel_loop3A_452 = tpu.dynamic_gather %parallel_loop3A_446[%parallel_loop3A_451] in [0] : vector<16xf32>, vector<16xi32> -> vector<16xf32>
        %parallel_loop3A_453 = arith.addf %parallel_loop3A_446, %parallel_loop3A_452 : vector<16xf32>
        %parallel_loop3A_454 = arith.constant 1 : i32
        %parallel_loop3A_455 = vector.broadcast %parallel_loop3A_454 : i32 to vector<16xi32>
        %parallel_loop3A_456 = arith.xori %parallel_loop3A_432, %parallel_loop3A_455 : vector<16xi32>
        %parallel_loop3A_457 = vector.shape_cast %parallel_loop3A_456 : vector<16xi32> to vector<16x1xi32>
        %parallel_loop3A_458 = vector.shape_cast %parallel_loop3A_457 : vector<16x1xi32> to vector<16xi32>
        %parallel_loop3A_459 = tpu.dynamic_gather %parallel_loop3A_453[%parallel_loop3A_458] in [0] : vector<16xf32>, vector<16xi32> -> vector<16xf32>
        %parallel_loop3A_460 = arith.addf %parallel_loop3A_453, %parallel_loop3A_459 : vector<16xf32>
        %parallel_loop3A_461 = arith.mulf %parallel_loop3A_395, %parallel_loop3A_395 : vector<16xf32>
        %parallel_loop3A_462 = arith.mulf %parallel_loop3A_406, %parallel_loop3A_406 : vector<16xf32>
        %parallel_loop3A_463 = arith.addf %parallel_loop3A_461, %parallel_loop3A_462 : vector<16xf32>
        %parallel_loop3A_464 = arith.mulf %parallel_loop3A_417, %parallel_loop3A_417 : vector<16xf32>
        %parallel_loop3A_465 = arith.addf %parallel_loop3A_463, %parallel_loop3A_464 : vector<16xf32>
        %parallel_loop3A_466 = arith.mulf %parallel_loop3A_428, %parallel_loop3A_428 : vector<16xf32>
        %parallel_loop3A_467 = arith.addf %parallel_loop3A_465, %parallel_loop3A_466 : vector<16xf32>
        %parallel_loop3A_468 = tpu.iota {dimensions = array<i32: 0>} : vector<16xi32>
        %parallel_loop3A_469 = arith.constant 8 : i32
        %parallel_loop3A_470 = vector.broadcast %parallel_loop3A_469 : i32 to vector<16xi32>
        %parallel_loop3A_471 = arith.xori %parallel_loop3A_468, %parallel_loop3A_470 : vector<16xi32>
        %parallel_loop3A_472 = vector.shape_cast %parallel_loop3A_471 : vector<16xi32> to vector<16x1xi32>
        %parallel_loop3A_473 = vector.shape_cast %parallel_loop3A_472 : vector<16x1xi32> to vector<16xi32>
        %parallel_loop3A_474 = tpu.dynamic_gather %parallel_loop3A_467[%parallel_loop3A_473] in [0] : vector<16xf32>, vector<16xi32> -> vector<16xf32>
        %parallel_loop3A_475 = arith.addf %parallel_loop3A_467, %parallel_loop3A_474 : vector<16xf32>
        %parallel_loop3A_476 = arith.constant 4 : i32
        %parallel_loop3A_477 = vector.broadcast %parallel_loop3A_476 : i32 to vector<16xi32>
        %parallel_loop3A_478 = arith.xori %parallel_loop3A_468, %parallel_loop3A_477 : vector<16xi32>
        %parallel_loop3A_479 = vector.shape_cast %parallel_loop3A_478 : vector<16xi32> to vector<16x1xi32>
        %parallel_loop3A_480 = vector.shape_cast %parallel_loop3A_479 : vector<16x1xi32> to vector<16xi32>
        %parallel_loop3A_481 = tpu.dynamic_gather %parallel_loop3A_475[%parallel_loop3A_480] in [0] : vector<16xf32>, vector<16xi32> -> vector<16xf32>
        %parallel_loop3A_482 = arith.addf %parallel_loop3A_475, %parallel_loop3A_481 : vector<16xf32>
        %parallel_loop3A_483 = arith.constant 2 : i32
        %parallel_loop3A_484 = vector.broadcast %parallel_loop3A_483 : i32 to vector<16xi32>
        %parallel_loop3A_485 = arith.xori %parallel_loop3A_468, %parallel_loop3A_484 : vector<16xi32>
        %parallel_loop3A_486 = vector.shape_cast %parallel_loop3A_485 : vector<16xi32> to vector<16x1xi32>
        %parallel_loop3A_487 = vector.shape_cast %parallel_loop3A_486 : vector<16x1xi32> to vector<16xi32>
        %parallel_loop3A_488 = tpu.dynamic_gather %parallel_loop3A_482[%parallel_loop3A_487] in [0] : vector<16xf32>, vector<16xi32> -> vector<16xf32>
        %parallel_loop3A_489 = arith.addf %parallel_loop3A_482, %parallel_loop3A_488 : vector<16xf32>
        %parallel_loop3A_490 = arith.constant 1 : i32
        %parallel_loop3A_491 = vector.broadcast %parallel_loop3A_490 : i32 to vector<16xi32>
        %parallel_loop3A_492 = arith.xori %parallel_loop3A_468, %parallel_loop3A_491 : vector<16xi32>
        %parallel_loop3A_493 = vector.shape_cast %parallel_loop3A_492 : vector<16xi32> to vector<16x1xi32>
        %parallel_loop3A_494 = vector.shape_cast %parallel_loop3A_493 : vector<16x1xi32> to vector<16xi32>
        %parallel_loop3A_495 = tpu.dynamic_gather %parallel_loop3A_489[%parallel_loop3A_494] in [0] : vector<16xf32>, vector<16xi32> -> vector<16xf32>
        %parallel_loop3A_496 = arith.addf %parallel_loop3A_489, %parallel_loop3A_495 : vector<16xf32>
        %parallel_loop3A_497 = vector.broadcast %scan3A : f32 to vector<16xf32>
        %parallel_loop3A_498 = arith.mulf %parallel_loop3A_460, %parallel_loop3A_497 : vector<16xf32>
        %parallel_loop3A_499 = vector.broadcast %scan3A : f32 to vector<16xf32>
        %parallel_loop3A_500 = arith.mulf %parallel_loop3A_496, %parallel_loop3A_499 : vector<16xf32>
        %parallel_loop3A_501 = arith.mulf %parallel_loop3A_498, %parallel_loop3A_498 : vector<16xf32>
        %parallel_loop3A_502 = arith.subf %parallel_loop3A_500, %parallel_loop3A_501 : vector<16xf32>
        %parallel_loop3A_503 = arith.constant 9.99999974E-6 : f32
        %parallel_loop3A_504 = vector.broadcast %parallel_loop3A_503 : f32 to vector<16xf32>
        %parallel_loop3A_505 = arith.addf %parallel_loop3A_502, %parallel_loop3A_504 : vector<16xf32>
        %parallel_loop3A_506 = vector.bitcast %parallel_loop3A_505 : vector<16xf32> to vector<16xi32>
        %parallel_loop3A_507 = arith.constant 1 : i32
        %parallel_loop3A_508 = vector.broadcast %parallel_loop3A_507 : i32 to vector<16xi32>
        %parallel_loop3A_509 = arith.shrui %parallel_loop3A_506, %parallel_loop3A_508 : vector<16xi32>
        %parallel_loop3A_510 = arith.constant 1597463007 : i32
        %parallel_loop3A_511 = vector.broadcast %parallel_loop3A_510 : i32 to vector<16xi32>
        %parallel_loop3A_512 = arith.subi %parallel_loop3A_511, %parallel_loop3A_509 : vector<16xi32>
        %parallel_loop3A_513 = vector.bitcast %parallel_loop3A_512 : vector<16xi32> to vector<16xf32>
        %parallel_loop3A_514 = arith.constant 5.000000e-01 : f32
        %parallel_loop3A_515 = vector.broadcast %parallel_loop3A_514 : f32 to vector<16xf32>
        %parallel_loop3A_516 = arith.mulf %parallel_loop3A_515, %parallel_loop3A_505 : vector<16xf32>
        %parallel_loop3A_517 = arith.mulf %parallel_loop3A_516, %parallel_loop3A_513 : vector<16xf32>
        %parallel_loop3A_518 = arith.mulf %parallel_loop3A_517, %parallel_loop3A_513 : vector<16xf32>
        %parallel_loop3A_519 = arith.constant 1.500000e+00 : f32
        %parallel_loop3A_520 = vector.broadcast %parallel_loop3A_519 : f32 to vector<16xf32>
        %parallel_loop3A_521 = arith.subf %parallel_loop3A_520, %parallel_loop3A_518 : vector<16xf32>
        %parallel_loop3A_522 = arith.mulf %parallel_loop3A_513, %parallel_loop3A_521 : vector<16xf32>
        %parallel_loop3A_523 = arith.mulf %parallel_loop3A_516, %parallel_loop3A_522 : vector<16xf32>
        %parallel_loop3A_524 = arith.mulf %parallel_loop3A_523, %parallel_loop3A_522 : vector<16xf32>
        %parallel_loop3A_525 = arith.constant 1.500000e+00 : f32
        %parallel_loop3A_526 = vector.broadcast %parallel_loop3A_525 : f32 to vector<16xf32>
        %parallel_loop3A_527 = arith.subf %parallel_loop3A_526, %parallel_loop3A_524 : vector<16xf32>
        %parallel_loop3A_528 = arith.mulf %parallel_loop3A_522, %parallel_loop3A_527 : vector<16xf32>
        %parallel_loop3A_529 = vector.broadcast %parallel_loop3A_384 : i32 to vector<16xi32>
        %parallel_loop3A_530 = arith.subf %parallel_loop3A_395, %parallel_loop3A_498 : vector<16xf32>
        %parallel_loop3A_531 = arith.mulf %parallel_loop3A_530, %parallel_loop3A_528 : vector<16xf32>
        %parallel_loop3A_532 = arith.mulf %parallel_loop3A_531, %get3A_19 : vector<16xf32>
        %parallel_loop3A_533 = arith.addf %parallel_loop3A_532, %get3A_27 : vector<16xf32>
        %parallel_loop3A_534 = arith.constant 0 : i32
        %parallel_loop3A_535 = arith.constant 0 : i32
        %parallel_loop3A_536 = tpu.memref_slice %arg10[%parallel_loop3A_286, %parallel_loop3A_534, %parallel_loop3A_535] : memref<2x64x129xf32, #tpu.memory_space<vmem>> -> memref<1x64x129xf32, #tpu.memory_space<vmem>>
        %parallel_loop3A_537 = tpu.memref_squeeze %parallel_loop3A_536 : memref<1x64x129xf32, #tpu.memory_space<vmem>> -> memref<64x129xf32, #tpu.memory_space<vmem>>
        tpu.vector_store_idx %parallel_loop3A_537[%add3A_36, %parallel_loop3A_529], %parallel_loop3A_533 : memref<64x129xf32, #tpu.memory_space<vmem>>[vector<16xi32>, vector<16xi32>], vector<16xf32>,
        %parallel_loop3A_538 = arith.subf %parallel_loop3A_406, %parallel_loop3A_498 : vector<16xf32>
        %parallel_loop3A_539 = arith.mulf %parallel_loop3A_538, %parallel_loop3A_528 : vector<16xf32>
        %parallel_loop3A_540 = arith.mulf %parallel_loop3A_539, %get3A_21 : vector<16xf32>
        %parallel_loop3A_541 = arith.addf %parallel_loop3A_540, %get3A_29 : vector<16xf32>
        %parallel_loop3A_542 = arith.constant 0 : i32
        %parallel_loop3A_543 = arith.constant 0 : i32
        %parallel_loop3A_544 = tpu.memref_slice %arg10[%parallel_loop3A_286, %parallel_loop3A_542, %parallel_loop3A_543] : memref<2x64x129xf32, #tpu.memory_space<vmem>> -> memref<1x64x129xf32, #tpu.memory_space<vmem>>
        %parallel_loop3A_545 = tpu.memref_squeeze %parallel_loop3A_544 : memref<1x64x129xf32, #tpu.memory_space<vmem>> -> memref<64x129xf32, #tpu.memory_space<vmem>>
        tpu.vector_store_idx %parallel_loop3A_545[%add3A_40, %parallel_loop3A_529], %parallel_loop3A_541 : memref<64x129xf32, #tpu.memory_space<vmem>>[vector<16xi32>, vector<16xi32>], vector<16xf32>,
        %parallel_loop3A_546 = arith.subf %parallel_loop3A_417, %parallel_loop3A_498 : vector<16xf32>
        %parallel_loop3A_547 = arith.mulf %parallel_loop3A_546, %parallel_loop3A_528 : vector<16xf32>
        %parallel_loop3A_548 = arith.mulf %parallel_loop3A_547, %get3A_23 : vector<16xf32>
        %parallel_loop3A_549 = arith.addf %parallel_loop3A_548, %get3A_31 : vector<16xf32>
        %parallel_loop3A_550 = arith.constant 0 : i32
        %parallel_loop3A_551 = arith.constant 0 : i32
        %parallel_loop3A_552 = tpu.memref_slice %arg10[%parallel_loop3A_286, %parallel_loop3A_550, %parallel_loop3A_551] : memref<2x64x129xf32, #tpu.memory_space<vmem>> -> memref<1x64x129xf32, #tpu.memory_space<vmem>>
        %parallel_loop3A_553 = tpu.memref_squeeze %parallel_loop3A_552 : memref<1x64x129xf32, #tpu.memory_space<vmem>> -> memref<64x129xf32, #tpu.memory_space<vmem>>
        tpu.vector_store_idx %parallel_loop3A_553[%add3A_44, %parallel_loop3A_529], %parallel_loop3A_549 : memref<64x129xf32, #tpu.memory_space<vmem>>[vector<16xi32>, vector<16xi32>], vector<16xf32>,
        %parallel_loop3A_554 = arith.subf %parallel_loop3A_428, %parallel_loop3A_498 : vector<16xf32>
        %parallel_loop3A_555 = arith.mulf %parallel_loop3A_554, %parallel_loop3A_528 : vector<16xf32>
        %parallel_loop3A_556 = arith.mulf %parallel_loop3A_555, %get3A_25 : vector<16xf32>
        %parallel_loop3A_557 = arith.addf %parallel_loop3A_556, %get3A_33 : vector<16xf32>
        %parallel_loop3A_558 = arith.constant 0 : i32
        %parallel_loop3A_559 = arith.constant 0 : i32
        %parallel_loop3A_560 = tpu.memref_slice %arg10[%parallel_loop3A_286, %parallel_loop3A_558, %parallel_loop3A_559] : memref<2x64x129xf32, #tpu.memory_space<vmem>> -> memref<1x64x129xf32, #tpu.memory_space<vmem>>
        %parallel_loop3A_561 = tpu.memref_squeeze %parallel_loop3A_560 : memref<1x64x129xf32, #tpu.memory_space<vmem>> -> memref<64x129xf32, #tpu.memory_space<vmem>>
        tpu.vector_store_idx %parallel_loop3A_561[%add3A_48, %parallel_loop3A_529], %parallel_loop3A_557 : memref<64x129xf32, #tpu.memory_space<vmem>>[vector<16xi32>, vector<16xi32>], vector<16xf32>,
      } {sc.loop_unroll_factor = 4 : i64, sc.parallel_access}
      %add3A_287 = arith.addi %select_n3A, %add3A_258 : i32
      %mul3A_288 = arith.constant 64 : i32
      %mul3A_289 = arith.muli %add3A_287, %mul3A_288 : i32
      %dma_start3A_290 = arith.constant 0 : i32
      %dma_start3A_291 = arith.constant 0 : i32
      %dma_start3A_292 = arith.constant 0 : i32
      %dma_start3A_293 = arith.constant 0 : i32
      %dma_start3A_294 = tpu.memref_slice %arg10[%dma_start3A_290, %dma_start3A_292, %dma_start3A_293] : memref<2x64x129xf32, #tpu.memory_space<vmem>> -> memref<1x64x129xf32, #tpu.memory_space<vmem>>
      %dma_start3A_295 = tpu.memref_squeeze %dma_start3A_294 : memref<1x64x129xf32, #tpu.memory_space<vmem>> -> memref<64x129xf32, #tpu.memory_space<vmem>>
      %dma_start3A_296 = arith.constant 0 : i32
      %dma_start3A_297 = arith.constant 0 : i32
      %dma_start3A_298 = tpu.memref_slice %dma_start3A_295[%dma_start3A_296, %dma_start3A_297] : memref<64x129xf32, #tpu.memory_space<vmem>> -> memref<64x128xf32, #tpu.memory_space<vmem>>
      %dma_start3A_299 = arith.constant 0 : i32
      %dma_start3A_300 = tpu.memref_slice %arg7[%mul3A_289, %dma_start3A_299] : memref<262144x128xf32, #tpu.memory_space<hbm>> -> memref<64x128xf32, #tpu.memory_space<hbm>>
      %dma_start3A_301 = tpu.memref_slice %arg15[%dma_start3A_291] : memref<2x!tpu.dma_semaphore, #tpu.memory_space<semaphore_mem>> -> memref<1x!tpu.dma_semaphore, #tpu.memory_space<semaphore_mem>>
      %dma_start3A_302 = tpu.memref_squeeze %dma_start3A_301 : memref<1x!tpu.dma_semaphore, #tpu.memory_space<semaphore_mem>> -> memref<!tpu.dma_semaphore, #tpu.memory_space<semaphore_mem>>
      %dma_start3A_303 = arith.constant 0 : i32
      %dma_start3A_304 = tpu.memref_slice %arg7[%mul3A_289, %dma_start3A_303] : memref<262144x128xf32, #tpu.memory_space<hbm>> -> memref<64x128xf32, #tpu.memory_space<hbm>>
      %dma_start3A_305 = arith.constant 0 : i32
      %dma_start3A_306 = arith.constant 0 : i32
      %dma_start3A_307 = tpu.memref_slice %arg10[%dma_start3A_290, %dma_start3A_305, %dma_start3A_306] : memref<2x64x129xf32, #tpu.memory_space<vmem>> -> memref<1x64x129xf32, #tpu.memory_space<vmem>>
      %dma_start3A_308 = tpu.memref_squeeze %dma_start3A_307 : memref<1x64x129xf32, #tpu.memory_space<vmem>> -> memref<64x129xf32, #tpu.memory_space<vmem>>
      %dma_start3A_309 = arith.constant 0 : i32
      %dma_start3A_310 = arith.constant 0 : i32
      %dma_start3A_311 = tpu.memref_slice %dma_start3A_308[%dma_start3A_309, %dma_start3A_310] : memref<64x129xf32, #tpu.memory_space<vmem>> -> memref<64x128xf32, #tpu.memory_space<vmem>>
      tpu.enqueue_dma source(%dma_start3A_311 : memref<64x128xf32, #tpu.memory_space<vmem>>) target(%dma_start3A_304 : memref<64x128xf32, #tpu.memory_space<hbm>>) target_semaphore(%dma_start3A_302 : memref<!tpu.dma_semaphore, #tpu.memory_space<semaphore_mem>>)
      %add3A_312 = arith.constant 2 : i32
      %add3A_313 = arith.addi %add3A_258, %add3A_312 : i32
      %lt3A_314 = arith.constant 128 : i32
      %lt3A_315 = arith.cmpi slt, %add3A_313, %lt3A_314 : i32
      %convert_element_type3A_316 = arith.extui %lt3A_315 : i1 to i32
      %cond3A_317 = arith.constant 0 : i32
      %cond3A_318 = arith.cmpi ne, %convert_element_type3A_316, %cond3A_317 : i32
      scf.if %cond3A_318 {
        %mul3A_384 = arith.constant 128 : i32
        %mul3A_385 = arith.muli %add3A_313, %mul3A_384 : i32
        %multiple_of3A_386 = tpu.assume_multiple %mul3A_385, 128 : i32
        %dma_start3A_387 = arith.constant 0 : i32
        %dma_start3A_388 = arith.constant 0 : i32
        %dma_start3A_389 = arith.constant 0 : i32
        %dma_start3A_390 = arith.constant 0 : i32
        %dma_start3A_391 = tpu.memref_slice %arg9[%dma_start3A_387, %dma_start3A_389, %dma_start3A_390] : memref<4x128x64xf32, #tpu.memory_space<vmem>> -> memref<1x128x64xf32, #tpu.memory_space<vmem>>
        %dma_start3A_392 = tpu.memref_squeeze %dma_start3A_391 : memref<1x128x64xf32, #tpu.memory_space<vmem>> -> memref<128x64xf32, #tpu.memory_space<vmem>>
        %dma_start3A_393 = tpu.memref_slice %arg8[%multiple_of3A_386] : memref<16384xi32, #tpu.memory_space<vmem>> -> memref<128xi32, #tpu.memory_space<vmem>>
        %dma_start3A_394 = arith.constant 0 : i32
        %dma_start3A_395 = arith.constant 0 : i32
        %dma_start3A_396 = tpu.memref_slice %arg3[%dma_start3A_394, %dma_start3A_395] : memref<1000000x64xf32, #tpu.memory_space<hbm>> -> memref<1000000x64xf32, #tpu.memory_space<hbm>>
        %dma_start3A_397 = tpu.memref_slice %arg14[%dma_start3A_388] : memref<4x!tpu.dma_semaphore, #tpu.memory_space<semaphore_mem>> -> memref<1x!tpu.dma_semaphore, #tpu.memory_space<semaphore_mem>>
        %dma_start3A_398 = tpu.memref_squeeze %dma_start3A_397 : memref<1x!tpu.dma_semaphore, #tpu.memory_space<semaphore_mem>> -> memref<!tpu.dma_semaphore, #tpu.memory_space<semaphore_mem>>
        tpu.enqueue_indirect_dma source(%dma_start3A_396 : memref<1000000x64xf32, #tpu.memory_space<hbm>>) target(%dma_start3A_392 : memref<128x64xf32, #tpu.memory_space<vmem>>) offsets(%dma_start3A_393 : memref<128xi32, #tpu.memory_space<vmem>>) semaphore(%dma_start3A_398 : memref<!tpu.dma_semaphore, #tpu.memory_space<semaphore_mem>>)
      } else {
      }
      %mul3A_319 = arith.constant 4 : i32
      %mul3A_320 = arith.muli %scan3A_130, %mul3A_319 : i32
      %add3A_321 = arith.constant 3 : i32
      %add3A_322 = arith.addi %mul3A_320, %add3A_321 : i32
      %dma_wait3A_323 = arith.constant 3 : i32
      %dma_wait3A_324 = arith.constant 3 : i32
      %dma_wait3A_325 = arith.constant 0 : i32
      %dma_wait3A_326 = arith.constant 0 : i32
      %dma_wait3A_327 = tpu.memref_slice %arg9[%dma_wait3A_323, %dma_wait3A_325, %dma_wait3A_326] : memref<4x128x64xf32, #tpu.memory_space<vmem>> -> memref<1x128x64xf32, #tpu.memory_space<vmem>>
      %dma_wait3A_328 = tpu.memref_squeeze %dma_wait3A_327 : memref<1x128x64xf32, #tpu.memory_space<vmem>> -> memref<128x64xf32, #tpu.memory_space<vmem>>
      %dma_wait3A_329 = arith.constant 0 : i32
      %dma_wait3A_330 = arith.constant 0 : i32
      %dma_wait3A_331 = tpu.memref_slice %arg3[%dma_wait3A_329, %dma_wait3A_330] : memref<1000000x64xf32, #tpu.memory_space<hbm>> -> memref<128x64xf32, #tpu.memory_space<hbm>>
      %dma_wait3A_332 = tpu.memref_slice %arg14[%dma_wait3A_324] : memref<4x!tpu.dma_semaphore, #tpu.memory_space<semaphore_mem>> -> memref<1x!tpu.dma_semaphore, #tpu.memory_space<semaphore_mem>>
      %dma_wait3A_333 = tpu.memref_squeeze %dma_wait3A_332 : memref<1x!tpu.dma_semaphore, #tpu.memory_space<semaphore_mem>> -> memref<!tpu.dma_semaphore, #tpu.memory_space<semaphore_mem>>
      %dma_wait3A_334 = arith.constant 0 : i32
      %dma_wait3A_335 = arith.constant 0 : i32
      %dma_wait3A_336 = tpu.memref_slice %arg9[%dma_wait3A_323, %dma_wait3A_334, %dma_wait3A_335] : memref<4x128x64xf32, #tpu.memory_space<vmem>> -> memref<1x128x64xf32, #tpu.memory_space<vmem>>
      %dma_wait3A_337 = tpu.memref_squeeze %dma_wait3A_336 : memref<1x128x64xf32, #tpu.memory_space<vmem>> -> memref<128x64xf32, #tpu.memory_space<vmem>>
      %dma_wait3A_338 = arith.constant 0 : i32
      %dma_wait3A_339 = arith.constant 0 : i32
      %dma_wait3A_340 = tpu.memref_slice %arg3[%dma_wait3A_338, %dma_wait3A_339] : memref<1000000x64xf32, #tpu.memory_space<hbm>> -> memref<128x64xf32, #tpu.memory_space<hbm>>
      tpu.wait_dma2 semaphore(%dma_wait3A_333 : memref<!tpu.dma_semaphore, #tpu.memory_space<semaphore_mem>>) src(%dma_wait3A_340 : memref<128x64xf32, #tpu.memory_space<hbm>>) dst(%dma_wait3A_337 : memref<128x64xf32, #tpu.memory_space<vmem>>)
      %ge3A_341 = arith.constant 2 : i32
      %ge3A_342 = arith.cmpi sge, %add3A_322, %ge3A_341 : i32
      %convert_element_type3A_343 = arith.extui %ge3A_342 : i1 to i32
      %cond3A_344 = arith.constant 0 : i32
      %cond3A_345 = arith.cmpi ne, %convert_element_type3A_343, %cond3A_344 : i32
      scf.if %cond3A_345 {
        %dma_wait3A_384 = arith.constant 1 : i32
        %dma_wait3A_385 = arith.constant 1 : i32
        %dma_wait3A_386 = arith.constant 0 : i32
        %dma_wait3A_387 = arith.constant 0 : i32
        %dma_wait3A_388 = tpu.memref_slice %arg10[%dma_wait3A_384, %dma_wait3A_386, %dma_wait3A_387] : memref<2x64x129xf32, #tpu.memory_space<vmem>> -> memref<1x64x129xf32, #tpu.memory_space<vmem>>
        %dma_wait3A_389 = tpu.memref_squeeze %dma_wait3A_388 : memref<1x64x129xf32, #tpu.memory_space<vmem>> -> memref<64x129xf32, #tpu.memory_space<vmem>>
        %dma_wait3A_390 = arith.constant 0 : i32
        %dma_wait3A_391 = arith.constant 0 : i32
        %dma_wait3A_392 = tpu.memref_slice %dma_wait3A_389[%dma_wait3A_390, %dma_wait3A_391] : memref<64x129xf32, #tpu.memory_space<vmem>> -> memref<64x128xf32, #tpu.memory_space<vmem>>
        %dma_wait3A_393 = arith.constant 0 : i32
        %dma_wait3A_394 = arith.constant 0 : i32
        %dma_wait3A_395 = tpu.memref_slice %arg7[%dma_wait3A_393, %dma_wait3A_394] : memref<262144x128xf32, #tpu.memory_space<hbm>> -> memref<64x128xf32, #tpu.memory_space<hbm>>
        %dma_wait3A_396 = tpu.memref_slice %arg15[%dma_wait3A_385] : memref<2x!tpu.dma_semaphore, #tpu.memory_space<semaphore_mem>> -> memref<1x!tpu.dma_semaphore, #tpu.memory_space<semaphore_mem>>
        %dma_wait3A_397 = tpu.memref_squeeze %dma_wait3A_396 : memref<1x!tpu.dma_semaphore, #tpu.memory_space<semaphore_mem>> -> memref<!tpu.dma_semaphore, #tpu.memory_space<semaphore_mem>>
        %dma_wait3A_398 = arith.constant 0 : i32
        %dma_wait3A_399 = arith.constant 0 : i32
        %dma_wait3A_400 = tpu.memref_slice %arg10[%dma_wait3A_384, %dma_wait3A_398, %dma_wait3A_399] : memref<2x64x129xf32, #tpu.memory_space<vmem>> -> memref<1x64x129xf32, #tpu.memory_space<vmem>>
        %dma_wait3A_401 = tpu.memref_squeeze %dma_wait3A_400 : memref<1x64x129xf32, #tpu.memory_space<vmem>> -> memref<64x129xf32, #tpu.memory_space<vmem>>
        %dma_wait3A_402 = arith.constant 0 : i32
        %dma_wait3A_403 = arith.constant 0 : i32
        %dma_wait3A_404 = tpu.memref_slice %dma_wait3A_401[%dma_wait3A_402, %dma_wait3A_403] : memref<64x129xf32, #tpu.memory_space<vmem>> -> memref<64x128xf32, #tpu.memory_space<vmem>>
        %dma_wait3A_405 = arith.constant 0 : i32
        %dma_wait3A_406 = arith.constant 0 : i32
        %dma_wait3A_407 = tpu.memref_slice %arg7[%dma_wait3A_405, %dma_wait3A_406] : memref<262144x128xf32, #tpu.memory_space<hbm>> -> memref<64x128xf32, #tpu.memory_space<hbm>>
        tpu.wait_dma2 semaphore(%dma_wait3A_397 : memref<!tpu.dma_semaphore, #tpu.memory_space<semaphore_mem>>) src(%dma_wait3A_407 : memref<64x128xf32, #tpu.memory_space<hbm>>) dst(%dma_wait3A_404 : memref<64x128xf32, #tpu.memory_space<vmem>>)
      } else {
      }
      %parallel_loop3A_346 = arith.constant 0 : i32
      %parallel_loop3A_347 = arith.constant 128 : i32
      %parallel_loop3A_348 = arith.constant 1 : i32
      %parallel_loop3A_349 = arith.constant 3 : i32
      %parallel_loop3A_350 = arith.constant 1 : i32
      scf.for %parallel_loop3A_384 = %parallel_loop3A_346 to %parallel_loop3A_347 step %parallel_loop3A_348  : i32 {
        %parallel_loop3A_385 = arith.constant 0 : i32
        %parallel_loop3A_386 = arith.constant 0 : i32
        %parallel_loop3A_387 = tpu.memref_slice %arg9[%parallel_loop3A_349, %parallel_loop3A_385, %parallel_loop3A_386] : memref<4x128x64xf32, #tpu.memory_space<vmem>> -> memref<1x128x64xf32, #tpu.memory_space<vmem>>
        %parallel_loop3A_388 = tpu.memref_squeeze %parallel_loop3A_387 : memref<1x128x64xf32, #tpu.memory_space<vmem>> -> memref<128x64xf32, #tpu.memory_space<vmem>>
        %parallel_loop3A_389 = arith.index_cast %parallel_loop3A_384 : i32 to index
        %parallel_loop3A_390 = arith.constant 0 : index
        %parallel_loop3A_391 = tpu.vector_load %parallel_loop3A_388[%parallel_loop3A_389, %parallel_loop3A_390] {strides = array<i32>} : memref<128x64xf32, #tpu.memory_space<vmem>>, vector<16xf32>,
        %parallel_loop3A_392 = arith.index_cast %parallel_loop3A_384 : i32 to index
        %parallel_loop3A_393 = arith.constant 0 : index
        %parallel_loop3A_394 = tpu.vector_load %arg11[%parallel_loop3A_392, %parallel_loop3A_393] {strides = array<i32>} : memref<128x64xf32, #tpu.memory_space<vmem>>, vector<16xf32>,
        %parallel_loop3A_395 = arith.addf %parallel_loop3A_391, %parallel_loop3A_394 : vector<16xf32>
        %parallel_loop3A_396 = arith.constant 0 : i32
        %parallel_loop3A_397 = arith.constant 0 : i32
        %parallel_loop3A_398 = tpu.memref_slice %arg9[%parallel_loop3A_349, %parallel_loop3A_396, %parallel_loop3A_397] : memref<4x128x64xf32, #tpu.memory_space<vmem>> -> memref<1x128x64xf32, #tpu.memory_space<vmem>>
        %parallel_loop3A_399 = tpu.memref_squeeze %parallel_loop3A_398 : memref<1x128x64xf32, #tpu.memory_space<vmem>> -> memref<128x64xf32, #tpu.memory_space<vmem>>
        %parallel_loop3A_400 = arith.index_cast %parallel_loop3A_384 : i32 to index
        %parallel_loop3A_401 = arith.constant 16 : index
        %parallel_loop3A_402 = tpu.vector_load %parallel_loop3A_399[%parallel_loop3A_400, %parallel_loop3A_401] {strides = array<i32>} : memref<128x64xf32, #tpu.memory_space<vmem>>, vector<16xf32>,
        %parallel_loop3A_403 = arith.index_cast %parallel_loop3A_384 : i32 to index
        %parallel_loop3A_404 = arith.constant 16 : index
        %parallel_loop3A_405 = tpu.vector_load %arg11[%parallel_loop3A_403, %parallel_loop3A_404] {strides = array<i32>} : memref<128x64xf32, #tpu.memory_space<vmem>>, vector<16xf32>,
        %parallel_loop3A_406 = arith.addf %parallel_loop3A_402, %parallel_loop3A_405 : vector<16xf32>
        %parallel_loop3A_407 = arith.constant 0 : i32
        %parallel_loop3A_408 = arith.constant 0 : i32
        %parallel_loop3A_409 = tpu.memref_slice %arg9[%parallel_loop3A_349, %parallel_loop3A_407, %parallel_loop3A_408] : memref<4x128x64xf32, #tpu.memory_space<vmem>> -> memref<1x128x64xf32, #tpu.memory_space<vmem>>
        %parallel_loop3A_410 = tpu.memref_squeeze %parallel_loop3A_409 : memref<1x128x64xf32, #tpu.memory_space<vmem>> -> memref<128x64xf32, #tpu.memory_space<vmem>>
        %parallel_loop3A_411 = arith.index_cast %parallel_loop3A_384 : i32 to index
        %parallel_loop3A_412 = arith.constant 32 : index
        %parallel_loop3A_413 = tpu.vector_load %parallel_loop3A_410[%parallel_loop3A_411, %parallel_loop3A_412] {strides = array<i32>} : memref<128x64xf32, #tpu.memory_space<vmem>>, vector<16xf32>,
        %parallel_loop3A_414 = arith.index_cast %parallel_loop3A_384 : i32 to index
        %parallel_loop3A_415 = arith.constant 32 : index
        %parallel_loop3A_416 = tpu.vector_load %arg11[%parallel_loop3A_414, %parallel_loop3A_415] {strides = array<i32>} : memref<128x64xf32, #tpu.memory_space<vmem>>, vector<16xf32>,
        %parallel_loop3A_417 = arith.addf %parallel_loop3A_413, %parallel_loop3A_416 : vector<16xf32>
        %parallel_loop3A_418 = arith.constant 0 : i32
        %parallel_loop3A_419 = arith.constant 0 : i32
        %parallel_loop3A_420 = tpu.memref_slice %arg9[%parallel_loop3A_349, %parallel_loop3A_418, %parallel_loop3A_419] : memref<4x128x64xf32, #tpu.memory_space<vmem>> -> memref<1x128x64xf32, #tpu.memory_space<vmem>>
        %parallel_loop3A_421 = tpu.memref_squeeze %parallel_loop3A_420 : memref<1x128x64xf32, #tpu.memory_space<vmem>> -> memref<128x64xf32, #tpu.memory_space<vmem>>
        %parallel_loop3A_422 = arith.index_cast %parallel_loop3A_384 : i32 to index
        %parallel_loop3A_423 = arith.constant 48 : index
        %parallel_loop3A_424 = tpu.vector_load %parallel_loop3A_421[%parallel_loop3A_422, %parallel_loop3A_423] {strides = array<i32>} : memref<128x64xf32, #tpu.memory_space<vmem>>, vector<16xf32>,
        %parallel_loop3A_425 = arith.index_cast %parallel_loop3A_384 : i32 to index
        %parallel_loop3A_426 = arith.constant 48 : index
        %parallel_loop3A_427 = tpu.vector_load %arg11[%parallel_loop3A_425, %parallel_loop3A_426] {strides = array<i32>} : memref<128x64xf32, #tpu.memory_space<vmem>>, vector<16xf32>,
        %parallel_loop3A_428 = arith.addf %parallel_loop3A_424, %parallel_loop3A_427 : vector<16xf32>
        %parallel_loop3A_429 = arith.addf %parallel_loop3A_395, %parallel_loop3A_406 : vector<16xf32>
        %parallel_loop3A_430 = arith.addf %parallel_loop3A_429, %parallel_loop3A_417 : vector<16xf32>
        %parallel_loop3A_431 = arith.addf %parallel_loop3A_430, %parallel_loop3A_428 : vector<16xf32>
        %parallel_loop3A_432 = tpu.iota {dimensions = array<i32: 0>} : vector<16xi32>
        %parallel_loop3A_433 = arith.constant 8 : i32
        %parallel_loop3A_434 = vector.broadcast %parallel_loop3A_433 : i32 to vector<16xi32>
        %parallel_loop3A_435 = arith.xori %parallel_loop3A_432, %parallel_loop3A_434 : vector<16xi32>
        %parallel_loop3A_436 = vector.shape_cast %parallel_loop3A_435 : vector<16xi32> to vector<16x1xi32>
        %parallel_loop3A_437 = vector.shape_cast %parallel_loop3A_436 : vector<16x1xi32> to vector<16xi32>
        %parallel_loop3A_438 = tpu.dynamic_gather %parallel_loop3A_431[%parallel_loop3A_437] in [0] : vector<16xf32>, vector<16xi32> -> vector<16xf32>
        %parallel_loop3A_439 = arith.addf %parallel_loop3A_431, %parallel_loop3A_438 : vector<16xf32>
        %parallel_loop3A_440 = arith.constant 4 : i32
        %parallel_loop3A_441 = vector.broadcast %parallel_loop3A_440 : i32 to vector<16xi32>
        %parallel_loop3A_442 = arith.xori %parallel_loop3A_432, %parallel_loop3A_441 : vector<16xi32>
        %parallel_loop3A_443 = vector.shape_cast %parallel_loop3A_442 : vector<16xi32> to vector<16x1xi32>
        %parallel_loop3A_444 = vector.shape_cast %parallel_loop3A_443 : vector<16x1xi32> to vector<16xi32>
        %parallel_loop3A_445 = tpu.dynamic_gather %parallel_loop3A_439[%parallel_loop3A_444] in [0] : vector<16xf32>, vector<16xi32> -> vector<16xf32>
        %parallel_loop3A_446 = arith.addf %parallel_loop3A_439, %parallel_loop3A_445 : vector<16xf32>
        %parallel_loop3A_447 = arith.constant 2 : i32
        %parallel_loop3A_448 = vector.broadcast %parallel_loop3A_447 : i32 to vector<16xi32>
        %parallel_loop3A_449 = arith.xori %parallel_loop3A_432, %parallel_loop3A_448 : vector<16xi32>
        %parallel_loop3A_450 = vector.shape_cast %parallel_loop3A_449 : vector<16xi32> to vector<16x1xi32>
        %parallel_loop3A_451 = vector.shape_cast %parallel_loop3A_450 : vector<16x1xi32> to vector<16xi32>
        %parallel_loop3A_452 = tpu.dynamic_gather %parallel_loop3A_446[%parallel_loop3A_451] in [0] : vector<16xf32>, vector<16xi32> -> vector<16xf32>
        %parallel_loop3A_453 = arith.addf %parallel_loop3A_446, %parallel_loop3A_452 : vector<16xf32>
        %parallel_loop3A_454 = arith.constant 1 : i32
        %parallel_loop3A_455 = vector.broadcast %parallel_loop3A_454 : i32 to vector<16xi32>
        %parallel_loop3A_456 = arith.xori %parallel_loop3A_432, %parallel_loop3A_455 : vector<16xi32>
        %parallel_loop3A_457 = vector.shape_cast %parallel_loop3A_456 : vector<16xi32> to vector<16x1xi32>
        %parallel_loop3A_458 = vector.shape_cast %parallel_loop3A_457 : vector<16x1xi32> to vector<16xi32>
        %parallel_loop3A_459 = tpu.dynamic_gather %parallel_loop3A_453[%parallel_loop3A_458] in [0] : vector<16xf32>, vector<16xi32> -> vector<16xf32>
        %parallel_loop3A_460 = arith.addf %parallel_loop3A_453, %parallel_loop3A_459 : vector<16xf32>
        %parallel_loop3A_461 = arith.mulf %parallel_loop3A_395, %parallel_loop3A_395 : vector<16xf32>
        %parallel_loop3A_462 = arith.mulf %parallel_loop3A_406, %parallel_loop3A_406 : vector<16xf32>
        %parallel_loop3A_463 = arith.addf %parallel_loop3A_461, %parallel_loop3A_462 : vector<16xf32>
        %parallel_loop3A_464 = arith.mulf %parallel_loop3A_417, %parallel_loop3A_417 : vector<16xf32>
        %parallel_loop3A_465 = arith.addf %parallel_loop3A_463, %parallel_loop3A_464 : vector<16xf32>
        %parallel_loop3A_466 = arith.mulf %parallel_loop3A_428, %parallel_loop3A_428 : vector<16xf32>
        %parallel_loop3A_467 = arith.addf %parallel_loop3A_465, %parallel_loop3A_466 : vector<16xf32>
        %parallel_loop3A_468 = tpu.iota {dimensions = array<i32: 0>} : vector<16xi32>
        %parallel_loop3A_469 = arith.constant 8 : i32
        %parallel_loop3A_470 = vector.broadcast %parallel_loop3A_469 : i32 to vector<16xi32>
        %parallel_loop3A_471 = arith.xori %parallel_loop3A_468, %parallel_loop3A_470 : vector<16xi32>
        %parallel_loop3A_472 = vector.shape_cast %parallel_loop3A_471 : vector<16xi32> to vector<16x1xi32>
        %parallel_loop3A_473 = vector.shape_cast %parallel_loop3A_472 : vector<16x1xi32> to vector<16xi32>
        %parallel_loop3A_474 = tpu.dynamic_gather %parallel_loop3A_467[%parallel_loop3A_473] in [0] : vector<16xf32>, vector<16xi32> -> vector<16xf32>
        %parallel_loop3A_475 = arith.addf %parallel_loop3A_467, %parallel_loop3A_474 : vector<16xf32>
        %parallel_loop3A_476 = arith.constant 4 : i32
        %parallel_loop3A_477 = vector.broadcast %parallel_loop3A_476 : i32 to vector<16xi32>
        %parallel_loop3A_478 = arith.xori %parallel_loop3A_468, %parallel_loop3A_477 : vector<16xi32>
        %parallel_loop3A_479 = vector.shape_cast %parallel_loop3A_478 : vector<16xi32> to vector<16x1xi32>
        %parallel_loop3A_480 = vector.shape_cast %parallel_loop3A_479 : vector<16x1xi32> to vector<16xi32>
        %parallel_loop3A_481 = tpu.dynamic_gather %parallel_loop3A_475[%parallel_loop3A_480] in [0] : vector<16xf32>, vector<16xi32> -> vector<16xf32>
        %parallel_loop3A_482 = arith.addf %parallel_loop3A_475, %parallel_loop3A_481 : vector<16xf32>
        %parallel_loop3A_483 = arith.constant 2 : i32
        %parallel_loop3A_484 = vector.broadcast %parallel_loop3A_483 : i32 to vector<16xi32>
        %parallel_loop3A_485 = arith.xori %parallel_loop3A_468, %parallel_loop3A_484 : vector<16xi32>
        %parallel_loop3A_486 = vector.shape_cast %parallel_loop3A_485 : vector<16xi32> to vector<16x1xi32>
        %parallel_loop3A_487 = vector.shape_cast %parallel_loop3A_486 : vector<16x1xi32> to vector<16xi32>
        %parallel_loop3A_488 = tpu.dynamic_gather %parallel_loop3A_482[%parallel_loop3A_487] in [0] : vector<16xf32>, vector<16xi32> -> vector<16xf32>
        %parallel_loop3A_489 = arith.addf %parallel_loop3A_482, %parallel_loop3A_488 : vector<16xf32>
        %parallel_loop3A_490 = arith.constant 1 : i32
        %parallel_loop3A_491 = vector.broadcast %parallel_loop3A_490 : i32 to vector<16xi32>
        %parallel_loop3A_492 = arith.xori %parallel_loop3A_468, %parallel_loop3A_491 : vector<16xi32>
        %parallel_loop3A_493 = vector.shape_cast %parallel_loop3A_492 : vector<16xi32> to vector<16x1xi32>
        %parallel_loop3A_494 = vector.shape_cast %parallel_loop3A_493 : vector<16x1xi32> to vector<16xi32>
        %parallel_loop3A_495 = tpu.dynamic_gather %parallel_loop3A_489[%parallel_loop3A_494] in [0] : vector<16xf32>, vector<16xi32> -> vector<16xf32>
        %parallel_loop3A_496 = arith.addf %parallel_loop3A_489, %parallel_loop3A_495 : vector<16xf32>
        %parallel_loop3A_497 = vector.broadcast %scan3A : f32 to vector<16xf32>
        %parallel_loop3A_498 = arith.mulf %parallel_loop3A_460, %parallel_loop3A_497 : vector<16xf32>
        %parallel_loop3A_499 = vector.broadcast %scan3A : f32 to vector<16xf32>
        %parallel_loop3A_500 = arith.mulf %parallel_loop3A_496, %parallel_loop3A_499 : vector<16xf32>
        %parallel_loop3A_501 = arith.mulf %parallel_loop3A_498, %parallel_loop3A_498 : vector<16xf32>
        %parallel_loop3A_502 = arith.subf %parallel_loop3A_500, %parallel_loop3A_501 : vector<16xf32>
        %parallel_loop3A_503 = arith.constant 9.99999974E-6 : f32
        %parallel_loop3A_504 = vector.broadcast %parallel_loop3A_503 : f32 to vector<16xf32>
        %parallel_loop3A_505 = arith.addf %parallel_loop3A_502, %parallel_loop3A_504 : vector<16xf32>
        %parallel_loop3A_506 = vector.bitcast %parallel_loop3A_505 : vector<16xf32> to vector<16xi32>
        %parallel_loop3A_507 = arith.constant 1 : i32
        %parallel_loop3A_508 = vector.broadcast %parallel_loop3A_507 : i32 to vector<16xi32>
        %parallel_loop3A_509 = arith.shrui %parallel_loop3A_506, %parallel_loop3A_508 : vector<16xi32>
        %parallel_loop3A_510 = arith.constant 1597463007 : i32
        %parallel_loop3A_511 = vector.broadcast %parallel_loop3A_510 : i32 to vector<16xi32>
        %parallel_loop3A_512 = arith.subi %parallel_loop3A_511, %parallel_loop3A_509 : vector<16xi32>
        %parallel_loop3A_513 = vector.bitcast %parallel_loop3A_512 : vector<16xi32> to vector<16xf32>
        %parallel_loop3A_514 = arith.constant 5.000000e-01 : f32
        %parallel_loop3A_515 = vector.broadcast %parallel_loop3A_514 : f32 to vector<16xf32>
        %parallel_loop3A_516 = arith.mulf %parallel_loop3A_515, %parallel_loop3A_505 : vector<16xf32>
        %parallel_loop3A_517 = arith.mulf %parallel_loop3A_516, %parallel_loop3A_513 : vector<16xf32>
        %parallel_loop3A_518 = arith.mulf %parallel_loop3A_517, %parallel_loop3A_513 : vector<16xf32>
        %parallel_loop3A_519 = arith.constant 1.500000e+00 : f32
        %parallel_loop3A_520 = vector.broadcast %parallel_loop3A_519 : f32 to vector<16xf32>
        %parallel_loop3A_521 = arith.subf %parallel_loop3A_520, %parallel_loop3A_518 : vector<16xf32>
        %parallel_loop3A_522 = arith.mulf %parallel_loop3A_513, %parallel_loop3A_521 : vector<16xf32>
        %parallel_loop3A_523 = arith.mulf %parallel_loop3A_516, %parallel_loop3A_522 : vector<16xf32>
        %parallel_loop3A_524 = arith.mulf %parallel_loop3A_523, %parallel_loop3A_522 : vector<16xf32>
        %parallel_loop3A_525 = arith.constant 1.500000e+00 : f32
        %parallel_loop3A_526 = vector.broadcast %parallel_loop3A_525 : f32 to vector<16xf32>
        %parallel_loop3A_527 = arith.subf %parallel_loop3A_526, %parallel_loop3A_524 : vector<16xf32>
        %parallel_loop3A_528 = arith.mulf %parallel_loop3A_522, %parallel_loop3A_527 : vector<16xf32>
        %parallel_loop3A_529 = vector.broadcast %parallel_loop3A_384 : i32 to vector<16xi32>
        %parallel_loop3A_530 = arith.subf %parallel_loop3A_395, %parallel_loop3A_498 : vector<16xf32>
        %parallel_loop3A_531 = arith.mulf %parallel_loop3A_530, %parallel_loop3A_528 : vector<16xf32>
        %parallel_loop3A_532 = arith.mulf %parallel_loop3A_531, %get3A_19 : vector<16xf32>
        %parallel_loop3A_533 = arith.addf %parallel_loop3A_532, %get3A_27 : vector<16xf32>
        %parallel_loop3A_534 = arith.constant 0 : i32
        %parallel_loop3A_535 = arith.constant 0 : i32
        %parallel_loop3A_536 = tpu.memref_slice %arg10[%parallel_loop3A_350, %parallel_loop3A_534, %parallel_loop3A_535] : memref<2x64x129xf32, #tpu.memory_space<vmem>> -> memref<1x64x129xf32, #tpu.memory_space<vmem>>
        %parallel_loop3A_537 = tpu.memref_squeeze %parallel_loop3A_536 : memref<1x64x129xf32, #tpu.memory_space<vmem>> -> memref<64x129xf32, #tpu.memory_space<vmem>>
        tpu.vector_store_idx %parallel_loop3A_537[%add3A_36, %parallel_loop3A_529], %parallel_loop3A_533 : memref<64x129xf32, #tpu.memory_space<vmem>>[vector<16xi32>, vector<16xi32>], vector<16xf32>,
        %parallel_loop3A_538 = arith.subf %parallel_loop3A_406, %parallel_loop3A_498 : vector<16xf32>
        %parallel_loop3A_539 = arith.mulf %parallel_loop3A_538, %parallel_loop3A_528 : vector<16xf32>
        %parallel_loop3A_540 = arith.mulf %parallel_loop3A_539, %get3A_21 : vector<16xf32>
        %parallel_loop3A_541 = arith.addf %parallel_loop3A_540, %get3A_29 : vector<16xf32>
        %parallel_loop3A_542 = arith.constant 0 : i32
        %parallel_loop3A_543 = arith.constant 0 : i32
        %parallel_loop3A_544 = tpu.memref_slice %arg10[%parallel_loop3A_350, %parallel_loop3A_542, %parallel_loop3A_543] : memref<2x64x129xf32, #tpu.memory_space<vmem>> -> memref<1x64x129xf32, #tpu.memory_space<vmem>>
        %parallel_loop3A_545 = tpu.memref_squeeze %parallel_loop3A_544 : memref<1x64x129xf32, #tpu.memory_space<vmem>> -> memref<64x129xf32, #tpu.memory_space<vmem>>
        tpu.vector_store_idx %parallel_loop3A_545[%add3A_40, %parallel_loop3A_529], %parallel_loop3A_541 : memref<64x129xf32, #tpu.memory_space<vmem>>[vector<16xi32>, vector<16xi32>], vector<16xf32>,
        %parallel_loop3A_546 = arith.subf %parallel_loop3A_417, %parallel_loop3A_498 : vector<16xf32>
        %parallel_loop3A_547 = arith.mulf %parallel_loop3A_546, %parallel_loop3A_528 : vector<16xf32>
        %parallel_loop3A_548 = arith.mulf %parallel_loop3A_547, %get3A_23 : vector<16xf32>
        %parallel_loop3A_549 = arith.addf %parallel_loop3A_548, %get3A_31 : vector<16xf32>
        %parallel_loop3A_550 = arith.constant 0 : i32
        %parallel_loop3A_551 = arith.constant 0 : i32
        %parallel_loop3A_552 = tpu.memref_slice %arg10[%parallel_loop3A_350, %parallel_loop3A_550, %parallel_loop3A_551] : memref<2x64x129xf32, #tpu.memory_space<vmem>> -> memref<1x64x129xf32, #tpu.memory_space<vmem>>
        %parallel_loop3A_553 = tpu.memref_squeeze %parallel_loop3A_552 : memref<1x64x129xf32, #tpu.memory_space<vmem>> -> memref<64x129xf32, #tpu.memory_space<vmem>>
        tpu.vector_store_idx %parallel_loop3A_553[%add3A_44, %parallel_loop3A_529], %parallel_loop3A_549 : memref<64x129xf32, #tpu.memory_space<vmem>>[vector<16xi32>, vector<16xi32>], vector<16xf32>,
        %parallel_loop3A_554 = arith.subf %parallel_loop3A_428, %parallel_loop3A_498 : vector<16xf32>
        %parallel_loop3A_555 = arith.mulf %parallel_loop3A_554, %parallel_loop3A_528 : vector<16xf32>
        %parallel_loop3A_556 = arith.mulf %parallel_loop3A_555, %get3A_25 : vector<16xf32>
        %parallel_loop3A_557 = arith.addf %parallel_loop3A_556, %get3A_33 : vector<16xf32>
        %parallel_loop3A_558 = arith.constant 0 : i32
        %parallel_loop3A_559 = arith.constant 0 : i32
        %parallel_loop3A_560 = tpu.memref_slice %arg10[%parallel_loop3A_350, %parallel_loop3A_558, %parallel_loop3A_559] : memref<2x64x129xf32, #tpu.memory_space<vmem>> -> memref<1x64x129xf32, #tpu.memory_space<vmem>>
        %parallel_loop3A_561 = tpu.memref_squeeze %parallel_loop3A_560 : memref<1x64x129xf32, #tpu.memory_space<vmem>> -> memref<64x129xf32, #tpu.memory_space<vmem>>
        tpu.vector_store_idx %parallel_loop3A_561[%add3A_48, %parallel_loop3A_529], %parallel_loop3A_557 : memref<64x129xf32, #tpu.memory_space<vmem>>[vector<16xi32>, vector<16xi32>], vector<16xf32>,
      } {sc.loop_unroll_factor = 4 : i64, sc.parallel_access}
      %add3A_351 = arith.addi %select_n3A, %add3A_322 : i32
      %mul3A_352 = arith.constant 64 : i32
      %mul3A_353 = arith.muli %add3A_351, %mul3A_352 : i32
      %dma_start3A_354 = arith.constant 1 : i32
      %dma_start3A_355 = arith.constant 1 : i32
      %dma_start3A_356 = arith.constant 0 : i32
      %dma_start3A_357 = arith.constant 0 : i32
      %dma_start3A_358 = tpu.memref_slice %arg10[%dma_start3A_354, %dma_start3A_356, %dma_start3A_357] : memref<2x64x129xf32, #tpu.memory_space<vmem>> -> memref<1x64x129xf32, #tpu.memory_space<vmem>>
      %dma_start3A_359 = tpu.memref_squeeze %dma_start3A_358 : memref<1x64x129xf32, #tpu.memory_space<vmem>> -> memref<64x129xf32, #tpu.memory_space<vmem>>
      %dma_start3A_360 = arith.constant 0 : i32
      %dma_start3A_361 = arith.constant 0 : i32
      %dma_start3A_362 = tpu.memref_slice %dma_start3A_359[%dma_start3A_360, %dma_start3A_361] : memref<64x129xf32, #tpu.memory_space<vmem>> -> memref<64x128xf32, #tpu.memory_space<vmem>>
      %dma_start3A_363 = arith.constant 0 : i32
      %dma_start3A_364 = tpu.memref_slice %arg7[%mul3A_353, %dma_start3A_363] : memref<262144x128xf32, #tpu.memory_space<hbm>> -> memref<64x128xf32, #tpu.memory_space<hbm>>
      %dma_start3A_365 = tpu.memref_slice %arg15[%dma_start3A_355] : memref<2x!tpu.dma_semaphore, #tpu.memory_space<semaphore_mem>> -> memref<1x!tpu.dma_semaphore, #tpu.memory_space<semaphore_mem>>
      %dma_start3A_366 = tpu.memref_squeeze %dma_start3A_365 : memref<1x!tpu.dma_semaphore, #tpu.memory_space<semaphore_mem>> -> memref<!tpu.dma_semaphore, #tpu.memory_space<semaphore_mem>>
      %dma_start3A_367 = arith.constant 0 : i32
      %dma_start3A_368 = tpu.memref_slice %arg7[%mul3A_353, %dma_start3A_367] : memref<262144x128xf32, #tpu.memory_space<hbm>> -> memref<64x128xf32, #tpu.memory_space<hbm>>
      %dma_start3A_369 = arith.constant 0 : i32
      %dma_start3A_370 = arith.constant 0 : i32
      %dma_start3A_371 = tpu.memref_slice %arg10[%dma_start3A_354, %dma_start3A_369, %dma_start3A_370] : memref<2x64x129xf32, #tpu.memory_space<vmem>> -> memref<1x64x129xf32, #tpu.memory_space<vmem>>
      %dma_start3A_372 = tpu.memref_squeeze %dma_start3A_371 : memref<1x64x129xf32, #tpu.memory_space<vmem>> -> memref<64x129xf32, #tpu.memory_space<vmem>>
      %dma_start3A_373 = arith.constant 0 : i32
      %dma_start3A_374 = arith.constant 0 : i32
      %dma_start3A_375 = tpu.memref_slice %dma_start3A_372[%dma_start3A_373, %dma_start3A_374] : memref<64x129xf32, #tpu.memory_space<vmem>> -> memref<64x128xf32, #tpu.memory_space<vmem>>
      tpu.enqueue_dma source(%dma_start3A_375 : memref<64x128xf32, #tpu.memory_space<vmem>>) target(%dma_start3A_368 : memref<64x128xf32, #tpu.memory_space<hbm>>) target_semaphore(%dma_start3A_366 : memref<!tpu.dma_semaphore, #tpu.memory_space<semaphore_mem>>)
      %add3A_376 = arith.constant 2 : i32
      %add3A_377 = arith.addi %add3A_322, %add3A_376 : i32
      %lt3A_378 = arith.constant 128 : i32
      %lt3A_379 = arith.cmpi slt, %add3A_377, %lt3A_378 : i32
      %convert_element_type3A_380 = arith.extui %lt3A_379 : i1 to i32
      %cond3A_381 = arith.constant 0 : i32
      %cond3A_382 = arith.cmpi ne, %convert_element_type3A_380, %cond3A_381 : i32
      scf.if %cond3A_382 {
        %mul3A_384 = arith.constant 128 : i32
        %mul3A_385 = arith.muli %add3A_377, %mul3A_384 : i32
        %multiple_of3A_386 = tpu.assume_multiple %mul3A_385, 128 : i32
        %dma_start3A_387 = arith.constant 1 : i32
        %dma_start3A_388 = arith.constant 1 : i32
        %dma_start3A_389 = arith.constant 0 : i32
        %dma_start3A_390 = arith.constant 0 : i32
        %dma_start3A_391 = tpu.memref_slice %arg9[%dma_start3A_387, %dma_start3A_389, %dma_start3A_390] : memref<4x128x64xf32, #tpu.memory_space<vmem>> -> memref<1x128x64xf32, #tpu.memory_space<vmem>>
        %dma_start3A_392 = tpu.memref_squeeze %dma_start3A_391 : memref<1x128x64xf32, #tpu.memory_space<vmem>> -> memref<128x64xf32, #tpu.memory_space<vmem>>
        %dma_start3A_393 = tpu.memref_slice %arg8[%multiple_of3A_386] : memref<16384xi32, #tpu.memory_space<vmem>> -> memref<128xi32, #tpu.memory_space<vmem>>
        %dma_start3A_394 = arith.constant 0 : i32
        %dma_start3A_395 = arith.constant 0 : i32
        %dma_start3A_396 = tpu.memref_slice %arg3[%dma_start3A_394, %dma_start3A_395] : memref<1000000x64xf32, #tpu.memory_space<hbm>> -> memref<1000000x64xf32, #tpu.memory_space<hbm>>
        %dma_start3A_397 = tpu.memref_slice %arg14[%dma_start3A_388] : memref<4x!tpu.dma_semaphore, #tpu.memory_space<semaphore_mem>> -> memref<1x!tpu.dma_semaphore, #tpu.memory_space<semaphore_mem>>
        %dma_start3A_398 = tpu.memref_squeeze %dma_start3A_397 : memref<1x!tpu.dma_semaphore, #tpu.memory_space<semaphore_mem>> -> memref<!tpu.dma_semaphore, #tpu.memory_space<semaphore_mem>>
        tpu.enqueue_indirect_dma source(%dma_start3A_396 : memref<1000000x64xf32, #tpu.memory_space<hbm>>) target(%dma_start3A_392 : memref<128x64xf32, #tpu.memory_space<vmem>>) offsets(%dma_start3A_393 : memref<128xi32, #tpu.memory_space<vmem>>) semaphore(%dma_start3A_398 : memref<!tpu.dma_semaphore, #tpu.memory_space<semaphore_mem>>)
      } else {
      }
      %scan3A_383 = arith.constant 0 : i32
      scf.yield %scan3A_383 : i32
    }
    %scan3A_82 = arith.constant 32 : i32
    %dma_wait3A = arith.constant 0 : i32
    %dma_wait3A_83 = arith.constant 0 : i32
    %dma_wait3A_84 = arith.constant 0 : i32
    %dma_wait3A_85 = arith.constant 0 : i32
    %dma_wait3A_86 = tpu.memref_slice %arg10[%dma_wait3A, %dma_wait3A_84, %dma_wait3A_85] : memref<2x64x129xf32, #tpu.memory_space<vmem>> -> memref<1x64x129xf32, #tpu.memory_space<vmem>>
    %dma_wait3A_87 = tpu.memref_squeeze %dma_wait3A_86 : memref<1x64x129xf32, #tpu.memory_space<vmem>> -> memref<64x129xf32, #tpu.memory_space<vmem>>
    %dma_wait3A_88 = arith.constant 0 : i32
    %dma_wait3A_89 = arith.constant 0 : i32
    %dma_wait3A_90 = tpu.memref_slice %dma_wait3A_87[%dma_wait3A_88, %dma_wait3A_89] : memref<64x129xf32, #tpu.memory_space<vmem>> -> memref<64x128xf32, #tpu.memory_space<vmem>>
    %dma_wait3A_91 = arith.constant 0 : i32
    %dma_wait3A_92 = arith.constant 0 : i32
    %dma_wait3A_93 = tpu.memref_slice %arg7[%dma_wait3A_91, %dma_wait3A_92] : memref<262144x128xf32, #tpu.memory_space<hbm>> -> memref<64x128xf32, #tpu.memory_space<hbm>>
    %dma_wait3A_94 = tpu.memref_slice %arg15[%dma_wait3A_83] : memref<2x!tpu.dma_semaphore, #tpu.memory_space<semaphore_mem>> -> memref<1x!tpu.dma_semaphore, #tpu.memory_space<semaphore_mem>>
    %dma_wait3A_95 = tpu.memref_squeeze %dma_wait3A_94 : memref<1x!tpu.dma_semaphore, #tpu.memory_space<semaphore_mem>> -> memref<!tpu.dma_semaphore, #tpu.memory_space<semaphore_mem>>
    %dma_wait3A_96 = arith.constant 0 : i32
    %dma_wait3A_97 = arith.constant 0 : i32
    %dma_wait3A_98 = tpu.memref_slice %arg10[%dma_wait3A, %dma_wait3A_96, %dma_wait3A_97] : memref<2x64x129xf32, #tpu.memory_space<vmem>> -> memref<1x64x129xf32, #tpu.memory_space<vmem>>
    %dma_wait3A_99 = tpu.memref_squeeze %dma_wait3A_98 : memref<1x64x129xf32, #tpu.memory_space<vmem>> -> memref<64x129xf32, #tpu.memory_space<vmem>>
    %dma_wait3A_100 = arith.constant 0 : i32
    %dma_wait3A_101 = arith.constant 0 : i32
    %dma_wait3A_102 = tpu.memref_slice %dma_wait3A_99[%dma_wait3A_100, %dma_wait3A_101] : memref<64x129xf32, #tpu.memory_space<vmem>> -> memref<64x128xf32, #tpu.memory_space<vmem>>
    %dma_wait3A_103 = arith.constant 0 : i32
    %dma_wait3A_104 = arith.constant 0 : i32
    %dma_wait3A_105 = tpu.memref_slice %arg7[%dma_wait3A_103, %dma_wait3A_104] : memref<262144x128xf32, #tpu.memory_space<hbm>> -> memref<64x128xf32, #tpu.memory_space<hbm>>
    tpu.wait_dma2 semaphore(%dma_wait3A_95 : memref<!tpu.dma_semaphore, #tpu.memory_space<semaphore_mem>>) src(%dma_wait3A_105 : memref<64x128xf32, #tpu.memory_space<hbm>>) dst(%dma_wait3A_102 : memref<64x128xf32, #tpu.memory_space<vmem>>)
    %dma_wait3A_106 = arith.constant 1 : i32
    %dma_wait3A_107 = arith.constant 1 : i32
    %dma_wait3A_108 = arith.constant 0 : i32
    %dma_wait3A_109 = arith.constant 0 : i32
    %dma_wait3A_110 = tpu.memref_slice %arg10[%dma_wait3A_106, %dma_wait3A_108, %dma_wait3A_109] : memref<2x64x129xf32, #tpu.memory_space<vmem>> -> memref<1x64x129xf32, #tpu.memory_space<vmem>>
    %dma_wait3A_111 = tpu.memref_squeeze %dma_wait3A_110 : memref<1x64x129xf32, #tpu.memory_space<vmem>> -> memref<64x129xf32, #tpu.memory_space<vmem>>
    %dma_wait3A_112 = arith.constant 0 : i32
    %dma_wait3A_113 = arith.constant 0 : i32
    %dma_wait3A_114 = tpu.memref_slice %dma_wait3A_111[%dma_wait3A_112, %dma_wait3A_113] : memref<64x129xf32, #tpu.memory_space<vmem>> -> memref<64x128xf32, #tpu.memory_space<vmem>>
    %dma_wait3A_115 = arith.constant 0 : i32
    %dma_wait3A_116 = arith.constant 0 : i32
    %dma_wait3A_117 = tpu.memref_slice %arg7[%dma_wait3A_115, %dma_wait3A_116] : memref<262144x128xf32, #tpu.memory_space<hbm>> -> memref<64x128xf32, #tpu.memory_space<hbm>>
    %dma_wait3A_118 = tpu.memref_slice %arg15[%dma_wait3A_107] : memref<2x!tpu.dma_semaphore, #tpu.memory_space<semaphore_mem>> -> memref<1x!tpu.dma_semaphore, #tpu.memory_space<semaphore_mem>>
    %dma_wait3A_119 = tpu.memref_squeeze %dma_wait3A_118 : memref<1x!tpu.dma_semaphore, #tpu.memory_space<semaphore_mem>> -> memref<!tpu.dma_semaphore, #tpu.memory_space<semaphore_mem>>
    %dma_wait3A_120 = arith.constant 0 : i32
    %dma_wait3A_121 = arith.constant 0 : i32
    %dma_wait3A_122 = tpu.memref_slice %arg10[%dma_wait3A_106, %dma_wait3A_120, %dma_wait3A_121] : memref<2x64x129xf32, #tpu.memory_space<vmem>> -> memref<1x64x129xf32, #tpu.memory_space<vmem>>
    %dma_wait3A_123 = tpu.memref_squeeze %dma_wait3A_122 : memref<1x64x129xf32, #tpu.memory_space<vmem>> -> memref<64x129xf32, #tpu.memory_space<vmem>>
    %dma_wait3A_124 = arith.constant 0 : i32
    %dma_wait3A_125 = arith.constant 0 : i32
    %dma_wait3A_126 = tpu.memref_slice %dma_wait3A_123[%dma_wait3A_124, %dma_wait3A_125] : memref<64x129xf32, #tpu.memory_space<vmem>> -> memref<64x128xf32, #tpu.memory_space<vmem>>
    %dma_wait3A_127 = arith.constant 0 : i32
    %dma_wait3A_128 = arith.constant 0 : i32
    %dma_wait3A_129 = tpu.memref_slice %arg7[%dma_wait3A_127, %dma_wait3A_128] : memref<262144x128xf32, #tpu.memory_space<hbm>> -> memref<64x128xf32, #tpu.memory_space<hbm>>
    tpu.wait_dma2 semaphore(%dma_wait3A_119 : memref<!tpu.dma_semaphore, #tpu.memory_space<semaphore_mem>>) src(%dma_wait3A_129 : memref<64x128xf32, #tpu.memory_space<hbm>>) dst(%dma_wait3A_126 : memref<64x128xf32, #tpu.memory_space<vmem>>)
    return
  }
}

</mosaic_0001>

<sc_bundles>
// kernel: kernel.4.cloned.1.call-start
scs
__scs_entry_jumppad:
0x0: {  	(pc) =	sbr.rel $0x88, $3  }
0x1: {  	(tag) =	ssettag $0x0;
	lr =	simm.s32 $0x1  }
0x2: {  	[smem:$0x3F9C] =	sst lr;
	_ =	strace $0xD0000000  }
0x3: {  	_ = 	snop  }
0x4: {  	_ = 	snop  }
0x5: {  	_ = 	snop  }
0x6: {  	_ = 	snop  }
0x7: {  	_ = 	snop  }
__scs_overlays_trampoline_lowered:
0x8: {  	[smem:$0x3FAB] =	sst s0  }
0x9: {  	[smem:$0x3FAC] =	sst s1  }
0xa: {  	[smem:$0x3FAD] =	sst s2  }
0xb: {  	[smem:$0x3FAE] =	sst s3  }
0xc: {  	[smem:$0x3FAF] =	sst s4  }
0xd: {  	[smem:$0x3FB0] =	sst s5  }
0xe: {  	[smem:$0x3FB1] =	sst s6  }
0xf: {  	[smem:$0x3FB2] =	sst s7  }
0x10: {  	[smem:$0x3FB3] =	sst s8  }
0x11: {  	[smem:$0x3FB4] =	sst s9;
	s0 =	simm.s32 @!p0 $0x0  }
0x12: {  	s1 =	sld [smem:$0x3F9A];
	s0 =	simm.s32 @p0 $0x1  }
0x13: {  	[smem:$0x3FB5] =	sst s0;
	s0 =	simm.s32 @!p1 $0x0  }
0x14: {  	s2 =	sld [smem:$0x3F99];
	s0 =	simm.s32 @p1 $0x1  }
0x15: {  	[smem:$0x3FB6] =	sst s0;
	s0 =	simm.s32 @!p2 $0x0  }
0x16: {  	s3 =	sld [smem:$0x3FDB];
	s0 =	simm.s32 @p2 $0x1  }
0x17: {  	s4 =	simm.s32 $0x1BF5;
	[smem:$0x3FB8] =	sst s0  }
0x18: {  	s0 =	sld [smem:$0x3F9B];
	_ =	swait.ge [sflag:s4], $0x0  }
0x19: {  	s7 =	sld [smem:$0x3F9C]  }
0x1a: {  	s8 =	sadd.s32 $0xFFFFE003, lr  }
0x1b: {  	s9 =	sadd.s32 $0xFFFFFEF7, lr;
	s5 =	simm.s32 $0xFFFFFFFF;
	p2 =	slt.u32 s8, $0xFFFFF086  }
0x1c: {  	p1 =	slt.u32 s9, $0xF7A;
	s5 =	simm.s32 @!p2 $0x0  }
0x1d: {  	s5 =	simm.s32 @p1 $0x1;
	p0 =	seq.s32 s7, s2  }
0x1e: {  	s7 =	smul.u32 @!p0 $0xF7A, s2;
	p2 =	seq.s32 @!p0 s5, $0x0  }
0x1f: {  	s9 =	smul.u32 $0xF7A, s1;
	s8 =	simm.s32 @!p0 $0x1BF5;
	p2 =	por !p2, p0  }
0x20: {  	[sflag:s8] =	ssyncset.s32 @!p0 $0xFFFFF086;
	s6 =	sadd.s32 @!p0 s3, s7;
	s7 =	simm.s32 @!p0 $0x108  }
0x21: {  	s3 =	sadd.s32 s3, s9;
	s6 =	sadd.s32 @!p0 $0x88, s6;
	s7 =	simm.s32 @p2 $0x1082  }
0x22: {  	[simem:s7], [sflag:s8] =	dma.local @!p0 [hbm:s6], $0xF7A  }
0x23: {  	s9 =	sor.u32 $0xD0000000, s2;
	s6 =	simm.s32 $0x108;
	_ =	swait.ge @!p0 [sflag:s8], $0x0  }
0x24: {  	s3 =	sadd.s32 $0x88, s3;
	s6 =	simm.s32 @!p1 $0x1082;
	[sflag:s4] =	ssyncset.s32 $0xFFFFF086  }
0x25: {  	[simem:s6], [sflag:s4] =	dma.local [hbm:s3], $0xF7A  }
0x26: {  	[smem:$0x3F9C] =	sst s1;
	(tag) =	ssettag s2;
	_ =	strace s9  }
0x27: {  	s1 =	sld [smem:$0x3FAC]  }
0x28: {  	s2 =	sld [smem:$0x3FAD]  }
0x29: {  	s4 =	sld [smem:$0x3FAF]  }
0x2a: {  	p0 =	seq.s32 s5, $0x0;
	s5 =	sld [smem:$0x3FB0]  }
0x2b: {  	s6 =	sld [smem:$0x3FB1]  }
0x2c: {  	s7 =	sld [smem:$0x3FB2]  }
0x2d: {  	s3 =	simm.s32 $0x108;
	s8 =	sld [smem:$0x3FB3]  }
0x2e: {  	s3 =	simm.s32 @!p0 $0x1082;
	s9 =	sld [smem:$0x3FB4]  }
0x2f: {  	lr =	sadd.s32 s0, s3;
	s0 =	sld [smem:$0x3FAB]  }
0x30: {  	s3 =	sld [smem:$0x3FAE]  }
0x31: {  	[smem:$0x3FB7] =	sst s10  }
0x32: {  	s10 =	sld [smem:$0x3FB5];
	_ =	sdelay $0x3  }
0x33: {  	p0 =	seq.s32 s10, $0x1;
	s10 =	sld [smem:$0x3FB7];
	_ =	sdelay $0x3  }
0x34: {  	[smem:$0x3FB7] =	sst s10  }
0x35: {  	s10 =	sld [smem:$0x3FB6];
	_ =	sdelay $0x3  }
0x36: {  	p1 =	seq.s32 s10, $0x1;
	s10 =	sld [smem:$0x3FB7];
	_ =	sdelay $0x3  }
0x37: {  	[smem:$0x3FB7] =	sst s10  }
0x38: {  	s10 =	sld [smem:$0x3FB8]  }
0x39: {  	_ = 	snop;
	(pc) =	sbr.ind lr, $3  }
0x3a: {  	_ = 	snop  }
0x3b: {  	_ = 	snop  }
0x3c: {  	p2 =	seq.s32 s10, $0x1;
	s10 =	sld [smem:$0x3FB7]  }
0x3d: {  	_ =	shalt  }
0x3e: {  	_ =	shalt  }
0x3f: {  	_ =	shalt  }
0x40: {  	_ =	shalt  }
0x41: {  	_ =	shalt  }
0x42: {  	_ =	shalt  }
0x43: {  	_ =	shalt  }
0x44: {  	_ =	shalt  }
0x45: {  	_ =	shalt  }
0x46: {  	_ =	shalt  }
0x47: {  	_ =	shalt  }
0x48: {  	_ =	shalt  }
0x49: {  	_ =	shalt  }
0x4a: {  	_ =	shalt  }
0x4b: {  	_ =	shalt  }
0x4c: {  	_ =	shalt  }
0x4d: {  	_ =	shalt  }
0x4e: {  	_ =	shalt  }
0x4f: {  	_ =	shalt  }
0x50: {  	_ =	shalt  }
0x51: {  	_ =	shalt  }
0x52: {  	_ =	shalt  }
0x53: {  	_ =	shalt  }
0x54: {  	_ =	shalt  }
0x55: {  	_ =	shalt  }
0x56: {  	_ =	shalt  }
0x57: {  	_ =	shalt  }
0x58: {  	_ =	shalt  }
0x59: {  	_ =	shalt  }
0x5a: {  	_ =	shalt  }
0x5b: {  	_ =	shalt  }
0x5c: {  	_ =	shalt  }
0x5d: {  	_ =	shalt  }
0x5e: {  	_ =	shalt  }
0x5f: {  	_ =	shalt  }
0x60: {  	_ =	shalt  }
0x61: {  	_ =	shalt  }
0x62: {  	_ =	shalt  }
0x63: {  	_ =	shalt  }
0x64: {  	_ =	shalt  }
0x65: {  	_ =	shalt  }
0x66: {  	_ =	shalt  }
0x67: {  	_ =	shalt  }
0x68: {  	_ =	shalt  }
0x69: {  	_ =	shalt  }
0x6a: {  	_ =	shalt  }
0x6b: {  	_ =	shalt  }
0x6c: {  	_ =	shalt  }
0x6d: {  	_ =	shalt  }
0x6e: {  	_ =	shalt  }
0x6f: {  	_ =	shalt  }
0x70: {  	_ =	shalt  }
0x71: {  	_ =	shalt  }
0x72: {  	_ =	shalt  }
0x73: {  	_ =	shalt  }
0x74: {  	_ =	shalt  }
0x75: {  	_ =	shalt  }
0x76: {  	_ =	shalt  }
0x77: {  	_ =	shalt  }
0x78: {  	_ =	shalt  }
0x79: {  	_ =	shalt  }
0x7a: {  	_ =	shalt  }
0x7b: {  	_ =	shalt  }
0x7c: {  	_ =	shalt  }
0x7d: {  	_ =	shalt  }
0x7e: {  	_ =	shalt  }
0x7f: {  	_ =	shalt  }
0x80: {  	_ =	shalt  }
0x81: {  	_ =	shalt  }
0x82: {  	_ =	shalt  }
0x83: {  	_ =	shalt  }
0x84: {  	_ =	shalt  }
0x85: {  	_ =	shalt  }
0x86: {  	_ =	shalt  }
0x87: {  	_ =	shalt  }
.Lfunc_end0:
.L_simem_size_0:
called_computation_lowered:
.L_overlay_start_0:
0x88: {  	s2 =	sld [smem:$0x3FD9]  }
0x89: {  	s3 =	sld [smem:$0x3FFE];
	_ =	sdelay $0x1  }
0x8a: {  	s1 =	srdreg.scid  }
0x8b: {  	s0 =	sand.u32 $0x1, s1  }
0x8c: {  	s17 =	sshll.u32 s0, $0xA;
	s2 =	sadd.s32 s3, s2  }
0x8d: {  	s2 =	sadd.s32 s2, s17  }
0x8e: {  	[smem:$0x3FC3] =	sst s2  }
0x8f: {  	_ = 	snop  }
0x90: {  	s2 =	sld [smem:$0x3FC8]  }
0x91: {  	s18 =	sld [smem:$0x3FD0];
	(tm) =	ssettm $0x1  }
0x92: {  	s4 =	sld [smem:$0x3FFB];
	_ =	sdelay $0x3  }
0x93: {  	_ =	strace s4  }
0x94: {  	s4 =	sld [smem:$0x3FFC];
	_ =	sdelay $0x3  }
0x95: {  	_ =	strace s4  }
0x96: {  	s4 =	sld [smem:$0x3FFD];
	_ =	sdelay $0x3  }
0x97: {  	_ =	strace s4  }
0x98: {  	_ =	strace $0x8FFFFFFF  }
0x99: {  	s19 =	sld [smem:$0x3FDB];
	_ =	sdelay $0x1  }
0x9a: {  	s5 =	simm.s32 $_scs_section_size  }
0x9b: {  	s6 =	simm.s32 $_size__tile_overlayer_lowered;
	s7 =	simm.s32 $_tile_overlayer_lowered  }
0x9c: {  	s22 =	simm.s32 $0x1BFF;
	s21 =	sshll.u32 s7, $0x1;
	s4 =	sadd.s32 s5, s19  }
0x9d: {  	s8 =	simm.s32 $0x0;
	s20 =	sshll.u32 s6, $0x1;
	s6 =	sadd.s32 s21, s4  }
0x9e: {  	[timem:s8], [sflag:s22] =	dma.local [hbm:s6], s20  }
0x9f: {  	_ =	swait.ge [sflag:s22], s20  }
0xa0: {  	s5 =	ssub.s32 $0x0, s20;
	[sflag:s22] =	ssyncset.done $0x0  }
0xa1: {  	[sflag:s22] =	ssyncadd.s32 s5;
	_ =	sdelay $0x1  }
0xa2: {  	s23 =	simm.s32 $0x1B8B  }
0xa3: {  	_ =	swait.ge [sflag:s23], $0x1  }
0xa4: {  	[sflag:s23] =	ssyncset.done $0x0  }
0xa5: {  	s25 =	simm.s32 $0x1B8E;
	s24 =	sld [smem:$0x3FFE];
	[sflag:s23] =	ssyncadd.s32 $0xFFFFFFFF  }
0xa6: {  	s26 =	simm.s32 $execute0_lowered;
	[smem:$0x3FD2] =	sst s25  }
0xa7: {  	s6 =	sshll.u32 s26, $0x1;
	_ =	strace $0x80000046;
	[dreg:$0x1] =	wrdreg $0xFFFFFFFF  }
0xa8: {  	s28 =	simm.s32 $_size_execute0_lowered;
	s4 =	sadd.s32 s4, s6;
	[dreg:$0x0] =	wrdreg $0x0  }
0xa9: {  	s6 =	sshll.u32 s28, $0x1;
	[dreg:$0x2] =	wrdreg s4  }
0xaa: {  	[dreg:$0x3] =	wrdreg s6  }
0xab: {  	[dreg:$0x4] =	wrdreg $0xC0  }
0xac: {  	_ =	task [dreg:s8], $0x5FFFF  }
0xad: {  	[dreg:$0x1] =	wrdreg $0xFFFFFFFF  }
0xae: {  	[dreg:$0x0] =	wrdreg $0x60  }
0xaf: {  	[dreg:$0x2] =	wrdreg s2  }
0xb0: {  	[dreg:$0x3] =	wrdreg s18  }
0xb1: {  	[dreg:$0x4] =	wrdreg s24  }
0xb2: {  	[dreg:$0x5] =	wrdreg $0x9  }
0xb3: {  	_ =	task.clear_ibuf [dreg:s8], $0x6FFFF;
	_ =	strace $0x90000046  }
0xb4: {  	s29 =	simm.s32 $0x9;
	_ =	strace $0x80000048  }
0xb5: {  	_ =	swait.ge [sflag:s29], $0x1  }
0xb6: {  	[sflag:s29] =	ssyncadd.s32 $0xFFFFFFFF  }
0xb7: {  	_ =	strace $0x90000048  }
0xb8: {  	_ =	sfence  }
0xb9: {  	s30 =	sld [smem:$0x0];
	_ =	sdelay $0x2  }
0xba: {  	s31 =	sshll.u32 s1, $0xD;
	s1 =	sshrl.u32 s1, $0x2  }
0xbb: {  	s3 =	sand.u32 $0x4000, s31;
	s1 =	sadd.s32 s1, s30  }
0xbc: {  	s0 =	sor.u32 s3, s0;
	s1 =	sshll.u32 s1, $0x11  }
0xbd: {  	s0 =	sor.u32 s1, s0  }
0xbe: {  	s0 =	sadd.s32 $0x8F2B, s0  }
0xbf: {  	[sflag:s0] =	ssyncadd.remote.s32 $0x1  }
0xc0: {  	_ =	sfence.sel $0xFFFF  }
0xc1: {  	[dreg:$0x0] =	wrdreg $0xFFFFFFFF;
	(pc) =	sbr.abs _section_cstart, $3  }
0xc2: {  	[dreg:$0x1] =	wrdreg $0xFFFFFFFF  }
0xc3: {  	_ =	task.clear_ibuf [dreg:s8], $0x2FFFF;
	_ =	strace $0x9FFFFFFF  }
0xc4: {  	(tm) =	ssettm $0x7FFFFFFF  }
0xc5: {  	_ =	shalt  }
tec
execute0_lowered:
.L_overlay_start_1:
0x0: {  	(tag) =	ssettag $0x1  }
0x1: {  	s1 =	rddreg [dreg:$0x0];
	s0 =	srdreg.scid  }
0x2: {  	s3 =	stileid.u32;
	s2 =	rddreg [dreg:$0x2];
	s4 =	simm.s32 $0x0  }
0x3: {  	s16 =	simm.s32 $0x1;
	s17 =	simm.s32 $0x8000;
	s15 =	simm.s32 $0x10000  }
0x4: {  	s0 =	sand.u32 $0x1, s0;
	s3 =	sshll.u32 s3, $0x1;
	[smem:$0x7FF] =	sst s4  }
0x5: {  	s7 =	sadd.s32 $0xA00, s2;
	s2 =	sadd.s32 $0x7A1A00, s2;
	s5 =	sor.u32 s0, s3  }
0x6: {  	s0 =	ssub.s32 $0x2, s0;
	_ =	strace $0x80000047;
	[dreg:$0x6] =	wrdreg s2  }
.Ltmp0:
0x7: {  	s2 =	simm.s32 $0x0;
	s3 =	sshll.u32 s5, $0x8;
	(pc) =	sbr.rel .LBB2_1-.Ltmp0, $4  }
0x8: {  	s6 =	sshrl.u32 s0, $0x1;
	s9 =	sor.u32 $0x40, s5;
	s3 =	sadd.s32 s1, s3  }
0x9: {  	s0 =	ssub.s32 s0, s6;
	[dreg:$0x4] =	wrdreg s3;
	s3 =	sadd.s32 $0x2000, s3  }
0xa: {  	v0 =	vimm.s32 $0x0;
	vm0 =	vcmask $0x300;
	v1 =	vlaneseq.u32;
	s10 =	sor.u32 $0x60, s5;
	s0 =	smax.u32 s0, $0x1;
	[dreg:$0x5] =	wrdreg s3  }
0xb: {  	v0 =	vsel vm0, $0xB, v0;
	v1 =	vmul.u32 $0x40, v1;
	p0 =	sne.s32 s5, $0x0;
	[dreg:$0x7] =	wrdreg s0;
	s3 =	simm.s32 $0x2  }
.LBB2_11:
0xc: {  	s0 =	simm.s32 $0x3  }
0xd: {  	_ =	swait.ge [sflag:s0], $0x4000  }
0xe: {  	[sflag:s0] =	ssyncset.done $0x0  }
0xf: {  	s29 =	simm.s32 $0x4;
	[sflag:s0] =	ssyncadd.s32 $0xFFFFC000  }
0x10: {  	_ =	swait.ge [sflag:s29], $0x4000  }
0x11: {  	[sflag:s29] =	ssyncset.done $0x0  }
0x12: {  	[sflag:s29] =	ssyncadd.s32 $0xFFFFC000  }
0x13: {  	s2 =	simm.s32 @!p0 $0x18000;
	s0 =	simm.s32 @!p0 $0x0;
	s6 =	rddreg [dreg:$0x1]  }
0x14: {  	[tilespmem:s2], [sflag:$0x5] =	stream.linear.gather @!p0 [hbm4b:s6+s0], $0x1000, $0x38;
	[tilespmem:$0x19000] =	vst v63  }
0x15: {  	s6 =	simm.s32 @!p0 $0x5  }
0x16: {  	_ =	swait.ge @!p0 [sflag:s6], $0x1000  }
0x17: {  	[sflag:s6] =	ssyncset.done @!p0 $0x0  }
0x18: {  	s8 =	rddreg [dreg:$0x6];
	[sflag:s6] =	ssyncadd.s32 @!p0 $0xFFFFF000  }
0x19: {  	[hbm4b:s8+s0] =	stream.linear.scatter @!p0 [tilespmem:s2], [sflag:$0x5], $0x1000, $0x38;
	[tilespmem:$0x19000] =	vst v63  }
0x1a: {  	_ =	swait.ge @!p0 [sflag:s6], $0x1000  }
0x1b: {  	s30 =	rddreg [dreg:$0x8]  }
0x1c: {  	s31 =	rddreg [dreg:$0x7];
	s2 =	sadd.s32 $0x1, s30  }
0x1d: {  	p1 =	sne.s32 s2, s31  }
.Ltmp1:
0x1e: {  	_ = 	snop;
	(pc) =	sbr.rel @!p1 .LBB2_12-.Ltmp1, $3  }
0x1f: {  	_ =	sdelay $0x1  }
0x20: {  	[sflag:s6] =	ssyncset.done @!p0 $0x0  }
0x21: {  	[sflag:s6] =	ssyncadd.s32 @!p0 $0xFFFFF000  }
.LBB2_1:
.Ltmp2:
0x22: {  	[dreg:$0x8] =	wrdreg s2;
	(pc) =	sbr.rel .LBB2_2-.Ltmp2, $4  }
0x23: {  	s0 =	rddreg [dreg:$0x4];
	s30 =	simm.s32 $0x800;
	s6 =	simm.s32 $0x7A1400  }
0x24: {  	[tilespmem:s4], [sflag:$0x1] =	stream.strided.gather [hbm4b:s0+s30], $0x4000, s6, s30, $0x38;
	[tilespmem:$0x19000] =	vst v63  }
0x25: {  	s31 =	rddreg [dreg:$0x5];
	s8 =	simm.s32 $0x4000;
	s28 =	simm.s32 $0x0  }
0x26: {  	[tilespmem:s8], [sflag:$0x2] =	stream.strided.gather [hbm4b:s31+s30], $0x4000, s6, s30, $0x38;
	[tilespmem:$0x19000] =	vst v63  }
.LBB2_10:
0x27: {  	s28 =	sadd.s32 $0x1, s28  }
0x28: {  	p1 =	sne.s32 s28, $0x3E  }
.Ltmp3:
0x29: {  	_ = 	snop;
	(pc) =	sbr.rel @!p1 .LBB2_11-.Ltmp3, $1  }
0x2a: {  	_ =	sdelay $0x3  }
.LBB2_2:
0x2b: {  	s29 =	sshll.u32 s28, $0x6  }
0x2c: {  	s30 =	sor.u32 s5, s29  }
0x2d: {  	p2 =	sgt.u32 s30, $0xF41  }
.Ltmp4:
0x2e: {  	_ = 	snop;
	(pc) =	sbr.rel @p2 .LBB2_6-.Ltmp4, $2  }
0x2f: {  	_ =	sdelay $0x2  }
0x30: {  	p1 =	seq.s32 s28, $0x0  }
0x31: {  	_ =	swait.ge [sflag:s16], $0x4000;
	s0 =	simm.s32 @!p1 $0x3  }
0x32: {  	s2 =	simm.s32 $0x0;
	s6 =	simm.s32 $0x0;
	s21 =	simm.s32 $0x0  }
0x33: {  	s31 =	simm.s32 $0x0;
	[sflag:s16] =	ssyncset.done $0x0;
	s6 =	sand.u32 $0x1FFFFFF8, s6  }
0x34: {  	s13 =	sand.u32 $0x30, s2;
	s18 =	sand.u32 $0x400, s21;
	[sflag:s16] =	ssyncadd.s32 $0xFFFFC000  }
0x35: {  	s2 =	sor.u32 $0x9, s13;
	s8 =	sor.u32 $0xA, s13;
	s11 =	sor.u32 $0xF, s13  }
0x36: {  	s12 =	sor.u32 $0xB, s13;
	s19 =	sor.u32 $0xD, s13;
	s20 =	sor.u32 $0xE, s13  }
0x37: {  	s26 =	sor.u32 $0x8, s13;
	_ =	swait.ge @!p1 [sflag:s0], $0x4000;
	s14 =	sshll.u32 s11, $0x8  }
0x38: {  	v2 =	vmov s6;
	s6 =	sshll.u32 s2, $0x8;
	s21 =	sshll.u32 s8, $0x8;
	s22 =	sshll.u32 s12, $0x8  }
0x39: {  	s24 =	sshll.u32 s19, $0x8;
	s25 =	sshll.u32 s20, $0x8;
	[sflag:s0] =	ssyncset.done @!p1 $0x0  }
0x3a: {  	s14 =	sand.u32 $0x3800, s14;
	s6 =	sand.u32 $0x3800, s6;
	s21 =	sand.u32 $0x3800, s21  }
0x3b: {  	v2 =	vshrl.u32 v2, $0x3;
	s22 =	sand.u32 $0x3800, s22;
	s24 =	sand.u32 $0x3800, s24;
	s25 =	sand.u32 $0x3800, s25  }
0x3c: {  	v2 =	vshll.u32 v2, v0;
	[sflag:s0] =	ssyncadd.s32 @!p1 $0xFFFFC000;
	s0 =	sand.u32 $0x70, s31;
	s31 =	sor.u32 $0xC, s13  }
0x3d: {  	s14 =	sor.u32 s18, s14;
	v5 =	vor.u32 s8, v2;
	v6 =	vor.u32 s12, v2;
	s8 =	sshll.u32 s13, $0x8;
	s12 =	sshll.u32 s26, $0x8  }
0x3e: {  	v3 =	vor.u32 s2, v2;
	v4 =	vor.u32 s11, v2;
	s6 =	sor.u32 s18, s6;
	s21 =	sor.u32 s18, s21;
	s2 =	sor.u32 s18, s22  }
0x3f: {  	v9 =	vor.u32 s13, v2;
	s24 =	sor.u32 s18, s24;
	s25 =	sor.u32 s18, s25;
	v11 =	vor.u32 s26, v2;
	s26 =	sor.u32 $0x4, s13;
	v4 =	vbroadcast v4, $0x0  }
0x40: {  	v8 =	vor.u32 s19, v2;
	s14 =	sor.u32 s0, s14;
	s23 =	sshll.u32 s31, $0x8;
	v9 =	vbroadcast v9, $0x0;
	v3 =	vbroadcast v3, $0x0;
	s8 =	sor.u32 s18, s8  }
0x41: {  	v10 =	vor.u32 s20, v2;
	v5 =	vbroadcast v5, $0x0;
	v6 =	vbroadcast v6, $0x0;
	s12 =	sor.u32 s18, s12;
	s6 =	sor.u32 s0, s6;
	s19 =	sor.u32 s0, s21  }
0x42: {  	v7 =	vor.u32 s31, v2;
	v11 =	vbroadcast v11, $0x0;
	s22 =	sor.u32 s0, s2;
	v8 =	vbroadcast v8, $0x0;
	s20 =	sor.u32 s0, s25;
	s2 =	simm.s32 $0x10  }
0x43: {  	v10 =	vbroadcast v10, $0x0;
	s25 =	sor.u32 $0x3, s13;
	v20 =	vor.u32 s26, v2;
	s23 =	sand.u32 $0x3800, s23;
	v7 =	vbroadcast v7, $0x0;
	v12 =	vld [tilespmem:s14+$0x380];
	s12 =	sor.u32 s0, s12  }
0x44: {  	s14 =	sor.u32 s0, s24;
	s24 =	sor.u32 $0x2, s13;
	v15 =	vld [tilespmem:s22+$0x180];
	s22 =	simm.s32 $0x2;
	v19 =	vor.u32 s25, v2;
	v20 =	vbroadcast v20, $0x0;
	v4 =	vor.u32 v1, v4  }
0x45: {  	v13 =	vld [tilespmem:s6+$0x80];
	s25 =	sor.u32 $0x7, s13;
	s31 =	sand.u32 $0x30, s2;
	s11 =	sor.u32 s18, s23;
	v9 =	vor.u32 v1, v9;
	v11 =	vor.u32 v1, v11;
	v3 =	vor.u32 v1, v3  }
0x46: {  	v5 =	vor.u32 v1, v5;
	s23 =	sor.u32 $0x1, s13;
	v14 =	vor.u32 v1, v8;
	v8 =	vld [tilespmem:s19+$0x100];
	v17 =	vor.u32 s24, v2;
	s24 =	sor.u32 $0x6, s13;
	s6 =	sand.u32 $0x1FFFFFF8, s22  }
0x47: {  	v6 =	vor.u32 v1, v6;
	v10 =	vor.u32 v1, v10;
	v21 =	vld [tilespmem:s14+$0x280];
	s26 =	sor.u32 $0xF, s31;
	v19 =	vbroadcast v19, $0x0;
	s19 =	simm.s32 $0x20;
	s18 =	sor.u32 $0xB, s31  }
0x48: {  	v25 =	vld [tilespmem:s12+$0x0];
	s22 =	simm.s32 $0x4;
	s11 =	sor.u32 s0, s11;
	s0 =	sor.u32 s0, s8;
	v7 =	vor.u32 v1, v7;
	v16 =	vor.u32 s23, v2;
	v17 =	vbroadcast v17, $0x0  }
0x49: {  	s23 =	sor.u32 $0x5, s13;
	v23 =	vmov s6;
	s6 =	sor.u32 $0x9, s31;
	s8 =	sor.u32 $0xA, s31;
	v24 =	vor.u32 s24, v2;
	v18 =	vld [tilespmem:s11+$0x200];
	v16 =	vbroadcast v16, $0x0  }
0x4a: {  	s21 =	sshll.u32 s26, $0x8;
	s14 =	sand.u32 $0x400, s19;
	s24 =	sor.u32 $0xC, s31;
	v20 =	vor.u32 v1, v20;
	v22 =	vor.u32 s23, v2;
	v23 =	vshrl.u32 v23, $0x3;
	v60 =	vld [tilespmem:s0+$0x80];
	[tilespmem:v4+s17+$0x0] =	vst.idx.msk $0xffff, v12  }
0x4b: {  	s13 =	sand.u32 $0x70, s22;
	s23 =	sand.u32 $0x3800, s21;
	s11 =	sshll.u32 s24, $0x8;
	v61 =	vld [tilespmem:s0+$0x100];
	v22 =	vbroadcast v22, $0x0;
	v63 =	vor.u32 v1, v17;
	v16 =	vor.u32 v1, v16;
	[tilespmem:v3+s17+$0x0] =	vst.idx.msk $0xffff, v13  }
0x4c: {  	s12 =	sor.u32 s14, s23;
	s23 =	sor.u32 $0x8, s31;
	s11 =	sand.u32 $0x3800, s11;
	v4 =	vor.u32 s25, v2;
	v12 =	vld [tilespmem:s0+$0x0];
	v2 =	vshll.u32 v23, v0;
	v13 =	vbroadcast v24, $0x0;
	[tilespmem:v5+s17+$0x0] =	vst.idx.msk $0xffff, v8  }
0x4d: {  	s12 =	sor.u32 s13, s12;
	s19 =	sshll.u32 s23, $0x8;
	s11 =	sor.u32 s14, s11;
	v23 =	vld [tilespmem:s20+$0x300];
	[tilespmem:v6+s17+$0x0] =	vst.idx.msk $0xffff, v15;
	v3 =	vor.u32 s26, v2;
	v4 =	vbroadcast v4, $0x0;
	v5 =	vor.u32 s31, v2  }
0x4e: {  	v31 =	vld [tilespmem:s0+$0x180];
	s25 =	sor.u32 $0xD, s31;
	[tilespmem:v11+s17+$0x0] =	vst.idx.msk $0xffff, v25;
	s11 =	sor.u32 s13, s11;
	s26 =	sor.u32 $0xE, s31;
	v8 =	vor.u32 s6, v2;
	v26 =	vor.u32 s8, v2;
	v3 =	vbroadcast v3, $0x0  }
0x4f: {  	[tilespmem:v14+s17+$0x0] =	vst.idx.msk $0xffff, v21;
	v27 =	vor.u32 s18, v2;
	s6 =	sshll.u32 s6, $0x8;
	s8 =	sshll.u32 s8, $0x8;
	s18 =	sshll.u32 s18, $0x8;
	v6 =	vor.u32 s24, v2;
	v29 =	vor.u32 s25, v2  }
0x50: {  	v11 =	vld [tilespmem:s12+$0x380];
	s21 =	sshll.u32 s25, $0x8;
	s24 =	sshll.u32 s31, $0x8;
	v5 =	vbroadcast v5, $0x0;
	s22 =	sshll.u32 s26, $0x8;
	v28 =	vbroadcast v8, $0x0;
	[tilespmem:v7+s17+$0x0] =	vst.idx.msk $0xffff, v18;
	v15 =	vor.u32 v1, v3  }
0x51: {  	v30 =	vor.u32 s26, v2;
	s6 =	sand.u32 $0x3800, s6;
	s8 =	sand.u32 $0x3800, s8;
	s18 =	sand.u32 $0x3800, s18;
	v8 =	vld [tilespmem:s0+$0x200];
	v7 =	vor.u32 s23, v2;
	v6 =	vbroadcast v6, $0x0;
	[tilespmem:v9+s17+$0x0] =	vst.idx.msk $0xffff, v12  }
0x52: {  	s12 =	sand.u32 $0x3800, s21;
	v29 =	vbroadcast v29, $0x0;
	s25 =	sor.u32 s14, s24;
	s21 =	sand.u32 $0x3800, s22;
	v7 =	vbroadcast v7, $0x0;
	v9 =	vld [tilespmem:s0+$0x280];
	[tilespmem:v10+s17+$0x0] =	vst.idx.msk $0xffff, v23;
	v23 =	vor.u32 v1, v19  }
0x53: {  	v18 =	vor.u32 v1, v22;
	s6 =	sor.u32 s14, s6;
	s8 =	sor.u32 s14, s8;
	s18 =	sor.u32 s14, s18;
	v22 =	vbroadcast v30, $0x0;
	[tilespmem:v63+s17+$0x0] =	vst.idx.msk $0xffff, v61;
	v3 =	vor.u32 v1, v5;
	v10 =	vld [tilespmem:s0+$0x300]  }
0x54: {  	s12 =	sor.u32 s14, s12;
	v5 =	vbroadcast v26, $0x0;
	s21 =	sor.u32 s14, s21;
	s6 =	sor.u32 s13, s6;
	[tilespmem:v16+s17+$0x0] =	vst.idx.msk $0xffff, v60;
	v6 =	vor.u32 v1, v6;
	v12 =	vld [tilespmem:s0+$0x380];
	v7 =	vor.u32 v1, v7  }
0x55: {  	v62 =	vbroadcast v27, $0x0;
	s14 =	sor.u32 s14, s19;
	s26 =	sor.u32 s13, s8;
	s18 =	sor.u32 s13, s18;
	v19 =	vor.u32 v1, v4;
	v17 =	vld [tilespmem:s6+$0x80];
	[tilespmem:v15+s17+$0x0] =	vst.idx.msk $0xffff, v11;
	v15 =	vor.u32 v1, v13  }
0x56: {  	s12 =	sor.u32 s13, s12;
	s8 =	sor.u32 s13, s14;
	v21 =	vld [tilespmem:s26+$0x100];
	s14 =	sor.u32 s13, s21;
	v4 =	vor.u32 v1, v22;
	v14 =	vor.u32 v1, v5;
	v5 =	vor.u32 v1, v29  }
0x57: {  	s0 =	sor.u32 s13, s25;
	s6 =	sor.u32 $0x1, s31;
	s13 =	sor.u32 $0x2, s31;
	v16 =	vld [tilespmem:s18+$0x180];
	v13 =	vor.u32 v1, v28;
	v11 =	vor.u32 v1, v62;
	[tilespmem:v23+s17+$0x0] =	vst.idx.msk $0xffff, v31  }
.LBB2_4:
0x58: {  	s2 =	sadd.s32 $0x10, s2;
	v22 =	vor.u32 s6, v2;
	v23 =	vor.u32 s13, v2;
	s6 =	sor.u32 $0x3, s31;
	s13 =	sor.u32 $0x4, s31;
	v24 =	vld [tilespmem:s11+$0x200];
	[tilespmem:v20+s17+$0x0] =	vst.idx.msk $0xffff, v8  }
0x59: {  	s11 =	sshrl.u32 s2, $0x3;
	v20 =	vbroadcast v22, $0x0;
	v8 =	vor.u32 s6, v2;
	v22 =	vor.u32 s13, v2;
	s6 =	sor.u32 $0x5, s31;
	s13 =	sor.u32 $0x6, s31;
	v25 =	vld [tilespmem:s12+$0x280];
	[tilespmem:v18+s17+$0x0] =	vst.idx.msk $0xffff, v9  }
0x5a: {  	p2 =	slt.u32 s2, $0x3F0;
	v18 =	vbroadcast v23, $0x0;
	s11 =	sand.u32 $0x1FFFFFF8, s11;
	v9 =	vor.u32 s6, v2;
	v23 =	vor.u32 s13, v2;
	s6 =	sor.u32 $0x7, s31;
	v26 =	vld [tilespmem:s14+$0x300];
	[tilespmem:v15+s17+$0x0] =	vst.idx.msk $0xffff, v10  }
0x5b: {  	s12 =	sshll.u32 s2, $0x1;
	s31 =	sand.u32 $0x30, s2;
	v15 =	vbroadcast v8, $0x0;
	v10 =	vmov s11;
	v8 =	vor.u32 s6, v2;
	v27 =	vld [tilespmem:s8+$0x0];
	[tilespmem:v19+s17+$0x0] =	vst.idx.msk $0xffff, v12  }
0x5c: {  	s6 =	sor.u32 $0x9, s31;
	s8 =	sor.u32 $0xA, s31;
	s11 =	sor.u32 $0xF, s31;
	v19 =	vbroadcast v22, $0x0;
	v22 =	vbroadcast v9, $0x0;
	v2 =	vshrl.u32 v10, $0x3;
	v10 =	vld [tilespmem:s0+$0x0];
	[tilespmem:v13+s17+$0x0] =	vst.idx.msk $0xffff, v17  }
0x5d: {  	s19 =	sshrl.u32 s2, $0x2;
	s18 =	sor.u32 $0xB, s31;
	s13 =	sshll.u32 s11, $0x8;
	v13 =	vbroadcast v23, $0x0;
	v17 =	vbroadcast v8, $0x0;
	v2 =	vshll.u32 v2, v0;
	v28 =	vld [tilespmem:s0+$0x80];
	[tilespmem:v14+s17+$0x0] =	vst.idx.msk $0xffff, v21  }
0x5e: {  	s14 =	sand.u32 $0x400, s12;
	s20 =	sor.u32 $0xE, s31;
	s12 =	sand.u32 $0x3800, s13;
	v8 =	vor.u32 s31, v2;
	v9 =	vor.u32 s6, v2;
	v12 =	vor.u32 s11, v2;
	v23 =	vld [tilespmem:s0+$0x100]  }
0x5f: {  	s13 =	sand.u32 $0x70, s19;
	v14 =	vor.u32 s8, v2;
	v21 =	vor.u32 s18, v2;
	s11 =	sor.u32 $0xC, s31;
	s12 =	sor.u32 s14, s12;
	v12 =	vbroadcast v12, $0x0;
	v29 =	vld [tilespmem:s0+$0x180];
	[tilespmem:v11+s17+$0x0] =	vst.idx.msk $0xffff, v16  }
0x60: {  	s19 =	sor.u32 $0xD, s31;
	s6 =	sshll.u32 s6, $0x8;
	v11 =	vbroadcast v8, $0x0;
	v16 =	vbroadcast v9, $0x0;
	v30 =	vor.u32 s11, v2;
	s12 =	sor.u32 s13, s12;
	v8 =	vld [tilespmem:s0+$0x200];
	[tilespmem:v7+s17+$0x0] =	vst.idx.msk $0xffff, v27  }
0x61: {  	s8 =	sshll.u32 s8, $0x8;
	s18 =	sshll.u32 s18, $0x8;
	s11 =	sshll.u32 s11, $0x8;
	v7 =	vor.u32 s19, v2;
	v27 =	vor.u32 s20, v2;
	v31 =	vld [tilespmem:s12+$0x380];
	v32 =	vor.u32 v1, v12;
	[tilespmem:v3+s17+$0x0] =	vst.idx.msk $0xffff, v10  }
0x62: {  	v21 =	vbroadcast v21, $0x0;
	s6 =	sand.u32 $0x3800, s6;
	v3 =	vor.u32 v1, v11;
	v11 =	vbroadcast v14, $0x0;
	s12 =	sshll.u32 s19, $0x8;
	s19 =	sshll.u32 s20, $0x8;
	v9 =	vld [tilespmem:s0+$0x280];
	[tilespmem:v6+s17+$0x0] =	vst.idx.msk $0xffff, v24  }
0x63: {  	s8 =	sand.u32 $0x3800, s8;
	s18 =	sand.u32 $0x3800, s18;
	s20 =	sor.u32 $0x8, s31;
	v6 =	vbroadcast v30, $0x0;
	v24 =	vbroadcast v7, $0x0;
	v30 =	vor.u32 v1, v20;
	v10 =	vld [tilespmem:s0+$0x300];
	[tilespmem:v5+s17+$0x0] =	vst.idx.msk $0xffff, v25  }
0x64: {  	s11 =	sand.u32 $0x3800, s11;
	s6 =	sor.u32 s14, s6;
	s12 =	sand.u32 $0x3800, s12;
	v5 =	vor.u32 s20, v2;
	v25 =	vbroadcast v27, $0x0;
	v27 =	vor.u32 v1, v18;
	v12 =	vld [tilespmem:s0+$0x380];
	[tilespmem:v4+s17+$0x0] =	vst.idx.msk $0xffff, v26  }
0x65: {  	s19 =	sand.u32 $0x3800, s19;
	v20 =	vor.u32 v1, v19;
	s20 =	sshll.u32 s20, $0x8;
	s0 =	sshll.u32 s31, $0x8;
	v4 =	vbroadcast v5, $0x0;
	v26 =	vor.u32 v1, v15  }
0x66: {  	s8 =	sor.u32 s14, s8;
	s18 =	sor.u32 s14, s18;
	s11 =	sor.u32 s14, s11;
	v18 =	vor.u32 v1, v22;
	v15 =	vor.u32 v1, v13;
	[tilespmem:v32+s17+$0x0] =	vst.idx.msk $0xffff, v31  }
.Ltmp5:
0x67: {  	v19 =	vor.u32 v1, v17;
	s12 =	sor.u32 s14, s12;
	s19 =	sor.u32 s14, s19;
	v13 =	vor.u32 v1, v16;
	v7 =	vor.u32 v1, v4;
	(pc) =	sbr.rel @p2 .LBB2_4-.Ltmp5, $4  }
0x68: {  	s6 =	sor.u32 s13, s6;
	v14 =	vor.u32 v1, v11;
	v11 =	vor.u32 v1, v21;
	v6 =	vor.u32 v1, v6;
	s0 =	sor.u32 s14, s0;
	s14 =	sor.u32 s14, s20  }
0x69: {  	s18 =	sor.u32 s13, s18;
	s11 =	sor.u32 s13, s11;
	v5 =	vor.u32 v1, v24;
	v4 =	vor.u32 v1, v25;
	v17 =	vld [tilespmem:s6+$0x80];
	s6 =	sor.u32 s13, s8;
	[tilespmem:v30+s17+$0x0] =	vst.idx.msk $0xffff, v28  }
0x6a: {  	s12 =	sor.u32 s13, s12;
	s8 =	sor.u32 s13, s14;
	s14 =	sor.u32 s13, s19;
	v21 =	vld [tilespmem:s6+$0x100];
	[tilespmem:v27+s17+$0x0] =	vst.idx.msk $0xffff, v23  }
0x6b: {  	s0 =	sor.u32 s13, s0;
	s13 =	sor.u32 $0x2, s31;
	s6 =	sor.u32 $0x1, s31;
	v16 =	vld [tilespmem:s18+$0x180];
	[tilespmem:v26+s17+$0x0] =	vst.idx.msk $0xffff, v29  }
0x6c: {  	_ =	sdelay $0x3  }
0x6d: {  	[tilespmem:v20+s17+$0x0] =	vst.idx.msk $0xffff, v8  }
0x6e: {  	[tilespmem:v18+s17+$0x0] =	vst.idx.msk $0xffff, v9  }
0x6f: {  	v41 =	vld [tilespmem:s8+$0x0];
	[tilespmem:v15+s17+$0x0] =	vst.idx.msk $0xffff, v10  }
0x70: {  	[tilespmem:v19+s17+$0x0] =	vst.idx.msk $0xffff, v12;
	v42 =	vld [tilespmem:s0+$0x0]  }
0x71: {  	v43 =	vor.u32 s6, v2;
	v44 =	vld [tilespmem:s11+$0x200];
	s24 =	sor.u32 $0x4, s31;
	[tilespmem:v13+s17+$0x0] =	vst.idx.msk $0xffff, v17  }
0x72: {  	v45 =	vor.u32 s13, v2;
	v46 =	vld [tilespmem:s12+$0x280];
	s2 =	sor.u32 $0x3, s31;
	s25 =	sor.u32 $0x5, s31;
	v10 =	vbroadcast v43, $0x0;
	v49 =	vor.u32 s24, v2;
	[tilespmem:v14+s17+$0x0] =	vst.idx.msk $0xffff, v21  }
0x73: {  	v48 =	vld [tilespmem:s14+$0x300];
	s26 =	sor.u32 $0x6, s31;
	v47 =	vor.u32 s2, v2;
	v52 =	vor.u32 s25, v2;
	v53 =	vbroadcast v49, $0x0;
	[tilespmem:v11+s17+$0x0] =	vst.idx.msk $0xffff, v16  }
0x74: {  	v50 =	vld [tilespmem:s0+$0x80];
	s6 =	sor.u32 $0x7, s31;
	v55 =	vor.u32 s26, v2;
	v8 =	vbroadcast v52, $0x0;
	v51 =	vor.u32 v1, v10;
	[tilespmem:v7+s17+$0x0] =	vst.idx.msk $0xffff, v41  }
0x75: {  	v58 =	vld [tilespmem:s0+$0x200];
	v2 =	vor.u32 s6, v2;
	v9 =	vbroadcast v55, $0x0;
	v59 =	vor.u32 v1, v53;
	[tilespmem:v3+s17+$0x0] =	vst.idx.msk $0xffff, v42  }
0x76: {  	v60 =	vld [tilespmem:s0+$0x280];
	v2 =	vbroadcast v2, $0x0;
	v61 =	vor.u32 v1, v8;
	[tilespmem:v6+s17+$0x0] =	vst.idx.msk $0xffff, v44  }
0x77: {  	v62 =	vld [tilespmem:s0+$0x300];
	v13 =	vbroadcast v45, $0x0;
	v9 =	vor.u32 v1, v9;
	[tilespmem:v5+s17+$0x0] =	vst.idx.msk $0xffff, v46  }
0x78: {  	v63 =	vld [tilespmem:s0+$0x380];
	v14 =	vbroadcast v47, $0x0;
	v2 =	vor.u32 v1, v2;
	[tilespmem:v4+s17+$0x0] =	vst.idx.msk $0xffff, v48  }
0x79: {  	v54 =	vld [tilespmem:s0+$0x100];
	v3 =	vor.u32 v1, v13;
	[tilespmem:v51+s17+$0x0] =	vst.idx.msk $0xffff, v50  }
0x7a: {  	v56 =	vld [tilespmem:s0+$0x180];
	v57 =	vor.u32 v1, v14;
	[tilespmem:v59+s17+$0x0] =	vst.idx.msk $0xffff, v58  }
0x7b: {  	[tilespmem:v61+s17+$0x0] =	vst.idx.msk $0xffff, v60  }
0x7c: {  	[tilespmem:v9+s17+$0x0] =	vst.idx.msk $0xffff, v62  }
0x7d: {  	[tilespmem:v2+s17+$0x0] =	vst.idx.msk $0xffff, v63  }
0x7e: {  	s8 =	sshll.u32 s30, $0xB;
	[tilespmem:v3+s17+$0x0] =	vst.idx.msk $0xffff, v54  }
0x7f: {  	s0 =	sadd.s32 s7, s8;
	[tilespmem:v57+s17+$0x0] =	vst.idx.msk $0xffff, v56  }
0x80: {  	[hbm4b:s0+s4] =	stream.linear.scatter [tilespmem:s17], [sflag:$0x3], $0x400, $0x38;
	[tilespmem:$0x19000] =	vst v63  }
0x81: {  	s12 =	simm.s32 $0x8800;
	s11 =	sadd.s32 $0x80, s0  }
0x82: {  	[hbm4b:s11+s4] =	stream.linear.scatter [tilespmem:s12], [sflag:$0x3], $0x400, $0x38;
	[tilespmem:$0x19000] =	vst v63  }
0x83: {  	s14 =	simm.s32 $0x9000;
	s13 =	sadd.s32 $0x100, s0  }
0x84: {  	[hbm4b:s13+s4] =	stream.linear.scatter [tilespmem:s14], [sflag:$0x3], $0x400, $0x38;
	[tilespmem:$0x19000] =	vst v63  }
0x85: {  	s19 =	simm.s32 $0x9800;
	s18 =	sadd.s32 $0x180, s0  }
0x86: {  	[hbm4b:s18+s4] =	stream.linear.scatter [tilespmem:s19], [sflag:$0x3], $0x400, $0x38;
	[tilespmem:$0x19000] =	vst v63  }
0x87: {  	s21 =	simm.s32 $0xA000;
	s20 =	sadd.s32 $0x200, s0  }
0x88: {  	[hbm4b:s20+s4] =	stream.linear.scatter [tilespmem:s21], [sflag:$0x3], $0x400, $0x38;
	[tilespmem:$0x19000] =	vst v63  }
0x89: {  	s23 =	simm.s32 $0xA800;
	s22 =	sadd.s32 $0x280, s0  }
0x8a: {  	[hbm4b:s22+s4] =	stream.linear.scatter [tilespmem:s23], [sflag:$0x3], $0x400, $0x38;
	[tilespmem:$0x19000] =	vst v63  }
0x8b: {  	s25 =	simm.s32 $0xB000;
	s24 =	sadd.s32 $0x300, s0  }
0x8c: {  	[hbm4b:s24+s4] =	stream.linear.scatter [tilespmem:s25], [sflag:$0x3], $0x400, $0x38;
	[tilespmem:$0x19000] =	vst v63  }
0x8d: {  	s31 =	simm.s32 $0xB800;
	s26 =	sadd.s32 $0x380, s0  }
0x8e: {  	[hbm4b:s26+s4] =	stream.linear.scatter [tilespmem:s31], [sflag:$0x3], $0x400, $0x38;
	[tilespmem:$0x19000] =	vst v63  }
0x8f: {  	s8 =	sadd.s32 $0x400, s0;
	s11 =	simm.s32 $0xC000  }
0x90: {  	[hbm4b:s8+s4] =	stream.linear.scatter [tilespmem:s11], [sflag:$0x3], $0x400, $0x38;
	[tilespmem:$0x19000] =	vst v63  }
0x91: {  	s12 =	sadd.s32 $0x480, s0;
	s13 =	simm.s32 $0xC800  }
0x92: {  	[hbm4b:s12+s4] =	stream.linear.scatter [tilespmem:s13], [sflag:$0x3], $0x400, $0x38;
	[tilespmem:$0x19000] =	vst v63  }
0x93: {  	s14 =	sadd.s32 $0x500, s0;
	s18 =	simm.s32 $0xD000  }
0x94: {  	[hbm4b:s14+s4] =	stream.linear.scatter [tilespmem:s18], [sflag:$0x3], $0x400, $0x38;
	[tilespmem:$0x19000] =	vst v63  }
0x95: {  	s19 =	sadd.s32 $0x580, s0;
	s20 =	simm.s32 $0xD800  }
0x96: {  	[hbm4b:s19+s4] =	stream.linear.scatter [tilespmem:s20], [sflag:$0x3], $0x400, $0x38;
	[tilespmem:$0x19000] =	vst v63  }
0x97: {  	s21 =	sadd.s32 $0x600, s0;
	s22 =	simm.s32 $0xE000  }
0x98: {  	[hbm4b:s21+s4] =	stream.linear.scatter [tilespmem:s22], [sflag:$0x3], $0x400, $0x38;
	[tilespmem:$0x19000] =	vst v63  }
0x99: {  	s23 =	sadd.s32 $0x680, s0;
	s24 =	simm.s32 $0xE800  }
0x9a: {  	[hbm4b:s23+s4] =	stream.linear.scatter [tilespmem:s24], [sflag:$0x3], $0x400, $0x38;
	[tilespmem:$0x19000] =	vst v63  }
0x9b: {  	s25 =	sadd.s32 $0x700, s0;
	s26 =	simm.s32 $0xF000  }
0x9c: {  	[hbm4b:s25+s4] =	stream.linear.scatter [tilespmem:s26], [sflag:$0x3], $0x400, $0x38;
	[tilespmem:$0x19000] =	vst v63  }
0x9d: {  	s0 =	sadd.s32 $0x780, s0;
	s31 =	simm.s32 $0xF800  }
0x9e: {  	[hbm4b:s0+s4] =	stream.linear.scatter [tilespmem:s31], [sflag:$0x3], $0x400, $0x38;
	[tilespmem:$0x19000] =	vst v63  }
0x9f: {  	s0 =	sadd.s32 s9, s29  }
0xa0: {  	p2 =	sgt.u32 s0, $0xF41  }
0xa1: {  	s0 =	sshll.u32 @!p2 s0, $0x8;
	s2 =	simm.s32 @!p2 $0x800  }
0xa2: {  	s6 =	simm.s32 @!p2 $0x7A1400;
	s8 =	simm.s32 @!p2 $0x0;
	s0 =	sadd.s32 @!p2 s1, s0  }
0xa3: {  	[tilespmem:s8], [sflag:$0x1] =	stream.strided.gather @!p2 [hbm4b:s0+s2], $0x4000, s6, s2, $0x38;
	[tilespmem:$0x19000] =	vst v63  }
.LBB2_6:
0xa4: {  	s30 =	sor.u32 $0x20, s30  }
0xa5: {  	p2 =	sgt.u32 s30, $0xF41  }
.Ltmp6:
0xa6: {  	_ = 	snop;
	(pc) =	sbr.rel @p2 .LBB2_10-.Ltmp6, $1  }
0xa7: {  	_ =	sdelay $0x3  }
0xa8: {  	_ =	swait.ge [sflag:s3], $0x4000;
	s0 =	simm.s32 @!p1 $0x4  }
0xa9: {  	s2 =	simm.s32 $0x0;
	s6 =	simm.s32 $0x0;
	s26 =	simm.s32 $0x0  }
0xaa: {  	s18 =	simm.s32 $0x0;
	[sflag:s3] =	ssyncset.done $0x0;
	s6 =	sand.u32 $0x1FFFFFF8, s6  }
0xab: {  	s13 =	sand.u32 $0x30, s2;
	s19 =	sand.u32 $0x400, s26;
	[sflag:s3] =	ssyncadd.s32 $0xFFFFC000  }
0xac: {  	s2 =	sor.u32 $0x9, s13;
	s8 =	sor.u32 $0xA, s13;
	s11 =	sor.u32 $0xF, s13  }
0xad: {  	s12 =	sor.u32 $0xB, s13;
	s20 =	sor.u32 $0xD, s13;
	s21 =	sor.u32 $0xE, s13  }
0xae: {  	s31 =	sor.u32 $0x8, s13;
	_ =	swait.ge @!p1 [sflag:s0], $0x4000;
	s14 =	sshll.u32 s11, $0x8  }
0xaf: {  	v2 =	vmov s6;
	s6 =	sshll.u32 s2, $0x8;
	s22 =	sshll.u32 s8, $0x8;
	s23 =	sshll.u32 s12, $0x8  }
0xb0: {  	s25 =	sshll.u32 s20, $0x8;
	s26 =	sshll.u32 s21, $0x8;
	[sflag:s0] =	ssyncset.done @!p1 $0x0  }
0xb1: {  	v2 =	vshrl.u32 v2, $0x3;
	s14 =	sand.u32 $0x3800, s14;
	s6 =	sand.u32 $0x3800, s6;
	s22 =	sand.u32 $0x3800, s22  }
0xb2: {  	v2 =	vshll.u32 v2, v0;
	s26 =	sand.u32 $0x3800, s26;
	[sflag:s0] =	ssyncadd.s32 @!p1 $0xFFFFC000;
	s0 =	sand.u32 $0x70, s18  }
0xb3: {  	s18 =	sor.u32 $0xC, s13;
	s14 =	sor.u32 s19, s14;
	v4 =	vor.u32 s11, v2;
	s11 =	sand.u32 $0x3800, s23  }
0xb4: {  	v6 =	vor.u32 s12, v2;
	s12 =	sshll.u32 s13, $0x8;
	s6 =	sor.u32 s19, s6;
	s22 =	sor.u32 s19, s22  }
0xb5: {  	v3 =	vor.u32 s2, v2;
	v5 =	vor.u32 s8, v2;
	v10 =	vor.u32 s21, v2;
	s21 =	sor.u32 $0x2, s13;
	s14 =	sor.u32 s0, s14;
	s24 =	sshll.u32 s18, $0x8  }
0xb6: {  	v9 =	vor.u32 s13, v2;
	v7 =	vor.u32 s18, v2;
	v4 =	vbroadcast v4, $0x0;
	s2 =	sor.u32 s19, s11;
	s18 =	sor.u32 s19, s26;
	s8 =	sor.u32 s19, s12  }
0xb7: {  	v8 =	vor.u32 s20, v2;
	v9 =	vbroadcast v9, $0x0;
	v3 =	vbroadcast v3, $0x0;
	s6 =	sor.u32 s0, s6;
	s23 =	sand.u32 $0x3800, s24;
	s24 =	sand.u32 $0x3800, s25  }
0xb8: {  	v11 =	vor.u32 s31, v2;
	v5 =	vbroadcast v5, $0x0;
	v6 =	vbroadcast v6, $0x0;
	s25 =	sshll.u32 s31, $0x8;
	s26 =	sor.u32 s0, s2;
	s18 =	sor.u32 s0, s18  }
0xb9: {  	v11 =	vbroadcast v11, $0x0;
	v8 =	vbroadcast v8, $0x0;
	s2 =	simm.s32 $0x10;
	s11 =	sor.u32 s19, s23;
	s24 =	sor.u32 s19, s24  }
0xba: {  	v10 =	vbroadcast v10, $0x0;
	v17 =	vor.u32 s21, v2;
	v7 =	vbroadcast v7, $0x0;
	v12 =	vld [tilespmem:s14+$0x4380];
	s12 =	sor.u32 s19, s25;
	s25 =	sor.u32 s0, s22;
	s22 =	sor.u32 $0x3, s13  }
0xbb: {  	v17 =	vbroadcast v17, $0x0;
	v4 =	vor.u32 v1, v4;
	v9 =	vor.u32 v1, v9;
	s23 =	sor.u32 $0x4, s13;
	v15 =	vld [tilespmem:s26+$0x4180];
	s26 =	sor.u32 $0x6, s13;
	s31 =	sand.u32 $0x30, s2  }
0xbc: {  	v13 =	vld [tilespmem:s6+$0x4080];
	v11 =	vor.u32 v1, v11;
	v3 =	vor.u32 v1, v3;
	v5 =	vor.u32 v1, v5;
	s11 =	sor.u32 s0, s11;
	s12 =	sor.u32 s0, s12;
	s14 =	sor.u32 s0, s24  }
0xbd: {  	v6 =	vor.u32 v1, v6;
	v14 =	vor.u32 v1, v8;
	v10 =	vor.u32 v1, v10;
	s0 =	sor.u32 s0, s8;
	s8 =	sor.u32 $0x1, s13;
	v8 =	vld [tilespmem:s25+$0x4100];
	s24 =	simm.s32 $0x2  }
0xbe: {  	v7 =	vor.u32 v1, v7;
	s25 =	sor.u32 $0x5, s13;
	v19 =	vor.u32 s22, v2;
	v20 =	vor.u32 s23, v2;
	s22 =	sor.u32 $0x7, s13;
	s23 =	sor.u32 $0xF, s31;
	v18 =	vld [tilespmem:s11+$0x4200]  }
0xbf: {  	v24 =	vor.u32 s26, v2;
	s19 =	sor.u32 $0xB, s31;
	s26 =	simm.s32 $0x4;
	v63 =	vor.u32 v1, v17;
	v16 =	vor.u32 s8, v2;
	s6 =	sand.u32 $0x1FFFFFF8, s24;
	v21 =	vld [tilespmem:s14+$0x4280]  }
0xc0: {  	v22 =	vor.u32 s25, v2;
	s8 =	sor.u32 $0xA, s31;
	v19 =	vbroadcast v19, $0x0;
	v25 =	vld [tilespmem:s12+$0x4000];
	s24 =	simm.s32 $0x20;
	s25 =	sshll.u32 s23, $0x8;
	v20 =	vbroadcast v20, $0x0  }
0xc1: {  	s13 =	sand.u32 $0x70, s26;
	v60 =	vld [tilespmem:s0+$0x4080];
	v16 =	vbroadcast v16, $0x0;
	v23 =	vmov s6;
	s14 =	sand.u32 $0x400, s24;
	s21 =	sand.u32 $0x3800, s25;
	v22 =	vbroadcast v22, $0x0;
	[tilespmem:v4+s15+$0x0] =	vst.idx.msk $0xffff, v12  }
0xc2: {  	v61 =	vld [tilespmem:s0+$0x4100];
	s6 =	sor.u32 $0x9, s31;
	s24 =	sor.u32 $0xE, s31;
	v23 =	vshrl.u32 v23, $0x3;
	s12 =	sor.u32 s14, s21;
	v20 =	vor.u32 v1, v20;
	v4 =	vor.u32 s22, v2;
	[tilespmem:v3+s15+$0x0] =	vst.idx.msk $0xffff, v13  }
0xc3: {  	s26 =	sshll.u32 s24, $0x8;
	v12 =	vld [tilespmem:s0+$0x4000];
	v2 =	vshll.u32 v23, v0;
	v13 =	vbroadcast v24, $0x0;
	s22 =	sor.u32 $0xC, s31;
	s12 =	sor.u32 s13, s12;
	[tilespmem:v6+s15+$0x0] =	vst.idx.msk $0xffff, v15;
	v16 =	vor.u32 v1, v16  }
0xc4: {  	v23 =	vld [tilespmem:s18+$0x4300];
	s21 =	sand.u32 $0x3800, s26;
	v3 =	vor.u32 s23, v2;
	v4 =	vbroadcast v4, $0x0;
	[tilespmem:v5+s15+$0x0] =	vst.idx.msk $0xffff, v8;
	s23 =	sor.u32 $0xD, s31;
	v8 =	vor.u32 s6, v2;
	s6 =	sshll.u32 s6, $0x8  }
0xc5: {  	v31 =	vld [tilespmem:s0+$0x4180];
	v26 =	vor.u32 s8, v2;
	v27 =	vor.u32 s19, v2;
	s8 =	sshll.u32 s8, $0x8;
	s19 =	sshll.u32 s19, $0x8;
	s11 =	sshll.u32 s22, $0x8;
	v3 =	vbroadcast v3, $0x0;
	[tilespmem:v11+s15+$0x0] =	vst.idx.msk $0xffff, v25  }
0xc6: {  	v5 =	vor.u32 s31, v2;
	v6 =	vor.u32 s22, v2;
	v30 =	vor.u32 s24, v2;
	s22 =	sor.u32 $0x8, s31;
	s21 =	sor.u32 s14, s21;
	s25 =	sshll.u32 s23, $0x8;
	[tilespmem:v7+s15+$0x0] =	vst.idx.msk $0xffff, v18  }
0xc7: {  	v5 =	vbroadcast v5, $0x0;
	v11 =	vld [tilespmem:s12+$0x4380];
	v28 =	vbroadcast v8, $0x0;
	s6 =	sand.u32 $0x3800, s6;
	s8 =	sand.u32 $0x3800, s8;
	s19 =	sand.u32 $0x3800, s19;
	[tilespmem:v14+s15+$0x0] =	vst.idx.msk $0xffff, v21;
	v15 =	vor.u32 v1, v3  }
0xc8: {  	v29 =	vor.u32 s23, v2;
	s11 =	sand.u32 $0x3800, s11;
	v8 =	vld [tilespmem:s0+$0x4200];
	v7 =	vor.u32 s22, v2;
	s23 =	sshll.u32 s31, $0x8;
	s18 =	sshll.u32 s22, $0x8;
	v6 =	vbroadcast v6, $0x0;
	[tilespmem:v9+s15+$0x0] =	vst.idx.msk $0xffff, v12  }
0xc9: {  	v18 =	vor.u32 v1, v22;
	s12 =	sand.u32 $0x3800, s25;
	v7 =	vbroadcast v7, $0x0;
	s6 =	sor.u32 s14, s6;
	s8 =	sor.u32 s14, s8;
	v9 =	vld [tilespmem:s0+$0x4280];
	[tilespmem:v10+s15+$0x0] =	vst.idx.msk $0xffff, v23;
	v23 =	vor.u32 v1, v19  }
0xca: {  	v22 =	vbroadcast v30, $0x0;
	[tilespmem:v63+s15+$0x0] =	vst.idx.msk $0xffff, v61;
	s19 =	sor.u32 s14, s19;
	v29 =	vbroadcast v29, $0x0;
	s11 =	sor.u32 s14, s11;
	s24 =	sor.u32 s14, s23;
	v3 =	vor.u32 v1, v5;
	v10 =	vld [tilespmem:s0+$0x4300]  }
0xcb: {  	v5 =	vbroadcast v26, $0x0;
	s12 =	sor.u32 s14, s12;
	s14 =	sor.u32 s14, s18;
	s6 =	sor.u32 s13, s6;
	v6 =	vor.u32 v1, v6;
	v12 =	vld [tilespmem:s0+$0x4380];
	v7 =	vor.u32 v1, v7;
	[tilespmem:v16+s15+$0x0] =	vst.idx.msk $0xffff, v60  }
0xcc: {  	v62 =	vbroadcast v27, $0x0;
	s25 =	sor.u32 s13, s8;
	s26 =	sor.u32 s13, s19;
	s11 =	sor.u32 s13, s11;
	v19 =	vor.u32 v1, v4;
	v17 =	vld [tilespmem:s6+$0x4080];
	[tilespmem:v15+s15+$0x0] =	vst.idx.msk $0xffff, v11;
	v15 =	vor.u32 v1, v13  }
0xcd: {  	s8 =	sor.u32 s13, s21;
	s14 =	sor.u32 s13, s14;
	v21 =	vld [tilespmem:s25+$0x4100];
	s12 =	sor.u32 s13, s12;
	v4 =	vor.u32 v1, v22;
	v14 =	vor.u32 v1, v5;
	v5 =	vor.u32 v1, v29  }
0xce: {  	s0 =	sor.u32 s13, s24;
	s6 =	sor.u32 $0x1, s31;
	s13 =	sor.u32 $0x2, s31;
	v16 =	vld [tilespmem:s26+$0x4180];
	v13 =	vor.u32 v1, v28;
	v11 =	vor.u32 v1, v62;
	[tilespmem:v23+s15+$0x0] =	vst.idx.msk $0xffff, v31  }
.LBB2_8:
0xcf: {  	s2 =	sadd.s32 $0x10, s2;
	v22 =	vor.u32 s6, v2;
	v23 =	vor.u32 s13, v2;
	s6 =	sor.u32 $0x3, s31;
	s13 =	sor.u32 $0x4, s31;
	v24 =	vld [tilespmem:s11+$0x4200];
	[tilespmem:v20+s15+$0x0] =	vst.idx.msk $0xffff, v8  }
0xd0: {  	s11 =	sshrl.u32 s2, $0x3;
	v20 =	vbroadcast v22, $0x0;
	v8 =	vor.u32 s6, v2;
	v22 =	vor.u32 s13, v2;
	s6 =	sor.u32 $0x5, s31;
	s13 =	sor.u32 $0x6, s31;
	v25 =	vld [tilespmem:s12+$0x4280];
	[tilespmem:v18+s15+$0x0] =	vst.idx.msk $0xffff, v9  }
0xd1: {  	p1 =	slt.u32 s2, $0x3F0;
	v18 =	vbroadcast v23, $0x0;
	s11 =	sand.u32 $0x1FFFFFF8, s11;
	v9 =	vor.u32 s6, v2;
	v23 =	vor.u32 s13, v2;
	s6 =	sor.u32 $0x7, s31;
	v26 =	vld [tilespmem:s8+$0x4300];
	[tilespmem:v15+s15+$0x0] =	vst.idx.msk $0xffff, v10  }
0xd2: {  	s12 =	sshll.u32 s2, $0x1;
	s31 =	sand.u32 $0x30, s2;
	v15 =	vbroadcast v8, $0x0;
	v10 =	vmov s11;
	v8 =	vor.u32 s6, v2;
	v27 =	vld [tilespmem:s14+$0x4000];
	[tilespmem:v19+s15+$0x0] =	vst.idx.msk $0xffff, v12  }
0xd3: {  	s6 =	sor.u32 $0x9, s31;
	s8 =	sor.u32 $0xA, s31;
	s11 =	sor.u32 $0xF, s31;
	v19 =	vbroadcast v22, $0x0;
	v22 =	vbroadcast v9, $0x0;
	v2 =	vshrl.u32 v10, $0x3;
	v10 =	vld [tilespmem:s0+$0x4000];
	[tilespmem:v13+s15+$0x0] =	vst.idx.msk $0xffff, v17  }
0xd4: {  	s19 =	sshrl.u32 s2, $0x2;
	s18 =	sor.u32 $0xB, s31;
	s13 =	sshll.u32 s11, $0x8;
	v13 =	vbroadcast v23, $0x0;
	v17 =	vbroadcast v8, $0x0;
	v2 =	vshll.u32 v2, v0;
	v28 =	vld [tilespmem:s0+$0x4080];
	[tilespmem:v14+s15+$0x0] =	vst.idx.msk $0xffff, v21  }
0xd5: {  	s14 =	sand.u32 $0x400, s12;
	s20 =	sor.u32 $0xE, s31;
	s12 =	sand.u32 $0x3800, s13;
	v8 =	vor.u32 s31, v2;
	v9 =	vor.u32 s6, v2;
	v12 =	vor.u32 s11, v2;
	v23 =	vld [tilespmem:s0+$0x4100]  }
0xd6: {  	s13 =	sand.u32 $0x70, s19;
	v14 =	vor.u32 s8, v2;
	v21 =	vor.u32 s18, v2;
	s11 =	sor.u32 $0xC, s31;
	s12 =	sor.u32 s14, s12;
	v12 =	vbroadcast v12, $0x0;
	v29 =	vld [tilespmem:s0+$0x4180];
	[tilespmem:v11+s15+$0x0] =	vst.idx.msk $0xffff, v16  }
0xd7: {  	s19 =	sor.u32 $0xD, s31;
	s6 =	sshll.u32 s6, $0x8;
	v11 =	vbroadcast v8, $0x0;
	v16 =	vbroadcast v9, $0x0;
	v30 =	vor.u32 s11, v2;
	s12 =	sor.u32 s13, s12;
	v8 =	vld [tilespmem:s0+$0x4200];
	[tilespmem:v7+s15+$0x0] =	vst.idx.msk $0xffff, v27  }
0xd8: {  	s8 =	sshll.u32 s8, $0x8;
	s18 =	sshll.u32 s18, $0x8;
	s11 =	sshll.u32 s11, $0x8;
	v7 =	vor.u32 s19, v2;
	v27 =	vor.u32 s20, v2;
	v31 =	vld [tilespmem:s12+$0x4380];
	v32 =	vor.u32 v1, v12;
	[tilespmem:v3+s15+$0x0] =	vst.idx.msk $0xffff, v10  }
0xd9: {  	v21 =	vbroadcast v21, $0x0;
	s6 =	sand.u32 $0x3800, s6;
	v3 =	vor.u32 v1, v11;
	v11 =	vbroadcast v14, $0x0;
	s12 =	sshll.u32 s19, $0x8;
	s19 =	sshll.u32 s20, $0x8;
	v9 =	vld [tilespmem:s0+$0x4280];
	[tilespmem:v6+s15+$0x0] =	vst.idx.msk $0xffff, v24  }
0xda: {  	s8 =	sand.u32 $0x3800, s8;
	s18 =	sand.u32 $0x3800, s18;
	s20 =	sor.u32 $0x8, s31;
	v6 =	vbroadcast v30, $0x0;
	v24 =	vbroadcast v7, $0x0;
	v30 =	vor.u32 v1, v20;
	v10 =	vld [tilespmem:s0+$0x4300];
	[tilespmem:v5+s15+$0x0] =	vst.idx.msk $0xffff, v25  }
0xdb: {  	s11 =	sand.u32 $0x3800, s11;
	s6 =	sor.u32 s14, s6;
	s12 =	sand.u32 $0x3800, s12;
	v5 =	vor.u32 s20, v2;
	v25 =	vbroadcast v27, $0x0;
	v27 =	vor.u32 v1, v18;
	v12 =	vld [tilespmem:s0+$0x4380];
	[tilespmem:v4+s15+$0x0] =	vst.idx.msk $0xffff, v26  }
0xdc: {  	s19 =	sand.u32 $0x3800, s19;
	v20 =	vor.u32 v1, v19;
	s20 =	sshll.u32 s20, $0x8;
	s0 =	sshll.u32 s31, $0x8;
	v4 =	vbroadcast v5, $0x0;
	v26 =	vor.u32 v1, v15  }
0xdd: {  	s8 =	sor.u32 s14, s8;
	s18 =	sor.u32 s14, s18;
	s11 =	sor.u32 s14, s11;
	v18 =	vor.u32 v1, v22;
	v15 =	vor.u32 v1, v13;
	[tilespmem:v32+s15+$0x0] =	vst.idx.msk $0xffff, v31  }
.Ltmp7:
0xde: {  	v19 =	vor.u32 v1, v17;
	s12 =	sor.u32 s14, s12;
	s19 =	sor.u32 s14, s19;
	v13 =	vor.u32 v1, v16;
	v7 =	vor.u32 v1, v4;
	(pc) =	sbr.rel @p1 .LBB2_8-.Ltmp7, $4  }
0xdf: {  	s6 =	sor.u32 s13, s6;
	v14 =	vor.u32 v1, v11;
	v11 =	vor.u32 v1, v21;
	v6 =	vor.u32 v1, v6;
	s0 =	sor.u32 s14, s0;
	s14 =	sor.u32 s14, s20  }
0xe0: {  	s18 =	sor.u32 s13, s18;
	s11 =	sor.u32 s13, s11;
	v5 =	vor.u32 v1, v24;
	v4 =	vor.u32 v1, v25;
	v17 =	vld [tilespmem:s6+$0x4080];
	s6 =	sor.u32 s13, s8;
	[tilespmem:v30+s15+$0x0] =	vst.idx.msk $0xffff, v28  }
0xe1: {  	s12 =	sor.u32 s13, s12;
	s14 =	sor.u32 s13, s14;
	s8 =	sor.u32 s13, s19;
	v21 =	vld [tilespmem:s6+$0x4100];
	[tilespmem:v27+s15+$0x0] =	vst.idx.msk $0xffff, v23  }
0xe2: {  	s0 =	sor.u32 s13, s0;
	s13 =	sor.u32 $0x2, s31;
	s6 =	sor.u32 $0x1, s31;
	v16 =	vld [tilespmem:s18+$0x4180];
	[tilespmem:v26+s15+$0x0] =	vst.idx.msk $0xffff, v29  }
0xe3: {  	_ =	sdelay $0x3  }
0xe4: {  	[tilespmem:v20+s15+$0x0] =	vst.idx.msk $0xffff, v8  }
0xe5: {  	[tilespmem:v18+s15+$0x0] =	vst.idx.msk $0xffff, v9;
	v41 =	vld [tilespmem:s14+$0x4000]  }
0xe6: {  	[tilespmem:v15+s15+$0x0] =	vst.idx.msk $0xffff, v10;
	v42 =	vld [tilespmem:s0+$0x4000]  }
0xe7: {  	[tilespmem:v19+s15+$0x0] =	vst.idx.msk $0xffff, v12;
	v44 =	vld [tilespmem:s11+$0x4200]  }
0xe8: {  	v43 =	vor.u32 s6, v2;
	v46 =	vld [tilespmem:s12+$0x4280];
	s6 =	sor.u32 $0x4, s31;
	[tilespmem:v13+s15+$0x0] =	vst.idx.msk $0xffff, v17  }
0xe9: {  	v45 =	vor.u32 s13, v2;
	s2 =	sor.u32 $0x3, s31;
	v48 =	vld [tilespmem:s8+$0x4300];
	s8 =	sor.u32 $0x5, s31;
	v10 =	vbroadcast v43, $0x0;
	v49 =	vor.u32 s6, v2;
	[tilespmem:v14+s15+$0x0] =	vst.idx.msk $0xffff, v21  }
0xea: {  	s11 =	sor.u32 $0x6, s31;
	v47 =	vor.u32 s2, v2;
	v52 =	vor.u32 s8, v2;
	v53 =	vbroadcast v49, $0x0;
	[tilespmem:v11+s15+$0x0] =	vst.idx.msk $0xffff, v16  }
0xeb: {  	v50 =	vld [tilespmem:s0+$0x4080];
	s12 =	sor.u32 $0x7, s31;
	v55 =	vor.u32 s11, v2;
	v8 =	vbroadcast v52, $0x0;
	v51 =	vor.u32 v1, v10;
	[tilespmem:v7+s15+$0x0] =	vst.idx.msk $0xffff, v41  }
0xec: {  	v58 =	vld [tilespmem:s0+$0x4200];
	v2 =	vor.u32 s12, v2;
	v9 =	vbroadcast v55, $0x0;
	v59 =	vor.u32 v1, v53;
	[tilespmem:v3+s15+$0x0] =	vst.idx.msk $0xffff, v42  }
0xed: {  	v60 =	vld [tilespmem:s0+$0x4280];
	v2 =	vbroadcast v2, $0x0;
	v61 =	vor.u32 v1, v8;
	[tilespmem:v6+s15+$0x0] =	vst.idx.msk $0xffff, v44  }
0xee: {  	v62 =	vld [tilespmem:s0+$0x4300];
	v13 =	vbroadcast v45, $0x0;
	v9 =	vor.u32 v1, v9;
	[tilespmem:v5+s15+$0x0] =	vst.idx.msk $0xffff, v46  }
0xef: {  	v63 =	vld [tilespmem:s0+$0x4380];
	v14 =	vbroadcast v47, $0x0;
	v2 =	vor.u32 v1, v2;
	[tilespmem:v4+s15+$0x0] =	vst.idx.msk $0xffff, v48  }
0xf0: {  	v54 =	vld [tilespmem:s0+$0x4100];
	v3 =	vor.u32 v1, v13;
	[tilespmem:v51+s15+$0x0] =	vst.idx.msk $0xffff, v50  }
0xf1: {  	v56 =	vld [tilespmem:s0+$0x4180];
	v57 =	vor.u32 v1, v14;
	[tilespmem:v59+s15+$0x0] =	vst.idx.msk $0xffff, v58  }
0xf2: {  	[tilespmem:v61+s15+$0x0] =	vst.idx.msk $0xffff, v60  }
0xf3: {  	[tilespmem:v9+s15+$0x0] =	vst.idx.msk $0xffff, v62  }
0xf4: {  	[tilespmem:v2+s15+$0x0] =	vst.idx.msk $0xffff, v63  }
0xf5: {  	s13 =	sshll.u32 s30, $0xB;
	[tilespmem:v3+s15+$0x0] =	vst.idx.msk $0xffff, v54  }
0xf6: {  	s0 =	sadd.s32 s7, s13;
	[tilespmem:v57+s15+$0x0] =	vst.idx.msk $0xffff, v56  }
0xf7: {  	[hbm4b:s0+s4] =	stream.linear.scatter [tilespmem:s15], [sflag:$0x4], $0x400, $0x38;
	[tilespmem:$0x19000] =	vst v63  }
0xf8: {  	s18 =	simm.s32 $0x10800;
	s14 =	sadd.s32 $0x80, s0  }
0xf9: {  	[hbm4b:s14+s4] =	stream.linear.scatter [tilespmem:s18], [sflag:$0x4], $0x400, $0x38;
	[tilespmem:$0x19000] =	vst v63  }
0xfa: {  	s20 =	simm.s32 $0x11000;
	s19 =	sadd.s32 $0x100, s0  }
0xfb: {  	[hbm4b:s19+s4] =	stream.linear.scatter [tilespmem:s20], [sflag:$0x4], $0x400, $0x38;
	[tilespmem:$0x19000] =	vst v63  }
0xfc: {  	s22 =	simm.s32 $0x11800;
	s21 =	sadd.s32 $0x180, s0  }
0xfd: {  	[hbm4b:s21+s4] =	stream.linear.scatter [tilespmem:s22], [sflag:$0x4], $0x400, $0x38;
	[tilespmem:$0x19000] =	vst v63  }
0xfe: {  	s24 =	simm.s32 $0x12000;
	s23 =	sadd.s32 $0x200, s0  }
0xff: {  	[hbm4b:s23+s4] =	stream.linear.scatter [tilespmem:s24], [sflag:$0x4], $0x400, $0x38;
	[tilespmem:$0x19000] =	vst v63  }
0x100: {  	s26 =	simm.s32 $0x12800;
	s25 =	sadd.s32 $0x280, s0  }
0x101: {  	[hbm4b:s25+s4] =	stream.linear.scatter [tilespmem:s26], [sflag:$0x4], $0x400, $0x38;
	[tilespmem:$0x19000] =	vst v63  }
0x102: {  	s31 =	simm.s32 $0x13000;
	s30 =	sadd.s32 $0x300, s0  }
0x103: {  	[hbm4b:s30+s4] =	stream.linear.scatter [tilespmem:s31], [sflag:$0x4], $0x400, $0x38;
	[tilespmem:$0x19000] =	vst v63  }
0x104: {  	s8 =	simm.s32 $0x13800;
	s6 =	sadd.s32 $0x380, s0  }
0x105: {  	[hbm4b:s6+s4] =	stream.linear.scatter [tilespmem:s8], [sflag:$0x4], $0x400, $0x38;
	[tilespmem:$0x19000] =	vst v63  }
0x106: {  	s12 =	simm.s32 $0x14000;
	s11 =	sadd.s32 $0x400, s0  }
0x107: {  	[hbm4b:s11+s4] =	stream.linear.scatter [tilespmem:s12], [sflag:$0x4], $0x400, $0x38;
	[tilespmem:$0x19000] =	vst v63  }
0x108: {  	s13 =	sadd.s32 $0x480, s0;
	s14 =	simm.s32 $0x14800  }
0x109: {  	[hbm4b:s13+s4] =	stream.linear.scatter [tilespmem:s14], [sflag:$0x4], $0x400, $0x38;
	[tilespmem:$0x19000] =	vst v63  }
0x10a: {  	s18 =	sadd.s32 $0x500, s0;
	s19 =	simm.s32 $0x15000  }
0x10b: {  	[hbm4b:s18+s4] =	stream.linear.scatter [tilespmem:s19], [sflag:$0x4], $0x400, $0x38;
	[tilespmem:$0x19000] =	vst v63  }
0x10c: {  	s20 =	sadd.s32 $0x580, s0;
	s21 =	simm.s32 $0x15800  }
0x10d: {  	[hbm4b:s20+s4] =	stream.linear.scatter [tilespmem:s21], [sflag:$0x4], $0x400, $0x38;
	[tilespmem:$0x19000] =	vst v63  }
0x10e: {  	s22 =	sadd.s32 $0x600, s0;
	s23 =	simm.s32 $0x16000  }
0x10f: {  	[hbm4b:s22+s4] =	stream.linear.scatter [tilespmem:s23], [sflag:$0x4], $0x400, $0x38;
	[tilespmem:$0x19000] =	vst v63  }
0x110: {  	s24 =	sadd.s32 $0x680, s0;
	s25 =	simm.s32 $0x16800  }
0x111: {  	[hbm4b:s24+s4] =	stream.linear.scatter [tilespmem:s25], [sflag:$0x4], $0x400, $0x38;
	[tilespmem:$0x19000] =	vst v63  }
0x112: {  	s26 =	sadd.s32 $0x700, s0;
	s30 =	simm.s32 $0x17000  }
0x113: {  	[hbm4b:s26+s4] =	stream.linear.scatter [tilespmem:s30], [sflag:$0x4], $0x400, $0x38;
	[tilespmem:$0x19000] =	vst v63  }
0x114: {  	s0 =	sadd.s32 $0x780, s0;
	s31 =	simm.s32 $0x17800  }
0x115: {  	[hbm4b:s0+s4] =	stream.linear.scatter [tilespmem:s31], [sflag:$0x4], $0x400, $0x38;
	[tilespmem:$0x19000] =	vst v63  }
.Ltmp8:
0x116: {  	s0 =	sadd.s32 s10, s29;
	(pc) =	sbr.rel .LBB2_10-.Ltmp8, $4  }
0x117: {  	p1 =	sgt.u32 s0, $0xF41  }
0x118: {  	s0 =	sshll.u32 @!p1 s0, $0x8;
	s2 =	simm.s32 @!p1 $0x800  }
0x119: {  	s6 =	simm.s32 @!p1 $0x7A1400;
	s8 =	simm.s32 @!p1 $0x4000;
	s0 =	sadd.s32 @!p1 s1, s0  }
0x11a: {  	[tilespmem:s8], [sflag:$0x2] =	stream.strided.gather @!p1 [hbm4b:s0+s2], $0x4000, s6, s2, $0x38;
	[tilespmem:$0x19000] =	vst v63  }
.LBB2_12:
0x11b: {  	_ =	sfence.sel $0x180000  }
0x11c: {  	[bflag:$0x0] =	sbarrier.arrive $0xFFFF  }
0x11d: {  	_ =	strace $0x90000047  }
0x11e: {  	s0 =	stileid.u32;
	[bflag:$0x2] =	sbarrier.arrive $0xFFFF  }
0x11f: {  	p0 =	sne.s32 s0, $0x0;
	s0 =	rddreg [dreg:$0x3]  }
0x120: {  	s0 =	sadd.s32 @!p0 $0x100000, s0  }
0x121: {  	[sflag:s0] =	ssyncadd.tile.s32 @!p0 $0x1;
	_ =	shalt  }
.Lfunc_end2:
_tile_overlayer_lowered:
.L_overlay_start_2:
0x122: {  	(tag) =	ssettag $0x2  }
0x123: {  	s0 =	rddreg [dreg:$0x0];
	s2 =	stileid.u32  }
0x124: {  	s1 =	rddreg [dreg:$0x1];
	p0 =	sne.s32 s2, $0x0  }
0x125: {  	s3 =	rddreg [dreg:$0x2];
	[bflag:$0x3] =	sbarrier.arrive $0xFFFF;
	s2 =	simm.s32 @!p0 $0x1C05  }
0x126: {  	[timem:s3], [sflag:s2] =	dma.local @!p0 [hbm:s0], s1  }
0x127: {  	s0 =	simm.s32 @!p0 $0x5  }
0x128: {  	_ =	swait.ge @!p0 [sflag:s0], s1  }
0x129: {  	s1 =	ssub.s32 @!p0 $0x0, s1;
	[sflag:s0] =	ssyncset.done @!p0 $0x0  }
0x12a: {  	[sflag:s0] =	ssyncadd.s32 @!p0 s1  }
0x12b: {  	[bflag:$0x3] =	sbarrier.arrive $0xFFFF  }
0x12c: {  	_ =	shalt  }

// kernel: kernel.7.cloned.1.call-start
scs
__scs_entry_jumppad:
0x0: {  	(pc) =	sbr.rel $0x88, $3  }
0x1: {  	(tag) =	ssettag $0x0;
	lr =	simm.s32 $0x1  }
0x2: {  	[smem:$0x3F9C] =	sst lr;
	_ =	strace $0xD0000000  }
0x3: {  	_ = 	snop  }
0x4: {  	_ = 	snop  }
0x5: {  	_ = 	snop  }
0x6: {  	_ = 	snop  }
0x7: {  	_ = 	snop  }
__scs_overlays_trampoline_lowered:
0x8: {  	[smem:$0x3FAB] =	sst s0  }
0x9: {  	[smem:$0x3FAC] =	sst s1  }
0xa: {  	[smem:$0x3FAD] =	sst s2  }
0xb: {  	[smem:$0x3FAE] =	sst s3  }
0xc: {  	[smem:$0x3FAF] =	sst s4  }
0xd: {  	[smem:$0x3FB0] =	sst s5  }
0xe: {  	[smem:$0x3FB1] =	sst s6  }
0xf: {  	[smem:$0x3FB2] =	sst s7  }
0x10: {  	[smem:$0x3FB3] =	sst s8  }
0x11: {  	[smem:$0x3FB4] =	sst s9;
	s0 =	simm.s32 @!p0 $0x0  }
0x12: {  	s1 =	sld [smem:$0x3F9A];
	s0 =	simm.s32 @p0 $0x1  }
0x13: {  	[smem:$0x3FB5] =	sst s0;
	s0 =	simm.s32 @!p1 $0x0  }
0x14: {  	s2 =	sld [smem:$0x3F99];
	s0 =	simm.s32 @p1 $0x1  }
0x15: {  	[smem:$0x3FB6] =	sst s0;
	s0 =	simm.s32 @!p2 $0x0  }
0x16: {  	s3 =	sld [smem:$0x3FDB];
	s0 =	simm.s32 @p2 $0x1  }
0x17: {  	s4 =	simm.s32 $0x1BF5;
	[smem:$0x3FB8] =	sst s0  }
0x18: {  	s0 =	sld [smem:$0x3F9B];
	_ =	swait.ge [sflag:s4], $0x0  }
0x19: {  	s7 =	sld [smem:$0x3F9C]  }
0x1a: {  	s8 =	sadd.s32 $0xFFFFE003, lr  }
0x1b: {  	s9 =	sadd.s32 $0xFFFFFEF7, lr;
	s5 =	simm.s32 $0xFFFFFFFF;
	p2 =	slt.u32 s8, $0xFFFFF086  }
0x1c: {  	p1 =	slt.u32 s9, $0xF7A;
	s5 =	simm.s32 @!p2 $0x0  }
0x1d: {  	s5 =	simm.s32 @p1 $0x1;
	p0 =	seq.s32 s7, s2  }
0x1e: {  	s7 =	smul.u32 @!p0 $0xF7A, s2;
	p2 =	seq.s32 @!p0 s5, $0x0  }
0x1f: {  	s9 =	smul.u32 $0xF7A, s1;
	s8 =	simm.s32 @!p0 $0x1BF5;
	p2 =	por !p2, p0  }
0x20: {  	[sflag:s8] =	ssyncset.s32 @!p0 $0xFFFFF086;
	s6 =	sadd.s32 @!p0 s3, s7;
	s7 =	simm.s32 @!p0 $0x108  }
0x21: {  	s3 =	sadd.s32 s3, s9;
	s6 =	sadd.s32 @!p0 $0x88, s6;
	s7 =	simm.s32 @p2 $0x1082  }
0x22: {  	[simem:s7], [sflag:s8] =	dma.local @!p0 [hbm:s6], $0xF7A  }
0x23: {  	s9 =	sor.u32 $0xD0000000, s2;
	s6 =	simm.s32 $0x108;
	_ =	swait.ge @!p0 [sflag:s8], $0x0  }
0x24: {  	s3 =	sadd.s32 $0x88, s3;
	s6 =	simm.s32 @!p1 $0x1082;
	[sflag:s4] =	ssyncset.s32 $0xFFFFF086  }
0x25: {  	[simem:s6], [sflag:s4] =	dma.local [hbm:s3], $0xF7A  }
0x26: {  	[smem:$0x3F9C] =	sst s1;
	(tag) =	ssettag s2;
	_ =	strace s9  }
0x27: {  	s1 =	sld [smem:$0x3FAC]  }
0x28: {  	s2 =	sld [smem:$0x3FAD]  }
0x29: {  	s4 =	sld [smem:$0x3FAF]  }
0x2a: {  	p0 =	seq.s32 s5, $0x0;
	s5 =	sld [smem:$0x3FB0]  }
0x2b: {  	s6 =	sld [smem:$0x3FB1]  }
0x2c: {  	s7 =	sld [smem:$0x3FB2]  }
0x2d: {  	s3 =	simm.s32 $0x108;
	s8 =	sld [smem:$0x3FB3]  }
0x2e: {  	s3 =	simm.s32 @!p0 $0x1082;
	s9 =	sld [smem:$0x3FB4]  }
0x2f: {  	lr =	sadd.s32 s0, s3;
	s0 =	sld [smem:$0x3FAB]  }
0x30: {  	s3 =	sld [smem:$0x3FAE]  }
0x31: {  	[smem:$0x3FB7] =	sst s10  }
0x32: {  	s10 =	sld [smem:$0x3FB5];
	_ =	sdelay $0x3  }
0x33: {  	p0 =	seq.s32 s10, $0x1;
	s10 =	sld [smem:$0x3FB7];
	_ =	sdelay $0x3  }
0x34: {  	[smem:$0x3FB7] =	sst s10  }
0x35: {  	s10 =	sld [smem:$0x3FB6];
	_ =	sdelay $0x3  }
0x36: {  	p1 =	seq.s32 s10, $0x1;
	s10 =	sld [smem:$0x3FB7];
	_ =	sdelay $0x3  }
0x37: {  	[smem:$0x3FB7] =	sst s10  }
0x38: {  	s10 =	sld [smem:$0x3FB8]  }
0x39: {  	_ = 	snop;
	(pc) =	sbr.ind lr, $3  }
0x3a: {  	_ = 	snop  }
0x3b: {  	_ = 	snop  }
0x3c: {  	p2 =	seq.s32 s10, $0x1;
	s10 =	sld [smem:$0x3FB7]  }
0x3d: {  	_ =	shalt  }
0x3e: {  	_ =	shalt  }
0x3f: {  	_ =	shalt  }
0x40: {  	_ =	shalt  }
0x41: {  	_ =	shalt  }
0x42: {  	_ =	shalt  }
0x43: {  	_ =	shalt  }
0x44: {  	_ =	shalt  }
0x45: {  	_ =	shalt  }
0x46: {  	_ =	shalt  }
0x47: {  	_ =	shalt  }
0x48: {  	_ =	shalt  }
0x49: {  	_ =	shalt  }
0x4a: {  	_ =	shalt  }
0x4b: {  	_ =	shalt  }
0x4c: {  	_ =	shalt  }
0x4d: {  	_ =	shalt  }
0x4e: {  	_ =	shalt  }
0x4f: {  	_ =	shalt  }
0x50: {  	_ =	shalt  }
0x51: {  	_ =	shalt  }
0x52: {  	_ =	shalt  }
0x53: {  	_ =	shalt  }
0x54: {  	_ =	shalt  }
0x55: {  	_ =	shalt  }
0x56: {  	_ =	shalt  }
0x57: {  	_ =	shalt  }
0x58: {  	_ =	shalt  }
0x59: {  	_ =	shalt  }
0x5a: {  	_ =	shalt  }
0x5b: {  	_ =	shalt  }
0x5c: {  	_ =	shalt  }
0x5d: {  	_ =	shalt  }
0x5e: {  	_ =	shalt  }
0x5f: {  	_ =	shalt  }
0x60: {  	_ =	shalt  }
0x61: {  	_ =	shalt  }
0x62: {  	_ =	shalt  }
0x63: {  	_ =	shalt  }
0x64: {  	_ =	shalt  }
0x65: {  	_ =	shalt  }
0x66: {  	_ =	shalt  }
0x67: {  	_ =	shalt  }
0x68: {  	_ =	shalt  }
0x69: {  	_ =	shalt  }
0x6a: {  	_ =	shalt  }
0x6b: {  	_ =	shalt  }
0x6c: {  	_ =	shalt  }
0x6d: {  	_ =	shalt  }
0x6e: {  	_ =	shalt  }
0x6f: {  	_ =	shalt  }
0x70: {  	_ =	shalt  }
0x71: {  	_ =	shalt  }
0x72: {  	_ =	shalt  }
0x73: {  	_ =	shalt  }
0x74: {  	_ =	shalt  }
0x75: {  	_ =	shalt  }
0x76: {  	_ =	shalt  }
0x77: {  	_ =	shalt  }
0x78: {  	_ =	shalt  }
0x79: {  	_ =	shalt  }
0x7a: {  	_ =	shalt  }
0x7b: {  	_ =	shalt  }
0x7c: {  	_ =	shalt  }
0x7d: {  	_ =	shalt  }
0x7e: {  	_ =	shalt  }
0x7f: {  	_ =	shalt  }
0x80: {  	_ =	shalt  }
0x81: {  	_ =	shalt  }
0x82: {  	_ =	shalt  }
0x83: {  	_ =	shalt  }
0x84: {  	_ =	shalt  }
0x85: {  	_ =	shalt  }
0x86: {  	_ =	shalt  }
0x87: {  	_ =	shalt  }
.Lfunc_end0:
.L_simem_size_0:
called_computation.1_lowered:
.L_overlay_start_0:
0x88: {  	s2 =	sld [smem:$0x3FD9]  }
0x89: {  	s3 =	sld [smem:$0x3FFE];
	_ =	sdelay $0x1  }
0x8a: {  	s1 =	srdreg.scid  }
0x8b: {  	s0 =	sand.u32 $0x1, s1  }
0x8c: {  	s17 =	sshll.u32 s0, $0xA;
	s2 =	sadd.s32 s3, s2  }
0x8d: {  	s2 =	sadd.s32 s2, s17  }
0x8e: {  	[smem:$0x3FC3] =	sst s2  }
0x8f: {  	_ = 	snop  }
0x90: {  	s2 =	sld [smem:$0x3FC9]  }
0x91: {  	s18 =	sld [smem:$0x3FC6]  }
0x92: {  	s4 =	sld [smem:$0x3FC5]  }
0x93: {  	s5 =	sld [smem:$0x3FD0];
	(tm) =	ssettm $0x1  }
0x94: {  	s6 =	sld [smem:$0x3FFB];
	_ =	sdelay $0x3  }
0x95: {  	_ =	strace s6  }
0x96: {  	s6 =	sld [smem:$0x3FFC];
	_ =	sdelay $0x3  }
0x97: {  	_ =	strace s6  }
0x98: {  	s6 =	sld [smem:$0x3FFD];
	_ =	sdelay $0x3  }
0x99: {  	_ =	strace s6  }
0x9a: {  	_ =	strace $0x8FFFFFFF  }
0x9b: {  	s19 =	sld [smem:$0x3FDB];
	_ =	sdelay $0x1  }
0x9c: {  	s7 =	simm.s32 $_scs_section_size  }
0x9d: {  	s8 =	simm.s32 $_size__tile_overlayer_lowered;
	s9 =	simm.s32 $_tile_overlayer_lowered  }
0x9e: {  	s22 =	simm.s32 $0x1BFF;
	s21 =	sshll.u32 s9, $0x1;
	s6 =	sadd.s32 s7, s19  }
0x9f: {  	s10 =	simm.s32 $0x0;
	s20 =	sshll.u32 s8, $0x1;
	s8 =	sadd.s32 s21, s6  }
0xa0: {  	[timem:s10], [sflag:s22] =	dma.local [hbm:s8], s20  }
0xa1: {  	_ =	swait.ge [sflag:s22], s20  }
0xa2: {  	s7 =	ssub.s32 $0x0, s20;
	[sflag:s22] =	ssyncset.done $0x0  }
0xa3: {  	[sflag:s22] =	ssyncadd.s32 s7;
	_ =	sdelay $0x1  }
0xa4: {  	s23 =	simm.s32 $0x1B8B  }
0xa5: {  	_ =	swait.ge [sflag:s23], $0x1  }
0xa6: {  	[sflag:s23] =	ssyncset.done $0x0  }
0xa7: {  	s25 =	simm.s32 $0x1B8E;
	s24 =	sld [smem:$0x3FFE];
	[sflag:s23] =	ssyncadd.s32 $0xFFFFFFFF  }
0xa8: {  	s26 =	simm.s32 $execute0_lowered;
	[smem:$0x3FD2] =	sst s25  }
0xa9: {  	s8 =	sshll.u32 s26, $0x1;
	_ =	strace $0x80000049;
	[dreg:$0x1] =	wrdreg $0xFFFFFFFF  }
0xaa: {  	s28 =	simm.s32 $_size_execute0_lowered;
	s6 =	sadd.s32 s6, s8;
	[dreg:$0x0] =	wrdreg $0x0  }
0xab: {  	s8 =	sshll.u32 s28, $0x1;
	[dreg:$0x2] =	wrdreg s6  }
0xac: {  	[dreg:$0x3] =	wrdreg s8  }
0xad: {  	[dreg:$0x4] =	wrdreg $0xC0  }
0xae: {  	_ =	task [dreg:s10], $0x5FFFF  }
0xaf: {  	[dreg:$0x1] =	wrdreg $0xFFFFFFFF  }
0xb0: {  	[dreg:$0x0] =	wrdreg $0x60  }
0xb1: {  	[dreg:$0x2] =	wrdreg s2  }
0xb2: {  	[dreg:$0x3] =	wrdreg s24  }
0xb3: {  	[dreg:$0x4] =	wrdreg s18  }
0xb4: {  	[dreg:$0x5] =	wrdreg s4  }
0xb5: {  	[dreg:$0x6] =	wrdreg s5  }
0xb6: {  	[dreg:$0x7] =	wrdreg $0x9  }
0xb7: {  	_ =	task.clear_ibuf [dreg:s10], $0x8FFFF;
	_ =	strace $0x90000049  }
0xb8: {  	s29 =	simm.s32 $0x9;
	_ =	strace $0x8000004B  }
0xb9: {  	_ =	swait.ge [sflag:s29], $0x1  }
0xba: {  	[sflag:s29] =	ssyncadd.s32 $0xFFFFFFFF  }
0xbb: {  	_ =	strace $0x9000004B  }
0xbc: {  	_ =	sfence  }
0xbd: {  	s30 =	sld [smem:$0x0];
	_ =	sdelay $0x2  }
0xbe: {  	s31 =	sshll.u32 s1, $0xD;
	s1 =	sshrl.u32 s1, $0x2  }
0xbf: {  	s3 =	sand.u32 $0x4000, s31;
	s1 =	sadd.s32 s1, s30  }
0xc0: {  	s0 =	sor.u32 s3, s0;
	s1 =	sshll.u32 s1, $0x11  }
0xc1: {  	s0 =	sor.u32 s1, s0  }
0xc2: {  	s0 =	sadd.s32 $0x8F2B, s0  }
0xc3: {  	[sflag:s0] =	ssyncadd.remote.s32 $0x1  }
0xc4: {  	_ =	sfence.sel $0xFFFF  }
0xc5: {  	[dreg:$0x0] =	wrdreg $0xFFFFFFFF;
	(pc) =	sbr.abs _section_cstart, $3  }
0xc6: {  	[dreg:$0x1] =	wrdreg $0xFFFFFFFF  }
0xc7: {  	_ =	task.clear_ibuf [dreg:s10], $0x2FFFF;
	_ =	strace $0x9FFFFFFF  }
0xc8: {  	(tm) =	ssettm $0x7FFFFFFF  }
0xc9: {  	_ =	shalt  }
tec
execute0_lowered:
.L_overlay_start_1:
0x0: {  	(tag) =	ssettag $0x1  }
0x1: {  	s0 =	rddreg [dreg:$0x0]  }
0x2: {  	s1 =	rddreg [dreg:$0x1];
	v0 =	vimm.s32 $0xFEDCBA98;
	v1 =	vimm.s32 $0x76543210;
	v2 =	vimm.s32 $0xBA98FEDC  }
0x3: {  	s3 =	rddreg [dreg:$0x4];
	v3 =	vimm.s32 $0x32107654;
	v4 =	vimm.s32 $0xDCFE98BA;
	v5 =	vimm.s32 $0x54761032  }
0x4: {  	s4 =	simm.s32 $0x0;
	s2 =	srdreg.scid;
	s7 =	stileid.u32;
	v6 =	vimm.s32 $0xEFCDAB89;
	v7 =	vimm.s32 $0x67452301;
	v0 =	vunpack.c.l.s4.s8 v0  }
0x5: {  	s11 =	simm.s32 $0x7;
	s15 =	simm.s32 $0x80;
	s17 =	simm.s32 $0x6000;
	v1 =	vunpack.c.l.s4.s8 v1;
	v2 =	vunpack.c.l.s4.s8 v2;
	v3 =	vunpack.c.l.s4.s8 v3  }
0x6: {  	s18 =	simm.s32 $0x1;
	s19 =	simm.s32 $0xC000;
	s20 =	simm.s32 $0x8000;
	v4 =	vunpack.c.l.s4.s8 v4;
	v5 =	vunpack.c.l.s4.s8 v5;
	v6 =	vunpack.c.l.s4.s8 v6  }
0x7: {  	s21 =	simm.s32 $0x2;
	s22 =	simm.s32 $0xE200;
	s23 =	simm.s32 $0xA000;
	v7 =	vunpack.c.l.s4.s8 v7;
	v0 =	vunpack.c.0.s8.s32 v0;
	v2 =	vunpack.c.0.s8.s32 v2  }
0x8: {  	s24 =	simm.s32 $0x3;
	s25 =	simm.s32 $0x5;
	s26 =	simm.s32 $0x4;
	v3 =	vunpack.c.0.s8.s32 v3;
	v4 =	vunpack.c.0.s8.s32 v4;
	v5 =	vunpack.c.0.s8.s32 v5  }
0x9: {  	s28 =	simm.s32 $0x6;
	s29 =	simm.s32 $0x0;
	[smem:$0x7FF] =	sst s4;
	v6 =	vunpack.c.0.s8.s32 v6;
	v7 =	vunpack.c.0.s8.s32 v7;
	v1 =	vunpack.c.0.s8.s32 v1  }
.Ltmp0:
0xa: {  	s6 =	sadd.s32 $0xA00, s1;
	s2 =	sand.u32 $0x1, s2;
	v2 =	vcombine.low v3, v2;
	v3 =	vcombine.low v5, v4;
	v5 =	vlaneseq.u32;
	(pc) =	sbr.rel .LBB2_1-.Ltmp0, $4  }
0xb: {  	s7 =	sshll.u32 s7, $0xF;
	s5 =	ssub.s32 $0x2, s2;
	s2 =	sshll.u32 s2, $0xE;
	v0 =	vand.u32 $0xF, v0;
	v4 =	vcombine.low v7, v6;
	v6 =	vmul.u32 $0x88, v5  }
0xc: {  	_ =	strace $0x8000004A;
	s8 =	sshrl.u32 s5, $0x1;
	s2 =	sor.u32 s2, s7;
	v0 =	vcombine.low v0, v1  }
0xd: {  	s7 =	sadd.s32 $0x7A1C00, s1;
	s30 =	ssub.s32 s5, s8;
	s31 =	sshrl.u32 s2, $0x3;
	v2 =	vand.u32 $0xF, v2;
	v3 =	vand.u32 $0xF, v3;
	v9 =	vadd.s32 $0x1980, v6;
	[tilespmem:$0x1FFE0] =	vst v6  }
0xe: {  	s8 =	sshrl.u32 s2, $0x7;
	s9 =	sadd.s32 s0, s31;
	s10 =	smax.u32 s30, $0x1;
	v4 =	vand.u32 $0xF, v4;
	v7 =	vadd.s32 $0x880, v6;
	v8 =	vadd.s32 $0x1100, v6;
	[tilespmem:$0x1FFF0] =	vst v9  }
.LBB2_20:
0xf: {  	s29 =	sadd.s32 $0x1, s29  }
0x10: {  	_ =	swait.ge [sflag:s25], $0x2000;
	p0 =	sne.s32 s29, s10  }
.Ltmp1:
0x11: {  	[sflag:s25] =	ssyncset.done $0x0;
	(pc) =	sbr.rel @!p0 .LBB2_21-.Ltmp1, $4  }
0x12: {  	[sflag:s25] =	ssyncadd.s32 $0xFFFFE000  }
0x13: {  	_ =	swait.ge [sflag:s28], $0x2000  }
0x14: {  	[sflag:s28] =	ssyncset.done $0x0  }
0x15: {  	v6 =	vld [tilespmem:$0x1FFE0];
	[sflag:s28] =	ssyncadd.s32 $0xFFFFE000  }
.LBB2_1:
0x16: {  	[tilespmem:s4], [sflag:$0x7] =	stream.linear.gather [hbm4b:s9+s4], $0x4000, $0x38;
	[tilespmem:$0x12480] =	vst v63  }
0x17: {  	_ =	swait.ge [sflag:s11], $0x4000  }
0x18: {  	[sflag:s11] =	ssyncset.done $0x0  }
0x19: {  	s0 =	simm.s32 $0x10400;
	[sflag:s11] =	ssyncadd.s32 $0xFFFFC000  }
0x1a: {  	[tilespmem:s0], [sflag:$0x7] =	stream.linear.gather [hbm4b:s7+s4], $0x2000, $0x38;
	[tilespmem:$0x12480] =	vst v63  }
0x1b: {  	_ =	swait.ge [sflag:s11], $0x2000  }
0x1c: {  	[sflag:s11] =	ssyncset.done $0x0  }
0x1d: {  	[sflag:s11] =	ssyncadd.s32 $0xFFFFE000  }
0x1e: {  	s1 =	simm.s32 $0x12400;
	s13 =	rddreg [dreg:$0x2]  }
0x1f: {  	[tilespmem:s1], [sflag:$0x7] =	stream.linear.gather [hbm4b:s13+s4], $0x40, $0x38;
	[tilespmem:$0x12480] =	vst v63  }
0x20: {  	_ =	swait.ge [sflag:s11], $0x40  }
0x21: {  	[sflag:s11] =	ssyncset.done $0x0  }
0x22: {  	[sflag:s11] =	ssyncadd.s32 $0xFFFFFFC0  }
0x23: {  	s16 =	simm.s32 $0x12440;
	s14 =	rddreg [dreg:$0x3]  }
0x24: {  	[tilespmem:s16], [sflag:$0x7] =	stream.linear.gather [hbm4b:s14+s4], $0x40, $0x38;
	[tilespmem:$0x12480] =	vst v63  }
0x25: {  	_ =	swait.ge [sflag:s11], $0x40  }
0x26: {  	[sflag:s11] =	ssyncset.done $0x0  }
0x27: {  	[sflag:s11] =	ssyncadd.s32 $0xFFFFFFC0  }
0x28: {  	v10 =	vld [tilespmem:$0x12400]  }
0x29: {  	v11 =	vld [tilespmem:$0x12410]  }
0x2a: {  	v12 =	vld [tilespmem:$0x12420]  }
0x2b: {  	v13 =	vld [tilespmem:$0x12430]  }
0x2c: {  	v14 =	vld [tilespmem:$0x12440]  }
0x2d: {  	v15 =	vld [tilespmem:$0x12450]  }
0x2e: {  	s31 =	simm.s32 $0x4000;
	v63 =	vld [tilespmem:$0x12460]  }
0x2f: {  	v61 =	vld [tilespmem:$0x12470];
	[tilespmem:s31], [sflag:$0x1] =	stream.indirect.gather [hbm4b:s6+s15], $0x40, s4, s15, $0xb8  }
0x30: {  	_ = 	snop  }
0x31: {  	[tilespmem:s17], [sflag:$0x2] =	stream.indirect.gather [hbm4b:s6+s15], $0x40, s15, s15, $0xb8;
	[tilespmem:$0x12480] =	vst v63  }
0x32: {  	[tilespmem:$0x1FF70] =	vst v11  }
0x33: {  	[tilespmem:$0x1FF80] =	vst v13  }
0x34: {  	[tilespmem:$0x1FF90] =	vst v14  }
0x35: {  	[tilespmem:$0x1FFA0] =	vst v63  }
0x36: {  	[tilespmem:$0x1FFB0] =	vst v61  }
0x37: {  	[tilespmem:$0x1FFC0] =	vst v10  }
0x38: {  	s30 =	simm.s32 $0x0;
	[tilespmem:$0x1FFD0] =	vst v15  }
.LBB2_2:
0x39: {  	_ =	swait.ge [sflag:s18], $0x2000  }
0x3a: {  	p0 =	seq.s32 s30, $0x0;
	[sflag:s18] =	ssyncset.done $0x0  }
0x3b: {  	s0 =	simm.s32 @!p0 $0x5;
	[sflag:s18] =	ssyncadd.s32 $0xFFFFE000  }
0x3c: {  	_ =	swait.ge @!p0 [sflag:s0], $0x2000  }
0x3d: {  	[sflag:s0] =	ssyncset.done @!p0 $0x0  }
0x3e: {  	s13 =	simm.s32 $0x4080;
	[sflag:s0] =	ssyncadd.s32 @!p0 $0xFFFFE000  }
0x3f: {  	v16 =	vld [tilespmem:s13+$0x60]  }
0x40: {  	s1 =	simm.s32 $0x10480;
	v17 =	vld [tilespmem:s13+$0x40]  }
0x41: {  	v18 =	vld [tilespmem:s1+$0x40]  }
0x42: {  	v19 =	vld [tilespmem:s13+$0x50]  }
0x43: {  	v20 =	vld [tilespmem:s1+$0x50]  }
0x44: {  	v21 =	vld [tilespmem:s1+$0x60]  }
0x45: {  	v22 =	vld [tilespmem:s13+$0x70]  }
0x46: {  	v23 =	vld [tilespmem:s1+$0x70]  }
0x47: {  	v24 =	vld [tilespmem:s1+$0xFFFFFF80]  }
0x48: {  	v25 =	vld [tilespmem:s13+$0xFFFFFF90]  }
0x49: {  	v28 =	vld [tilespmem:s1+$0xFFFFFFD0];
	v29 =	vadd.f32 v18, v17;
	v27 =	vadd.f32 v20, v19  }
0x4a: {  	v30 =	vld [tilespmem:s13+$0x0];
	v26 =	vadd.f32 v21, v16  }
0x4b: {  	v17 =	vld [tilespmem:s1+$0xFFFFFF90];
	v18 =	vadd.f32 v27, v29;
	v19 =	vmul.f32 v29, v29;
	v20 =	vmul.f32 v27, v27  }
0x4c: {  	v16 =	vld [tilespmem:s13+$0xFFFFFFC0];
	v23 =	vadd.f32 v23, v22  }
0x4d: {  	v21 =	vld [tilespmem:s1+$0xFFFFFFC0];
	v18 =	vadd.f32 v26, v18;
	v19 =	vadd.f32 v20, v19;
	v20 =	vmul.f32 v26, v26  }
0x4e: {  	v22 =	vld [tilespmem:s13+$0xFFFFFFD0]  }
0x4f: {  	v31 =	vld [tilespmem:s1+$0x0];
	v18 =	vadd.f32 v23, v18;
	v19 =	vadd.f32 v20, v19;
	v20 =	vmul.f32 v23, v23  }
0x50: {  	v32 =	vld [tilespmem:s13+$0x10]  }
0x51: {  	v34 =	vld [tilespmem:s1+$0x10];
	v33 =	vperm.xlane v18, v0;
	v19 =	vadd.f32 v20, v19  }
0x52: {  	v35 =	vld [tilespmem:s1+$0xFFFFFFA0];
	v16 =	vadd.f32 v21, v16;
	v20 =	vadd.f32 v17, v25  }
0x53: {  	v17 =	vadd.f32 v28, v22;
	v25 =	vld [tilespmem:s13+$0xFFFFFFA0];
	v33 =	vadd.f32 v18, v33;
	v18 =	vperm.xlane v19, v0  }
0x54: {  	v21 =	vld [tilespmem:s13+$0xFFFFFF80]  }
0x55: {  	v28 =	vmul.f32 v16, v16;
	v37 =	vmul.f32 v17, v17;
	v36 =	vadd.f32 v18, v19  }
0x56: {  	v38 =	vld [tilespmem:s1+$0xFFFFFFE0];
	v22 =	vperm.xlane v33, v2;
	v18 =	vadd.f32 v31, v30;
	v31 =	vadd.f32 v17, v16  }
0x57: {  	v30 =	vld [tilespmem:s13+$0xFFFFFFE0];
	v19 =	vadd.f32 v34, v32;
	v37 =	vadd.f32 v37, v28  }
0x58: {  	v40 =	vld [tilespmem:s1+$0x20];
	v53 =	vmul.f32 v20, v20;
	v28 =	vadd.f32 v35, v25;
	v51 =	vadd.f32 v33, v22  }
0x59: {  	v52 =	vperm.xlane v36, v2;
	v22 =	vadd.f32 v24, v21;
	v24 =	vld [tilespmem:s13+$0x20];
	v39 =	vmul.f32 v18, v18  }
0x5a: {  	v41 =	vld [tilespmem:s13+$0xFFFFFFB0];
	v54 =	vadd.f32 v19, v18;
	v44 =	vmul.f32 v19, v19;
	v21 =	vperm.xlane v51, v3  }
0x5b: {  	v45 =	vld [tilespmem:s1+$0xFFFFFFB0];
	v33 =	vadd.f32 v52, v36;
	v42 =	vadd.f32 v20, v22;
	v43 =	vmul.f32 v22, v22  }
0x5c: {  	v55 =	vld [tilespmem:s13+$0xFFFFFFF0];
	v39 =	vadd.f32 v44, v39;
	v25 =	vadd.f32 v38, v30  }
0x5d: {  	v58 =	vld [tilespmem:s13+$0x30];
	v32 =	vadd.f32 v51, v21;
	v46 =	vperm.xlane v33, v3;
	v34 =	vadd.f32 v53, v43  }
0x5e: {  	v47 =	vld [tilespmem:s1+$0x30];
	v57 =	vmul.f32 v28, v28;
	v42 =	vadd.f32 v28, v42;
	v24 =	vadd.f32 v40, v24  }
0x5f: {  	v30 =	vld [tilespmem:s1+$0xFFFFFFF0];
	v59 =	vadd.f32 v25, v31;
	v56 =	vperm.xlane v32, v4;
	v33 =	vadd.f32 v46, v33  }
0x60: {  	v62 =	vmul.f32 v25, v25;
	v34 =	vadd.f32 v57, v34;
	v36 =	vadd.f32 v24, v54  }
0x61: {  	v48 =	vmul.f32 v24, v24;
	v31 =	vadd.f32 v32, v56;
	v60 =	vperm.xlane v33, v4  }
0x62: {  	v37 =	vadd.f32 v62, v37;
	v32 =	vadd.f32 v45, v41  }
0x63: {  	v39 =	vadd.f32 v48, v39;
	v33 =	vadd.f32 v60, v33;
	v38 =	vmul.f32 $1.562500000e-02, v31  }
0x64: {  	v31 =	vadd.f32 v30, v55;
	v51 =	vmul.f32 v32, v32;
	v30 =	vadd.f32 v47, v58  }
0x65: {  	v49 =	vadd.f32 v32, v42;
	v33 =	vmul.f32 $1.562500000e-02, v33;
	v50 =	vmul.f32 v38, v38  }
0x66: {  	v52 =	vadd.f32 v31, v59;
	v53 =	vmul.f32 v31, v31;
	v36 =	vadd.f32 v30, v36  }
0x67: {  	v54 =	vmul.f32 v30, v30;
	v34 =	vadd.f32 v51, v34;
	v29 =	vsub.f32 v29, v38  }
0x68: {  	v55 =	vperm.xlane v49, v0;
	v27 =	vsub.f32 v27, v38;
	v26 =	vsub.f32 v26, v38  }
0x69: {  	v23 =	vsub.f32 v23, v38;
	v33 =	vsub.f32 v33, v50;
	v56 =	vperm.xlane v52, v0  }
0x6a: {  	v37 =	vadd.f32 v53, v37;
	v57 =	vperm.xlane v36, v0;
	v35 =	vadd.f32 v49, v55  }
0x6b: {  	v39 =	vadd.f32 v54, v39;
	v59 =	vperm.xlane v34, v0;
	v33 =	vadd.f32 $9.999999740e-06, v33  }
0x6c: {  	v43 =	vadd.f32 v52, v56;
	v60 =	vperm.xlane v37, v0;
	v48 =	vperm.xlane v35, v2  }
0x6d: {  	v36 =	vadd.f32 v36, v57;
	v49 =	vperm.xlane v39, v0;
	v34 =	vadd.f32 v59, v34  }
0x6e: {  	v58 =	vshrl.u32 v33, $0x1;
	v33 =	vmul.f32 $5.000000000e-01, v33;
	v50 =	vperm.xlane v43, v2  }
0x6f: {  	v37 =	vadd.f32 v60, v37;
	v51 =	vperm.xlane v36, v2;
	v39 =	vadd.f32 v49, v39  }
0x70: {  	v35 =	vadd.f32 v35, v48;
	v52 =	vperm.xlane v34, v2;
	v41 =	vsub.s32 $0x5F3759DF, v58  }
0x71: {  	v62 =	vmul.f32 v41, v33;
	v42 =	vadd.f32 v43, v50;
	v53 =	vperm.xlane v37, v2  }
0x72: {  	s14 =	simm.s32 $0x3;
	v36 =	vadd.f32 v36, v51;
	v34 =	vadd.f32 v52, v34;
	v54 =	vperm.xlane v39, v2  }
0x73: {  	v55 =	vperm.xlane v35, v3;
	v51 =	vmov s14;
	v45 =	vmul.f32 v41, v62  }
0x74: {  	v56 =	vperm.xlane v42, v3;
	v37 =	vadd.f32 v53, v37;
	v57 =	vperm.xlane v36, v3  }
0x75: {  	v39 =	vadd.f32 v54, v39;
	v35 =	vadd.f32 v35, v55;
	v58 =	vperm.xlane v34, v3  }
0x76: {  	v45 =	vsub.f32 $1.500000000e+00, v45;
	v42 =	vadd.f32 v42, v56;
	v59 =	vperm.xlane v37, v3  }
0x77: {  	v36 =	vadd.f32 v36, v57;
	v60 =	vperm.xlane v35, v4;
	v62 =	vperm.xlane v39, v3  }
0x78: {  	v34 =	vadd.f32 v58, v34;
	v41 =	vmul.f32 v41, v45;
	v45 =	vperm.xlane v42, v4  }
0x79: {  	v37 =	vadd.f32 v59, v37;
	v35 =	vadd.f32 v35, v60;
	v48 =	vperm.xlane v36, v4  }
0x7a: {  	v39 =	vadd.f32 v62, v39;
	v49 =	vperm.xlane v34, v4;
	v33 =	vmul.f32 v41, v33  }
0x7b: {  	v50 =	vadd.f32 v42, v45;
	v42 =	vand.u32 $0x7F, v51;
	v44 =	vperm.xlane v37, v4  }
0x7c: {  	v36 =	vadd.f32 v36, v48;
	v35 =	vmul.f32 $1.562500000e-02, v35;
	v52 =	vperm.xlane v39, v4  }
0x7d: {  	v34 =	vadd.f32 v49, v34;
	v33 =	vmul.f32 v33, v41;
	v40 =	vmul.f32 $1.562500000e-02, v50  }
0x7e: {  	v37 =	vadd.f32 v44, v37;
	v36 =	vmul.f32 $1.562500000e-02, v36;
	v53 =	vmul.f32 v35, v35  }
0x7f: {  	v39 =	vadd.f32 v52, v39;
	v34 =	vmul.f32 $1.562500000e-02, v34;
	v22 =	vsub.f32 v22, v35  }
0x80: {  	v20 =	vsub.f32 v20, v35;
	v33 =	vsub.f32 $1.500000000e+00, v33;
	v37 =	vmul.f32 $1.562500000e-02, v37  }
0x81: {  	v54 =	vmul.f32 v40, v40;
	v39 =	vmul.f32 $1.562500000e-02, v39;
	v34 =	vsub.f32 v34, v53  }
0x82: {  	v28 =	vsub.f32 v28, v35;
	v55 =	vmul.f32 v36, v36;
	v33 =	vmul.f32 v33, v41  }
0x83: {  	v52 =	vadd.s32 v6, v42;
	v37 =	vsub.f32 v37, v54;
	v56 =	vadd.f32 $9.999999740e-06, v34  }
0x84: {  	v57 =	vsub.f32 v39, v55;
	v29 =	vmul.f32 v33, v29;
	v27 =	vmul.f32 v33, v27  }
0x85: {  	v26 =	vmul.f32 v33, v26;
	v23 =	vmul.f32 v33, v23;
	v37 =	vadd.f32 $9.999999740e-06, v37  }
0x86: {  	v58 =	vshrl.u32 v56, $0x1;
	v34 =	vadd.f32 $9.999999740e-06, v57;
	v33 =	vmul.f32 $5.000000000e-01, v56  }
0x87: {  	v38 =	vsub.s32 $0x5F3759DF, v58;
	v26 =	vmul.f32 v26, v12;
	v59 =	vshrl.u32 v37, $0x1  }
0x88: {  	v37 =	vmul.f32 $5.000000000e-01, v37;
	v60 =	vshrl.u32 v34, $0x1;
	v34 =	vmul.f32 $5.000000000e-01, v34  }
0x89: {  	v62 =	vmul.f32 v38, v33;
	v39 =	vsub.s32 $0x5F3759DF, v59;
	v41 =	vsub.s32 $0x5F3759DF, v60  }
0x8a: {  	v32 =	vsub.f32 v32, v35;
	v48 =	vmul.f32 v39, v37;
	v49 =	vmul.f32 v41, v34  }
0x8b: {  	v16 =	vsub.f32 v16, v40;
	v46 =	vadd.f32 v26, v63;
	v26 =	vmul.f32 v38, v62  }
0x8c: {  	v31 =	vsub.f32 v31, v40;
	v50 =	vmul.f32 v39, v48;
	v51 =	vmul.f32 v41, v49  }
0x8d: {  	v53 =	vadd.s32 v7, v42;
	v56 =	vsub.f32 v17, v40;
	v26 =	vsub.f32 $1.500000000e+00, v26  }
0x8e: {  	v29 =	vmul.f32 v29, v10;
	v43 =	vsub.f32 $1.500000000e+00, v50;
	v44 =	vsub.f32 $1.500000000e+00, v51  }
0x8f: {  	v57 =	vsub.f32 v25, v40;
	v27 =	vmul.f32 v27, v11;
	v26 =	vmul.f32 v38, v26  }
0x90: {  	v58 =	vsub.f32 v18, v36;
	v54 =	vmul.f32 v39, v43;
	v55 =	vmul.f32 v41, v44  }
0x91: {  	v23 =	vmul.f32 v23, v13;
	v29 =	vadd.f32 v29, v14;
	v17 =	vmul.f32 v26, v33  }
0x92: {  	v27 =	vadd.f32 v27, v15;
	v25 =	vmul.f32 v54, v37;
	v34 =	vmul.f32 v55, v34  }
0x93: {  	v23 =	vadd.f32 v23, v61;
	v48 =	vsub.f32 v19, v36;
	v17 =	vmul.f32 v17, v26  }
0x94: {  	v49 =	vsub.f32 v24, v36;
	v18 =	vmul.f32 v25, v54;
	v19 =	vmul.f32 v34, v55  }
0x95: {  	s31 =	simm.s32 $0x0;
	v59 =	vadd.s32 v8, v42;
	v36 =	vsub.f32 v30, v36;
	v17 =	vsub.f32 $1.500000000e+00, v17  }
0x96: {  	s2 =	simm.s32 $0x4180;
	v21 =	vmov s31;
	[tilespmem:v52+s19+$0x0] =	vst.idx.msk $0xffff, v29;
	v25 =	vsub.f32 $1.500000000e+00, v18;
	v19 =	vsub.f32 $1.500000000e+00, v19  }
0x97: {  	v21 =	vand.u32 $0x7C, v21;
	v24 =	vld [tilespmem:s2+$0x60];
	[tilespmem:v53+s19+$0x0] =	vst.idx.msk $0xffff, v27;
	v50 =	vadd.s32 v9, v42;
	v29 =	vmul.f32 v17, v26  }
0x98: {  	s5 =	simm.s32 $0x10580;
	v30 =	vld [tilespmem:s2+$0x50];
	v18 =	vadd.s32 v6, v21;
	v60 =	vmul.f32 v25, v54;
	v62 =	vmul.f32 v19, v55  }
0x99: {  	s16 =	simm.s32 $0x1;
	v27 =	vld [tilespmem:s5+$0x40];
	v17 =	vadd.s32 v7, v21;
	v26 =	vmul.f32 v29, v22;
	v38 =	vmul.f32 v29, v20  }
0x9a: {  	[tilespmem:v59+s19+$0x0] =	vst.idx.msk $0xffff, v46;
	v42 =	vld [tilespmem:s5+$0x60];
	v37 =	vmul.f32 v29, v28;
	v39 =	vmul.f32 v29, v32;
	v22 =	vmov s16  }
0x9b: {  	v46 =	vld [tilespmem:s5+$0x70];
	v20 =	vadd.s32 v8, v21;
	v41 =	vmul.f32 v60, v16;
	v35 =	vmul.f32 v60, v56  }
0x9c: {  	v25 =	vld [tilespmem:s2+$0x40];
	v19 =	vadd.s32 v9, v21;
	v40 =	vmul.f32 v60, v57;
	v33 =	vmul.f32 v60, v31  }
0x9d: {  	[tilespmem:v50+s19+$0x0] =	vst.idx.msk $0xffff, v23;
	v32 =	vld [tilespmem:s5+$0x50];
	v16 =	vand.u32 $0x7D, v22;
	v34 =	vmul.f32 v62, v58;
	v29 =	vmul.f32 v62, v48  }
0x9e: {  	s12 =	simm.s32 $0x8;
	s0 =	sshll.u32 s30, $0x2;
	s1 =	simm.s32 $0x4;
	v31 =	vld [tilespmem:s2+$0x70];
	v28 =	vmul.f32 v62, v49;
	v23 =	vmul.f32 v62, v36;
	v21 =	vadd.s32 v6, v16  }
.LBB2_3:
0x9f: {  	v43 =	vld [tilespmem:s5+$0xFFFFFF80]  }
0xa0: {  	v45 =	vld [tilespmem:s2+$0xFFFFFF90]  }
0xa1: {  	v47 =	vld [tilespmem:s2+$0xFFFFFFC0]  }
0xa2: {  	v50 =	vld [tilespmem:s5+$0xFFFFFFC0]  }
0xa3: {  	v26 =	vmul.f32 v26, v10;
	v44 =	vmul.f32 v38, v11;
	v58 =	vld [tilespmem:s5+$0xFFFFFFD0]  }
0xa4: {  	v62 =	vld [tilespmem:s5+$0x0];
	v41 =	vmul.f32 v41, v10;
	v38 =	vadd.f32 v27, v25;
	v36 =	vadd.f32 v32, v30  }
0xa5: {  	v29 =	vmul.f32 v29, v11;
	v32 =	vmul.f32 v37, v12;
	v30 =	vld [tilespmem:s5+$0xFFFFFF90];
	v37 =	vadd.f32 v42, v24  }
0xa6: {  	v42 =	vmul.f32 v39, v13;
	v39 =	vadd.f32 v46, v31;
	v31 =	vld [tilespmem:s2+$0xFFFFFFD0];
	v27 =	vadd.f32 v36, v38  }
0xa7: {  	v52 =	vld [tilespmem:s5+$0x10];
	v53 =	vadd.f32 v44, v15;
	v48 =	vmul.f32 v38, v38;
	v49 =	vmul.f32 v36, v36  }
0xa8: {  	v44 =	vld [tilespmem:s2+$0xFFFFFF80];
	v24 =	vmul.f32 v35, v11;
	v57 =	vmul.f32 v37, v37;
	v55 =	vadd.f32 v37, v27  }
0xa9: {  	v56 =	vadd.f32 v49, v48;
	v49 =	vadd.f32 v26, v14;
	v26 =	vmul.f32 v34, v10;
	v34 =	vld [tilespmem:s2+$0x0]  }
0xaa: {  	v27 =	vmul.f32 v33, v13;
	v33 =	vadd.f32 v50, v47;
	v47 =	vld [tilespmem:s2+$0x10];
	v35 =	vadd.f32 v30, v45  }
0xab: {  	v25 =	vmul.f32 v40, v12;
	v30 =	vadd.f32 v58, v31;
	v51 =	vadd.f32 v39, v55  }
0xac: {  	v60 =	vmul.f32 v39, v39;
	v58 =	vadd.f32 v41, v14;
	v40 =	vadd.f32 v57, v56  }
0xad: {  	v41 =	vadd.f32 v43, v44;
	v43 =	vld [tilespmem:s2+$0x20];
	v55 =	vadd.f32 v32, v63;
	v59 =	vperm.xlane v51, v0  }
0xae: {  	v28 =	vmul.f32 v28, v12;
	v32 =	vld [tilespmem:s5+$0xFFFFFFA0];
	v40 =	vadd.f32 v60, v40;
	v31 =	vadd.f32 v62, v34  }
0xaf: {  	v23 =	vmul.f32 v23, v13;
	v34 =	vadd.f32 v52, v47;
	v52 =	vld [tilespmem:s5+$0x20];
	v48 =	vadd.f32 v51, v59  }
0xb0: {  	v22 =	vadd.s32 v7, v16;
	v54 =	vmul.f32 v33, v33;
	v60 =	vperm.xlane v40, v0;
	v51 =	vld [tilespmem:s2+$0xFFFFFFA0]  }
0xb1: {  	v56 =	vadd.f32 v42, v61;
	v57 =	vmul.f32 v30, v30;
	v62 =	vperm.xlane v48, v2  }
0xb2: {  	v45 =	vld [tilespmem:s2+$0xFFFFFFE0];
	v46 =	vmul.f32 v35, v35;
	v50 =	vadd.f32 v30, v33;
	v40 =	vadd.f32 v60, v40  }
0xb3: {  	v61 =	vld [tilespmem:s2+$0xFFFFFFB0];
	v44 =	vmul.f32 v31, v31;
	v47 =	vadd.f32 v48, v62;
	v48 =	vadd.f32 v57, v54  }
0xb4: {  	v59 =	vld [tilespmem:s5+$0xFFFFFFE0];
	v63 =	vperm.xlane v40, v2;
	v54 =	vadd.f32 v34, v31;
	v62 =	vadd.f32 v35, v41  }
0xb5: {  	v42 =	vadd.f32 v32, v51;
	v51 =	vld [tilespmem:s5+$0xFFFFFFB0];
	[tilespmem:v18+s19+$0x0] =	vst.idx.msk $0xffff, v49;
	v18 =	vadd.f32 v52, v43  }
0xb6: {  	v1 =	vld [tilespmem:s5+$0x30];
	v57 =	vperm.xlane v47, v3;
	v60 =	vadd.f32 v63, v40;
	v40 =	vmul.f32 v41, v41  }
0xb7: {  	v52 =	vld [tilespmem:s2+$0x30];
	v63 =	vmul.f32 v34, v34;
	[tilespmem:v17+s19+$0x0] =	vst.idx.msk $0xffff, v53;
	v49 =	vadd.f32 v42, v62  }
0xb8: {  	v54 =	vadd.f32 v18, v54;
	[tilespmem:v20+s19+$0x0] =	vst.idx.msk $0xffff, v55;
	v47 =	vadd.f32 v47, v57  }
0xb9: {  	s13 =	sadd.s32 $0x2, s31;
	v57 =	vperm.xlane v60, v3;
	v46 =	vadd.f32 v46, v40;
	v40 =	vadd.f32 v59, v45;
	v45 =	vld [tilespmem:s2+$0xFFFFFFF0]  }
0xba: {  	v5 =	vmul.f32 v18, v18;
	v20 =	vmov s13;
	v59 =	vld [tilespmem:s5+$0xFFFFFFF0];
	v63 =	vadd.f32 v63, v44;
	[tilespmem:v19+s19+$0x0] =	vst.idx.msk $0xffff, v56  }
0xbb: {  	v62 =	vperm.xlane v47, v4;
	v57 =	vadd.f32 v57, v60;
	v50 =	vadd.f32 v40, v50  }
0xbc: {  	v60 =	vmul.f32 v42, v42;
	v44 =	vadd.f32 v51, v61;
	v17 =	vadd.f32 v1, v52  }
0xbd: {  	v5 =	vadd.f32 v5, v63;
	v63 =	vld [tilespmem:$0x1FFA0];
	v43 =	vadd.f32 v47, v62;
	v47 =	vperm.xlane v57, v4  }
0xbe: {  	v62 =	vmul.f32 v40, v40;
	v46 =	vadd.f32 v60, v46;
	v19 =	vmul.f32 v44, v44  }
0xbf: {  	v47 =	vadd.f32 v47, v57;
	v51 =	vmul.f32 $1.562500000e-02, v43;
	v43 =	vadd.f32 v59, v45  }
0xc0: {  	v52 =	vmul.f32 v17, v17;
	v45 =	vadd.f32 v44, v49;
	v1 =	vadd.f32 v62, v48  }
0xc1: {  	v20 =	vand.u32 $0x7E, v20;
	v49 =	vadd.f32 v17, v54;
	v19 =	vadd.f32 v19, v46  }
0xc2: {  	[tilespmem:v21+s19+$0x0] =	vst.idx.msk $0xffff, v58;
	v5 =	vadd.f32 v52, v5;
	v28 =	vadd.f32 v28, v63;
	v47 =	vmul.f32 $1.562500000e-02, v47  }
0xc3: {  	v55 =	vmul.f32 v51, v51;
	v50 =	vadd.f32 v43, v50;
	v57 =	vmul.f32 v43, v43  }
0xc4: {  	v59 =	vperm.xlane v45, v0;
	v38 =	vsub.f32 v38, v51;
	v36 =	vsub.f32 v36, v51  }
0xc5: {  	v37 =	vsub.f32 v37, v51;
	v47 =	vsub.f32 v47, v55;
	v21 =	vperm.xlane v50, v0  }
0xc6: {  	v62 =	vperm.xlane v49, v0;
	v1 =	vadd.f32 v57, v1;
	v45 =	vadd.f32 v45, v59  }
0xc7: {  	v57 =	vperm.xlane v19, v0;
	v60 =	vadd.f32 $9.999999740e-06, v47;
	v21 =	vadd.f32 v50, v21  }
0xc8: {  	v58 =	vperm.xlane v1, v0;
	v47 =	vadd.f32 v49, v62;
	v62 =	vperm.xlane v5, v0  }
0xc9: {  	v19 =	vadd.f32 v57, v19;
	v56 =	vshrl.u32 v60, $0x1;
	v46 =	vmul.f32 $5.000000000e-01, v60  }
0xca: {  	v60 =	vperm.xlane v45, v2;
	v1 =	vadd.f32 v58, v1;
	v57 =	vperm.xlane v47, v2  }
0xcb: {  	v5 =	vadd.f32 v62, v5;
	v58 =	vperm.xlane v19, v2;
	v48 =	vsub.s32 $0x5F3759DF, v56  }
0xcc: {  	v39 =	vsub.f32 v39, v51;
	v56 =	vperm.xlane v21, v2;
	v59 =	vmul.f32 v48, v46  }
0xcd: {  	v45 =	vadd.f32 v45, v60;
	v47 =	vadd.f32 v47, v57;
	v60 =	vperm.xlane v5, v2  }
0xce: {  	v19 =	vadd.f32 v58, v19;
	v53 =	vmul.f32 v48, v59;
	v59 =	vperm.xlane v1, v2  }
0xcf: {  	v21 =	vadd.f32 v21, v56;
	v62 =	vperm.xlane v45, v3;
	v57 =	vperm.xlane v47, v3  }
0xd0: {  	v5 =	vadd.f32 v60, v5;
	v58 =	vperm.xlane v19, v3;
	v53 =	vsub.f32 $1.500000000e+00, v53  }
0xd1: {  	v56 =	vperm.xlane v21, v3;
	v1 =	vadd.f32 v59, v1;
	v45 =	vadd.f32 v45, v62  }
0xd2: {  	s31 =	smov.u32 s1;
	v47 =	vadd.f32 v47, v57;
	v19 =	vadd.f32 v58, v19;
	v48 =	vmul.f32 v48, v53  }
0xd3: {  	s14 =	sadd.s32 $0x3, s31;
	v62 =	vperm.xlane v5, v3;
	v21 =	vadd.f32 v21, v56;
	v59 =	vperm.xlane v1, v3  }
0xd4: {  	v56 =	vmov s14;
	v60 =	vperm.xlane v45, v4;
	v46 =	vmul.f32 v48, v46  }
0xd5: {  	v50 =	vperm.xlane v47, v4;
	v5 =	vadd.f32 v62, v5;
	v53 =	vperm.xlane v21, v4  }
0xd6: {  	v1 =	vadd.f32 v59, v1;
	v45 =	vadd.f32 v45, v60;
	v46 =	vmul.f32 v46, v48  }
0xd7: {  	v49 =	vperm.xlane v19, v4;
	v47 =	vadd.f32 v47, v50;
	v21 =	vadd.f32 v21, v53  }
0xd8: {  	v54 =	vperm.xlane v5, v4;
	v62 =	vperm.xlane v1, v4;
	v46 =	vsub.f32 $1.500000000e+00, v46  }
0xd9: {  	v19 =	vadd.f32 v49, v19;
	v45 =	vmul.f32 $1.562500000e-02, v45;
	v21 =	vmul.f32 $1.562500000e-02, v21  }
0xda: {  	v5 =	vadd.f32 v54, v5;
	v1 =	vadd.f32 v62, v1;
	v46 =	vmul.f32 v46, v48  }
0xdb: {  	v19 =	vmul.f32 $1.562500000e-02, v19;
	v35 =	vsub.f32 v35, v45;
	v33 =	vsub.f32 v33, v21  }
0xdc: {  	v54 =	vsub.f32 v30, v21;
	v48 =	vand.u32 $0x7F, v56;
	v38 =	vmul.f32 v46, v38  }
0xdd: {  	v61 =	vld [tilespmem:$0x1FFB0];
	v57 =	vadd.s32 v6, v48;
	v36 =	vmul.f32 v46, v36;
	v37 =	vmul.f32 v46, v37  }
0xde: {  	v58 =	vadd.s32 v7, v48;
	v39 =	vmul.f32 v46, v39;
	v38 =	vmul.f32 v38, v10  }
0xdf: {  	v56 =	vmul.f32 v45, v45;
	v59 =	vadd.s32 v8, v48;
	v36 =	vmul.f32 v36, v11  }
0xe0: {  	v37 =	vmul.f32 v37, v12;
	v39 =	vmul.f32 v39, v13;
	v38 =	vadd.f32 v38, v14  }
0xe1: {  	v1 =	vmul.f32 $1.562500000e-02, v1;
	v19 =	vsub.f32 v19, v56;
	v36 =	vadd.f32 v36, v15  }
0xe2: {  	v37 =	vadd.f32 v37, v63;
	v55 =	vadd.f32 v39, v61;
	v39 =	vmul.f32 $1.562500000e-02, v47;
	[tilespmem:v57+s19+$0x0] =	vst.idx.msk $0xffff, v38  }
0xe3: {  	v60 =	vadd.s32 v9, v48;
	v19 =	vadd.f32 $9.999999740e-06, v19;
	v57 =	vmul.f32 v21, v21;
	[tilespmem:v58+s19+$0x0] =	vst.idx.msk $0xffff, v36  }
0xe4: {  	v5 =	vmul.f32 $1.562500000e-02, v5;
	v58 =	vmul.f32 v39, v39;
	[tilespmem:v59+s19+$0x0] =	vst.idx.msk $0xffff, v37;
	v37 =	vsub.f32 v42, v45  }
0xe5: {  	v1 =	vsub.f32 v1, v57;
	v59 =	vshrl.u32 v19, $0x1;
	v19 =	vmul.f32 $5.000000000e-01, v19  }
0xe6: {  	v42 =	vsub.f32 v44, v45;
	v5 =	vsub.f32 v5, v58;
	v44 =	vsub.s32 $0x5F3759DF, v59  }
0xe7: {  	v40 =	vsub.f32 v40, v21;
	v1 =	vadd.f32 $9.999999740e-06, v1;
	v52 =	vmul.f32 v44, v19  }
0xe8: {  	v38 =	vadd.s32 v8, v16;
	v36 =	vsub.f32 v41, v45;
	v5 =	vadd.f32 $9.999999740e-06, v5  }
0xe9: {  	[tilespmem:v60+s19+$0x0] =	vst.idx.msk $0xffff, v55;
	v60 =	vshrl.u32 v1, $0x1;
	v1 =	vmul.f32 $5.000000000e-01, v1;
	v47 =	vmul.f32 v44, v52  }
0xea: {  	v45 =	vsub.s32 $0x5F3759DF, v60;
	v62 =	vshrl.u32 v5, $0x1;
	v5 =	vmul.f32 $5.000000000e-01, v5  }
0xeb: {  	v41 =	vadd.s32 v6, v20;
	v53 =	vmul.f32 v45, v1;
	v46 =	vsub.s32 $0x5F3759DF, v62  }
0xec: {  	v55 =	vsub.f32 v31, v39;
	v31 =	vsub.f32 $1.500000000e+00, v47;
	v30 =	vmul.f32 v46, v5  }
0xed: {  	v59 =	vsub.f32 v18, v39;
	v18 =	vadd.f32 v25, v63;
	v48 =	vmul.f32 v45, v53  }
0xee: {  	v25 =	vadd.f32 v26, v14;
	v31 =	vmul.f32 v44, v31;
	v30 =	vmul.f32 v46, v30  }
0xef: {  	v16 =	vadd.s32 v9, v16;
	v56 =	vsub.f32 v34, v39;
	v57 =	vsub.f32 $1.500000000e+00, v48  }
0xf0: {  	v58 =	vadd.s32 v7, v20;
	[tilespmem:v41+s19+$0x0] =	vst.idx.msk $0xffff, v25;
	v19 =	vmul.f32 v31, v19;
	v30 =	vsub.f32 $1.500000000e+00, v30  }
0xf1: {  	v62 =	vsub.f32 v17, v39;
	v17 =	vadd.f32 v24, v15;
	v34 =	vmul.f32 v45, v57  }
0xf2: {  	v60 =	vadd.s32 v8, v20;
	v19 =	vmul.f32 v19, v31;
	v30 =	vmul.f32 v46, v30  }
0xf3: {  	v32 =	vmov s1;
	v24 =	vadd.f32 v27, v61;
	[tilespmem:v22+s19+$0x0] =	vst.idx.msk $0xffff, v17;
	v1 =	vmul.f32 v34, v1  }
0xf4: {  	v21 =	vsub.f32 v43, v21;
	[tilespmem:v38+s19+$0x0] =	vst.idx.msk $0xffff, v18;
	v17 =	vsub.f32 $1.500000000e+00, v19;
	v5 =	vmul.f32 v30, v5  }
0xf5: {  	v26 =	vadd.f32 v29, v15;
	v29 =	vand.u32 $0x7C, v32;
	[tilespmem:v16+s19+$0x0] =	vst.idx.msk $0xffff, v24;
	v1 =	vmul.f32 v1, v34  }
0xf6: {  	s5 =	sadd.s32 $0x100, s5;
	v19 =	vadd.s32 v9, v20;
	v16 =	vmul.f32 v17, v31;
	v5 =	vmul.f32 v5, v30  }
0xf7: {  	s2 =	sadd.s32 $0x100, s2;
	v32 =	vld [tilespmem:s5+$0x50];
	[tilespmem:v58+s19+$0x0] =	vst.idx.msk $0xffff, v26;
	v22 =	vadd.f32 v23, v61;
	v18 =	vadd.s32 v6, v29;
	v1 =	vsub.f32 $1.500000000e+00, v1  }
0xf8: {  	v25 =	vld [tilespmem:s2+$0x40];
	[tilespmem:v60+s19+$0x0] =	vst.idx.msk $0xffff, v28;
	v26 =	vmul.f32 v16, v36;
	v38 =	vmul.f32 v16, v35;
	v5 =	vsub.f32 $1.500000000e+00, v5  }
0xf9: {  	p1 =	slt.u32 s12, $0x7C;
	v27 =	vld [tilespmem:s5+$0x40];
	v20 =	vadd.s32 v8, v29;
	v37 =	vmul.f32 v16, v37;
	v1 =	vmul.f32 v1, v34  }
.Ltmp2:
0xfa: {  	s16 =	sadd.s32 $0x1, s31;
	v24 =	vld [tilespmem:s2+$0x60];
	v17 =	vadd.s32 v7, v29;
	v39 =	vmul.f32 v16, v42;
	v5 =	vmul.f32 v5, v30;
	(pc) =	sbr.rel @p1 .LBB2_3-.Ltmp2, $4  }
0xfb: {  	v46 =	vld [tilespmem:s5+$0x70];
	v16 =	vmov s16;
	[tilespmem:v19+s19+$0x0] =	vst.idx.msk $0xffff, v22;
	v41 =	vmul.f32 v1, v33;
	v35 =	vmul.f32 v1, v54  }
0xfc: {  	v31 =	vld [tilespmem:s2+$0x70];
	v19 =	vadd.s32 v9, v29;
	v40 =	vmul.f32 v1, v40;
	v33 =	vmul.f32 v1, v21  }
0xfd: {  	v42 =	vld [tilespmem:s5+$0x60];
	v16 =	vand.u32 $0x7D, v16;
	v34 =	vmul.f32 v5, v55;
	v29 =	vmul.f32 v5, v56  }
0xfe: {  	s1 =	smov.u32 s12;
	s12 =	sadd.s32 $0x4, s12;
	v30 =	vld [tilespmem:s2+$0x50];
	v21 =	vadd.s32 v6, v16;
	v28 =	vmul.f32 v5, v59;
	v23 =	vmul.f32 v5, v62  }
0xff: {  	_ = 	snop  }
0x100: {  	v1 =	vld [tilespmem:s5+$0xFFFFFF80]  }
0x101: {  	v5 =	vld [tilespmem:s2+$0xFFFFFF90]  }
0x102: {  	v22 =	vld [tilespmem:s5+$0xFFFFFF90]  }
0x103: {  	v43 =	vadd.f32 v27, v25;
	v59 =	vld [tilespmem:s2+$0xFFFFFFC0];
	v38 =	vmul.f32 v38, v11;
	v44 =	vadd.f32 v32, v30  }
0x104: {  	v60 =	vld [tilespmem:s5+$0xFFFFFFC0];
	v37 =	vmul.f32 v37, v12;
	v39 =	vmul.f32 v39, v13  }
0x105: {  	v62 =	vld [tilespmem:s2+$0xFFFFFFD0];
	v41 =	vmul.f32 v41, v10;
	v45 =	vadd.f32 v42, v24;
	v25 =	vadd.f32 v44, v43  }
0x106: {  	v36 =	vld [tilespmem:s5+$0xFFFFFFD0];
	v27 =	vmul.f32 v43, v43;
	v30 =	vmul.f32 v44, v44  }
0x107: {  	v48 =	vld [tilespmem:s2+$0x10];
	v35 =	vmul.f32 v35, v11;
	v46 =	vadd.f32 v46, v31;
	v25 =	vadd.f32 v45, v25  }
0x108: {  	v50 =	vld [tilespmem:s5+$0x10];
	v38 =	vadd.f32 v38, v15;
	v56 =	vmul.f32 v45, v45;
	v27 =	vadd.f32 v30, v27  }
0x109: {  	v57 =	vld [tilespmem:s2+$0x0];
	v40 =	vmul.f32 v40, v12;
	v37 =	vadd.f32 v37, v63;
	v25 =	vadd.f32 v46, v25  }
0x10a: {  	v47 =	vld [tilespmem:s5+$0x0];
	v39 =	vadd.f32 v39, v61;
	v58 =	vmul.f32 v46, v46;
	v27 =	vadd.f32 v56, v27  }
0x10b: {  	v51 =	vld [tilespmem:s2+$0xFFFFFF80];
	v41 =	vadd.f32 v41, v14;
	v35 =	vadd.f32 v35, v15;
	v49 =	vperm.xlane v25, v0  }
0x10c: {  	v40 =	vadd.f32 v40, v63;
	v30 =	vadd.f32 v58, v27  }
0x10d: {  	v33 =	vmul.f32 v33, v13;
	v24 =	vadd.f32 v50, v48;
	v49 =	vadd.f32 v25, v49  }
0x10e: {  	v54 =	vld [tilespmem:s5+$0xFFFFFFE0];
	v27 =	vadd.f32 v60, v59;
	v52 =	vperm.xlane v30, v0;
	v25 =	vadd.f32 v36, v62  }
0x10f: {  	v31 =	vld [tilespmem:s2+$0xFFFFFFA0];
	v36 =	vadd.f32 v22, v5;
	v22 =	vadd.f32 v47, v57;
	v59 =	vperm.xlane v49, v2  }
0x110: {  	v5 =	vld [tilespmem:s5+$0xFFFFFFA0];
	v32 =	vmul.f32 v27, v27;
	v47 =	vadd.f32 v1, v51;
	v30 =	vadd.f32 v52, v30  }
0x111: {  	v42 =	vld [tilespmem:s2+$0xFFFFFFE0];
	v53 =	vmul.f32 v25, v25;
	v56 =	vmul.f32 v36, v36;
	v49 =	vadd.f32 v49, v59  }
0x112: {  	v1 =	vld [tilespmem:s2+$0x20];
	v52 =	vadd.f32 v25, v27;
	v51 =	vmul.f32 v22, v22;
	v55 =	vperm.xlane v30, v2  }
0x113: {  	v58 =	vadd.f32 v36, v47;
	v50 =	vadd.f32 v53, v32;
	v32 =	vld [tilespmem:s5+$0x20];
	v60 =	vperm.xlane v49, v3  }
0x114: {  	v57 =	vmul.f32 v47, v47;
	v53 =	vadd.f32 v24, v22;
	v59 =	vld [tilespmem:s5+$0xFFFFFFB0];
	v30 =	vadd.f32 v55, v30  }
0x115: {  	v48 =	vadd.f32 v5, v31;
	v5 =	vmul.f32 v24, v24;
	v55 =	vld [tilespmem:s2+$0xFFFFFFB0];
	v49 =	vadd.f32 v49, v60  }
0x116: {  	v56 =	vadd.f32 v56, v57;
	v57 =	vld [tilespmem:s2+$0xFFFFFFF0];
	v31 =	vadd.f32 v54, v42;
	v60 =	vperm.xlane v30, v3  }
0x117: {  	v54 =	vld [tilespmem:s5+$0xFFFFFFF0];
	v58 =	vadd.f32 v48, v58;
	v5 =	vadd.f32 v5, v51;
	v42 =	vperm.xlane v49, v4  }
0x118: {  	v30 =	vadd.f32 v60, v30;
	v60 =	vmul.f32 v26, v10;
	v26 =	vadd.f32 v32, v1  }
0x119: {  	v51 =	vld [tilespmem:s5+$0x30];
	v62 =	vmul.f32 v48, v48;
	v52 =	vadd.f32 v31, v52;
	v32 =	vadd.f32 v49, v42  }
0x11a: {  	v1 =	vld [tilespmem:s2+$0x30];
	v49 =	vperm.xlane v30, v4;
	v42 =	vadd.f32 v59, v55;
	v53 =	vadd.f32 v26, v53  }
0x11b: {  	v59 =	vmul.f32 v31, v31;
	v55 =	vadd.f32 v62, v56;
	v62 =	vmul.f32 v26, v26  }
0x11c: {  	v30 =	vadd.f32 v49, v30;
	v49 =	vmul.f32 $1.562500000e-02, v32;
	v32 =	vadd.f32 v54, v57  }
0x11d: {  	v34 =	vmul.f32 v34, v10;
	v54 =	vadd.f32 v42, v58;
	v50 =	vadd.f32 v59, v50  }
0x11e: {  	v5 =	vadd.f32 v62, v5;
	v56 =	vmul.f32 $1.562500000e-02, v30;
	v57 =	vmul.f32 v49, v49  }
0x11f: {  	v29 =	vmul.f32 v29, v11;
	v52 =	vadd.f32 v32, v52;
	v30 =	vadd.f32 v51, v1  }
0x120: {  	v1 =	vmul.f32 v42, v42;
	v62 =	vperm.xlane v54, v0;
	v51 =	vsub.f32 v56, v57  }
0x121: {  	v56 =	vmul.f32 v32, v32;
	v53 =	vadd.f32 v30, v53;
	v57 =	vmul.f32 v30, v30  }
0x122: {  	v1 =	vadd.f32 v1, v55;
	v55 =	vperm.xlane v52, v0;
	v51 =	vadd.f32 $9.999999740e-06, v51  }
0x123: {  	v50 =	vadd.f32 v56, v50;
	v56 =	vperm.xlane v53, v0;
	v5 =	vadd.f32 v57, v5  }
0x124: {  	v54 =	vadd.f32 v54, v62;
	v62 =	vperm.xlane v1, v0;
	v52 =	vadd.f32 v52, v55  }
0x125: {  	v57 =	vshrl.u32 v51, $0x1;
	v53 =	vadd.f32 v53, v56;
	v56 =	vperm.xlane v5, v0  }
0x126: {  	v51 =	vmul.f32 $5.000000000e-01, v51;
	v1 =	vadd.f32 v62, v1;
	v62 =	vperm.xlane v54, v2  }
0x127: {  	v55 =	vperm.xlane v50, v0;
	v57 =	vsub.s32 $0x5F3759DF, v57;
	v5 =	vadd.f32 v56, v5  }
0x128: {  	v56 =	vmul.f32 v57, v51;
	v54 =	vadd.f32 v54, v62;
	v62 =	vperm.xlane v53, v2  }
0x129: {  	v28 =	vmul.f32 v28, v12;
	v33 =	vadd.f32 v33, v61;
	v50 =	vadd.f32 v55, v50  }
0x12a: {  	v56 =	vmul.f32 v57, v56;
	v53 =	vadd.f32 v53, v62;
	v62 =	vperm.xlane v1, v2  }
0x12b: {  	v34 =	vadd.f32 v34, v14;
	v59 =	vadd.f32 v60, v14;
	v55 =	vperm.xlane v52, v2  }
0x12c: {  	v56 =	vsub.f32 $1.500000000e+00, v56;
	v1 =	vadd.f32 v62, v1;
	v62 =	vperm.xlane v50, v2  }
0x12d: {  	v43 =	vsub.f32 v43, v49;
	v52 =	vadd.f32 v52, v55;
	v60 =	vperm.xlane v5, v2  }
0x12e: {  	v56 =	vmul.f32 v57, v56;
	v50 =	vadd.f32 v62, v50;
	v62 =	vperm.xlane v54, v3  }
0x12f: {  	v44 =	vsub.f32 v44, v49;
	v5 =	vadd.f32 v60, v5;
	v60 =	vperm.xlane v52, v3  }
0x130: {  	v54 =	vadd.f32 v54, v62;
	v62 =	vperm.xlane v53, v3;
	v51 =	vmul.f32 v56, v51  }
0x131: {  	v45 =	vsub.f32 v45, v49;
	v52 =	vadd.f32 v52, v60;
	v60 =	vperm.xlane v1, v3  }
0x132: {  	v53 =	vadd.f32 v53, v62;
	v62 =	vperm.xlane v50, v3;
	v51 =	vmul.f32 v51, v56  }
0x133: {  	v46 =	vsub.f32 v46, v49;
	v1 =	vadd.f32 v60, v1;
	v60 =	vperm.xlane v54, v4  }
0x134: {  	v50 =	vadd.f32 v62, v50;
	v62 =	vperm.xlane v5, v3;
	v51 =	vsub.f32 $1.500000000e+00, v51  }
0x135: {  	[tilespmem:v18+s19+$0x0] =	vst.idx.msk $0xffff, v59;
	v54 =	vadd.f32 v54, v60;
	v60 =	vperm.xlane v52, v4  }
0x136: {  	v55 =	vadd.s32 v7, v16;
	v5 =	vadd.f32 v62, v5;
	v51 =	vmul.f32 v51, v56  }
0x137: {  	s13 =	sadd.s32 $0x3, s1;
	v56 =	vperm.xlane v53, v4;
	v52 =	vadd.f32 v52, v60;
	v62 =	vperm.xlane v1, v4  }
0x138: {  	[tilespmem:v17+s19+$0x0] =	vst.idx.msk $0xffff, v38;
	v60 =	vmov s13;
	v54 =	vmul.f32 $1.562500000e-02, v54;
	v43 =	vmul.f32 v51, v43  }
0x139: {  	[tilespmem:v20+s19+$0x0] =	vst.idx.msk $0xffff, v37;
	v49 =	vand.u32 $0x7F, v60;
	v44 =	vmul.f32 v51, v44;
	v45 =	vmul.f32 v51, v45  }
0x13a: {  	v46 =	vmul.f32 v51, v46;
	v1 =	vadd.f32 v62, v1;
	v62 =	vperm.xlane v50, v4  }
0x13b: {  	v51 =	vadd.s32 v6, v49;
	v53 =	vadd.f32 v53, v56;
	v60 =	vperm.xlane v5, v4  }
0x13c: {  	[tilespmem:v19+s19+$0x0] =	vst.idx.msk $0xffff, v39;
	v50 =	vadd.f32 v62, v50;
	v62 =	vmul.f32 v54, v54;
	v1 =	vmul.f32 $1.562500000e-02, v1  }
0x13d: {  	v56 =	vadd.s32 v7, v49;
	v57 =	vadd.s32 v8, v49;
	v20 =	vsub.f32 v47, v54  }
0x13e: {  	v49 =	vadd.s32 v9, v49;
	v36 =	vsub.f32 v36, v54;
	v1 =	vsub.f32 v1, v62  }
0x13f: {  	v39 =	vsub.f32 v48, v54;
	v44 =	vmul.f32 v44, v11;
	v45 =	vmul.f32 v45, v12  }
0x140: {  	v43 =	vmul.f32 v43, v10;
	v5 =	vadd.f32 v60, v5;
	v1 =	vadd.f32 $9.999999740e-06, v1  }
0x141: {  	v38 =	vmul.f32 $1.562500000e-02, v53;
	v18 =	vadd.f32 v44, v15;
	v44 =	vadd.f32 v45, v63  }
0x142: {  	v45 =	vmul.f32 $1.562500000e-02, v52;
	v53 =	vshrl.u32 v1, $0x1;
	v1 =	vmul.f32 $5.000000000e-01, v1  }
0x143: {  	v5 =	vmul.f32 $1.562500000e-02, v5;
	v59 =	vmul.f32 v38, v38;
	v19 =	vsub.s32 $0x5F3759DF, v53  }
0x144: {  	v46 =	vmul.f32 v46, v13;
	v43 =	vadd.f32 v43, v14;
	v60 =	vmul.f32 v19, v1  }
0x145: {  	s12 =	sadd.s32 $0x2, s31;
	[tilespmem:v21+s19+$0x0] =	vst.idx.msk $0xffff, v41;
	v50 =	vmul.f32 $1.562500000e-02, v50;
	v52 =	vmul.f32 v45, v45;
	v5 =	vsub.f32 v5, v59  }
0x146: {  	v58 =	vmov s12;
	v17 =	vadd.f32 v46, v61;
	[tilespmem:v51+s19+$0x0] =	vst.idx.msk $0xffff, v43;
	v41 =	vmul.f32 v19, v60  }
0x147: {  	v48 =	vadd.s32 v8, v16;
	[tilespmem:v56+s19+$0x0] =	vst.idx.msk $0xffff, v18;
	v37 =	vsub.f32 v50, v52;
	v5 =	vadd.f32 $9.999999740e-06, v5  }
0x148: {  	v16 =	vadd.s32 v9, v16;
	v42 =	vsub.f32 v42, v54;
	[tilespmem:v57+s19+$0x0] =	vst.idx.msk $0xffff, v44;
	v41 =	vsub.f32 $1.500000000e+00, v41  }
0x149: {  	[tilespmem:v49+s19+$0x0] =	vst.idx.msk $0xffff, v17;
	v47 =	vadd.f32 $9.999999740e-06, v37;
	v17 =	vshrl.u32 v5, $0x1;
	v5 =	vmul.f32 $5.000000000e-01, v5  }
0x14a: {  	v62 =	vand.u32 $0x7E, v58;
	v17 =	vsub.s32 $0x5F3759DF, v17;
	v19 =	vmul.f32 v19, v41  }
0x14b: {  	[tilespmem:v55+s19+$0x0] =	vst.idx.msk $0xffff, v35;
	v50 =	vshrl.u32 v47, $0x1;
	v21 =	vmul.f32 $5.000000000e-01, v47;
	v53 =	vmul.f32 v17, v5  }
0x14c: {  	[tilespmem:v48+s19+$0x0] =	vst.idx.msk $0xffff, v40;
	v59 =	vadd.f32 v29, v15;
	v18 =	vsub.s32 $0x5F3759DF, v50;
	v1 =	vmul.f32 v19, v1  }
0x14d: {  	v52 =	vadd.s32 v6, v62;
	v51 =	vmul.f32 v18, v21;
	v54 =	vmul.f32 v17, v53  }
0x14e: {  	v25 =	vsub.f32 v25, v45;
	v56 =	vadd.s32 v7, v62;
	v1 =	vmul.f32 v1, v19  }
0x14f: {  	[tilespmem:v16+s19+$0x0] =	vst.idx.msk $0xffff, v33;
	v57 =	vadd.s32 v8, v62;
	v44 =	vmul.f32 v18, v51;
	v16 =	vsub.f32 $1.500000000e+00, v54  }
0x150: {  	v58 =	vadd.s32 v9, v62;
	v40 =	vsub.f32 v31, v45;
	v1 =	vsub.f32 $1.500000000e+00, v1  }
0x151: {  	v55 =	vsub.f32 $1.500000000e+00, v44;
	v16 =	vmul.f32 v17, v16;
	v17 =	vmul.f32 v23, v13  }
0x152: {  	v62 =	vadd.f32 v28, v63;
	[tilespmem:v52+s19+$0x0] =	vst.idx.msk $0xffff, v34;
	v1 =	vmul.f32 v1, v19  }
0x153: {  	v35 =	vmov s1;
	[tilespmem:v56+s19+$0x0] =	vst.idx.msk $0xffff, v59;
	v18 =	vmul.f32 v18, v55;
	v17 =	vadd.f32 v17, v61  }
0x154: {  	v60 =	vsub.f32 v27, v45;
	[tilespmem:v57+s19+$0x0] =	vst.idx.msk $0xffff, v62;
	v23 =	vand.u32 $0x7C, v35;
	v20 =	vmul.f32 v1, v20  }
0x155: {  	v21 =	vmul.f32 v18, v21;
	[tilespmem:v58+s19+$0x0] =	vst.idx.msk $0xffff, v17;
	v17 =	vadd.s32 v6, v23  }
0x156: {  	v37 =	vadd.s32 v7, v23;
	v36 =	vmul.f32 v1, v36;
	v20 =	vmul.f32 v20, v10  }
0x157: {  	v43 =	vadd.s32 v8, v23;
	v21 =	vmul.f32 v21, v18;
	v41 =	vmul.f32 v1, v39  }
0x158: {  	v1 =	vmul.f32 v1, v42;
	v27 =	vmul.f32 v36, v11;
	v20 =	vadd.f32 v20, v14  }
0x159: {  	v5 =	vmul.f32 v16, v5;
	v23 =	vadd.s32 v9, v23;
	v31 =	vmul.f32 v41, v12  }
0x15a: {  	v1 =	vmul.f32 v1, v13;
	v27 =	vadd.f32 v27, v15;
	[tilespmem:v17+s19+$0x0] =	vst.idx.msk $0xffff, v20;
	v17 =	vsub.f32 $1.500000000e+00, v21  }
0x15b: {  	s14 =	sadd.s32 $0x1, s1;
	v44 =	vsub.f32 v32, v45;
	v5 =	vmul.f32 v5, v16;
	v45 =	vadd.f32 v31, v63  }
0x15c: {  	v48 =	vmov s14;
	v1 =	vadd.f32 v1, v61;
	[tilespmem:v37+s19+$0x0] =	vst.idx.msk $0xffff, v27;
	v17 =	vmul.f32 v17, v18  }
0x15d: {  	v46 =	vsub.f32 v22, v38;
	v49 =	vand.u32 $0x7D, v48;
	[tilespmem:v43+s19+$0x0] =	vst.idx.msk $0xffff, v45  }
0x15e: {  	v47 =	vsub.f32 v24, v38;
	[tilespmem:v23+s19+$0x0] =	vst.idx.msk $0xffff, v1;
	v1 =	vsub.f32 $1.500000000e+00, v5;
	v5 =	vmul.f32 v17, v60  }
0x15f: {  	v50 =	vsub.f32 v26, v38;
	v52 =	vadd.s32 v6, v49;
	v51 =	vmul.f32 v17, v25  }
0x160: {  	v1 =	vmul.f32 v1, v16;
	v16 =	vadd.s32 v7, v49;
	v5 =	vmul.f32 v5, v10  }
0x161: {  	v53 =	vsub.f32 v30, v38;
	v54 =	vmul.f32 v17, v40;
	v23 =	vmul.f32 v51, v11  }
0x162: {  	v55 =	vadd.s32 v8, v49;
	v17 =	vmul.f32 v17, v44;
	v5 =	vadd.f32 v5, v14  }
0x163: {  	s16 =	sadd.s32 $0x2, s1;
	v19 =	vadd.s32 v9, v49;
	v26 =	vmul.f32 v54, v12;
	v23 =	vadd.f32 v23, v15  }
0x164: {  	v57 =	vmov s16;
	v17 =	vmul.f32 v17, v13;
	v18 =	vmul.f32 v1, v46;
	[tilespmem:v52+s19+$0x0] =	vst.idx.msk $0xffff, v5  }
0x165: {  	v56 =	vmul.f32 v1, v50;
	v58 =	vadd.f32 v26, v63;
	[tilespmem:v16+s19+$0x0] =	vst.idx.msk $0xffff, v23;
	v16 =	vand.u32 $0x7E, v57  }
0x166: {  	v17 =	vadd.f32 v17, v61;
	v5 =	vmul.f32 v1, v47;
	v59 =	vadd.s32 v6, v16  }
0x167: {  	v18 =	vmul.f32 v18, v10;
	v21 =	vmul.f32 v56, v12;
	v60 =	vadd.s32 v7, v16  }
0x168: {  	v1 =	vmul.f32 v1, v53;
	v5 =	vmul.f32 v5, v11;
	v62 =	vadd.s32 v8, v16  }
0x169: {  	v18 =	vadd.f32 v18, v14;
	[tilespmem:v55+s19+$0x0] =	vst.idx.msk $0xffff, v58;
	v16 =	vadd.s32 v9, v16  }
0x16a: {  	v1 =	vmul.f32 v1, v13;
	[tilespmem:v19+s19+$0x0] =	vst.idx.msk $0xffff, v17;
	v5 =	vadd.f32 v5, v15  }
0x16b: {  	s31 =	sadd.s32 s8, s0;
	v17 =	vadd.f32 v21, v63;
	[tilespmem:v59+s19+$0x0] =	vst.idx.msk $0xffff, v18  }
0x16c: {  	s1 =	sshll.u32 s31, $0xA;
	v1 =	vadd.f32 v1, v61;
	[tilespmem:v60+s19+$0x0] =	vst.idx.msk $0xffff, v5  }
0x16d: {  	s5 =	simm.s32 $0x10;
	s1 =	sadd.s32 s3, s1;
	[tilespmem:v62+s19+$0x0] =	vst.idx.msk $0xffff, v17  }
0x16e: {  	s2 =	simm.s32 $0xC000;
	s12 =	simm.s32 $0xC088;
	s13 =	sadd.s32 $0x0, s1;
	[tilespmem:v16+s19+$0x0] =	vst.idx.msk $0xffff, v1  }
.LBB2_5:
0x16f: {  	[hbm4b:s13+s4] =	stream.linear.scatter [tilespmem:s2], [sflag:$0x5], $0x80, $0x38;
	[tilespmem:$0x12480] =	vst v63  }
0x170: {  	s13 =	smov.u32 s5;
	s2 =	smov.u32 s12;
	p1 =	sne.s32 s5, $0x3F0  }
.Ltmp3:
0x171: {  	s5 =	sadd.s32 $0x10, s5;
	(pc) =	sbr.rel @p1 .LBB2_5-.Ltmp3, $2  }
0x172: {  	_ =	sdelay $0x2  }
0x173: {  	s12 =	sadd.s32 $0x88, s12;
	s13 =	sadd.s32 s13, s1  }
0x174: {  	[hbm4b:s13+s4] =	stream.linear.scatter [tilespmem:s2], [sflag:$0x5], $0x80, $0x38;
	[tilespmem:$0x12480] =	vst v63  }
0x175: {  	s31 =	sor.u32 $0x2, s0  }
0x176: {  	s1 =	sshll.u32 s31, $0x7  }
0x177: {  	s1 =	sand.u32 $0x3FFFFF80, s1  }
0x178: {  	[tilespmem:s20], [sflag:$0x3] =	stream.indirect.gather [hbm4b:s6+s15], $0x40, s1, s15, $0xb8;
	[tilespmem:$0x12480] =	vst v63  }
0x179: {  	_ =	swait.ge [sflag:s21], $0x2000  }
0x17a: {  	[sflag:s21] =	ssyncset.done $0x0  }
0x17b: {  	s1 =	simm.s32 @!p0 $0x6;
	[sflag:s21] =	ssyncadd.s32 $0xFFFFE000  }
0x17c: {  	_ =	swait.ge @!p0 [sflag:s1], $0x2000  }
0x17d: {  	[sflag:s1] =	ssyncset.done @!p0 $0x0  }
0x17e: {  	s12 =	simm.s32 $0x60F0;
	[sflag:s1] =	ssyncadd.s32 @!p0 $0xFFFFE000  }
0x17f: {  	v1 =	vld [tilespmem:s12+$0xFFFFFFF0]  }
0x180: {  	s13 =	simm.s32 $0x10480;
	v5 =	vld [tilespmem:s12+$0xFFFFFFD0]  }
0x181: {  	v16 =	vld [tilespmem:s13+$0x40]  }
0x182: {  	v17 =	vld [tilespmem:s12+$0xFFFFFFE0]  }
0x183: {  	v18 =	vld [tilespmem:s13+$0x50]  }
0x184: {  	v19 =	vld [tilespmem:s13+$0x60]  }
0x185: {  	v20 =	vld [tilespmem:s12+$0x0]  }
0x186: {  	v21 =	vld [tilespmem:s13+$0x70]  }
0x187: {  	v22 =	vld [tilespmem:s13+$0xFFFFFF80]  }
0x188: {  	v24 =	vld [tilespmem:s12+$0xFFFFFF20]  }
0x189: {  	v25 =	vld [tilespmem:s13+$0xFFFFFFD0]  }
0x18a: {  	v28 =	vld [tilespmem:s12+$0xFFFFFF90]  }
0x18b: {  	v30 =	vld [tilespmem:s12+$0xFFFFFFA0];
	v29 =	vadd.f32 v16, v5;
	v27 =	vadd.f32 v18, v17  }
0x18c: {  	v33 =	vld [tilespmem:s13+$0x10];
	v26 =	vadd.f32 v19, v1  }
0x18d: {  	v1 =	vld [tilespmem:s12+$0xFFFFFF50];
	v16 =	vadd.f32 v27, v29;
	v17 =	vmul.f32 v29, v29;
	v18 =	vmul.f32 v27, v27  }
0x18e: {  	v19 =	vld [tilespmem:s13+$0xFFFFFFC0];
	v23 =	vadd.f32 v21, v20  }
0x18f: {  	v21 =	vld [tilespmem:s12+$0xFFFFFF60];
	v16 =	vadd.f32 v26, v16;
	v17 =	vadd.f32 v18, v17;
	v18 =	vmul.f32 v26, v26  }
0x190: {  	v5 =	vld [tilespmem:s13+$0xFFFFFF90]  }
0x191: {  	v20 =	vadd.f32 v23, v16;
	v16 =	vadd.f32 v18, v17;
	v17 =	vmul.f32 v23, v23;
	v18 =	vld [tilespmem:s13+$0x0]  }
0x192: {  	v50 =	vld [tilespmem:s12+$0xFFFFFFB0]  }
0x193: {  	v31 =	vperm.xlane v20, v0;
	v32 =	vadd.f32 v17, v16;
	v16 =	vadd.f32 v19, v1;
	v1 =	vld [tilespmem:s12+$0xFFFFFF10]  }
0x194: {  	v38 =	vld [tilespmem:s13+$0x20];
	v17 =	vadd.f32 v25, v21  }
0x195: {  	v31 =	vadd.f32 v20, v31;
	v19 =	vperm.xlane v32, v0;
	v20 =	vadd.f32 v5, v24;
	v5 =	vld [tilespmem:s12+$0xFFFFFF30]  }
0x196: {  	v21 =	vmul.f32 v16, v16;
	v24 =	vld [tilespmem:s13+$0xFFFFFFA0];
	v35 =	vadd.f32 v17, v16;
	v18 =	vadd.f32 v18, v28  }
0x197: {  	v39 =	vld [tilespmem:s12+$0xFFFFFF40];
	v28 =	vmul.f32 v17, v17;
	v25 =	vperm.xlane v31, v2;
	v32 =	vadd.f32 v19, v32  }
0x198: {  	v43 =	vld [tilespmem:s13+$0xFFFFFFB0];
	v19 =	vadd.f32 v33, v30;
	v22 =	vadd.f32 v22, v1  }
0x199: {  	v1 =	vadd.f32 v28, v21;
	v37 =	vmul.f32 v18, v18;
	v25 =	vadd.f32 v31, v25  }
0x19a: {  	v34 =	vld [tilespmem:s12+$0xFFFFFF70];
	v30 =	vperm.xlane v32, v2;
	v31 =	vmul.f32 v20, v20;
	v51 =	vadd.f32 v19, v18  }
0x19b: {  	v36 =	vld [tilespmem:s13+$0xFFFFFFE0];
	v42 =	vmul.f32 v19, v19;
	v40 =	vadd.f32 v20, v22;
	v28 =	vadd.f32 v24, v5  }
0x19c: {  	v41 =	vmul.f32 v22, v22;
	v24 =	vadd.f32 v38, v50;
	v30 =	vadd.f32 v30, v32  }
0x19d: {  	v37 =	vadd.f32 v42, v37;
	v32 =	vadd.f32 v43, v39  }
0x19e: {  	v52 =	vld [tilespmem:s13+$0xFFFFFFF0];
	v21 =	vperm.xlane v25, v3;
	v5 =	vadd.f32 v31, v41;
	v40 =	vadd.f32 v28, v40  }
0x19f: {  	v31 =	vld [tilespmem:s12+$0xFFFFFF80];
	v54 =	vmul.f32 v28, v28;
	v59 =	vadd.f32 v24, v51;
	v60 =	vmul.f32 v24, v24  }
0x1a0: {  	s5 =	simm.s32 $0x0;
	v44 =	vadd.f32 v25, v21;
	v45 =	vperm.xlane v30, v3;
	v25 =	vadd.f32 v36, v34  }
0x1a1: {  	v21 =	vmov s5;
	v5 =	vadd.f32 v54, v5;
	v62 =	vadd.f32 v32, v40  }
0x1a2: {  	v55 =	vld [tilespmem:s12+$0xFFFFFFC0];
	v43 =	vmul.f32 v32, v32;
	v37 =	vadd.f32 v60, v37;
	v30 =	vadd.f32 v45, v30  }
0x1a3: {  	v56 =	vld [tilespmem:s13+$0x30];
	v21 =	vand.u32 $0x7C, v21;
	v53 =	vperm.xlane v44, v4;
	v35 =	vadd.f32 v25, v35  }
0x1a4: {  	v58 =	vmul.f32 v25, v25;
	v57 =	vperm.xlane v30, v4;
	v31 =	vadd.f32 v52, v31  }
0x1a5: {  	v5 =	vadd.f32 v43, v5;
	v36 =	vadd.f32 v44, v53;
	v52 =	vperm.xlane v62, v0  }
0x1a6: {  	v1 =	vadd.f32 v58, v1;
	v30 =	vadd.f32 v57, v30;
	v48 =	vmul.f32 v31, v31  }
0x1a7: {  	v36 =	vmul.f32 $1.562500000e-02, v36;
	v35 =	vadd.f32 v31, v35;
	v34 =	vadd.f32 v62, v52  }
0x1a8: {  	v46 =	vmul.f32 $1.562500000e-02, v30;
	v30 =	vadd.f32 v56, v55;
	v1 =	vadd.f32 v48, v1  }
0x1a9: {  	v47 =	vmul.f32 v36, v36;
	v29 =	vsub.f32 v29, v36;
	v27 =	vsub.f32 v27, v36  }
0x1aa: {  	v53 =	vperm.xlane v35, v0;
	v26 =	vsub.f32 v26, v36;
	v23 =	vsub.f32 v23, v36  }
0x1ab: {  	v56 =	vperm.xlane v5, v0;
	v49 =	vsub.f32 v46, v47;
	v50 =	vadd.f32 v30, v59  }
0x1ac: {  	v51 =	vmul.f32 v30, v30;
	v35 =	vadd.f32 v35, v53;
	v57 =	vperm.xlane v1, v0  }
0x1ad: {  	v59 =	vperm.xlane v34, v2;
	v5 =	vadd.f32 v56, v5;
	v38 =	vadd.f32 $9.999999740e-06, v49  }
0x1ae: {  	v54 =	vperm.xlane v50, v0;
	v37 =	vadd.f32 v51, v37;
	v62 =	vperm.xlane v35, v2  }
0x1af: {  	v1 =	vadd.f32 v57, v1;
	v34 =	vadd.f32 v34, v59;
	v46 =	vperm.xlane v5, v2  }
0x1b0: {  	v55 =	vshrl.u32 v38, $0x1;
	v38 =	vmul.f32 $5.000000000e-01, v38;
	v33 =	vadd.f32 v50, v54  }
0x1b1: {  	v60 =	vperm.xlane v37, v0;
	v35 =	vadd.f32 v35, v62;
	v47 =	vperm.xlane v1, v2  }
0x1b2: {  	v5 =	vadd.f32 v46, v5;
	v49 =	vperm.xlane v34, v3;
	v39 =	vsub.s32 $0x5F3759DF, v55  }
0x1b3: {  	v58 =	vmul.f32 v39, v38;
	v45 =	vperm.xlane v33, v2;
	v37 =	vadd.f32 v60, v37  }
0x1b4: {  	v50 =	vperm.xlane v35, v3;
	v1 =	vadd.f32 v47, v1;
	v34 =	vadd.f32 v34, v49  }
0x1b5: {  	v52 =	vperm.xlane v5, v3;
	v43 =	vmul.f32 v39, v58;
	v33 =	vadd.f32 v33, v45  }
0x1b6: {  	v48 =	vperm.xlane v37, v2;
	v35 =	vadd.f32 v35, v50;
	v53 =	vperm.xlane v1, v3  }
0x1b7: {  	v54 =	vperm.xlane v34, v4;
	v5 =	vadd.f32 v52, v5;
	v43 =	vsub.f32 $1.500000000e+00, v43  }
0x1b8: {  	v51 =	vperm.xlane v33, v3;
	v37 =	vadd.f32 v48, v37;
	v1 =	vadd.f32 v53, v1  }
0x1b9: {  	s14 =	simm.s32 $0x3;
	v34 =	vadd.f32 v34, v54;
	v57 =	vperm.xlane v5, v4;
	v39 =	vmul.f32 v39, v43  }
0x1ba: {  	v58 =	vmov s14;
	v55 =	vperm.xlane v37, v3;
	v43 =	vperm.xlane v35, v4  }
0x1bb: {  	v33 =	vadd.f32 v33, v51;
	v42 =	vperm.xlane v1, v4;
	v34 =	vmul.f32 $1.562500000e-02, v34  }
0x1bc: {  	v5 =	vadd.f32 v57, v5;
	v38 =	vmul.f32 v39, v38;
	v37 =	vadd.f32 v55, v37  }
0x1bd: {  	v56 =	vperm.xlane v33, v4;
	v35 =	vadd.f32 v35, v43;
	v1 =	vadd.f32 v42, v1  }
0x1be: {  	v60 =	vmul.f32 v34, v34;
	v5 =	vmul.f32 $1.562500000e-02, v5;
	v22 =	vsub.f32 v22, v34  }
0x1bf: {  	v20 =	vsub.f32 v20, v34;
	v28 =	vsub.f32 v28, v34;
	v38 =	vmul.f32 v38, v39  }
0x1c0: {  	v33 =	vadd.f32 v33, v56;
	v59 =	vperm.xlane v37, v4;
	v35 =	vmul.f32 $1.562500000e-02, v35  }
0x1c1: {  	v1 =	vmul.f32 $1.562500000e-02, v1;
	v5 =	vsub.f32 v5, v60;
	v38 =	vsub.f32 $1.500000000e+00, v38  }
0x1c2: {  	v33 =	vmul.f32 $1.562500000e-02, v33;
	v37 =	vadd.f32 v59, v37;
	v62 =	vmul.f32 v35, v35  }
0x1c3: {  	v32 =	vsub.f32 v32, v34;
	v5 =	vadd.f32 $9.999999740e-06, v5;
	v38 =	vmul.f32 v38, v39  }
0x1c4: {  	v37 =	vmul.f32 $1.562500000e-02, v37;
	v44 =	vmul.f32 v33, v33;
	v1 =	vsub.f32 v1, v62  }
0x1c5: {  	v46 =	vshrl.u32 v5, $0x1;
	v5 =	vmul.f32 $5.000000000e-01, v5;
	v29 =	vmul.f32 v38, v29  }
0x1c6: {  	v27 =	vmul.f32 v38, v27;
	v45 =	vsub.f32 v37, v44;
	v1 =	vadd.f32 $9.999999740e-06, v1  }
0x1c7: {  	v26 =	vmul.f32 v38, v26;
	v23 =	vmul.f32 v38, v23;
	v37 =	vsub.s32 $0x5F3759DF, v46  }
0x1c8: {  	v36 =	vadd.f32 $9.999999740e-06, v45;
	v47 =	vshrl.u32 v1, $0x1;
	v1 =	vmul.f32 $5.000000000e-01, v1  }
0x1c9: {  	v49 =	vmul.f32 v37, v5;
	v26 =	vmul.f32 v26, v12;
	v38 =	vsub.s32 $0x5F3759DF, v47  }
0x1ca: {  	v48 =	vshrl.u32 v36, $0x1;
	v36 =	vmul.f32 $5.000000000e-01, v36;
	v50 =	vmul.f32 v38, v1  }
0x1cb: {  	v44 =	vadd.f32 v26, v63;
	v26 =	vmul.f32 v37, v49;
	v40 =	vsub.s32 $0x5F3759DF, v48  }
0x1cc: {  	v16 =	vsub.f32 v16, v35;
	v31 =	vsub.f32 v31, v35;
	v51 =	vmul.f32 v40, v36  }
0x1cd: {  	v39 =	vand.u32 $0x7F, v58;
	v52 =	vmul.f32 v38, v50;
	v26 =	vsub.f32 $1.500000000e+00, v26  }
0x1ce: {  	v58 =	vsub.f32 v17, v35;
	v59 =	vsub.f32 v18, v33;
	v53 =	vmul.f32 v40, v51  }
0x1cf: {  	v60 =	vsub.f32 v30, v33;
	v41 =	vsub.f32 $1.500000000e+00, v52;
	v26 =	vmul.f32 v37, v26  }
0x1d0: {  	v29 =	vmul.f32 v29, v10;
	v27 =	vmul.f32 v27, v11;
	v42 =	vsub.f32 $1.500000000e+00, v53  }
0x1d1: {  	v54 =	vadd.s32 v6, v39;
	v56 =	vmul.f32 v38, v41;
	v5 =	vmul.f32 v26, v5  }
0x1d2: {  	v55 =	vadd.s32 v7, v39;
	v23 =	vmul.f32 v23, v13;
	v57 =	vmul.f32 v40, v42  }
0x1d3: {  	v46 =	vsub.f32 v25, v35;
	v1 =	vmul.f32 v56, v1;
	v5 =	vmul.f32 v5, v26  }
0x1d4: {  	v47 =	vsub.f32 v19, v33;
	v19 =	vadd.s32 v8, v39;
	v29 =	vadd.f32 v29, v14  }
0x1d5: {  	v17 =	vmul.f32 v57, v36;
	v1 =	vmul.f32 v1, v56;
	v5 =	vsub.f32 $1.500000000e+00, v5  }
0x1d6: {  	v18 =	vadd.s32 v6, v21;
	v27 =	vadd.f32 v27, v15;
	v23 =	vadd.f32 v23, v61  }
0x1d7: {  	s12 =	simm.s32 $0x61F0;
	[tilespmem:v54+s22+$0x0] =	vst.idx.msk $0xffff, v29;
	v17 =	vmul.f32 v17, v57;
	v1 =	vsub.f32 $1.500000000e+00, v1;
	v5 =	vmul.f32 v5, v26  }
0x1d8: {  	v30 =	vld [tilespmem:s12+$0xFFFFFFE0];
	v49 =	vadd.s32 v9, v39;
	v48 =	vsub.f32 v24, v33;
	[tilespmem:v55+s22+$0x0] =	vst.idx.msk $0xffff, v27  }
0x1d9: {  	v25 =	vld [tilespmem:s12+$0xFFFFFFD0];
	[tilespmem:v19+s22+$0x0] =	vst.idx.msk $0xffff, v44;
	v17 =	vsub.f32 $1.500000000e+00, v17;
	v1 =	vmul.f32 v1, v56;
	v26 =	vmul.f32 v5, v22  }
0x1da: {  	s16 =	simm.s32 $0x1;
	s13 =	simm.s32 $0x10580;
	v24 =	vld [tilespmem:s12+$0xFFFFFFF0];
	v19 =	vadd.s32 v9, v21;
	v38 =	vmul.f32 v5, v20;
	v37 =	vmul.f32 v5, v28  }
0x1db: {  	v27 =	vld [tilespmem:s13+$0x40];
	v39 =	vmul.f32 v5, v32;
	v5 =	vmov s16;
	v62 =	vmul.f32 v17, v57  }
0x1dc: {  	v42 =	vld [tilespmem:s13+$0x60];
	v20 =	vadd.s32 v8, v21;
	v41 =	vmul.f32 v1, v16;
	v35 =	vmul.f32 v1, v58  }
0x1dd: {  	v32 =	vld [tilespmem:s13+$0x50];
	v17 =	vadd.s32 v7, v21;
	v40 =	vmul.f32 v1, v46;
	v33 =	vmul.f32 v1, v31  }
0x1de: {  	[tilespmem:v49+s22+$0x0] =	vst.idx.msk $0xffff, v23;
	v31 =	vld [tilespmem:s12+$0x0];
	v16 =	vand.u32 $0x7D, v5;
	v34 =	vmul.f32 v62, v59;
	v29 =	vmul.f32 v62, v47  }
0x1df: {  	s2 =	simm.s32 $0x4;
	s1 =	sor.u32 $0x1, s0;
	s14 =	simm.s32 $0x8;
	v46 =	vld [tilespmem:s13+$0x70];
	v21 =	vadd.s32 v6, v16;
	v28 =	vmul.f32 v62, v48;
	v23 =	vmul.f32 v62, v60  }
.LBB2_7:
0x1e0: {  	v44 =	vld [tilespmem:s12+$0xFFFFFF20]  }
0x1e1: {  	v45 =	vld [tilespmem:s12+$0xFFFFFF50]  }
0x1e2: {  	v48 =	vld [tilespmem:s13+$0xFFFFFFC0]  }
0x1e3: {  	v5 =	vmul.f32 v26, v10;
	v43 =	vmul.f32 v38, v11;
	v56 =	vld [tilespmem:s13+$0xFFFFFFD0]  }
0x1e4: {  	v57 =	vld [tilespmem:s12+$0xFFFFFF90];
	v41 =	vmul.f32 v41, v10;
	v29 =	vmul.f32 v29, v11  }
0x1e5: {  	v22 =	vadd.s32 v7, v16;
	v59 =	vld [tilespmem:s13+$0x0];
	v28 =	vmul.f32 v28, v12;
	v23 =	vmul.f32 v23, v13  }
0x1e6: {  	v38 =	vadd.f32 v27, v25;
	v36 =	vadd.f32 v32, v30;
	v32 =	vmul.f32 v37, v12;
	v30 =	vld [tilespmem:s13+$0xFFFFFF90]  }
0x1e7: {  	v37 =	vadd.f32 v42, v24;
	v42 =	vmul.f32 v39, v13;
	v39 =	vadd.f32 v46, v31;
	v31 =	vld [tilespmem:s12+$0xFFFFFF60]  }
0x1e8: {  	v1 =	vld [tilespmem:s13+$0xFFFFFF80];
	v26 =	vadd.f32 v36, v38;
	v27 =	vmul.f32 v38, v38;
	v47 =	vmul.f32 v36, v36  }
0x1e9: {  	v51 =	vld [tilespmem:s12+$0xFFFFFF10];
	v5 =	vadd.f32 v5, v14;
	v43 =	vadd.f32 v43, v15;
	v24 =	vmul.f32 v35, v11  }
0x1ea: {  	v55 =	vmul.f32 v37, v37;
	v53 =	vadd.f32 v37, v26;
	v54 =	vadd.f32 v47, v27  }
0x1eb: {  	v27 =	vmul.f32 v33, v13;
	v33 =	vadd.f32 v48, v45;
	v35 =	vadd.f32 v30, v44  }
0x1ec: {  	v50 =	vld [tilespmem:s13+$0x10];
	v25 =	vmul.f32 v40, v12;
	v30 =	vadd.f32 v56, v31;
	v31 =	vadd.f32 v59, v57  }
0x1ed: {  	v58 =	vmul.f32 v39, v39;
	v45 =	vld [tilespmem:s12+$0xFFFFFFA0];
	v49 =	vadd.f32 v39, v53;
	v40 =	vadd.f32 v55, v54  }
0x1ee: {  	v26 =	vmul.f32 v34, v10;
	v47 =	vld [tilespmem:s12+$0xFFFFFFB0];
	v56 =	vadd.f32 v41, v14;
	v41 =	vadd.f32 v1, v51  }
0x1ef: {  	v51 =	vld [tilespmem:s13+$0x20];
	v53 =	vadd.f32 v32, v63;
	v60 =	vperm.xlane v49, v0;
	v40 =	vadd.f32 v58, v40  }
0x1f0: {  	v52 =	vmul.f32 v33, v33;
	v54 =	vadd.f32 v42, v61;
	v32 =	vld [tilespmem:s13+$0xFFFFFFA0];
	v26 =	vadd.f32 v26, v14  }
0x1f1: {  	v55 =	vmul.f32 v30, v30;
	v62 =	vadd.f32 v49, v60;
	v60 =	vperm.xlane v40, v0;
	v49 =	vld [tilespmem:s12+$0xFFFFFF30]  }
0x1f2: {  	v46 =	vmul.f32 v35, v35;
	v48 =	vadd.f32 v30, v33;
	v34 =	vadd.f32 v50, v45  }
0x1f3: {  	v44 =	vld [tilespmem:s12+$0xFFFFFF70];
	v1 =	vadd.f32 v55, v52;
	v61 =	vperm.xlane v62, v2;
	v40 =	vadd.f32 v60, v40  }
0x1f4: {  	v57 =	vld [tilespmem:s13+$0xFFFFFFE0];
	v50 =	vmul.f32 v31, v31;
	v52 =	vadd.f32 v34, v31;
	v60 =	vadd.f32 v35, v41  }
0x1f5: {  	v59 =	vld [tilespmem:s12+$0xFFFFFF40];
	v45 =	vadd.f32 v62, v61;
	v62 =	vperm.xlane v40, v2;
	v61 =	vmul.f32 v34, v34  }
0x1f6: {  	v42 =	vadd.f32 v32, v49;
	v49 =	vld [tilespmem:s13+$0xFFFFFFB0];
	[tilespmem:v18+s22+$0x0] =	vst.idx.msk $0xffff, v5;
	v18 =	vadd.f32 v51, v47  }
0x1f7: {  	v47 =	vld [tilespmem:s12+$0xFFFFFFC0];
	v55 =	vperm.xlane v45, v3;
	v58 =	vadd.f32 v62, v40;
	v40 =	vmul.f32 v41, v41  }
0x1f8: {  	v51 =	vld [tilespmem:s13+$0x30];
	v50 =	vadd.f32 v61, v50;
	[tilespmem:v17+s22+$0x0] =	vst.idx.msk $0xffff, v43;
	v5 =	vadd.f32 v42, v60  }
0x1f9: {  	v52 =	vadd.f32 v18, v52;
	v45 =	vadd.f32 v45, v55;
	v55 =	vperm.xlane v58, v3  }
0x1fa: {  	v60 =	vld [tilespmem:s13+$0xFFFFFFF0];
	[tilespmem:v20+s22+$0x0] =	vst.idx.msk $0xffff, v53;
	v46 =	vadd.f32 v46, v40;
	v40 =	vadd.f32 v57, v44  }
0x1fb: {  	v57 =	vld [tilespmem:s12+$0xFFFFFF80];
	[tilespmem:v19+s22+$0x0] =	vst.idx.msk $0xffff, v54;
	v63 =	vperm.xlane v45, v4;
	v55 =	vadd.f32 v55, v58  }
0x1fc: {  	v58 =	vmul.f32 v42, v42;
	v48 =	vadd.f32 v40, v48;
	v44 =	vadd.f32 v49, v59  }
0x1fd: {  	v62 =	vmul.f32 v40, v40;
	v17 =	vadd.f32 v51, v47;
	v45 =	vadd.f32 v45, v63  }
0x1fe: {  	v61 =	vperm.xlane v55, v4;
	v46 =	vadd.f32 v58, v46;
	v5 =	vadd.f32 v44, v5  }
0x1ff: {  	v63 =	vmul.f32 v18, v18;
	v1 =	vadd.f32 v62, v1;
	v51 =	vadd.f32 v17, v52  }
0x200: {  	v19 =	vmul.f32 v44, v44;
	v43 =	vadd.f32 v60, v57;
	v59 =	vadd.f32 v61, v55  }
0x201: {  	v45 =	vmul.f32 $1.562500000e-02, v45;
	v50 =	vadd.f32 v63, v50;
	v62 =	vperm.xlane v51, v0  }
0x202: {  	v19 =	vadd.f32 v19, v46;
	v48 =	vadd.f32 v43, v48;
	v57 =	vmul.f32 v43, v43  }
0x203: {  	[tilespmem:v21+s22+$0x0] =	vst.idx.msk $0xffff, v56;
	v49 =	vmul.f32 $1.562500000e-02, v59;
	v60 =	vmul.f32 v45, v45;
	v47 =	vadd.f32 v51, v62  }
0x204: {  	v63 =	vld [tilespmem:$0x1FFA0];
	v59 =	vperm.xlane v5, v0;
	v38 =	vsub.f32 v38, v45;
	v36 =	vsub.f32 v36, v45  }
0x205: {  	v37 =	vsub.f32 v37, v45;
	v39 =	vsub.f32 v39, v45;
	v21 =	vperm.xlane v48, v0  }
0x206: {  	v1 =	vadd.f32 v57, v1;
	v57 =	vperm.xlane v19, v0;
	v49 =	vsub.f32 v49, v60  }
0x207: {  	v58 =	vmul.f32 v17, v17;
	v5 =	vadd.f32 v5, v59;
	v21 =	vadd.f32 v48, v21  }
0x208: {  	s16 =	sadd.s32 $0x2, s5;
	v19 =	vadd.f32 v57, v19;
	v57 =	vperm.xlane v47, v2;
	v60 =	vadd.f32 $9.999999740e-06, v49  }
0x209: {  	v20 =	vmov s16;
	v28 =	vadd.f32 v28, v63;
	v49 =	vadd.f32 v58, v50  }
0x20a: {  	v58 =	vperm.xlane v1, v0;
	v47 =	vadd.f32 v47, v57;
	v46 =	vmul.f32 $5.000000000e-01, v60  }
0x20b: {  	v56 =	vshrl.u32 v60, $0x1;
	v60 =	vperm.xlane v5, v2;
	v62 =	vperm.xlane v49, v0  }
0x20c: {  	v1 =	vadd.f32 v58, v1;
	v58 =	vperm.xlane v19, v2;
	v50 =	vsub.s32 $0x5F3759DF, v56  }
0x20d: {  	v56 =	vperm.xlane v21, v2;
	v59 =	vmul.f32 v50, v46;
	v49 =	vadd.f32 v62, v49  }
0x20e: {  	v57 =	vperm.xlane v47, v3;
	v5 =	vadd.f32 v5, v60;
	v19 =	vadd.f32 v58, v19  }
0x20f: {  	v21 =	vadd.f32 v21, v56;
	v53 =	vmul.f32 v50, v59;
	v59 =	vperm.xlane v1, v2  }
0x210: {  	v47 =	vadd.f32 v47, v57;
	v60 =	vperm.xlane v49, v2;
	v62 =	vperm.xlane v5, v3  }
0x211: {  	v58 =	vperm.xlane v19, v3;
	v56 =	vperm.xlane v21, v3;
	v53 =	vsub.f32 $1.500000000e+00, v53  }
0x212: {  	v51 =	vperm.xlane v47, v4;
	v1 =	vadd.f32 v59, v1;
	v5 =	vadd.f32 v5, v62  }
0x213: {  	s5 =	smov.u32 s2;
	v48 =	vadd.f32 v60, v49;
	v19 =	vadd.f32 v58, v19;
	v50 =	vmul.f32 v50, v53  }
0x214: {  	s16 =	sadd.s32 $0x3, s5;
	v21 =	vadd.f32 v21, v56;
	v59 =	vperm.xlane v1, v3;
	v60 =	vperm.xlane v5, v4  }
0x215: {  	v56 =	vmov s16;
	v62 =	vperm.xlane v48, v3;
	v46 =	vmul.f32 v50, v46  }
0x216: {  	v49 =	vperm.xlane v19, v4;
	v53 =	vperm.xlane v21, v4;
	v1 =	vadd.f32 v59, v1  }
0x217: {  	v5 =	vadd.f32 v5, v60;
	v48 =	vadd.f32 v62, v48;
	v46 =	vmul.f32 v46, v50  }
0x218: {  	v19 =	vadd.f32 v49, v19;
	v21 =	vadd.f32 v21, v53;
	v62 =	vperm.xlane v1, v4  }
0x219: {  	v5 =	vmul.f32 $1.562500000e-02, v5;
	v54 =	vperm.xlane v48, v4;
	v46 =	vsub.f32 $1.500000000e+00, v46  }
0x21a: {  	v47 =	vadd.f32 v47, v51;
	v19 =	vmul.f32 $1.562500000e-02, v19;
	v21 =	vmul.f32 $1.562500000e-02, v21  }
0x21b: {  	v1 =	vadd.f32 v62, v1;
	v35 =	vsub.f32 v35, v5;
	v46 =	vmul.f32 v46, v50  }
0x21c: {  	v33 =	vsub.f32 v33, v21;
	v50 =	vand.u32 $0x7F, v56;
	v56 =	vmul.f32 v5, v5  }
0x21d: {  	v40 =	vsub.f32 v40, v21;
	v1 =	vmul.f32 $1.562500000e-02, v1;
	v38 =	vmul.f32 v46, v38  }
0x21e: {  	v61 =	vld [tilespmem:$0x1FFB0];
	v57 =	vadd.s32 v6, v50;
	v36 =	vmul.f32 v46, v36;
	v37 =	vmul.f32 v46, v37  }
0x21f: {  	v58 =	vadd.s32 v7, v50;
	v39 =	vmul.f32 v46, v39;
	v38 =	vmul.f32 v38, v10  }
0x220: {  	v59 =	vadd.s32 v8, v50;
	v36 =	vmul.f32 v36, v11;
	v37 =	vmul.f32 v37, v12  }
0x221: {  	v19 =	vsub.f32 v19, v56;
	v39 =	vmul.f32 v39, v13;
	v38 =	vadd.f32 v38, v14  }
0x222: {  	v60 =	vadd.s32 v9, v50;
	v36 =	vadd.f32 v36, v15;
	v37 =	vadd.f32 v37, v63  }
0x223: {  	v55 =	vadd.f32 v39, v61;
	v39 =	vmul.f32 $1.562500000e-02, v47;
	[tilespmem:v57+s22+$0x0] =	vst.idx.msk $0xffff, v38;
	v38 =	vadd.f32 v54, v48  }
0x224: {  	v19 =	vadd.f32 $9.999999740e-06, v19;
	v57 =	vmul.f32 v21, v21;
	[tilespmem:v58+s22+$0x0] =	vst.idx.msk $0xffff, v36;
	v36 =	vsub.f32 v41, v5  }
0x225: {  	v58 =	vmul.f32 v39, v39;
	[tilespmem:v59+s22+$0x0] =	vst.idx.msk $0xffff, v37;
	v38 =	vmul.f32 $1.562500000e-02, v38;
	v37 =	vsub.f32 v42, v5  }
0x226: {  	v1 =	vsub.f32 v1, v57;
	v59 =	vshrl.u32 v19, $0x1;
	v19 =	vmul.f32 $5.000000000e-01, v19  }
0x227: {  	v5 =	vsub.f32 v44, v5;
	v44 =	vsub.s32 $0x5F3759DF, v59;
	v38 =	vsub.f32 v38, v58  }
0x228: {  	v54 =	vsub.f32 v30, v21;
	v1 =	vadd.f32 $9.999999740e-06, v1;
	v52 =	vmul.f32 v44, v19  }
0x229: {  	v20 =	vand.u32 $0x7E, v20;
	v21 =	vsub.f32 v43, v21;
	v38 =	vadd.f32 $9.999999740e-06, v38  }
0x22a: {  	[tilespmem:v60+s22+$0x0] =	vst.idx.msk $0xffff, v55;
	v60 =	vshrl.u32 v1, $0x1;
	v1 =	vmul.f32 $5.000000000e-01, v1;
	v47 =	vmul.f32 v44, v52  }
0x22b: {  	v45 =	vsub.s32 $0x5F3759DF, v60;
	v62 =	vshrl.u32 v38, $0x1;
	v38 =	vmul.f32 $5.000000000e-01, v38  }
0x22c: {  	v56 =	vsub.f32 v34, v39;
	v53 =	vmul.f32 v45, v1;
	v46 =	vsub.s32 $0x5F3759DF, v62  }
0x22d: {  	v55 =	vsub.f32 v31, v39;
	v31 =	vsub.f32 $1.500000000e+00, v47;
	v30 =	vmul.f32 v46, v38  }
0x22e: {  	v41 =	vadd.s32 v8, v16;
	v42 =	vadd.s32 v6, v20;
	v48 =	vmul.f32 v45, v53  }
0x22f: {  	v59 =	vsub.f32 v18, v39;
	v31 =	vmul.f32 v44, v31;
	v30 =	vmul.f32 v46, v30  }
0x230: {  	v16 =	vadd.s32 v9, v16;
	v18 =	vadd.f32 v25, v63;
	v57 =	vsub.f32 $1.500000000e+00, v48  }
0x231: {  	v58 =	vadd.s32 v7, v20;
	v19 =	vmul.f32 v31, v19;
	v30 =	vsub.f32 $1.500000000e+00, v30  }
0x232: {  	v60 =	vadd.s32 v8, v20;
	v62 =	vsub.f32 v17, v39;
	v34 =	vmul.f32 v45, v57  }
0x233: {  	v17 =	vadd.f32 v24, v15;
	v19 =	vmul.f32 v19, v31;
	v30 =	vmul.f32 v46, v30  }
0x234: {  	[tilespmem:v42+s22+$0x0] =	vst.idx.msk $0xffff, v26;
	v24 =	vadd.f32 v27, v61;
	v1 =	vmul.f32 v34, v1  }
0x235: {  	v27 =	vadd.f32 v29, v15;
	[tilespmem:v22+s22+$0x0] =	vst.idx.msk $0xffff, v17;
	v17 =	vsub.f32 $1.500000000e+00, v19;
	v25 =	vmul.f32 v30, v38  }
0x236: {  	v32 =	vmov s2;
	[tilespmem:v41+s22+$0x0] =	vst.idx.msk $0xffff, v18;
	v19 =	vadd.s32 v9, v20;
	v1 =	vmul.f32 v1, v34  }
0x237: {  	s13 =	sadd.s32 $0x100, s13;
	v29 =	vand.u32 $0x7C, v32;
	[tilespmem:v16+s22+$0x0] =	vst.idx.msk $0xffff, v24;
	v16 =	vmul.f32 v17, v31;
	v25 =	vmul.f32 v25, v30  }
0x238: {  	v42 =	vld [tilespmem:s13+$0x60];
	v22 =	vadd.f32 v23, v61;
	[tilespmem:v58+s22+$0x0] =	vst.idx.msk $0xffff, v27;
	v18 =	vadd.s32 v6, v29;
	v1 =	vsub.f32 $1.500000000e+00, v1  }
0x239: {  	v32 =	vld [tilespmem:s13+$0x50];
	[tilespmem:v60+s22+$0x0] =	vst.idx.msk $0xffff, v28;
	v26 =	vmul.f32 v16, v36;
	v38 =	vmul.f32 v16, v35;
	v20 =	vsub.f32 $1.500000000e+00, v25  }
0x23a: {  	p0 =	slt.u32 s14, $0x7C;
	s12 =	sadd.s32 $0x100, s12;
	s16 =	sadd.s32 $0x1, s5;
	v27 =	vld [tilespmem:s13+$0x40];
	v17 =	vadd.s32 v7, v29;
	v37 =	vmul.f32 v16, v37;
	v1 =	vmul.f32 v1, v34  }
.Ltmp4:
0x23b: {  	v24 =	vld [tilespmem:s12+$0xFFFFFFF0];
	v39 =	vmul.f32 v16, v5;
	v5 =	vmov s16;
	[tilespmem:v19+s22+$0x0] =	vst.idx.msk $0xffff, v22;
	v23 =	vmul.f32 v20, v30;
	(pc) =	sbr.rel @p0 .LBB2_7-.Ltmp4, $4  }
0x23c: {  	v46 =	vld [tilespmem:s13+$0x70];
	v19 =	vadd.s32 v9, v29;
	v41 =	vmul.f32 v1, v33;
	v35 =	vmul.f32 v1, v54  }
0x23d: {  	v31 =	vld [tilespmem:s12+$0x0];
	v16 =	vand.u32 $0x7D, v5;
	v40 =	vmul.f32 v1, v40;
	v33 =	vmul.f32 v1, v21  }
0x23e: {  	v25 =	vld [tilespmem:s12+$0xFFFFFFD0];
	v20 =	vadd.s32 v8, v29;
	v34 =	vmul.f32 v23, v55;
	v29 =	vmul.f32 v23, v56  }
0x23f: {  	s2 =	smov.u32 s14;
	s14 =	sadd.s32 $0x4, s14;
	v30 =	vld [tilespmem:s12+$0xFFFFFFE0];
	v21 =	vadd.s32 v6, v16;
	v28 =	vmul.f32 v23, v59;
	v23 =	vmul.f32 v23, v62  }
0x240: {  	_ = 	snop  }
0x241: {  	v1 =	vld [tilespmem:s13+$0xFFFFFF80]  }
0x242: {  	v5 =	vld [tilespmem:s12+$0xFFFFFF20]  }
0x243: {  	v22 =	vld [tilespmem:s13+$0xFFFFFF90]  }
0x244: {  	v59 =	vld [tilespmem:s12+$0xFFFFFF50];
	v43 =	vadd.f32 v27, v25;
	v44 =	vadd.f32 v32, v30  }
0x245: {  	v45 =	vadd.f32 v42, v24;
	v60 =	vld [tilespmem:s13+$0xFFFFFFC0];
	v38 =	vmul.f32 v38, v11;
	v37 =	vmul.f32 v37, v12  }
0x246: {  	v62 =	vld [tilespmem:s12+$0xFFFFFF60];
	v39 =	vmul.f32 v39, v13;
	v41 =	vmul.f32 v41, v10;
	v25 =	vadd.f32 v44, v43  }
0x247: {  	v36 =	vld [tilespmem:s13+$0xFFFFFFD0];
	v27 =	vmul.f32 v43, v43;
	v30 =	vmul.f32 v44, v44  }
0x248: {  	v48 =	vld [tilespmem:s12+$0xFFFFFFA0];
	v35 =	vmul.f32 v35, v11;
	v46 =	vadd.f32 v46, v31;
	v25 =	vadd.f32 v45, v25  }
0x249: {  	v50 =	vld [tilespmem:s13+$0x10];
	v56 =	vmul.f32 v45, v45;
	v38 =	vadd.f32 v38, v15;
	v27 =	vadd.f32 v30, v27  }
0x24a: {  	v57 =	vld [tilespmem:s12+$0xFFFFFF90];
	v40 =	vmul.f32 v40, v12;
	v37 =	vadd.f32 v37, v63;
	v25 =	vadd.f32 v46, v25  }
0x24b: {  	v47 =	vld [tilespmem:s13+$0x0];
	v39 =	vadd.f32 v39, v61;
	v58 =	vmul.f32 v46, v46;
	v27 =	vadd.f32 v56, v27  }
0x24c: {  	v51 =	vld [tilespmem:s12+$0xFFFFFF10];
	v41 =	vadd.f32 v41, v14;
	v35 =	vadd.f32 v35, v15;
	v49 =	vperm.xlane v25, v0  }
0x24d: {  	v40 =	vadd.f32 v40, v63;
	v30 =	vadd.f32 v58, v27  }
0x24e: {  	v33 =	vmul.f32 v33, v13;
	v24 =	vadd.f32 v50, v48;
	v49 =	vadd.f32 v25, v49  }
0x24f: {  	v42 =	vld [tilespmem:s12+$0xFFFFFF70];
	v27 =	vadd.f32 v60, v59;
	v52 =	vperm.xlane v30, v0;
	v25 =	vadd.f32 v36, v62  }
0x250: {  	v31 =	vld [tilespmem:s12+$0xFFFFFF30];
	v36 =	vadd.f32 v22, v5;
	v22 =	vadd.f32 v47, v57;
	v59 =	vperm.xlane v49, v2  }
0x251: {  	v5 =	vld [tilespmem:s13+$0xFFFFFFA0];
	v32 =	vmul.f32 v27, v27;
	v47 =	vadd.f32 v1, v51;
	v30 =	vadd.f32 v52, v30  }
0x252: {  	v54 =	vld [tilespmem:s13+$0xFFFFFFE0];
	v53 =	vmul.f32 v25, v25;
	v56 =	vmul.f32 v36, v36;
	v49 =	vadd.f32 v49, v59  }
0x253: {  	v1 =	vld [tilespmem:s12+$0xFFFFFFB0];
	v52 =	vadd.f32 v25, v27;
	v51 =	vmul.f32 v22, v22;
	v55 =	vperm.xlane v30, v2  }
0x254: {  	v58 =	vadd.f32 v36, v47;
	v50 =	vadd.f32 v53, v32;
	v32 =	vld [tilespmem:s13+$0x20];
	v60 =	vperm.xlane v49, v3  }
0x255: {  	v57 =	vmul.f32 v47, v47;
	v53 =	vadd.f32 v24, v22;
	v59 =	vld [tilespmem:s13+$0xFFFFFFB0];
	v30 =	vadd.f32 v55, v30  }
0x256: {  	v48 =	vadd.f32 v5, v31;
	v5 =	vmul.f32 v24, v24;
	v55 =	vld [tilespmem:s12+$0xFFFFFF40];
	v49 =	vadd.f32 v49, v60  }
0x257: {  	v56 =	vadd.f32 v56, v57;
	v57 =	vld [tilespmem:s12+$0xFFFFFF80];
	v31 =	vadd.f32 v54, v42;
	v60 =	vperm.xlane v30, v3  }
0x258: {  	v54 =	vld [tilespmem:s13+$0xFFFFFFF0];
	v58 =	vadd.f32 v48, v58;
	v5 =	vadd.f32 v5, v51;
	v42 =	vperm.xlane v49, v4  }
0x259: {  	v30 =	vadd.f32 v60, v30;
	v60 =	vmul.f32 v26, v10;
	v26 =	vadd.f32 v32, v1  }
0x25a: {  	v51 =	vld [tilespmem:s13+$0x30];
	v62 =	vmul.f32 v48, v48;
	v52 =	vadd.f32 v31, v52;
	v32 =	vadd.f32 v49, v42  }
0x25b: {  	v1 =	vld [tilespmem:s12+$0xFFFFFFC0];
	v49 =	vperm.xlane v30, v4;
	v42 =	vadd.f32 v59, v55;
	v53 =	vadd.f32 v26, v53  }
0x25c: {  	v59 =	vmul.f32 v31, v31;
	v55 =	vadd.f32 v62, v56;
	v62 =	vmul.f32 v26, v26  }
0x25d: {  	v30 =	vadd.f32 v49, v30;
	v49 =	vmul.f32 $1.562500000e-02, v32;
	v32 =	vadd.f32 v54, v57  }
0x25e: {  	v34 =	vmul.f32 v34, v10;
	v54 =	vadd.f32 v42, v58;
	v50 =	vadd.f32 v59, v50  }
0x25f: {  	v5 =	vadd.f32 v62, v5;
	v56 =	vmul.f32 $1.562500000e-02, v30;
	v57 =	vmul.f32 v49, v49  }
0x260: {  	v29 =	vmul.f32 v29, v11;
	v52 =	vadd.f32 v32, v52;
	v30 =	vadd.f32 v51, v1  }
0x261: {  	v1 =	vmul.f32 v42, v42;
	v62 =	vperm.xlane v54, v0;
	v51 =	vsub.f32 v56, v57  }
0x262: {  	v56 =	vmul.f32 v32, v32;
	v53 =	vadd.f32 v30, v53;
	v57 =	vmul.f32 v30, v30  }
0x263: {  	v1 =	vadd.f32 v1, v55;
	v55 =	vperm.xlane v52, v0;
	v51 =	vadd.f32 $9.999999740e-06, v51  }
0x264: {  	v50 =	vadd.f32 v56, v50;
	v56 =	vperm.xlane v53, v0;
	v5 =	vadd.f32 v57, v5  }
0x265: {  	v54 =	vadd.f32 v54, v62;
	v62 =	vperm.xlane v1, v0;
	v52 =	vadd.f32 v52, v55  }
0x266: {  	v57 =	vshrl.u32 v51, $0x1;
	v53 =	vadd.f32 v53, v56;
	v56 =	vperm.xlane v5, v0  }
0x267: {  	v51 =	vmul.f32 $5.000000000e-01, v51;
	v1 =	vadd.f32 v62, v1;
	v62 =	vperm.xlane v54, v2  }
0x268: {  	v55 =	vperm.xlane v50, v0;
	v57 =	vsub.s32 $0x5F3759DF, v57;
	v5 =	vadd.f32 v56, v5  }
0x269: {  	v56 =	vmul.f32 v57, v51;
	v54 =	vadd.f32 v54, v62;
	v62 =	vperm.xlane v53, v2  }
0x26a: {  	v28 =	vmul.f32 v28, v12;
	v33 =	vadd.f32 v33, v61;
	v50 =	vadd.f32 v55, v50  }
0x26b: {  	v56 =	vmul.f32 v57, v56;
	v53 =	vadd.f32 v53, v62;
	v62 =	vperm.xlane v1, v2  }
0x26c: {  	v34 =	vadd.f32 v34, v14;
	v59 =	vadd.f32 v60, v14;
	v55 =	vperm.xlane v52, v2  }
0x26d: {  	v56 =	vsub.f32 $1.500000000e+00, v56;
	v1 =	vadd.f32 v62, v1;
	v62 =	vperm.xlane v50, v2  }
0x26e: {  	v43 =	vsub.f32 v43, v49;
	v52 =	vadd.f32 v52, v55;
	v60 =	vperm.xlane v5, v2  }
0x26f: {  	v56 =	vmul.f32 v57, v56;
	v50 =	vadd.f32 v62, v50;
	v62 =	vperm.xlane v54, v3  }
0x270: {  	v44 =	vsub.f32 v44, v49;
	v5 =	vadd.f32 v60, v5;
	v60 =	vperm.xlane v52, v3  }
0x271: {  	v54 =	vadd.f32 v54, v62;
	v62 =	vperm.xlane v53, v3;
	v51 =	vmul.f32 v56, v51  }
0x272: {  	v45 =	vsub.f32 v45, v49;
	v52 =	vadd.f32 v52, v60;
	v60 =	vperm.xlane v1, v3  }
0x273: {  	v53 =	vadd.f32 v53, v62;
	v62 =	vperm.xlane v50, v3;
	v51 =	vmul.f32 v51, v56  }
0x274: {  	v46 =	vsub.f32 v46, v49;
	v1 =	vadd.f32 v60, v1;
	v60 =	vperm.xlane v54, v4  }
0x275: {  	v50 =	vadd.f32 v62, v50;
	v62 =	vperm.xlane v5, v3;
	v51 =	vsub.f32 $1.500000000e+00, v51  }
0x276: {  	[tilespmem:v18+s22+$0x0] =	vst.idx.msk $0xffff, v59;
	v54 =	vadd.f32 v54, v60;
	v60 =	vperm.xlane v52, v4  }
0x277: {  	v55 =	vadd.s32 v7, v16;
	v5 =	vadd.f32 v62, v5;
	v51 =	vmul.f32 v51, v56  }
0x278: {  	s13 =	sadd.s32 $0x3, s2;
	v56 =	vperm.xlane v53, v4;
	v52 =	vadd.f32 v52, v60;
	v62 =	vperm.xlane v1, v4  }
0x279: {  	[tilespmem:v17+s22+$0x0] =	vst.idx.msk $0xffff, v38;
	v60 =	vmov s13;
	v54 =	vmul.f32 $1.562500000e-02, v54;
	v43 =	vmul.f32 v51, v43  }
0x27a: {  	[tilespmem:v20+s22+$0x0] =	vst.idx.msk $0xffff, v37;
	v49 =	vand.u32 $0x7F, v60;
	v44 =	vmul.f32 v51, v44;
	v45 =	vmul.f32 v51, v45  }
0x27b: {  	v46 =	vmul.f32 v51, v46;
	v1 =	vadd.f32 v62, v1;
	v62 =	vperm.xlane v50, v4  }
0x27c: {  	v51 =	vadd.s32 v6, v49;
	v53 =	vadd.f32 v53, v56;
	v60 =	vperm.xlane v5, v4  }
0x27d: {  	[tilespmem:v19+s22+$0x0] =	vst.idx.msk $0xffff, v39;
	v50 =	vadd.f32 v62, v50;
	v62 =	vmul.f32 v54, v54;
	v1 =	vmul.f32 $1.562500000e-02, v1  }
0x27e: {  	v56 =	vadd.s32 v7, v49;
	v57 =	vadd.s32 v8, v49;
	v20 =	vsub.f32 v47, v54  }
0x27f: {  	v49 =	vadd.s32 v9, v49;
	v36 =	vsub.f32 v36, v54;
	v1 =	vsub.f32 v1, v62  }
0x280: {  	v39 =	vsub.f32 v48, v54;
	v44 =	vmul.f32 v44, v11;
	v45 =	vmul.f32 v45, v12  }
0x281: {  	v43 =	vmul.f32 v43, v10;
	v5 =	vadd.f32 v60, v5;
	v1 =	vadd.f32 $9.999999740e-06, v1  }
0x282: {  	v38 =	vmul.f32 $1.562500000e-02, v53;
	v18 =	vadd.f32 v44, v15;
	v44 =	vadd.f32 v45, v63  }
0x283: {  	v45 =	vmul.f32 $1.562500000e-02, v52;
	v53 =	vshrl.u32 v1, $0x1;
	v1 =	vmul.f32 $5.000000000e-01, v1  }
0x284: {  	v5 =	vmul.f32 $1.562500000e-02, v5;
	v59 =	vmul.f32 v38, v38;
	v19 =	vsub.s32 $0x5F3759DF, v53  }
0x285: {  	v46 =	vmul.f32 v46, v13;
	v43 =	vadd.f32 v43, v14;
	v60 =	vmul.f32 v19, v1  }
0x286: {  	s5 =	sadd.s32 $0x2, s5;
	[tilespmem:v21+s22+$0x0] =	vst.idx.msk $0xffff, v41;
	v50 =	vmul.f32 $1.562500000e-02, v50;
	v52 =	vmul.f32 v45, v45;
	v5 =	vsub.f32 v5, v59  }
0x287: {  	v58 =	vmov s5;
	v17 =	vadd.f32 v46, v61;
	[tilespmem:v51+s22+$0x0] =	vst.idx.msk $0xffff, v43;
	v41 =	vmul.f32 v19, v60  }
0x288: {  	v48 =	vadd.s32 v8, v16;
	[tilespmem:v56+s22+$0x0] =	vst.idx.msk $0xffff, v18;
	v37 =	vsub.f32 v50, v52;
	v5 =	vadd.f32 $9.999999740e-06, v5  }
0x289: {  	v16 =	vadd.s32 v9, v16;
	v42 =	vsub.f32 v42, v54;
	[tilespmem:v57+s22+$0x0] =	vst.idx.msk $0xffff, v44;
	v41 =	vsub.f32 $1.500000000e+00, v41  }
0x28a: {  	[tilespmem:v49+s22+$0x0] =	vst.idx.msk $0xffff, v17;
	v47 =	vadd.f32 $9.999999740e-06, v37;
	v17 =	vshrl.u32 v5, $0x1;
	v5 =	vmul.f32 $5.000000000e-01, v5  }
0x28b: {  	v62 =	vand.u32 $0x7E, v58;
	v17 =	vsub.s32 $0x5F3759DF, v17;
	v19 =	vmul.f32 v19, v41  }
0x28c: {  	[tilespmem:v55+s22+$0x0] =	vst.idx.msk $0xffff, v35;
	v50 =	vshrl.u32 v47, $0x1;
	v21 =	vmul.f32 $5.000000000e-01, v47;
	v53 =	vmul.f32 v17, v5  }
0x28d: {  	[tilespmem:v48+s22+$0x0] =	vst.idx.msk $0xffff, v40;
	v59 =	vadd.f32 v29, v15;
	v18 =	vsub.s32 $0x5F3759DF, v50;
	v1 =	vmul.f32 v19, v1  }
0x28e: {  	v52 =	vadd.s32 v6, v62;
	v51 =	vmul.f32 v18, v21;
	v54 =	vmul.f32 v17, v53  }
0x28f: {  	v25 =	vsub.f32 v25, v45;
	v56 =	vadd.s32 v7, v62;
	v1 =	vmul.f32 v1, v19  }
0x290: {  	[tilespmem:v16+s22+$0x0] =	vst.idx.msk $0xffff, v33;
	v57 =	vadd.s32 v8, v62;
	v44 =	vmul.f32 v18, v51;
	v16 =	vsub.f32 $1.500000000e+00, v54  }
0x291: {  	v58 =	vadd.s32 v9, v62;
	v40 =	vsub.f32 v31, v45;
	v1 =	vsub.f32 $1.500000000e+00, v1  }
0x292: {  	v55 =	vsub.f32 $1.500000000e+00, v44;
	v16 =	vmul.f32 v17, v16;
	v17 =	vmul.f32 v23, v13  }
0x293: {  	v62 =	vadd.f32 v28, v63;
	[tilespmem:v52+s22+$0x0] =	vst.idx.msk $0xffff, v34;
	v1 =	vmul.f32 v1, v19  }
0x294: {  	v35 =	vmov s2;
	[tilespmem:v56+s22+$0x0] =	vst.idx.msk $0xffff, v59;
	v18 =	vmul.f32 v18, v55;
	v17 =	vadd.f32 v17, v61  }
0x295: {  	v60 =	vsub.f32 v27, v45;
	[tilespmem:v57+s22+$0x0] =	vst.idx.msk $0xffff, v62;
	v23 =	vand.u32 $0x7C, v35;
	v20 =	vmul.f32 v1, v20  }
0x296: {  	v21 =	vmul.f32 v18, v21;
	[tilespmem:v58+s22+$0x0] =	vst.idx.msk $0xffff, v17;
	v17 =	vadd.s32 v6, v23  }
0x297: {  	v37 =	vadd.s32 v7, v23;
	v36 =	vmul.f32 v1, v36;
	v20 =	vmul.f32 v20, v10  }
0x298: {  	v43 =	vadd.s32 v8, v23;
	v21 =	vmul.f32 v21, v18;
	v41 =	vmul.f32 v1, v39  }
0x299: {  	v1 =	vmul.f32 v1, v42;
	v27 =	vmul.f32 v36, v11;
	v20 =	vadd.f32 v20, v14  }
0x29a: {  	v5 =	vmul.f32 v16, v5;
	v23 =	vadd.s32 v9, v23;
	v31 =	vmul.f32 v41, v12  }
0x29b: {  	v1 =	vmul.f32 v1, v13;
	v27 =	vadd.f32 v27, v15;
	[tilespmem:v17+s22+$0x0] =	vst.idx.msk $0xffff, v20;
	v17 =	vsub.f32 $1.500000000e+00, v21  }
0x29c: {  	s14 =	sadd.s32 $0x1, s2;
	v44 =	vsub.f32 v32, v45;
	v5 =	vmul.f32 v5, v16;
	v45 =	vadd.f32 v31, v63  }
0x29d: {  	v48 =	vmov s14;
	v1 =	vadd.f32 v1, v61;
	[tilespmem:v37+s22+$0x0] =	vst.idx.msk $0xffff, v27;
	v17 =	vmul.f32 v17, v18  }
0x29e: {  	v46 =	vsub.f32 v22, v38;
	v49 =	vand.u32 $0x7D, v48;
	[tilespmem:v43+s22+$0x0] =	vst.idx.msk $0xffff, v45  }
0x29f: {  	v47 =	vsub.f32 v24, v38;
	[tilespmem:v23+s22+$0x0] =	vst.idx.msk $0xffff, v1;
	v1 =	vsub.f32 $1.500000000e+00, v5;
	v5 =	vmul.f32 v17, v60  }
0x2a0: {  	v50 =	vsub.f32 v26, v38;
	v52 =	vadd.s32 v6, v49;
	v51 =	vmul.f32 v17, v25  }
0x2a1: {  	v1 =	vmul.f32 v1, v16;
	v16 =	vadd.s32 v7, v49;
	v5 =	vmul.f32 v5, v10  }
0x2a2: {  	v53 =	vsub.f32 v30, v38;
	v54 =	vmul.f32 v17, v40;
	v23 =	vmul.f32 v51, v11  }
0x2a3: {  	v55 =	vadd.s32 v8, v49;
	v17 =	vmul.f32 v17, v44;
	v5 =	vadd.f32 v5, v14  }
0x2a4: {  	s16 =	sadd.s32 $0x2, s2;
	v19 =	vadd.s32 v9, v49;
	v26 =	vmul.f32 v54, v12;
	v23 =	vadd.f32 v23, v15  }
0x2a5: {  	v57 =	vmov s16;
	v17 =	vmul.f32 v17, v13;
	v18 =	vmul.f32 v1, v46;
	[tilespmem:v52+s22+$0x0] =	vst.idx.msk $0xffff, v5  }
0x2a6: {  	v56 =	vmul.f32 v1, v50;
	v58 =	vadd.f32 v26, v63;
	[tilespmem:v16+s22+$0x0] =	vst.idx.msk $0xffff, v23;
	v16 =	vand.u32 $0x7E, v57  }
0x2a7: {  	v17 =	vadd.f32 v17, v61;
	v5 =	vmul.f32 v1, v47;
	v59 =	vadd.s32 v6, v16  }
0x2a8: {  	v18 =	vmul.f32 v18, v10;
	v21 =	vmul.f32 v56, v12;
	v60 =	vadd.s32 v7, v16  }
0x2a9: {  	v1 =	vmul.f32 v1, v53;
	v5 =	vmul.f32 v5, v11;
	v62 =	vadd.s32 v8, v16  }
0x2aa: {  	v18 =	vadd.f32 v18, v14;
	[tilespmem:v55+s22+$0x0] =	vst.idx.msk $0xffff, v58;
	v16 =	vadd.s32 v9, v16  }
0x2ab: {  	v1 =	vmul.f32 v1, v13;
	[tilespmem:v19+s22+$0x0] =	vst.idx.msk $0xffff, v17;
	v5 =	vadd.f32 v5, v15  }
0x2ac: {  	s1 =	sadd.s32 s8, s1;
	v17 =	vadd.f32 v21, v63;
	[tilespmem:v59+s22+$0x0] =	vst.idx.msk $0xffff, v18  }
0x2ad: {  	s1 =	sshll.u32 s1, $0xA;
	v1 =	vadd.f32 v1, v61;
	[tilespmem:v60+s22+$0x0] =	vst.idx.msk $0xffff, v5  }
0x2ae: {  	s1 =	sadd.s32 s3, s1;
	s12 =	simm.s32 $0xE288;
	[tilespmem:v62+s22+$0x0] =	vst.idx.msk $0xffff, v17  }
0x2af: {  	s5 =	simm.s32 $0x10;
	s2 =	simm.s32 $0xE200;
	s13 =	sadd.s32 $0x0, s1;
	[tilespmem:v16+s22+$0x0] =	vst.idx.msk $0xffff, v1  }
.LBB2_9:
0x2b0: {  	[hbm4b:s13+s4] =	stream.linear.scatter [tilespmem:s2], [sflag:$0x6], $0x80, $0x38;
	[tilespmem:$0x12480] =	vst v63  }
0x2b1: {  	s13 =	smov.u32 s5;
	s2 =	smov.u32 s12;
	p0 =	sne.s32 s5, $0x3F0  }
.Ltmp5:
0x2b2: {  	s5 =	sadd.s32 $0x10, s5;
	(pc) =	sbr.rel @p0 .LBB2_9-.Ltmp5, $2  }
0x2b3: {  	_ =	sdelay $0x2  }
0x2b4: {  	s12 =	sadd.s32 $0x88, s12;
	s13 =	sadd.s32 s13, s1  }
0x2b5: {  	[hbm4b:s13+s4] =	stream.linear.scatter [tilespmem:s2], [sflag:$0x6], $0x80, $0x38;
	[tilespmem:$0x12480] =	vst v63  }
0x2b6: {  	s0 =	sor.u32 $0x3, s0  }
0x2b7: {  	s1 =	sshll.u32 s0, $0x7  }
0x2b8: {  	s1 =	sand.u32 $0x3FFFFF80, s1  }
0x2b9: {  	[tilespmem:s23], [sflag:$0x4] =	stream.indirect.gather [hbm4b:s6+s15], $0x40, s1, s15, $0xb8;
	[tilespmem:$0x12480] =	vst v63  }
0x2ba: {  	_ =	swait.ge [sflag:s24], $0x2000  }
0x2bb: {  	[sflag:s24] =	ssyncset.done $0x0  }
0x2bc: {  	[sflag:s24] =	ssyncadd.s32 $0xFFFFE000  }
0x2bd: {  	_ =	swait.ge [sflag:s25], $0x2000  }
0x2be: {  	[sflag:s25] =	ssyncset.done $0x0  }
0x2bf: {  	s5 =	simm.s32 $0x0;
	[sflag:s25] =	ssyncadd.s32 $0xFFFFE000  }
0x2c0: {  	v1 =	vld [tilespmem:s5+$0x80E0]  }
0x2c1: {  	v5 =	vld [tilespmem:s5+$0x80C0]  }
0x2c2: {  	v16 =	vld [tilespmem:s5+$0x104C0]  }
0x2c3: {  	v17 =	vld [tilespmem:s5+$0x80D0]  }
0x2c4: {  	v18 =	vld [tilespmem:s5+$0x104D0]  }
0x2c5: {  	v19 =	vld [tilespmem:s5+$0x104E0]  }
0x2c6: {  	v20 =	vld [tilespmem:s5+$0x80F0]  }
0x2c7: {  	v21 =	vld [tilespmem:s5+$0x104F0]  }
0x2c8: {  	v22 =	vld [tilespmem:s5+$0x8000]  }
0x2c9: {  	v24 =	vld [tilespmem:s5+$0x10400]  }
0x2ca: {  	v25 =	vld [tilespmem:s5+$0x8050]  }
0x2cb: {  	v26 =	vld [tilespmem:s5+$0x10450]  }
0x2cc: {  	v30 =	vld [tilespmem:s5+$0x8080];
	v28 =	vadd.f32 v16, v5;
	v27 =	vadd.f32 v18, v17  }
0x2cd: {  	v32 =	vld [tilespmem:s5+$0x10490];
	v23 =	vadd.f32 v19, v1  }
0x2ce: {  	v34 =	vld [tilespmem:s5+$0x8020];
	v16 =	vadd.f32 v27, v28;
	v17 =	vmul.f32 v28, v28;
	v18 =	vmul.f32 v27, v27  }
0x2cf: {  	v5 =	vld [tilespmem:s5+$0x8010];
	v21 =	vadd.f32 v21, v20  }
0x2d0: {  	v1 =	vld [tilespmem:s5+$0x10410];
	v16 =	vadd.f32 v23, v16;
	v17 =	vadd.f32 v18, v17;
	v18 =	vmul.f32 v23, v23  }
0x2d1: {  	v19 =	vld [tilespmem:s5+$0x8040]  }
0x2d2: {  	v20 =	vld [tilespmem:s5+$0x10440];
	v29 =	vadd.f32 v21, v16;
	v17 =	vadd.f32 v18, v17;
	v18 =	vmul.f32 v21, v21  }
0x2d3: {  	v51 =	vld [tilespmem:s5+$0x8060]  }
0x2d4: {  	v16 =	vadd.f32 v24, v22;
	v22 =	vld [tilespmem:s5+$0x10480];
	v24 =	vperm.xlane v29, v0;
	v31 =	vadd.f32 v18, v17  }
0x2d5: {  	v37 =	vld [tilespmem:s5+$0x10460];
	v17 =	vadd.f32 v1, v5  }
0x2d6: {  	v1 =	vld [tilespmem:s5+$0x8090];
	v5 =	vmul.f32 v16, v16;
	v24 =	vadd.f32 v29, v24;
	v29 =	vperm.xlane v31, v0  }
0x2d7: {  	v18 =	vadd.f32 v20, v19;
	v19 =	vadd.f32 v26, v25;
	v26 =	vld [tilespmem:s5+$0x10420];
	v33 =	vmul.f32 v17, v17  }
0x2d8: {  	v54 =	vld [tilespmem:s5+$0x8030];
	v25 =	vadd.f32 v17, v16;
	v20 =	vperm.xlane v24, v2;
	v29 =	vadd.f32 v29, v31  }
0x2d9: {  	v40 =	vld [tilespmem:s5+$0x10430];
	v35 =	vadd.f32 v19, v18;
	v36 =	vmul.f32 v19, v19;
	v22 =	vadd.f32 v22, v30  }
0x2da: {  	v30 =	vld [tilespmem:s5+$0x104A0];
	v5 =	vadd.f32 v33, v5;
	v38 =	vadd.f32 v24, v20;
	v24 =	vperm.xlane v29, v2  }
0x2db: {  	v31 =	vmul.f32 v18, v18;
	v53 =	vmul.f32 v22, v22;
	v20 =	vadd.f32 v32, v1;
	v1 =	vld [tilespmem:s5+$0x80A0]  }
0x2dc: {  	v52 =	vperm.xlane v38, v3;
	v29 =	vadd.f32 v24, v29;
	v24 =	vadd.f32 v26, v34  }
0x2dd: {  	v31 =	vadd.f32 v36, v31;
	v39 =	vadd.f32 v20, v22;
	v26 =	vmul.f32 v20, v20  }
0x2de: {  	v32 =	vadd.f32 v38, v52;
	v41 =	vadd.f32 v24, v25  }
0x2df: {  	v56 =	vld [tilespmem:s5+$0x8070];
	v55 =	vperm.xlane v29, v3;
	v25 =	vadd.f32 v37, v51;
	v36 =	vadd.f32 v26, v53  }
0x2e0: {  	v57 =	vld [tilespmem:s5+$0x10470];
	v42 =	vmul.f32 v24, v24;
	v26 =	vadd.f32 v30, v1;
	v30 =	vadd.f32 v40, v54  }
0x2e1: {  	v43 =	vperm.xlane v32, v4;
	v29 =	vadd.f32 v55, v29;
	v35 =	vadd.f32 v25, v35  }
0x2e2: {  	v59 =	vld [tilespmem:s5+$0x104B0];
	v58 =	vmul.f32 v25, v25;
	v5 =	vadd.f32 v42, v5;
	v62 =	vadd.f32 v26, v39  }
0x2e3: {  	v1 =	vld [tilespmem:s5+$0x80B0];
	v44 =	vmul.f32 v26, v26;
	v40 =	vadd.f32 v30, v41;
	v45 =	vmul.f32 v30, v30  }
0x2e4: {  	v32 =	vadd.f32 v32, v43;
	v60 =	vperm.xlane v29, v4;
	v38 =	vadd.f32 v58, v31  }
0x2e5: {  	v31 =	vadd.f32 v57, v56;
	v46 =	vadd.f32 v44, v36  }
0x2e6: {  	v5 =	vadd.f32 v45, v5;
	v29 =	vadd.f32 v60, v29  }
0x2e7: {  	v32 =	vmul.f32 $1.562500000e-02, v32;
	v35 =	vadd.f32 v31, v35;
	v49 =	vmul.f32 v31, v31  }
0x2e8: {  	v52 =	vperm.xlane v5, v0;
	v47 =	vmul.f32 $1.562500000e-02, v29;
	v29 =	vadd.f32 v59, v1  }
0x2e9: {  	v48 =	vmul.f32 v32, v32;
	v38 =	vadd.f32 v49, v38;
	v28 =	vsub.f32 v28, v32  }
0x2ea: {  	v1 =	vperm.xlane v40, v0;
	v27 =	vsub.f32 v27, v32;
	v23 =	vsub.f32 v23, v32  }
0x2eb: {  	v50 =	vperm.xlane v35, v0;
	v21 =	vsub.f32 v21, v32;
	v5 =	vadd.f32 v52, v5  }
0x2ec: {  	v36 =	vsub.f32 v47, v48;
	v34 =	vadd.f32 v29, v62  }
0x2ed: {  	v51 =	vmul.f32 v29, v29;
	v1 =	vadd.f32 v40, v1;
	v35 =	vadd.f32 v35, v50  }
0x2ee: {  	v55 =	vperm.xlane v38, v0;
	v45 =	vperm.xlane v5, v2;
	v36 =	vadd.f32 $9.999999740e-06, v36  }
0x2ef: {  	v53 =	vperm.xlane v34, v0;
	v33 =	vadd.f32 v51, v46;
	v58 =	vperm.xlane v1, v2  }
0x2f0: {  	v59 =	vperm.xlane v35, v2;
	v38 =	vadd.f32 v55, v38;
	v5 =	vadd.f32 v45, v5  }
0x2f1: {  	v54 =	vshrl.u32 v36, $0x1;
	v36 =	vmul.f32 $5.000000000e-01, v36;
	v34 =	vadd.f32 v34, v53  }
0x2f2: {  	v56 =	vperm.xlane v33, v0;
	v1 =	vadd.f32 v1, v58;
	v35 =	vadd.f32 v35, v59  }
0x2f3: {  	s12 =	simm.s32 $0x3;
	v46 =	vperm.xlane v38, v2;
	v37 =	vsub.s32 $0x5F3759DF, v54;
	v50 =	vperm.xlane v5, v3  }
0x2f4: {  	v59 =	vmov s12;
	v57 =	vmul.f32 v37, v36;
	v60 =	vperm.xlane v34, v2  }
0x2f5: {  	v33 =	vadd.f32 v56, v33;
	v47 =	vperm.xlane v1, v3;
	v43 =	vperm.xlane v35, v3  }
0x2f6: {  	v38 =	vadd.f32 v46, v38;
	v5 =	vadd.f32 v50, v5;
	v62 =	vmul.f32 v37, v57  }
0x2f7: {  	v34 =	vadd.f32 v34, v60;
	v48 =	vperm.xlane v33, v2;
	v1 =	vadd.f32 v1, v47  }
0x2f8: {  	v35 =	vadd.f32 v35, v43;
	v51 =	vperm.xlane v38, v3;
	v56 =	vperm.xlane v5, v4  }
0x2f9: {  	v39 =	vsub.f32 $1.500000000e+00, v62;
	v49 =	vperm.xlane v34, v3;
	v33 =	vadd.f32 v48, v33  }
0x2fa: {  	v53 =	vperm.xlane v1, v4;
	v54 =	vperm.xlane v35, v4;
	v62 =	vand.u32 $0x7F, v59  }
0x2fb: {  	v38 =	vadd.f32 v51, v38;
	v5 =	vadd.f32 v56, v5;
	v40 =	vadd.s32 v6, v62  }
0x2fc: {  	v56 =	vadd.s32 v7, v62;
	v37 =	vmul.f32 v37, v39;
	v34 =	vadd.f32 v34, v49  }
0x2fd: {  	v52 =	vperm.xlane v33, v3;
	v1 =	vadd.f32 v1, v53;
	v57 =	vperm.xlane v38, v4  }
0x2fe: {  	v35 =	vadd.f32 v35, v54;
	v5 =	vmul.f32 $1.562500000e-02, v5;
	v36 =	vmul.f32 v37, v36  }
0x2ff: {  	v45 =	vadd.s32 v9, v62;
	v55 =	vperm.xlane v34, v4;
	v1 =	vmul.f32 $1.562500000e-02, v1  }
0x300: {  	v33 =	vadd.f32 v52, v33;
	v38 =	vadd.f32 v57, v38;
	v35 =	vmul.f32 $1.562500000e-02, v35  }
0x301: {  	v36 =	vmul.f32 v36, v37;
	v34 =	vadd.f32 v34, v55;
	v60 =	vmul.f32 v1, v1  }
0x302: {  	v58 =	vperm.xlane v33, v4;
	v47 =	vmul.f32 $1.562500000e-02, v38;
	v16 =	vsub.f32 v16, v1  }
0x303: {  	v48 =	vmul.f32 v35, v35;
	v36 =	vsub.f32 $1.500000000e+00, v36;
	v5 =	vsub.f32 v5, v60  }
0x304: {  	v17 =	vsub.f32 v17, v1;
	v33 =	vadd.f32 v58, v33;
	v34 =	vmul.f32 $1.562500000e-02, v34  }
0x305: {  	v24 =	vsub.f32 v24, v1;
	v36 =	vmul.f32 v36, v37;
	v5 =	vadd.f32 $9.999999740e-06, v5  }
0x306: {  	v33 =	vmul.f32 $1.562500000e-02, v33;
	v37 =	vsub.f32 v47, v48;
	v49 =	vmul.f32 v34, v34  }
0x307: {  	v1 =	vsub.f32 v30, v1;
	v30 =	vsub.f32 v18, v35;
	v50 =	vshrl.u32 v5, $0x1  }
0x308: {  	v5 =	vmul.f32 $5.000000000e-01, v5;
	v37 =	vadd.f32 $9.999999740e-06, v37;
	v33 =	vsub.f32 v33, v49  }
0x309: {  	v25 =	vsub.f32 v25, v35;
	v46 =	vsub.f32 v31, v35;
	v41 =	vsub.s32 $0x5F3759DF, v50  }
0x30a: {  	v51 =	vmul.f32 v41, v5;
	v52 =	vshrl.u32 v37, $0x1;
	v33 =	vadd.f32 $9.999999740e-06, v33  }
0x30b: {  	v58 =	vadd.s32 v8, v62;
	v37 =	vmul.f32 $5.000000000e-01, v37;
	v42 =	vsub.s32 $0x5F3759DF, v52  }
0x30c: {  	v38 =	vmul.f32 v41, v51;
	v54 =	vshrl.u32 v33, $0x1;
	v33 =	vmul.f32 $5.000000000e-01, v33  }
0x30d: {  	v60 =	vsub.f32 v19, v35;
	v53 =	vmul.f32 v42, v37;
	v55 =	vsub.s32 $0x5F3759DF, v54  }
0x30e: {  	s14 =	simm.s32 $0x1;
	v28 =	vmul.f32 v36, v28;
	v38 =	vsub.f32 $1.500000000e+00, v38;
	v57 =	vmul.f32 v55, v33  }
0x30f: {  	v62 =	vmov s14;
	v21 =	vmul.f32 v36, v21;
	v32 =	vmul.f32 v42, v53  }
0x310: {  	v22 =	vsub.f32 v22, v34;
	v38 =	vmul.f32 v41, v38;
	v41 =	vmul.f32 v55, v57  }
0x311: {  	v27 =	vmul.f32 v36, v27;
	v21 =	vmul.f32 v21, v13;
	v32 =	vsub.f32 $1.500000000e+00, v32  }
0x312: {  	v23 =	vmul.f32 v36, v23;
	v28 =	vmul.f32 v28, v10;
	v59 =	vsub.f32 $1.500000000e+00, v41  }
0x313: {  	v44 =	vadd.f32 v21, v61;
	v21 =	vmul.f32 v42, v32;
	v5 =	vmul.f32 v38, v5  }
0x314: {  	v47 =	vsub.f32 v20, v34;
	v27 =	vmul.f32 v27, v11;
	v18 =	vmul.f32 v55, v59  }
0x315: {  	v48 =	vsub.f32 v26, v34;
	v19 =	vmul.f32 v21, v37;
	v5 =	vmul.f32 v5, v38  }
0x316: {  	v23 =	vmul.f32 v23, v12;
	v28 =	vadd.f32 v28, v14;
	v31 =	vmul.f32 v18, v33  }
0x317: {  	s13 =	simm.s32 $0x0;
	v27 =	vadd.f32 v27, v15;
	v19 =	vmul.f32 v19, v21;
	v5 =	vsub.f32 $1.500000000e+00, v5  }
0x318: {  	v26 =	vmov s13;
	v23 =	vadd.f32 v23, v63;
	[tilespmem:v40+s19+$0x0] =	vst.idx.msk $0xffff, v28;
	v20 =	vmul.f32 v31, v18  }
0x319: {  	s16 =	simm.s32 $0x2;
	v26 =	vand.u32 $0x7C, v26;
	[tilespmem:v56+s19+$0x0] =	vst.idx.msk $0xffff, v27;
	v19 =	vsub.f32 $1.500000000e+00, v19;
	v5 =	vmul.f32 v5, v38  }
0x31a: {  	s12 =	simm.s32 $0x100;
	v49 =	vsub.f32 v29, v34;
	v51 =	vmov s16;
	[tilespmem:v58+s19+$0x0] =	vst.idx.msk $0xffff, v23;
	v31 =	vsub.f32 $1.500000000e+00, v20  }
0x31b: {  	v43 =	vld [tilespmem:s12+$0x104E0];
	v28 =	vmul.f32 v19, v21;
	v20 =	vadd.s32 v6, v26;
	v36 =	vmul.f32 v5, v16  }
0x31c: {  	v29 =	vld [tilespmem:s12+$0x80E0];
	v13 =	vmovc v12;
	v37 =	vmul.f32 v5, v17;
	v21 =	vadd.s32 v7, v26;
	v38 =	vmul.f32 v5, v24  }
0x31d: {  	v34 =	vld [tilespmem:s12+$0x80D0];
	v12 =	vmovc v11;
	v19 =	vadd.s32 v8, v26;
	v39 =	vmul.f32 v5, v1;
	v50 =	vmul.f32 v31, v18  }
0x31e: {  	v40 =	vld [tilespmem:s12+$0x80F0];
	[tilespmem:v45+s19+$0x0] =	vst.idx.msk $0xffff, v44;
	v17 =	vand.u32 $0x7D, v62;
	v35 =	vmul.f32 v28, v30;
	v32 =	vmul.f32 v28, v60  }
0x31f: {  	v11 =	vmovc v10;
	v41 =	vld [tilespmem:s12+$0x104D0];
	v18 =	vadd.s32 v9, v26;
	v25 =	vmul.f32 v28, v25;
	v26 =	vmul.f32 v28, v46  }
0x320: {  	v33 =	vld [tilespmem:s12+$0x104C0];
	v16 =	vand.u32 $0x7E, v51;
	v9 =	vmovc v8;
	v8 =	vmovc v7;
	v27 =	vmul.f32 v50, v22;
	v28 =	vmul.f32 v50, v47  }
0x321: {  	s2 =	simm.s32 $0x400;
	s1 =	simm.s32 $0x4;
	s5 =	simm.s32 $0x8;
	v31 =	vld [tilespmem:s12+$0x80C0];
	v7 =	vmovc v6;
	v22 =	vadd.s32 v6, v17;
	v30 =	vmul.f32 v50, v48;
	v24 =	vmul.f32 v50, v49  }
.LBB2_11:
0x322: {  	v1 =	vld [tilespmem:s12+$0x104F0]  }
0x323: {  	v45 =	vld [tilespmem:s12+$0x8000]  }
0x324: {  	v15 =	vld [tilespmem:$0x1FF80]  }
0x325: {  	v5 =	vmul.f32 v36, v11;
	v48 =	vld [tilespmem:s12+$0x10400]  }
0x326: {  	v44 =	vmul.f32 v37, v12;
	v42 =	vadd.s32 v8, v17;
	v46 =	vmul.f32 v38, v13;
	v55 =	vld [tilespmem:s12+$0x10410]  }
0x327: {  	v23 =	vadd.s32 v9, v17;
	v10 =	vld [tilespmem:$0x1FF90];
	v49 =	vmul.f32 v32, v12;
	v25 =	vmul.f32 v25, v13  }
0x328: {  	v14 =	vld [tilespmem:$0x1FFD0];
	v27 =	vmul.f32 v27, v11;
	v38 =	vadd.f32 v33, v31;
	v36 =	vadd.f32 v41, v34  }
0x329: {  	v57 =	vld [tilespmem:s12+$0x8040];
	v46 =	vadd.f32 v46, v63;
	v41 =	vmul.f32 v35, v11;
	v37 =	vadd.f32 v43, v29  }
0x32a: {  	v59 =	vld [tilespmem:s12+$0x8050];
	v47 =	vmul.f32 v39, v15;
	v39 =	vadd.f32 v1, v40;
	v29 =	vadd.f32 v36, v38  }
0x32b: {  	v31 =	vld [tilespmem:s12+$0x8010];
	v32 =	vadd.f32 v48, v45;
	v56 =	vmul.f32 v38, v38;
	v34 =	vmul.f32 v36, v36  }
0x32c: {  	v26 =	vmul.f32 v26, v15;
	v1 =	vld [tilespmem:s12+$0x10440];
	v5 =	vadd.f32 v5, v10;
	v58 =	vadd.f32 v37, v29  }
0x32d: {  	v50 =	vld [tilespmem:s12+$0x8080];
	v49 =	vadd.f32 v49, v14;
	v43 =	vmul.f32 v37, v37;
	v34 =	vadd.f32 v34, v56  }
0x32e: {  	v29 =	vmul.f32 v28, v12;
	v28 =	vmul.f32 v30, v13;
	v30 =	vld [tilespmem:s12+$0x10450];
	v40 =	vadd.f32 v39, v58  }
0x32f: {  	v51 =	vld [tilespmem:s12+$0x10480];
	v27 =	vadd.f32 v27, v10;
	v60 =	vmul.f32 v39, v39;
	v43 =	vadd.f32 v43, v34  }
0x330: {  	v47 =	vadd.f32 v47, v61;
	v34 =	vadd.f32 v55, v31;
	v52 =	vperm.xlane v40, v0  }
0x331: {  	v54 =	vld [tilespmem:s12+$0x10490];
	v31 =	vmul.f32 v32, v32;
	v33 =	vadd.f32 v1, v57;
	v43 =	vadd.f32 v60, v43  }
0x332: {  	v1 =	vld [tilespmem:s12+$0x8090];
	v55 =	vadd.f32 v44, v14;
	v53 =	vmul.f32 v34, v34;
	v40 =	vadd.f32 v40, v52  }
0x333: {  	v45 =	vld [tilespmem:s12+$0x10420];
	v29 =	vadd.f32 v29, v14;
	v35 =	vadd.f32 v30, v59;
	v62 =	vperm.xlane v43, v0  }
0x334: {  	v44 =	vld [tilespmem:s12+$0x8020];
	v30 =	vadd.f32 v51, v50;
	v53 =	vadd.f32 v53, v31;
	v56 =	vperm.xlane v40, v2  }
0x335: {  	v50 =	vld [tilespmem:s12+$0x10460];
	v31 =	vmul.f32 v33, v33;
	v58 =	vmul.f32 v35, v35;
	v43 =	vadd.f32 v62, v43  }
0x336: {  	v24 =	vmul.f32 v24, v15;
	v48 =	vadd.f32 v34, v32;
	v52 =	vld [tilespmem:s12+$0x8060];
	v40 =	vadd.f32 v40, v56  }
0x337: {  	v63 =	vperm.xlane v43, v2;
	v56 =	vadd.f32 v58, v31;
	v31 =	vadd.f32 v54, v1;
	v1 =	vld [tilespmem:s12+$0x80A0]  }
0x338: {  	v60 =	vadd.f32 v41, v10;
	v57 =	vadd.f32 v35, v33;
	v54 =	vmul.f32 v30, v30;
	v58 =	vld [tilespmem:s12+$0x104A0]  }
0x339: {  	v59 =	vperm.xlane v40, v3;
	v51 =	vadd.f32 v63, v43;
	v43 =	vadd.f32 v45, v44;
	v44 =	vld [tilespmem:s12+$0x8030]  }
0x33a: {  	v61 =	vadd.f32 v31, v30;
	v41 =	vmul.f32 v31, v31;
	v45 =	vld [tilespmem:s12+$0x10430];
	[tilespmem:v20+s19+$0x0] =	vst.idx.msk $0xffff, v5  }
0x33b: {  	v59 =	vadd.f32 v40, v59;
	v62 =	vperm.xlane v51, v3;
	v40 =	vadd.f32 v50, v52;
	v50 =	vld [tilespmem:s12+$0x8070]  }
0x33c: {  	v48 =	vadd.f32 v43, v48;
	v63 =	vmul.f32 v43, v43;
	v52 =	vld [tilespmem:s12+$0x10470];
	v54 =	vadd.f32 v41, v54  }
0x33d: {  	v41 =	vadd.f32 v58, v1;
	v1 =	vld [tilespmem:s12+$0x80B0];
	v6 =	vperm.xlane v59, v4;
	v51 =	vadd.f32 v62, v51  }
0x33e: {  	v58 =	vld [tilespmem:s12+$0x104B0];
	v57 =	vadd.f32 v40, v57;
	v62 =	vmul.f32 v40, v40;
	v53 =	vadd.f32 v63, v53  }
0x33f: {  	v45 =	vadd.f32 v45, v44;
	v61 =	vadd.f32 v41, v61;
	v63 =	vmul.f32 v41, v41  }
0x340: {  	v6 =	vadd.f32 v59, v6;
	v59 =	vperm.xlane v51, v4;
	v56 =	vadd.f32 v62, v56  }
0x341: {  	[tilespmem:v21+s19+$0x0] =	vst.idx.msk $0xffff, v55;
	v5 =	vadd.f32 v45, v48;
	v44 =	vadd.f32 v52, v50  }
0x342: {  	v48 =	vmul.f32 v45, v45;
	v50 =	vadd.f32 v63, v54;
	v51 =	vadd.f32 v59, v51  }
0x343: {  	[tilespmem:v19+s19+$0x0] =	vst.idx.msk $0xffff, v46;
	v6 =	vmul.f32 $1.562500000e-02, v6;
	v20 =	vadd.f32 v58, v1;
	v21 =	vadd.f32 v44, v57  }
0x344: {  	v54 =	vmul.f32 v44, v44;
	v1 =	vperm.xlane v5, v0;
	v48 =	vadd.f32 v48, v53  }
0x345: {  	[tilespmem:v18+s19+$0x0] =	vst.idx.msk $0xffff, v47;
	v63 =	vld [tilespmem:$0x1FFA0];
	v51 =	vmul.f32 $1.562500000e-02, v51;
	v59 =	vmul.f32 v6, v6;
	v53 =	vadd.f32 v20, v61  }
0x346: {  	v55 =	vmul.f32 v20, v20;
	v38 =	vsub.f32 v38, v6;
	v36 =	vsub.f32 v36, v6  }
0x347: {  	v37 =	vsub.f32 v37, v6;
	v6 =	vsub.f32 v39, v6;
	v52 =	vperm.xlane v21, v0  }
0x348: {  	v62 =	vperm.xlane v48, v0;
	v54 =	vadd.f32 v54, v56;
	v1 =	vadd.f32 v5, v1  }
0x349: {  	v51 =	vsub.f32 v51, v59;
	v5 =	vperm.xlane v53, v0;
	v19 =	vadd.f32 v55, v50  }
0x34a: {  	v25 =	vadd.f32 v25, v63;
	v21 =	vadd.f32 v21, v52;
	v18 =	vperm.xlane v54, v0  }
0x34b: {  	[tilespmem:v22+s19+$0x0] =	vst.idx.msk $0xffff, v60;
	v22 =	vadd.f32 v62, v48;
	v62 =	vperm.xlane v1, v2;
	v51 =	vadd.f32 $9.999999740e-06, v51  }
0x34c: {  	v5 =	vadd.f32 v53, v5;
	v59 =	vperm.xlane v19, v0;
	v52 =	vperm.xlane v21, v2  }
0x34d: {  	v18 =	vadd.f32 v18, v54;
	v1 =	vadd.f32 v1, v62;
	v56 =	vperm.xlane v22, v2  }
0x34e: {  	v58 =	vshrl.u32 v51, $0x1;
	v50 =	vmul.f32 $5.000000000e-01, v51;
	v53 =	vperm.xlane v5, v2  }
0x34f: {  	v19 =	vadd.f32 v59, v19;
	v46 =	vsub.s32 $0x5F3759DF, v58;
	v21 =	vadd.f32 v21, v52  }
0x350: {  	v57 =	vperm.xlane v18, v2;
	v22 =	vadd.f32 v56, v22;
	v60 =	vmul.f32 v46, v50  }
0x351: {  	v58 =	vperm.xlane v1, v3;
	v5 =	vadd.f32 v5, v53;
	v59 =	vperm.xlane v19, v2  }
0x352: {  	v18 =	vadd.f32 v57, v18;
	v52 =	vperm.xlane v22, v3;
	v55 =	vmul.f32 v46, v60  }
0x353: {  	v1 =	vadd.f32 v1, v58;
	v60 =	vperm.xlane v21, v3;
	v62 =	vperm.xlane v5, v3  }
0x354: {  	v19 =	vadd.f32 v59, v19;
	v54 =	vperm.xlane v18, v3;
	v22 =	vadd.f32 v52, v22  }
0x355: {  	v56 =	vperm.xlane v1, v4;
	v47 =	vsub.f32 $1.500000000e+00, v55;
	v21 =	vadd.f32 v21, v60  }
0x356: {  	v5 =	vadd.f32 v5, v62;
	v55 =	vperm.xlane v19, v3;
	v18 =	vadd.f32 v54, v18  }
0x357: {  	s14 =	sadd.s32 $0x3, s1;
	v51 =	vperm.xlane v22, v4;
	v1 =	vadd.f32 v1, v56;
	v46 =	vmul.f32 v46, v47  }
0x358: {  	v56 =	vmov s14;
	v58 =	vperm.xlane v21, v4;
	v59 =	vperm.xlane v5, v4  }
0x359: {  	v19 =	vadd.f32 v55, v19;
	v48 =	vand.u32 $0x7F, v56;
	v47 =	vperm.xlane v18, v4  }
0x35a: {  	v22 =	vadd.f32 v51, v22;
	v1 =	vmul.f32 $1.562500000e-02, v1;
	v53 =	vmul.f32 v46, v50  }
0x35b: {  	v21 =	vadd.f32 v21, v58;
	v5 =	vadd.f32 v5, v59;
	v62 =	vperm.xlane v19, v4  }
0x35c: {  	v58 =	vadd.s32 v8, v48;
	v59 =	vadd.s32 v9, v48;
	v18 =	vadd.f32 v47, v18  }
0x35d: {  	v22 =	vmul.f32 $1.562500000e-02, v22;
	v32 =	vsub.f32 v32, v1;
	v57 =	vmul.f32 v53, v46  }
0x35e: {  	v52 =	vld [tilespmem:$0x1FFF0];
	v21 =	vmul.f32 $1.562500000e-02, v21;
	v19 =	vadd.f32 v62, v19;
	v5 =	vmul.f32 $1.562500000e-02, v5  }
0x35f: {  	v34 =	vsub.f32 v34, v1;
	v62 =	vmul.f32 v1, v1;
	v18 =	vmul.f32 $1.562500000e-02, v18  }
0x360: {  	[tilespmem:v42+s19+$0x0] =	vst.idx.msk $0xffff, v49;
	v60 =	vsub.f32 $1.500000000e+00, v57;
	v57 =	vadd.s32 v7, v48;
	v19 =	vmul.f32 $1.562500000e-02, v19  }
0x361: {  	v22 =	vsub.f32 v22, v62;
	v47 =	vmul.f32 v5, v5;
	v49 =	vsub.f32 v35, v21  }
0x362: {  	v40 =	vsub.f32 v40, v21;
	v44 =	vsub.f32 v44, v21;
	v42 =	vmul.f32 v60, v46  }
0x363: {  	v60 =	vadd.s32 v52, v48;
	v46 =	vmul.f32 v21, v21;
	v22 =	vadd.f32 $9.999999740e-06, v22  }
0x364: {  	v19 =	vsub.f32 v19, v47;
	v38 =	vmul.f32 v42, v38;
	v36 =	vmul.f32 v42, v36  }
0x365: {  	v61 =	vld [tilespmem:$0x1FFB0];
	v37 =	vmul.f32 v42, v37;
	v6 =	vmul.f32 v42, v6;
	v18 =	vsub.f32 v18, v46  }
0x366: {  	v42 =	vsub.f32 v33, v21;
	v51 =	vshrl.u32 v22, $0x1;
	v38 =	vmul.f32 v38, v11  }
0x367: {  	v22 =	vmul.f32 $5.000000000e-01, v22;
	v19 =	vadd.f32 $9.999999740e-06, v19;
	v36 =	vmul.f32 v36, v12  }
0x368: {  	v37 =	vmul.f32 v37, v13;
	v6 =	vmul.f32 v6, v15;
	v38 =	vadd.f32 v38, v10  }
0x369: {  	v18 =	vadd.f32 $9.999999740e-06, v18;
	v54 =	vshrl.u32 v19, $0x1;
	v36 =	vadd.f32 v36, v14  }
0x36a: {  	v19 =	vmul.f32 $5.000000000e-01, v19;
	v37 =	vadd.f32 v37, v63;
	v6 =	vadd.f32 v6, v61;
	[tilespmem:v57+s19+$0x0] =	vst.idx.msk $0xffff, v38  }
0x36b: {  	v53 =	vshrl.u32 v18, $0x1;
	v18 =	vmul.f32 $5.000000000e-01, v18;
	v38 =	vsub.s32 $0x5F3759DF, v54;
	[tilespmem:v58+s19+$0x0] =	vst.idx.msk $0xffff, v36  }
0x36c: {  	v36 =	vsub.s32 $0x5F3759DF, v51;
	v21 =	vmul.f32 v38, v19;
	[tilespmem:v59+s19+$0x0] =	vst.idx.msk $0xffff, v37;
	v37 =	vsub.s32 $0x5F3759DF, v53  }
0x36d: {  	v30 =	vsub.f32 v30, v5;
	v55 =	vmul.f32 v36, v22;
	v56 =	vmul.f32 v37, v18  }
0x36e: {  	[tilespmem:v60+s19+$0x0] =	vst.idx.msk $0xffff, v6;
	v6 =	vsub.f32 v43, v1;
	v21 =	vmul.f32 v38, v21  }
0x36f: {  	v1 =	vsub.f32 v45, v1;
	v39 =	vmul.f32 v36, v55;
	v45 =	vmul.f32 v37, v56  }
0x370: {  	v17 =	vadd.s32 v52, v17;
	v57 =	vsub.f32 v31, v5;
	v21 =	vsub.f32 $1.500000000e+00, v21  }
0x371: {  	[tilespmem:v23+s19+$0x0] =	vst.idx.msk $0xffff, v25;
	v50 =	vadd.s32 v8, v16;
	v31 =	vsub.f32 $1.500000000e+00, v39;
	v59 =	vsub.f32 $1.500000000e+00, v45  }
0x372: {  	v48 =	vadd.s32 v7, v16;
	v58 =	vsub.f32 v41, v5;
	v21 =	vmul.f32 v38, v21  }
0x373: {  	v5 =	vsub.f32 v20, v5;
	v20 =	vmul.f32 v36, v31;
	v31 =	vmul.f32 v37, v59  }
0x374: {  	v26 =	vadd.f32 v26, v61;
	v60 =	vadd.s32 v9, v16;
	v19 =	vmul.f32 v21, v19  }
0x375: {  	v16 =	vadd.s32 v52, v16;
	v22 =	vmul.f32 v20, v22;
	v18 =	vmul.f32 v31, v18  }
0x376: {  	v28 =	vadd.f32 v28, v63;
	[tilespmem:v17+s19+$0x0] =	vst.idx.msk $0xffff, v26;
	v19 =	vmul.f32 v19, v21  }
0x377: {  	s13 =	sadd.s32 $0x1, s1;
	[tilespmem:v48+s19+$0x0] =	vst.idx.msk $0xffff, v27;
	v22 =	vmul.f32 v22, v20;
	v18 =	vmul.f32 v18, v31  }
0x378: {  	s16 =	sadd.s32 $0x2, s1;
	v25 =	vmov s13;
	v24 =	vadd.f32 v24, v61;
	[tilespmem:v50+s19+$0x0] =	vst.idx.msk $0xffff, v29;
	v19 =	vsub.f32 $1.500000000e+00, v19  }
0x379: {  	s2 =	sadd.s32 $0x400, s2;
	[tilespmem:v60+s19+$0x0] =	vst.idx.msk $0xffff, v28;
	v28 =	vmov s16;
	v17 =	vsub.f32 $1.500000000e+00, v22;
	v18 =	vsub.f32 $1.500000000e+00, v18  }
0x37a: {  	s12 =	sshra.s32 s2, $0x2;
	[tilespmem:v16+s19+$0x0] =	vst.idx.msk $0xffff, v24;
	v16 =	vand.u32 $0x7E, v28;
	v22 =	vmov s1;
	v62 =	vmul.f32 v19, v21  }
0x37b: {  	v29 =	vld [tilespmem:s12+$0x80E0];
	v22 =	vand.u32 $0x7C, v22;
	v17 =	vmul.f32 v17, v20;
	v23 =	vmul.f32 v18, v31  }
0x37c: {  	p0 =	slt.u32 s5, $0x7C;
	v33 =	vld [tilespmem:s12+$0x104C0];
	v20 =	vadd.s32 v7, v22;
	v27 =	vmul.f32 v62, v30;
	v28 =	vmul.f32 v62, v57  }
.Ltmp6:
0x37d: {  	v41 =	vld [tilespmem:s12+$0x104D0];
	v21 =	vadd.s32 v8, v22;
	v30 =	vmul.f32 v62, v58;
	v24 =	vmul.f32 v62, v5;
	(pc) =	sbr.rel @p0 .LBB2_11-.Ltmp6, $4  }
0x37e: {  	v43 =	vld [tilespmem:s12+$0x104E0];
	v19 =	vadd.s32 v9, v22;
	v36 =	vmul.f32 v17, v32;
	v37 =	vmul.f32 v17, v34  }
0x37f: {  	v31 =	vld [tilespmem:s12+$0x80C0];
	v18 =	vadd.s32 v52, v22;
	v38 =	vmul.f32 v17, v6;
	v39 =	vmul.f32 v17, v1  }
0x380: {  	v34 =	vld [tilespmem:s12+$0x80D0];
	v17 =	vand.u32 $0x7D, v25;
	v35 =	vmul.f32 v23, v42;
	v32 =	vmul.f32 v23, v49  }
0x381: {  	s1 =	smov.u32 s5;
	s5 =	sadd.s32 $0x4, s5;
	v25 =	vmul.f32 v23, v40;
	v26 =	vmul.f32 v23, v44;
	v40 =	vld [tilespmem:s12+$0x80F0];
	v22 =	vadd.s32 v7, v17  }
0x382: {  	v1 =	vld [tilespmem:s12+$0x104F0]  }
0x383: {  	v5 =	vld [tilespmem:s12+$0x8000]  }
0x384: {  	v6 =	vld [tilespmem:s12+$0x10400]  }
0x385: {  	v23 =	vld [tilespmem:s12+$0x8010]  }
0x386: {  	v59 =	vld [tilespmem:s12+$0x10410]  }
0x387: {  	v60 =	vld [tilespmem:s12+$0x8040]  }
0x388: {  	v44 =	vld [tilespmem:s12+$0x8050]  }
0x389: {  	v15 =	vld [tilespmem:s12+$0x8090];
	v36 =	vmul.f32 v36, v11;
	v37 =	vmul.f32 v37, v12  }
0x38a: {  	v52 =	vld [tilespmem:s12+$0x10490];
	v38 =	vmul.f32 v38, v13;
	v25 =	vmul.f32 v25, v13;
	v46 =	vadd.f32 v33, v31  }
0x38b: {  	v35 =	vmul.f32 v35, v11;
	v10 =	vld [tilespmem:$0x1FF90];
	v47 =	vadd.f32 v43, v29;
	v45 =	vadd.f32 v41, v34  }
0x38c: {  	v48 =	vld [tilespmem:s12+$0x10450];
	v38 =	vadd.f32 v38, v63;
	v25 =	vadd.f32 v25, v63;
	v33 =	vmul.f32 v46, v46  }
0x38d: {  	v31 =	vadd.f32 v45, v46;
	v34 =	vmul.f32 v45, v45;
	v49 =	vadd.f32 v1, v40;
	v1 =	vld [tilespmem:s12+$0x10440]  }
0x38e: {  	v27 =	vmul.f32 v27, v11;
	v43 =	vadd.f32 v6, v5;
	v42 =	vadd.f32 v59, v23  }
0x38f: {  	v50 =	vld [tilespmem:s12+$0x8080];
	v61 =	vmul.f32 v47, v47;
	v31 =	vadd.f32 v47, v31;
	v33 =	vadd.f32 v34, v33  }
0x390: {  	v5 =	vld [tilespmem:s12+$0x10480];
	v23 =	vadd.f32 v52, v15;
	v36 =	vadd.f32 v36, v10;
	v62 =	vmul.f32 v49, v49  }
0x391: {  	v54 =	vld [tilespmem:s12+$0x8020];
	v58 =	vmul.f32 v43, v43;
	v31 =	vadd.f32 v49, v31;
	v33 =	vadd.f32 v61, v33  }
0x392: {  	v53 =	vmul.f32 v42, v42;
	v34 =	vadd.f32 v48, v44;
	v40 =	vadd.f32 v1, v60;
	v1 =	vld [tilespmem:s12+$0x10420]  }
0x393: {  	v56 =	vld [tilespmem:s12+$0x10460];
	v35 =	vadd.f32 v35, v10;
	v6 =	vperm.xlane v31, v0;
	v14 =	vadd.f32 v62, v33  }
0x394: {  	v44 =	vadd.f32 v53, v58;
	v48 =	vmul.f32 v34, v34;
	v58 =	vld [tilespmem:s12+$0x8030];
	v62 =	vmul.f32 v40, v40  }
0x395: {  	v29 =	vadd.f32 v5, v50;
	v50 =	vld [tilespmem:s12+$0x80A0];
	v6 =	vadd.f32 v31, v6;
	v59 =	vperm.xlane v14, v0  }
0x396: {  	v32 =	vmul.f32 v32, v12;
	v27 =	vadd.f32 v27, v10;
	v33 =	vld [tilespmem:s12+$0x104A0];
	v57 =	vadd.f32 v48, v62  }
0x397: {  	v60 =	vperm.xlane v6, v2;
	v31 =	vadd.f32 v59, v14;
	v48 =	vadd.f32 v1, v54;
	v54 =	vld [tilespmem:s12+$0x10430]  }
0x398: {  	v51 =	vadd.f32 v42, v43;
	v61 =	vld [tilespmem:s12+$0x8060];
	v55 =	vadd.f32 v34, v40;
	v52 =	vmul.f32 v29, v29  }
0x399: {  	v53 =	vld [tilespmem:s12+$0x8070];
	v14 =	vmul.f32 v23, v23;
	v5 =	vadd.f32 v6, v60;
	v6 =	vperm.xlane v31, v2  }
0x39a: {  	v28 =	vmul.f32 v28, v12;
	v1 =	vadd.f32 v23, v29;
	v51 =	vadd.f32 v48, v51;
	v60 =	vld [tilespmem:s12+$0x10470]  }
0x39b: {  	v62 =	vld [tilespmem:s12+$0x104B0];
	v52 =	vadd.f32 v14, v52;
	v41 =	vperm.xlane v5, v3;
	v6 =	vadd.f32 v6, v31  }
0x39c: {  	v15 =	vmul.f32 v48, v48;
	v31 =	vadd.f32 v33, v50;
	v33 =	vld [tilespmem:s12+$0x80B0];
	v50 =	vadd.f32 v54, v58  }
0x39d: {  	v5 =	vadd.f32 v5, v41;
	v59 =	vperm.xlane v6, v3;
	v41 =	vadd.f32 v56, v61  }
0x39e: {  	v56 =	vadd.f32 v15, v44;
	v1 =	vadd.f32 v31, v1;
	v15 =	vmul.f32 v31, v31  }
0x39f: {  	v44 =	vadd.f32 v60, v53;
	v51 =	vadd.f32 v50, v51;
	v53 =	vmul.f32 v50, v50  }
0x3a0: {  	v61 =	vperm.xlane v5, v4;
	v6 =	vadd.f32 v59, v6;
	v55 =	vadd.f32 v41, v55  }
0x3a1: {  	v59 =	vmul.f32 v41, v41;
	v52 =	vadd.f32 v15, v52;
	v33 =	vadd.f32 v62, v33  }
0x3a2: {  	v60 =	vperm.xlane v51, v0;
	v53 =	vadd.f32 v53, v56;
	v5 =	vadd.f32 v5, v61  }
0x3a3: {  	v14 =	vperm.xlane v6, v4;
	v57 =	vadd.f32 v59, v57;
	v55 =	vadd.f32 v44, v55  }
0x3a4: {  	v15 =	vmul.f32 v44, v44;
	v1 =	vadd.f32 v33, v1;
	v51 =	vadd.f32 v51, v60  }
0x3a5: {  	v6 =	vadd.f32 v14, v6;
	v5 =	vmul.f32 $1.562500000e-02, v5;
	v62 =	vperm.xlane v55, v0  }
0x3a6: {  	v57 =	vadd.f32 v15, v57;
	v15 =	vperm.xlane v53, v0;
	v60 =	vperm.xlane v1, v0  }
0x3a7: {  	v6 =	vmul.f32 $1.562500000e-02, v6;
	v14 =	vmul.f32 v5, v5;
	v54 =	vadd.f32 v55, v62  }
0x3a8: {  	v56 =	vperm.xlane v57, v0;
	v53 =	vadd.f32 v15, v53;
	v46 =	vsub.f32 v46, v5  }
0x3a9: {  	v15 =	vperm.xlane v51, v2;
	v45 =	vsub.f32 v45, v5;
	v6 =	vsub.f32 v6, v14  }
0x3aa: {  	v14 =	vmul.f32 v33, v33;
	v56 =	vadd.f32 v56, v57;
	v57 =	vperm.xlane v54, v2  }
0x3ab: {  	v51 =	vadd.f32 v51, v15;
	v15 =	vperm.xlane v53, v2;
	v6 =	vadd.f32 $9.999999740e-06, v6  }
0x3ac: {  	v52 =	vadd.f32 v14, v52;
	v54 =	vadd.f32 v54, v57;
	v57 =	vperm.xlane v56, v2  }
0x3ad: {  	v53 =	vadd.f32 v15, v53;
	v62 =	vshrl.u32 v6, $0x1;
	v6 =	vmul.f32 $5.000000000e-01, v6  }
0x3ae: {  	v1 =	vadd.f32 v1, v60;
	v14 =	vperm.xlane v52, v0;
	v55 =	vsub.s32 $0x5F3759DF, v62  }
0x3af: {  	v56 =	vadd.f32 v57, v56;
	v59 =	vperm.xlane v53, v3;
	v58 =	vmul.f32 v55, v6  }
0x3b0: {  	v47 =	vsub.f32 v47, v5;
	v52 =	vadd.f32 v14, v52;
	v14 =	vperm.xlane v1, v2  }
0x3b1: {  	v57 =	vperm.xlane v56, v3;
	v53 =	vadd.f32 v59, v53;
	v58 =	vmul.f32 v55, v58  }
0x3b2: {  	v1 =	vadd.f32 v1, v14;
	v14 =	vperm.xlane v51, v3;
	v15 =	vperm.xlane v52, v2  }
0x3b3: {  	v62 =	vperm.xlane v54, v3;
	v56 =	vadd.f32 v57, v56;
	v58 =	vsub.f32 $1.500000000e+00, v58  }
0x3b4: {  	v57 =	vld [tilespmem:$0x1FFD0];
	v51 =	vadd.f32 v51, v14;
	v14 =	vperm.xlane v1, v3;
	v52 =	vadd.f32 v15, v52  }
0x3b5: {  	v5 =	vsub.f32 v49, v5;
	v60 =	vperm.xlane v53, v4;
	v55 =	vmul.f32 v55, v58  }
0x3b6: {  	v1 =	vadd.f32 v1, v14;
	v15 =	vperm.xlane v52, v3;
	v14 =	vperm.xlane v51, v4  }
0x3b7: {  	v54 =	vadd.f32 v54, v62;
	v53 =	vadd.f32 v60, v53;
	v6 =	vmul.f32 v55, v6  }
0x3b8: {  	v52 =	vadd.f32 v15, v52;
	v51 =	vadd.f32 v51, v14;
	v62 =	vperm.xlane v1, v4  }
0x3b9: {  	v37 =	vadd.f32 v37, v57;
	v15 =	vperm.xlane v54, v4;
	v14 =	vld [tilespmem:$0x1FF80];
	v6 =	vmul.f32 v6, v55  }
0x3ba: {  	v51 =	vmul.f32 $1.562500000e-02, v51;
	v1 =	vadd.f32 v1, v62;
	v62 =	vperm.xlane v52, v4  }
0x3bb: {  	v32 =	vadd.f32 v32, v57;
	v54 =	vadd.f32 v54, v15;
	v15 =	vmul.f32 $1.562500000e-02, v53  }
0x3bc: {  	v61 =	vld [tilespmem:$0x1FFB0];
	[tilespmem:v20+s19+$0x0] =	vst.idx.msk $0xffff, v36;
	v6 =	vsub.f32 $1.500000000e+00, v6;
	v60 =	vmul.f32 v51, v51;
	v52 =	vadd.f32 v62, v52  }
0x3bd: {  	[tilespmem:v22+s19+$0x0] =	vst.idx.msk $0xffff, v35;
	v54 =	vmul.f32 $1.562500000e-02, v54;
	v1 =	vmul.f32 $1.562500000e-02, v1;
	v22 =	vsub.f32 v48, v51  }
0x3be: {  	v35 =	vsub.f32 v50, v51;
	v39 =	vmul.f32 v39, v14;
	v26 =	vmul.f32 v26, v14  }
0x3bf: {  	s2 =	sadd.s32 $0x3, s1;
	v50 =	vadd.s32 v8, v16;
	v24 =	vmul.f32 v24, v14;
	v6 =	vmul.f32 v6, v55  }
0x3c0: {  	[tilespmem:v21+s19+$0x0] =	vst.idx.msk $0xffff, v37;
	v55 =	vadd.s32 v8, v17;
	v49 =	vsub.f32 v15, v60;
	v15 =	vmov s2  }
0x3c1: {  	v60 =	vmul.f32 v54, v54;
	v34 =	vsub.f32 v34, v54;
	v23 =	vsub.f32 v23, v1  }
0x3c2: {  	[tilespmem:v19+s19+$0x0] =	vst.idx.msk $0xffff, v38;
	v39 =	vadd.f32 v39, v61;
	v53 =	vand.u32 $0x7F, v15;
	v46 =	vmul.f32 v6, v46  }
0x3c3: {  	v26 =	vadd.f32 v26, v61;
	v45 =	vmul.f32 v6, v45;
	v47 =	vmul.f32 v6, v47  }
0x3c4: {  	v5 =	vmul.f32 v6, v5;
	v6 =	vperm.xlane v56, v4;
	v58 =	vadd.s32 v8, v53  }
0x3c5: {  	v49 =	vadd.f32 $9.999999740e-06, v49;
	v19 =	vadd.s32 v9, v53;
	[tilespmem:v18+s19+$0x0] =	vst.idx.msk $0xffff, v39;
	v18 =	vsub.f32 v43, v51  }
0x3c6: {  	v6 =	vadd.f32 v6, v56;
	v56 =	vadd.s32 v7, v53;
	v46 =	vmul.f32 v46, v11  }
0x3c7: {  	v39 =	vsub.f32 v42, v51;
	v59 =	vmul.f32 v45, v12;
	v45 =	vmul.f32 $5.000000000e-01, v49  }
0x3c8: {  	v62 =	vshrl.u32 v49, $0x1;
	v49 =	vmul.f32 $1.562500000e-02, v52;
	v6 =	vmul.f32 $1.562500000e-02, v6  }
0x3c9: {  	v52 =	vmul.f32 v1, v1;
	v37 =	vsub.s32 $0x5F3759DF, v62;
	[tilespmem:v55+s19+$0x0] =	vst.idx.msk $0xffff, v32;
	v15 =	vadd.f32 v46, v10  }
0x3ca: {  	v36 =	vadd.f32 v59, v57;
	v46 =	vmul.f32 v37, v45;
	v6 =	vsub.f32 v6, v60  }
0x3cb: {  	v5 =	vmul.f32 v5, v14;
	v59 =	vadd.s32 v9, v17;
	[tilespmem:v56+s19+$0x0] =	vst.idx.msk $0xffff, v15  }
0x3cc: {  	v32 =	vsub.f32 v49, v52;
	v21 =	vmul.f32 v37, v46;
	v6 =	vadd.f32 $9.999999740e-06, v6;
	[tilespmem:v58+s19+$0x0] =	vst.idx.msk $0xffff, v36  }
0x3cd: {  	v5 =	vadd.f32 v5, v61;
	v49 =	vadd.s32 v7, v16;
	v56 =	vmul.f32 v47, v13;
	v15 =	vld [tilespmem:$0x1FFF0]  }
0x3ce: {  	v21 =	vsub.f32 $1.500000000e+00, v21;
	v55 =	vshrl.u32 v6, $0x1;
	v6 =	vmul.f32 $5.000000000e-01, v6  }
0x3cf: {  	v43 =	vadd.f32 $9.999999740e-06, v32;
	v20 =	vadd.f32 v56, v63;
	v58 =	vsub.s32 $0x5F3759DF, v55  }
0x3d0: {  	[tilespmem:v59+s19+$0x0] =	vst.idx.msk $0xffff, v25;
	v21 =	vmul.f32 v37, v21;
	v60 =	vmul.f32 v58, v6  }
0x3d1: {  	v47 =	vsub.f32 v40, v54;
	[tilespmem:v19+s19+$0x0] =	vst.idx.msk $0xffff, v20;
	v19 =	vmul.f32 v30, v13;
	v20 =	vmul.f32 $5.000000000e-01, v43  }
0x3d2: {  	v52 =	vmul.f32 v21, v45;
	v62 =	vadd.s32 v15, v53;
	v37 =	vmul.f32 v58, v60  }
0x3d3: {  	v19 =	vadd.f32 v19, v63;
	v48 =	vadd.s32 v15, v17;
	v53 =	vsub.f32 v41, v54  }
0x3d4: {  	[tilespmem:v49+s19+$0x0] =	vst.idx.msk $0xffff, v27;
	v38 =	vmul.f32 v52, v21;
	v60 =	vadd.f32 v28, v57;
	v46 =	vsub.f32 $1.500000000e+00, v37  }
0x3d5: {  	s14 =	sadd.s32 $0x1, s1;
	v55 =	vadd.s32 v9, v16;
	v54 =	vsub.f32 v44, v54;
	v28 =	vadd.f32 v24, v61  }
0x3d6: {  	v44 =	vmov s14;
	v59 =	vsub.f32 $1.500000000e+00, v38;
	[tilespmem:v50+s19+$0x0] =	vst.idx.msk $0xffff, v60;
	v30 =	vmul.f32 v58, v46  }
0x3d7: {  	v50 =	vsub.f32 v31, v1;
	v58 =	vadd.s32 v15, v16;
	[tilespmem:v62+s19+$0x0] =	vst.idx.msk $0xffff, v5;
	v5 =	vshrl.u32 v43, $0x1  }
0x3d8: {  	v16 =	vand.u32 $0x7D, v44;
	[tilespmem:v48+s19+$0x0] =	vst.idx.msk $0xffff, v26;
	v5 =	vsub.s32 $0x5F3759DF, v5;
	v6 =	vmul.f32 v30, v6  }
0x3d9: {  	v62 =	vmul.f32 v59, v21;
	v43 =	vsub.f32 v29, v1;
	v51 =	vmul.f32 v5, v20  }
0x3da: {  	v48 =	vadd.s32 v7, v16;
	v49 =	vadd.s32 v8, v16;
	v6 =	vmul.f32 v6, v30  }
0x3db: {  	v1 =	vsub.f32 v33, v1;
	v18 =	vmul.f32 v62, v18;
	v37 =	vmul.f32 v5, v51  }
0x3dc: {  	v39 =	vmul.f32 v62, v39;
	v22 =	vmul.f32 v62, v22;
	v6 =	vsub.f32 $1.500000000e+00, v6  }
0x3dd: {  	v17 =	vmul.f32 v62, v35;
	v18 =	vmul.f32 v18, v11;
	v56 =	vsub.f32 $1.500000000e+00, v37  }
0x3de: {  	[tilespmem:v55+s19+$0x0] =	vst.idx.msk $0xffff, v19;
	v21 =	vmul.f32 v39, v12;
	v6 =	vmul.f32 v6, v30;
	v30 =	vmov s1  }
0x3df: {  	[tilespmem:v58+s19+$0x0] =	vst.idx.msk $0xffff, v28;
	v22 =	vmul.f32 v22, v13;
	v5 =	vmul.f32 v5, v56;
	v37 =	vand.u32 $0x7C, v30  }
0x3e0: {  	v17 =	vmul.f32 v17, v14;
	v18 =	vadd.f32 v18, v10;
	v38 =	vadd.s32 v7, v37  }
0x3e1: {  	v21 =	vadd.f32 v21, v57;
	v24 =	vadd.s32 v8, v37;
	v36 =	vmul.f32 v5, v20  }
0x3e2: {  	v45 =	vadd.f32 v22, v63;
	v17 =	vadd.f32 v17, v61;
	v42 =	vadd.s32 v9, v37  }
0x3e3: {  	v46 =	vmul.f32 v6, v47;
	v20 =	vadd.s32 v15, v37;
	v19 =	vmul.f32 v36, v5  }
0x3e4: {  	v47 =	vmul.f32 v6, v34;
	v52 =	vmul.f32 v6, v53;
	v53 =	vadd.s32 v9, v16  }
0x3e5: {  	s16 =	sadd.s32 $0x2, s1;
	v6 =	vmul.f32 v6, v54;
	v16 =	vadd.s32 v15, v16;
	[tilespmem:v38+s19+$0x0] =	vst.idx.msk $0xffff, v18;
	v19 =	vsub.f32 $1.500000000e+00, v19  }
0x3e6: {  	v54 =	vmov s16;
	v51 =	vmul.f32 v47, v12;
	v55 =	vmul.f32 v52, v13;
	[tilespmem:v24+s19+$0x0] =	vst.idx.msk $0xffff, v21  }
0x3e7: {  	v18 =	vand.u32 $0x7E, v54;
	v21 =	vmul.f32 v46, v11;
	[tilespmem:v42+s19+$0x0] =	vst.idx.msk $0xffff, v45;
	v5 =	vmul.f32 v19, v5  }
0x3e8: {  	v59 =	vadd.s32 v8, v18;
	v62 =	vadd.s32 v9, v18;
	[tilespmem:v20+s19+$0x0] =	vst.idx.msk $0xffff, v17  }
0x3e9: {  	v21 =	vadd.f32 v21, v10;
	v56 =	vmul.f32 v5, v43;
	v58 =	vmul.f32 v5, v23  }
0x3ea: {  	v20 =	vadd.f32 v51, v57;
	v17 =	vmul.f32 v5, v50;
	v1 =	vmul.f32 v5, v1  }
0x3eb: {  	v5 =	vmul.f32 v6, v14;
	v6 =	vadd.s32 v7, v18;
	[tilespmem:v48+s19+$0x0] =	vst.idx.msk $0xffff, v21  }
0x3ec: {  	v21 =	vadd.f32 v55, v63;
	[tilespmem:v49+s19+$0x0] =	vst.idx.msk $0xffff, v20;
	v20 =	vmul.f32 v56, v11  }
0x3ed: {  	v18 =	vadd.s32 v15, v18;
	v60 =	vmul.f32 v58, v12;
	v5 =	vadd.f32 v5, v61  }
0x3ee: {  	v17 =	vmul.f32 v17, v13;
	[tilespmem:v53+s19+$0x0] =	vst.idx.msk $0xffff, v21;
	v20 =	vadd.f32 v20, v10  }
0x3ef: {  	v1 =	vmul.f32 v1, v14;
	[tilespmem:v16+s19+$0x0] =	vst.idx.msk $0xffff, v5;
	v5 =	vadd.f32 v60, v57  }
0x3f0: {  	s31 =	sadd.s32 s8, s31;
	[tilespmem:v6+s19+$0x0] =	vst.idx.msk $0xffff, v20;
	v6 =	vadd.f32 v17, v63  }
0x3f1: {  	s1 =	sshll.u32 s31, $0xA;
	v1 =	vadd.f32 v1, v61;
	[tilespmem:v59+s19+$0x0] =	vst.idx.msk $0xffff, v5  }
0x3f2: {  	s5 =	simm.s32 $0x10;
	v44 =	vmov v13;
	s1 =	sadd.s32 s3, s1;
	[tilespmem:v62+s19+$0x0] =	vst.idx.msk $0xffff, v6  }
0x3f3: {  	s12 =	simm.s32 $0xC088;
	s2 =	simm.s32 $0xC000;
	s13 =	sadd.s32 $0x0, s1;
	v43 =	vmovc v11;
	v7 =	vmovc v8;
	v8 =	vmov v9;
	v9 =	vmov v15;
	v11 =	vmov v57;
	[tilespmem:v18+s19+$0x0] =	vst.idx.msk $0xffff, v1  }
.LBB2_13:
0x3f4: {  	[hbm4b:s13+s4] =	stream.linear.scatter [tilespmem:s2], [sflag:$0x5], $0x80, $0x38;
	[tilespmem:$0x12480] =	vst v63  }
0x3f5: {  	s13 =	smov.u32 s5;
	s2 =	smov.u32 s12;
	p0 =	sne.s32 s5, $0x3F0  }
.Ltmp7:
0x3f6: {  	s5 =	sadd.s32 $0x10, s5;
	(pc) =	sbr.rel @p0 .LBB2_13-.Ltmp7, $2  }
0x3f7: {  	_ =	sdelay $0x2  }
0x3f8: {  	s12 =	sadd.s32 $0x88, s12;
	s13 =	sadd.s32 s13, s1  }
0x3f9: {  	[hbm4b:s13+s4] =	stream.linear.scatter [tilespmem:s2], [sflag:$0x5], $0x80, $0x38;
	[tilespmem:$0x12480] =	vst v63  }
0x3fa: {  	p0 =	seq.s32 s30, $0x1F  }
0x3fb: {  	s1 =	sshll.u32 @!p0 s30, $0x9  }
0x3fc: {  	s1 =	sand.u32 @!p0 $0x3FFFFE00, s1  }
0x3fd: {  	s2 =	simm.s32 @!p0 $0x80;
	s5 =	simm.s32 @!p0 $0x4000;
	s1 =	sadd.s32 @!p0 $0x200, s1  }
0x3fe: {  	[tilespmem:s5], [sflag:$0x1] =	stream.indirect.gather @!p0 [hbm4b:s6+s2], $0x40, s1, s2, $0xb8;
	[tilespmem:$0x12480] =	vst v63  }
0x3ff: {  	_ =	swait.ge [sflag:s26], $0x2000  }
0x400: {  	[sflag:s26] =	ssyncset.done $0x0  }
0x401: {  	[sflag:s26] =	ssyncadd.s32 $0xFFFFE000  }
0x402: {  	_ =	swait.ge [sflag:s28], $0x2000  }
0x403: {  	[sflag:s28] =	ssyncset.done $0x0  }
0x404: {  	s12 =	simm.s32 $0x0;
	[sflag:s28] =	ssyncadd.s32 $0xFFFFE000  }
0x405: {  	v1 =	vld [tilespmem:s12+$0xA0E0]  }
0x406: {  	v5 =	vld [tilespmem:s12+$0xA0C0]  }
0x407: {  	v6 =	vld [tilespmem:s12+$0x104C0]  }
0x408: {  	v16 =	vld [tilespmem:s12+$0xA0D0]  }
0x409: {  	v17 =	vld [tilespmem:s12+$0x104D0]  }
0x40a: {  	v18 =	vld [tilespmem:s12+$0x104E0]  }
0x40b: {  	v19 =	vld [tilespmem:s12+$0xA0F0]  }
0x40c: {  	v20 =	vld [tilespmem:s12+$0x104F0]  }
0x40d: {  	v22 =	vld [tilespmem:s12+$0xA000]  }
0x40e: {  	v24 =	vld [tilespmem:s12+$0x10400]  }
0x40f: {  	v25 =	vld [tilespmem:s12+$0x10450]  }
0x410: {  	v28 =	vadd.f32 v6, v5;
	v27 =	vadd.f32 v17, v16;
	v5 =	vld [tilespmem:s12+$0xA010]  }
0x411: {  	v23 =	vadd.f32 v18, v1;
	v18 =	vld [tilespmem:s12+$0xA040];
	v21 =	vadd.f32 v20, v19  }
0x412: {  	v19 =	vld [tilespmem:s12+$0x10440];
	v6 =	vadd.f32 v27, v28;
	v16 =	vmul.f32 v28, v28;
	v17 =	vmul.f32 v27, v27  }
0x413: {  	v1 =	vld [tilespmem:s12+$0x10410]  }
0x414: {  	v20 =	vld [tilespmem:s12+$0xA050];
	v6 =	vadd.f32 v23, v6;
	v16 =	vadd.f32 v17, v16;
	v17 =	vmul.f32 v23, v23;
	_ =	sdelay $0x1  }
0x415: {  	v29 =	vld [tilespmem:s12+$0xA080];
	v26 =	vmul.f32 v21, v21;
	v6 =	vadd.f32 v21, v6;
	v17 =	vadd.f32 v17, v16  }
0x416: {  	v30 =	vld [tilespmem:s12+$0x10490];
	v18 =	vadd.f32 v19, v18  }
0x417: {  	v32 =	vld [tilespmem:s12+$0xA020];
	v16 =	vadd.f32 v24, v22;
	v24 =	vperm.xlane v6, v0;
	v26 =	vadd.f32 v26, v17  }
0x418: {  	v19 =	vadd.f32 v25, v20;
	v17 =	vadd.f32 v1, v5;
	v1 =	vld [tilespmem:s12+$0xA090]  }
0x419: {  	v22 =	vld [tilespmem:s12+$0x10480];
	v6 =	vadd.f32 v6, v24;
	v24 =	vperm.xlane v26, v0  }
0x41a: {  	v33 =	vld [tilespmem:s12+$0x10420];
	v34 =	vadd.f32 v19, v18;
	v5 =	vmul.f32 v16, v16;
	v31 =	vmul.f32 v17, v17  }
0x41b: {  	v36 =	vld [tilespmem:s12+$0x10460];
	v35 =	vmul.f32 v19, v19;
	v20 =	vperm.xlane v6, v2;
	v24 =	vadd.f32 v24, v26  }
0x41c: {  	v25 =	vadd.f32 v17, v16;
	v5 =	vadd.f32 v31, v5;
	v26 =	vmul.f32 v18, v18;
	v31 =	vld [tilespmem:s12+$0xA060]  }
0x41d: {  	v6 =	vadd.f32 v6, v20;
	v37 =	vperm.xlane v24, v2;
	v20 =	vadd.f32 v30, v1;
	v1 =	vld [tilespmem:s12+$0xA0A0]  }
0x41e: {  	v22 =	vadd.f32 v22, v29;
	v29 =	vadd.f32 v35, v26;
	v26 =	vld [tilespmem:s12+$0x104A0]  }
0x41f: {  	v54 =	vld [tilespmem:s12+$0xA030];
	v30 =	vperm.xlane v6, v3;
	v52 =	vadd.f32 v37, v24;
	v24 =	vadd.f32 v33, v32  }
0x420: {  	v39 =	vld [tilespmem:s12+$0x10430];
	v53 =	vmul.f32 v22, v22;
	v55 =	vadd.f32 v20, v22;
	v38 =	vmul.f32 v20, v20  }
0x421: {  	v56 =	vld [tilespmem:s12+$0x10470];
	v6 =	vadd.f32 v6, v30;
	v30 =	vperm.xlane v52, v3;
	v40 =	vadd.f32 v24, v25  }
0x422: {  	v41 =	vmul.f32 v24, v24;
	v25 =	vadd.f32 v36, v31;
	v31 =	vld [tilespmem:s12+$0xA070];
	v37 =	vadd.f32 v38, v53  }
0x423: {  	v26 =	vadd.f32 v26, v1;
	v57 =	vperm.xlane v6, v4;
	v35 =	vadd.f32 v30, v52  }
0x424: {  	v58 =	vld [tilespmem:s12+$0x104B0];
	v34 =	vadd.f32 v25, v34;
	v42 =	vmul.f32 v25, v25;
	v5 =	vadd.f32 v41, v5  }
0x425: {  	v1 =	vld [tilespmem:s12+$0xA0B0];
	v30 =	vadd.f32 v39, v54;
	v60 =	vadd.f32 v26, v55;
	v62 =	vmul.f32 v26, v26  }
0x426: {  	v6 =	vadd.f32 v6, v57;
	v59 =	vperm.xlane v35, v4;
	v45 =	vadd.f32 v42, v29  }
0x427: {  	v46 =	vadd.f32 v30, v40;
	v47 =	vmul.f32 v30, v30;
	v31 =	vadd.f32 v56, v31  }
0x428: {  	v33 =	vadd.f32 v62, v37;
	v29 =	vadd.f32 v59, v35;
	v6 =	vmul.f32 $1.562500000e-02, v6  }
0x429: {  	v5 =	vadd.f32 v47, v5;
	v34 =	vadd.f32 v31, v34;
	v50 =	vmul.f32 v31, v31  }
0x42a: {  	v48 =	vmul.f32 $1.562500000e-02, v29;
	v49 =	vmul.f32 v6, v6;
	v29 =	vadd.f32 v58, v1  }
0x42b: {  	v1 =	vperm.xlane v46, v0;
	v28 =	vsub.f32 v28, v6;
	v27 =	vsub.f32 v27, v6  }
0x42c: {  	v53 =	vperm.xlane v5, v0;
	v23 =	vsub.f32 v23, v6;
	v6 =	vsub.f32 v21, v6  }
0x42d: {  	v51 =	vperm.xlane v34, v0;
	v39 =	vadd.f32 v50, v45;
	v36 =	vsub.f32 v48, v49  }
0x42e: {  	v32 =	vadd.f32 v29, v60;
	v1 =	vadd.f32 v46, v1  }
0x42f: {  	v52 =	vmul.f32 v29, v29;
	v5 =	vadd.f32 v53, v5;
	v34 =	vadd.f32 v34, v51  }
0x430: {  	v56 =	vperm.xlane v39, v0;
	v36 =	vadd.f32 $9.999999740e-06, v36;
	v54 =	vperm.xlane v32, v0  }
0x431: {  	v33 =	vadd.f32 v52, v33;
	v60 =	vperm.xlane v1, v2;
	v47 =	vperm.xlane v5, v2  }
0x432: {  	v62 =	vperm.xlane v34, v2;
	v38 =	vadd.f32 v56, v39;
	v55 =	vshrl.u32 v36, $0x1  }
0x433: {  	v36 =	vmul.f32 $5.000000000e-01, v36;
	v32 =	vadd.f32 v32, v54;
	v58 =	vperm.xlane v33, v0  }
0x434: {  	v1 =	vadd.f32 v1, v60;
	v5 =	vadd.f32 v47, v5;
	v57 =	vsub.s32 $0x5F3759DF, v55  }
0x435: {  	s13 =	simm.s32 $0x3;
	v34 =	vadd.f32 v34, v62;
	v48 =	vperm.xlane v38, v2;
	v59 =	vmul.f32 v57, v36  }
0x436: {  	v62 =	vmov s13;
	v45 =	vperm.xlane v32, v2;
	v49 =	vperm.xlane v1, v3  }
0x437: {  	v33 =	vadd.f32 v58, v33;
	v52 =	vperm.xlane v5, v3;
	v42 =	vperm.xlane v34, v3  }
0x438: {  	v10 =	vld [tilespmem:$0x1FFE0];
	v38 =	vadd.f32 v48, v38;
	v46 =	vmul.f32 v57, v59;
	v32 =	vadd.f32 v32, v45  }
0x439: {  	v50 =	vperm.xlane v33, v2;
	v1 =	vadd.f32 v1, v49;
	v5 =	vadd.f32 v52, v5  }
0x43a: {  	v34 =	vadd.f32 v34, v42;
	v53 =	vperm.xlane v38, v3;
	v37 =	vsub.f32 $1.500000000e+00, v46  }
0x43b: {  	v51 =	vperm.xlane v32, v3;
	v33 =	vadd.f32 v50, v33;
	v55 =	vperm.xlane v1, v4  }
0x43c: {  	v58 =	vperm.xlane v5, v4;
	v46 =	vand.u32 $0x7F, v62;
	v56 =	vperm.xlane v34, v4  }
0x43d: {  	v38 =	vadd.f32 v53, v38;
	v39 =	vadd.s32 v10, v46;
	v35 =	vmul.f32 v57, v37  }
0x43e: {  	v32 =	vadd.f32 v32, v51;
	v54 =	vperm.xlane v33, v3;
	v1 =	vadd.f32 v1, v55  }
0x43f: {  	v5 =	vadd.f32 v58, v5;
	v55 =	vadd.s32 v7, v46;
	v58 =	vadd.s32 v9, v46  }
0x440: {  	v34 =	vadd.f32 v34, v56;
	v59 =	vperm.xlane v38, v4;
	v36 =	vmul.f32 v35, v36  }
0x441: {  	v57 =	vperm.xlane v32, v4;
	v33 =	vadd.f32 v54, v33;
	v1 =	vmul.f32 $1.562500000e-02, v1  }
0x442: {  	v5 =	vmul.f32 $1.562500000e-02, v5;
	v37 =	vadd.f32 v59, v38;
	v34 =	vmul.f32 $1.562500000e-02, v34  }
0x443: {  	v36 =	vmul.f32 v36, v35;
	v32 =	vadd.f32 v32, v57;
	v45 =	vmul.f32 v1, v1  }
0x444: {  	v60 =	vperm.xlane v33, v4;
	v57 =	vadd.s32 v8, v46;
	v16 =	vsub.f32 v16, v1  }
0x445: {  	v47 =	vmul.f32 $1.562500000e-02, v37;
	v36 =	vsub.f32 $1.500000000e+00, v36;
	v5 =	vsub.f32 v5, v45  }
0x446: {  	v48 =	vmul.f32 v34, v34;
	v33 =	vadd.f32 v60, v33;
	v32 =	vmul.f32 $1.562500000e-02, v32  }
0x447: {  	v17 =	vsub.f32 v17, v1;
	v35 =	vmul.f32 v36, v35;
	v5 =	vadd.f32 $9.999999740e-06, v5  }
0x448: {  	v33 =	vmul.f32 $1.562500000e-02, v33;
	v36 =	vsub.f32 v47, v48;
	v49 =	vmul.f32 v32, v32  }
0x449: {  	v24 =	vsub.f32 v24, v1;
	v1 =	vsub.f32 v30, v1;
	v50 =	vshrl.u32 v5, $0x1  }
0x44a: {  	v12 =	vld [tilespmem:$0x1FF70];
	v5 =	vmul.f32 $5.000000000e-01, v5;
	v36 =	vadd.f32 $9.999999740e-06, v36;
	v33 =	vsub.f32 v33, v49  }
0x44b: {  	v30 =	vsub.f32 v18, v34;
	v59 =	vsub.f32 v19, v34;
	v40 =	vsub.s32 $0x5F3759DF, v50  }
0x44c: {  	v51 =	vmul.f32 v40, v5;
	v52 =	vshrl.u32 v36, $0x1;
	v33 =	vadd.f32 $9.999999740e-06, v33  }
0x44d: {  	v27 =	vmul.f32 v35, v27;
	v36 =	vmul.f32 $5.000000000e-01, v36;
	v41 =	vsub.s32 $0x5F3759DF, v52  }
0x44e: {  	v37 =	vmul.f32 v40, v51;
	v53 =	vshrl.u32 v33, $0x1;
	v33 =	vmul.f32 $5.000000000e-01, v33  }
0x44f: {  	v21 =	vmul.f32 v27, v12;
	v27 =	vmul.f32 v41, v36;
	v54 =	vsub.s32 $0x5F3759DF, v53  }
0x450: {  	v25 =	vsub.f32 v25, v34;
	v37 =	vsub.f32 $1.500000000e+00, v37;
	v56 =	vmul.f32 v54, v33  }
0x451: {  	v60 =	vsub.f32 v31, v34;
	v22 =	vsub.f32 v22, v32;
	v27 =	vmul.f32 v41, v27  }
0x452: {  	s14 =	simm.s32 $0x0;
	v45 =	vsub.f32 v20, v32;
	v37 =	vmul.f32 v40, v37;
	v40 =	vmul.f32 v54, v56  }
0x453: {  	v15 =	vld [tilespmem:$0x1FF90];
	v46 =	vsub.f32 v26, v32;
	v26 =	vmov s14;
	v27 =	vsub.f32 $1.500000000e+00, v27  }
0x454: {  	v28 =	vmul.f32 v35, v28;
	v23 =	vmul.f32 v35, v23;
	v40 =	vsub.f32 $1.500000000e+00, v40  }
0x455: {  	s31 =	simm.s32 $0x2;
	v14 =	vld [tilespmem:$0x1FF80];
	v47 =	vsub.f32 v29, v32;
	v27 =	vmul.f32 v41, v27;
	v5 =	vmul.f32 v37, v5  }
0x456: {  	v48 =	vmov s31;
	v28 =	vmul.f32 v28, v43;
	v18 =	vmul.f32 v54, v40  }
0x457: {  	v26 =	vand.u32 $0x7C, v26;
	v19 =	vmul.f32 v27, v36;
	v5 =	vmul.f32 v5, v37  }
0x458: {  	v6 =	vmul.f32 v35, v6;
	v23 =	vmul.f32 v23, v44;
	v28 =	vadd.f32 v28, v15  }
0x459: {  	v31 =	vmul.f32 v18, v33;
	v19 =	vmul.f32 v19, v27;
	v5 =	vsub.f32 $1.500000000e+00, v5  }
0x45a: {  	v6 =	vmul.f32 v6, v14;
	v21 =	vadd.f32 v21, v11;
	v23 =	vadd.f32 v23, v63  }
0x45b: {  	s16 =	simm.s32 $0x1;
	[tilespmem:v39+s22+$0x0] =	vst.idx.msk $0xffff, v28;
	v20 =	vmul.f32 v31, v18;
	v19 =	vsub.f32 $1.500000000e+00, v19;
	v5 =	vmul.f32 v5, v37  }
0x45c: {  	s12 =	simm.s32 $0x100;
	v6 =	vadd.f32 v6, v61;
	v28 =	vmov s16;
	[tilespmem:v55+s22+$0x0] =	vst.idx.msk $0xffff, v21;
	v21 =	vadd.s32 v7, v26  }
0x45d: {  	v34 =	vld [tilespmem:s12+$0xA0D0];
	v31 =	vsub.f32 $1.500000000e+00, v20;
	v27 =	vmul.f32 v19, v27;
	v36 =	vmul.f32 v5, v16  }
0x45e: {  	v29 =	vld [tilespmem:s12+$0xA0E0];
	v20 =	vadd.s32 v10, v26;
	v37 =	vmul.f32 v5, v17;
	v38 =	vmul.f32 v5, v24  }
0x45f: {  	v43 =	vld [tilespmem:s12+$0x104E0];
	v19 =	vadd.s32 v8, v26;
	v39 =	vmul.f32 v5, v1;
	v62 =	vmul.f32 v31, v18  }
0x460: {  	[tilespmem:v57+s22+$0x0] =	vst.idx.msk $0xffff, v23;
	v41 =	vld [tilespmem:s12+$0x104D0];
	v17 =	vand.u32 $0x7D, v28;
	v35 =	vmul.f32 v27, v30;
	v32 =	vmul.f32 v27, v59  }
0x461: {  	v40 =	vld [tilespmem:s12+$0xA0F0];
	v18 =	vadd.s32 v9, v26;
	v25 =	vmul.f32 v27, v25;
	v26 =	vmul.f32 v27, v60  }
0x462: {  	[tilespmem:v58+s22+$0x0] =	vst.idx.msk $0xffff, v6;
	v33 =	vld [tilespmem:s12+$0x104C0];
	v16 =	vand.u32 $0x7E, v48;
	v27 =	vmul.f32 v62, v22;
	v28 =	vmul.f32 v62, v45  }
0x463: {  	v13 =	vmovc v44;
	s1 =	simm.s32 $0x4;
	s2 =	simm.s32 $0x400;
	s5 =	simm.s32 $0x8;
	v31 =	vld [tilespmem:s12+$0xA0C0];
	v22 =	vadd.s32 v10, v17;
	v30 =	vmul.f32 v62, v46;
	v24 =	vmul.f32 v62, v47  }
.LBB2_15:
0x464: {  	v10 =	vld [tilespmem:$0x1FFC0];
	_ =	sdelay $0x1  }
0x465: {  	v1 =	vld [tilespmem:s12+$0x104F0]  }
0x466: {  	v6 =	vmul.f32 v37, v12;
	v42 =	vadd.s32 v7, v17;
	v44 =	vld [tilespmem:s12+$0xA000];
	v45 =	vmul.f32 v38, v13  }
0x467: {  	v46 =	vmul.f32 v39, v14;
	v23 =	vadd.s32 v8, v17;
	v47 =	vld [tilespmem:s12+$0x10400];
	v17 =	vadd.s32 v9, v17  }
0x468: {  	v54 =	vld [tilespmem:s12+$0x10410];
	v38 =	vadd.f32 v33, v31;
	v5 =	vmul.f32 v36, v10;
	v36 =	vadd.f32 v41, v34  }
0x469: {  	v56 =	vld [tilespmem:s12+$0xA040];
	v48 =	vmul.f32 v32, v12;
	v6 =	vadd.f32 v6, v11;
	v46 =	vadd.f32 v46, v61  }
0x46a: {  	v58 =	vld [tilespmem:s12+$0xA050];
	v25 =	vmul.f32 v25, v13;
	v37 =	vadd.f32 v43, v29;
	v29 =	vadd.f32 v36, v38  }
0x46b: {  	v48 =	vadd.f32 v48, v11;
	v31 =	vld [tilespmem:s12+$0xA010];
	v55 =	vmul.f32 v38, v38;
	v34 =	vmul.f32 v36, v36  }
0x46c: {  	v39 =	vadd.f32 v1, v40;
	v27 =	vmul.f32 v27, v10;
	v1 =	vld [tilespmem:s12+$0x10440];
	v57 =	vadd.f32 v37, v29  }
0x46d: {  	v49 =	vld [tilespmem:s12+$0xA080];
	v32 =	vadd.f32 v47, v44;
	v43 =	vmul.f32 v37, v37;
	v34 =	vadd.f32 v34, v55  }
0x46e: {  	v29 =	vmul.f32 v28, v12;
	v28 =	vmul.f32 v30, v13;
	v30 =	vld [tilespmem:s12+$0x10450];
	v40 =	vadd.f32 v39, v57  }
0x46f: {  	v50 =	vld [tilespmem:s12+$0x10480];
	v59 =	vmul.f32 v39, v39;
	v5 =	vadd.f32 v5, v15;
	v43 =	vadd.f32 v43, v34  }
0x470: {  	v27 =	vadd.f32 v27, v15;
	v34 =	vadd.f32 v54, v31;
	v51 =	vperm.xlane v40, v0  }
0x471: {  	v53 =	vld [tilespmem:s12+$0x10490];
	v41 =	vmul.f32 v35, v10;
	v33 =	vadd.f32 v1, v56;
	v43 =	vadd.f32 v59, v43  }
0x472: {  	v1 =	vld [tilespmem:s12+$0xA090];
	v31 =	vmul.f32 v32, v32;
	v52 =	vmul.f32 v34, v34;
	v40 =	vadd.f32 v40, v51  }
0x473: {  	v62 =	vld [tilespmem:s12+$0x10420];
	v29 =	vadd.f32 v29, v11;
	v35 =	vadd.f32 v30, v58;
	v60 =	vperm.xlane v43, v0  }
0x474: {  	v54 =	vld [tilespmem:s12+$0xA020];
	v30 =	vadd.f32 v50, v49;
	v52 =	vadd.f32 v52, v31;
	v55 =	vperm.xlane v40, v2  }
0x475: {  	v49 =	vld [tilespmem:s12+$0x10460];
	v31 =	vmul.f32 v33, v33;
	v57 =	vmul.f32 v35, v35;
	v43 =	vadd.f32 v60, v43  }
0x476: {  	v26 =	vmul.f32 v26, v14;
	v51 =	vadd.f32 v45, v63;
	v45 =	vld [tilespmem:s12+$0xA060];
	v40 =	vadd.f32 v40, v55  }
0x477: {  	v60 =	vperm.xlane v43, v2;
	v55 =	vadd.f32 v57, v31;
	v31 =	vadd.f32 v53, v1;
	v1 =	vld [tilespmem:s12+$0xA0A0]  }
0x478: {  	v24 =	vmul.f32 v24, v14;
	v47 =	vadd.f32 v34, v32;
	v59 =	vadd.f32 v41, v15;
	v57 =	vld [tilespmem:s12+$0x104A0]  }
0x479: {  	v44 =	vld [tilespmem:s12+$0xA030];
	v56 =	vadd.f32 v35, v33;
	v58 =	vperm.xlane v40, v3;
	v50 =	vadd.f32 v60, v43  }
0x47a: {  	v63 =	vld [tilespmem:s12+$0x10470];
	v53 =	vmul.f32 v30, v30;
	v43 =	vadd.f32 v62, v54;
	v54 =	vadd.f32 v31, v30  }
0x47b: {  	v41 =	vmul.f32 v31, v31;
	v60 =	vld [tilespmem:s12+$0x10430];
	[tilespmem:v20+s22+$0x0] =	vst.idx.msk $0xffff, v5;
	v58 =	vadd.f32 v40, v58  }
0x47c: {  	v61 =	vperm.xlane v50, v3;
	v47 =	vadd.f32 v43, v47;
	v40 =	vadd.f32 v49, v45;
	v49 =	vld [tilespmem:s12+$0xA070]  }
0x47d: {  	v62 =	vmul.f32 v43, v43;
	v53 =	vadd.f32 v41, v53;
	v41 =	vadd.f32 v57, v1;
	v1 =	vld [tilespmem:s12+$0xA0B0]  }
0x47e: {  	v57 =	vld [tilespmem:s12+$0x104B0];
	v45 =	vperm.xlane v58, v4;
	v50 =	vadd.f32 v61, v50;
	v56 =	vadd.f32 v40, v56  }
0x47f: {  	v61 =	vmul.f32 v40, v40;
	v52 =	vadd.f32 v62, v52;
	v54 =	vadd.f32 v41, v54  }
0x480: {  	v58 =	vadd.f32 v58, v45;
	v62 =	vperm.xlane v50, v4;
	v45 =	vadd.f32 v60, v44  }
0x481: {  	v60 =	vmul.f32 v41, v41;
	v55 =	vadd.f32 v61, v55;
	v44 =	vadd.f32 v63, v49  }
0x482: {  	[tilespmem:v21+s22+$0x0] =	vst.idx.msk $0xffff, v6;
	v50 =	vadd.f32 v62, v50;
	v58 =	vmul.f32 $1.562500000e-02, v58;
	v5 =	vadd.f32 v45, v47  }
0x483: {  	v47 =	vmul.f32 v45, v45;
	v49 =	vadd.f32 v60, v53;
	v20 =	vadd.f32 v57, v1  }
0x484: {  	[tilespmem:v19+s22+$0x0] =	vst.idx.msk $0xffff, v51;
	v6 =	vadd.f32 v44, v56;
	v21 =	vmul.f32 v44, v44;
	v50 =	vmul.f32 $1.562500000e-02, v50  }
0x485: {  	v63 =	vld [tilespmem:$0x1FFA0];
	v62 =	vmul.f32 v58, v58;
	v47 =	vadd.f32 v47, v52;
	v53 =	vadd.f32 v20, v54  }
0x486: {  	v1 =	vperm.xlane v5, v0;
	v38 =	vsub.f32 v38, v58;
	v36 =	vsub.f32 v36, v58  }
0x487: {  	v60 =	vmul.f32 v20, v20;
	v37 =	vsub.f32 v37, v58;
	v39 =	vsub.f32 v39, v58  }
0x488: {  	v52 =	vperm.xlane v6, v0;
	v21 =	vadd.f32 v21, v55;
	v50 =	vsub.f32 v50, v62  }
0x489: {  	v1 =	vadd.f32 v5, v1;
	v5 =	vperm.xlane v53, v0;
	v19 =	vadd.f32 v60, v49  }
0x48a: {  	[tilespmem:v18+s22+$0x0] =	vst.idx.msk $0xffff, v46;
	v62 =	vperm.xlane v47, v0;
	v25 =	vadd.f32 v25, v63;
	v50 =	vadd.f32 $9.999999740e-06, v50  }
0x48b: {  	v6 =	vadd.f32 v6, v52;
	v18 =	vperm.xlane v21, v0;
	v5 =	vadd.f32 v53, v5  }
0x48c: {  	[tilespmem:v22+s22+$0x0] =	vst.idx.msk $0xffff, v59;
	v22 =	vadd.f32 v62, v47;
	v55 =	vshrl.u32 v50, $0x1;
	v50 =	vmul.f32 $5.000000000e-01, v50  }
0x48d: {  	v56 =	vperm.xlane v19, v0;
	v57 =	vperm.xlane v1, v2;
	v46 =	vsub.s32 $0x5F3759DF, v55  }
0x48e: {  	v52 =	vperm.xlane v6, v2;
	v18 =	vadd.f32 v18, v21;
	v49 =	vmul.f32 v46, v50  }
0x48f: {  	v21 =	vperm.xlane v5, v2;
	v19 =	vadd.f32 v56, v19;
	v1 =	vadd.f32 v1, v57  }
0x490: {  	v60 =	vperm.xlane v22, v2;
	v6 =	vadd.f32 v6, v52;
	v59 =	vmul.f32 v46, v49  }
0x491: {  	v62 =	vperm.xlane v18, v2;
	v5 =	vadd.f32 v5, v21;
	v52 =	vperm.xlane v1, v3  }
0x492: {  	v22 =	vadd.f32 v60, v22;
	v53 =	vperm.xlane v19, v2;
	v21 =	vsub.f32 $1.500000000e+00, v59  }
0x493: {  	v54 =	vperm.xlane v6, v3;
	v18 =	vadd.f32 v62, v18;
	v1 =	vadd.f32 v1, v52  }
0x494: {  	v55 =	vperm.xlane v5, v3;
	v19 =	vadd.f32 v53, v19;
	v21 =	vmul.f32 v46, v21  }
0x495: {  	v56 =	vperm.xlane v22, v3;
	v6 =	vadd.f32 v6, v54;
	v59 =	vperm.xlane v18, v3  }
0x496: {  	s16 =	sadd.s32 $0x3, s1;
	v5 =	vadd.f32 v5, v55;
	v60 =	vperm.xlane v19, v3;
	v57 =	vmul.f32 v21, v50  }
0x497: {  	v62 =	vperm.xlane v1, v4;
	v22 =	vadd.f32 v56, v22;
	v56 =	vmov s16  }
0x498: {  	v53 =	vperm.xlane v6, v4;
	v47 =	vand.u32 $0x7F, v56;
	v52 =	vmul.f32 v57, v21  }
0x499: {  	v18 =	vadd.f32 v59, v18;
	v54 =	vperm.xlane v5, v4;
	v19 =	vadd.f32 v60, v19  }
0x49a: {  	[tilespmem:v42+s22+$0x0] =	vst.idx.msk $0xffff, v48;
	v1 =	vadd.f32 v1, v62;
	v59 =	vadd.s32 v7, v47;
	v55 =	vsub.f32 $1.500000000e+00, v52;
	v52 =	vld [tilespmem:$0x1FFE0]  }
0x49b: {  	v60 =	vadd.s32 v8, v47;
	v62 =	vadd.s32 v9, v47;
	v42 =	vperm.xlane v19, v4  }
0x49c: {  	v50 =	vperm.xlane v22, v4;
	v5 =	vadd.f32 v5, v54;
	v21 =	vmul.f32 v55, v21  }
0x49d: {  	v46 =	vperm.xlane v18, v4;
	v1 =	vmul.f32 $1.562500000e-02, v1;
	v19 =	vadd.f32 v42, v19  }
0x49e: {  	v6 =	vadd.f32 v6, v53;
	v5 =	vmul.f32 $1.562500000e-02, v5;
	v38 =	vmul.f32 v21, v38  }
0x49f: {  	v19 =	vmul.f32 $1.562500000e-02, v19;
	v36 =	vmul.f32 v21, v36;
	v57 =	vadd.s32 v52, v47  }
0x4a0: {  	v61 =	vld [tilespmem:$0x1FFB0];
	v22 =	vadd.f32 v50, v22;
	v37 =	vmul.f32 v21, v37;
	v38 =	vmul.f32 v38, v10  }
0x4a1: {  	v18 =	vadd.f32 v46, v18;
	v21 =	vmul.f32 v21, v39;
	v36 =	vmul.f32 v36, v12  }
0x4a2: {  	v47 =	vmul.f32 v5, v5;
	v37 =	vmul.f32 v37, v13;
	v38 =	vadd.f32 v38, v15  }
0x4a3: {  	v32 =	vsub.f32 v32, v1;
	v21 =	vmul.f32 v21, v14;
	v36 =	vadd.f32 v36, v11  }
0x4a4: {  	v19 =	vsub.f32 v19, v47;
	v37 =	vadd.f32 v37, v63;
	[tilespmem:v57+s22+$0x0] =	vst.idx.msk $0xffff, v38  }
0x4a5: {  	v6 =	vmul.f32 $1.562500000e-02, v6;
	v46 =	vmul.f32 v1, v1;
	v21 =	vadd.f32 v21, v61;
	[tilespmem:v59+s22+$0x0] =	vst.idx.msk $0xffff, v36  }
0x4a6: {  	v34 =	vsub.f32 v34, v1;
	v22 =	vmul.f32 $1.562500000e-02, v22;
	v19 =	vadd.f32 $9.999999740e-06, v19;
	[tilespmem:v60+s22+$0x0] =	vst.idx.msk $0xffff, v37  }
0x4a7: {  	v42 =	vsub.f32 v33, v6;
	v18 =	vmul.f32 $1.562500000e-02, v18;
	[tilespmem:v62+s22+$0x0] =	vst.idx.msk $0xffff, v21;
	v21 =	vmul.f32 v6, v6  }
0x4a8: {  	v22 =	vsub.f32 v22, v46;
	v53 =	vshrl.u32 v19, $0x1;
	v19 =	vmul.f32 $5.000000000e-01, v19  }
0x4a9: {  	v48 =	vsub.f32 v35, v6;
	v37 =	vsub.s32 $0x5F3759DF, v53;
	v18 =	vsub.f32 v18, v21  }
0x4aa: {  	v40 =	vsub.f32 v40, v6;
	v56 =	vmul.f32 v37, v19;
	v21 =	vadd.f32 $9.999999740e-06, v22  }
0x4ab: {  	v49 =	vadd.s32 v7, v16;
	v6 =	vsub.f32 v44, v6;
	v18 =	vadd.f32 $9.999999740e-06, v18  }
0x4ac: {  	v44 =	vmul.f32 v37, v56;
	v50 =	vshrl.u32 v21, $0x1;
	v21 =	vmul.f32 $5.000000000e-01, v21  }
0x4ad: {  	v35 =	vsub.s32 $0x5F3759DF, v50;
	v51 =	vshrl.u32 v18, $0x1;
	v18 =	vmul.f32 $5.000000000e-01, v18  }
0x4ae: {  	v44 =	vsub.f32 $1.500000000e+00, v44;
	v54 =	vmul.f32 v35, v21;
	v36 =	vsub.s32 $0x5F3759DF, v51  }
0x4af: {  	v30 =	vsub.f32 v30, v5;
	v58 =	vsub.f32 v41, v5;
	v55 =	vmul.f32 v36, v18  }
0x4b0: {  	v38 =	vsub.f32 v43, v1;
	v62 =	vmul.f32 v37, v44;
	v39 =	vmul.f32 v35, v54  }
0x4b1: {  	v1 =	vsub.f32 v45, v1;
	v22 =	vadd.s32 v52, v16;
	v45 =	vmul.f32 v36, v55  }
0x4b2: {  	v57 =	vsub.f32 v31, v5;
	v19 =	vmul.f32 v62, v19;
	v31 =	vsub.f32 $1.500000000e+00, v39  }
0x4b3: {  	v5 =	vsub.f32 v20, v5;
	v60 =	vadd.s32 v8, v16;
	v59 =	vsub.f32 $1.500000000e+00, v45  }
0x4b4: {  	v16 =	vadd.s32 v9, v16;
	v19 =	vmul.f32 v19, v62;
	v20 =	vmul.f32 v35, v31  }
0x4b5: {  	v26 =	vadd.f32 v26, v61;
	[tilespmem:v23+s22+$0x0] =	vst.idx.msk $0xffff, v25;
	v31 =	vmul.f32 v36, v59  }
0x4b6: {  	v28 =	vadd.f32 v28, v63;
	[tilespmem:v22+s22+$0x0] =	vst.idx.msk $0xffff, v27;
	v19 =	vsub.f32 $1.500000000e+00, v19;
	v21 =	vmul.f32 v20, v21  }
0x4b7: {  	s31 =	sadd.s32 $0x2, s1;
	v24 =	vadd.f32 v24, v61;
	[tilespmem:v49+s22+$0x0] =	vst.idx.msk $0xffff, v29;
	v18 =	vmul.f32 v31, v18  }
0x4b8: {  	s13 =	sadd.s32 $0x1, s1;
	[tilespmem:v60+s22+$0x0] =	vst.idx.msk $0xffff, v28;
	v28 =	vmov s31;
	v44 =	vmul.f32 v19, v62;
	v21 =	vmul.f32 v21, v20  }
0x4b9: {  	s2 =	sadd.s32 $0x400, s2;
	v25 =	vmov s13;
	[tilespmem:v16+s22+$0x0] =	vst.idx.msk $0xffff, v24;
	v16 =	vand.u32 $0x7E, v28;
	v18 =	vmul.f32 v18, v31  }
0x4ba: {  	s12 =	sshra.s32 s2, $0x2;
	[tilespmem:v17+s22+$0x0] =	vst.idx.msk $0xffff, v26;
	v27 =	vmul.f32 v44, v30;
	v28 =	vmul.f32 v44, v57;
	v17 =	vsub.f32 $1.500000000e+00, v21  }
0x4bb: {  	v33 =	vld [tilespmem:s12+$0x104C0];
	v30 =	vmul.f32 v44, v58;
	v21 =	vmov s1;
	v18 =	vsub.f32 $1.500000000e+00, v18  }
0x4bc: {  	p1 =	slt.u32 s5, $0x7C;
	v41 =	vld [tilespmem:s12+$0x104D0];
	v24 =	vmul.f32 v44, v5;
	v22 =	vand.u32 $0x7C, v21;
	v17 =	vmul.f32 v17, v20  }
.Ltmp8:
0x4bd: {  	v43 =	vld [tilespmem:s12+$0x104E0];
	v20 =	vadd.s32 v52, v22;
	v21 =	vadd.s32 v7, v22;
	v23 =	vmul.f32 v18, v31;
	(pc) =	sbr.rel @p1 .LBB2_15-.Ltmp8, $4  }
0x4be: {  	v29 =	vld [tilespmem:s12+$0xA0E0];
	v19 =	vadd.s32 v8, v22;
	v36 =	vmul.f32 v17, v32;
	v37 =	vmul.f32 v17, v34  }
0x4bf: {  	v31 =	vld [tilespmem:s12+$0xA0C0];
	v38 =	vmul.f32 v17, v38;
	v39 =	vmul.f32 v17, v1;
	v18 =	vadd.s32 v9, v22  }
0x4c0: {  	v34 =	vld [tilespmem:s12+$0xA0D0];
	v17 =	vand.u32 $0x7D, v25;
	v35 =	vmul.f32 v23, v42;
	v32 =	vmul.f32 v23, v48  }
0x4c1: {  	s1 =	smov.u32 s5;
	s5 =	sadd.s32 $0x4, s5;
	v22 =	vadd.s32 v52, v17;
	v25 =	vmul.f32 v23, v40;
	v26 =	vmul.f32 v23, v6;
	v40 =	vld [tilespmem:s12+$0xA0F0]  }
0x4c2: {  	v1 =	vld [tilespmem:s12+$0x104F0]  }
0x4c3: {  	v5 =	vld [tilespmem:s12+$0xA000]  }
0x4c4: {  	v6 =	vld [tilespmem:s12+$0x10400]  }
0x4c5: {  	v23 =	vld [tilespmem:s12+$0xA010]  }
0x4c6: {  	v61 =	vld [tilespmem:s12+$0x10410]  }
0x4c7: {  	v62 =	vld [tilespmem:s12+$0xA040];
	v46 =	vadd.f32 v33, v31;
	v45 =	vadd.f32 v41, v34  }
0x4c8: {  	v44 =	vld [tilespmem:s12+$0xA050];
	v37 =	vmul.f32 v37, v12;
	v38 =	vmul.f32 v38, v13;
	v47 =	vadd.f32 v43, v29  }
0x4c9: {  	v48 =	vld [tilespmem:s12+$0x10450];
	v33 =	vmul.f32 v46, v46;
	v31 =	vadd.f32 v45, v46;
	v34 =	vmul.f32 v45, v45  }
0x4ca: {  	v50 =	vld [tilespmem:s12+$0xA080];
	v32 =	vmul.f32 v32, v12;
	v37 =	vadd.f32 v37, v11;
	v49 =	vadd.f32 v1, v40  }
0x4cb: {  	v52 =	vld [tilespmem:s12+$0x10490];
	v55 =	vmul.f32 v47, v47;
	v31 =	vadd.f32 v47, v31;
	v33 =	vadd.f32 v34, v33  }
0x4cc: {  	v25 =	vmul.f32 v25, v13;
	v38 =	vadd.f32 v38, v63;
	v32 =	vadd.f32 v32, v11;
	v1 =	vld [tilespmem:s12+$0x10440]  }
0x4cd: {  	v54 =	vld [tilespmem:s12+$0xA020];
	v56 =	vmul.f32 v49, v49;
	v31 =	vadd.f32 v49, v31;
	v33 =	vadd.f32 v55, v33  }
0x4ce: {  	v39 =	vmul.f32 v39, v14;
	v43 =	vadd.f32 v6, v5;
	v42 =	vadd.f32 v61, v23;
	v5 =	vld [tilespmem:s12+$0x10480]  }
0x4cf: {  	v25 =	vadd.f32 v25, v63;
	v61 =	vld [tilespmem:s12+$0xA060];
	v6 =	vperm.xlane v31, v0;
	v57 =	vadd.f32 v56, v33  }
0x4d0: {  	v58 =	vmul.f32 v43, v43;
	v51 =	vadd.f32 v42, v43;
	v53 =	vmul.f32 v42, v42;
	v33 =	vld [tilespmem:s12+$0xA090]  }
0x4d1: {  	v40 =	vadd.f32 v1, v62;
	v1 =	vld [tilespmem:s12+$0x10420];
	v6 =	vadd.f32 v31, v6;
	v59 =	vperm.xlane v57, v0  }
0x4d2: {  	v28 =	vmul.f32 v28, v12;
	v34 =	vadd.f32 v48, v44;
	v44 =	vadd.f32 v53, v58;
	v58 =	vld [tilespmem:s12+$0xA030]  }
0x4d3: {  	v29 =	vadd.f32 v5, v50;
	v50 =	vld [tilespmem:s12+$0xA0A0];
	v60 =	vperm.xlane v6, v2;
	v31 =	vadd.f32 v59, v57  }
0x4d4: {  	v48 =	vmul.f32 v34, v34;
	v56 =	vld [tilespmem:s12+$0x10460];
	v62 =	vmul.f32 v40, v40;
	v55 =	vadd.f32 v34, v40  }
0x4d5: {  	v23 =	vadd.f32 v52, v33;
	v33 =	vld [tilespmem:s12+$0x104A0];
	v5 =	vadd.f32 v6, v60;
	v6 =	vperm.xlane v31, v2  }
0x4d6: {  	v24 =	vmul.f32 v24, v14;
	v57 =	vadd.f32 v48, v62;
	v48 =	vadd.f32 v1, v54;
	v54 =	vld [tilespmem:s12+$0x10430]  }
0x4d7: {  	v52 =	vmul.f32 v29, v29;
	v41 =	vperm.xlane v5, v3;
	v6 =	vadd.f32 v6, v31  }
0x4d8: {  	v53 =	vld [tilespmem:s12+$0xA070];
	v51 =	vadd.f32 v48, v51;
	v1 =	vadd.f32 v23, v29;
	v31 =	vmul.f32 v23, v23  }
0x4d9: {  	v62 =	vld [tilespmem:s12+$0x104B0];
	v5 =	vadd.f32 v5, v41;
	v59 =	vperm.xlane v6, v3;
	v41 =	vadd.f32 v56, v61  }
0x4da: {  	v56 =	vmul.f32 v48, v48;
	v52 =	vadd.f32 v31, v52;
	v31 =	vadd.f32 v33, v50;
	v33 =	vld [tilespmem:s12+$0xA0B0]  }
0x4db: {  	v60 =	vld [tilespmem:s12+$0x10470];
	v50 =	vadd.f32 v54, v58;
	v61 =	vperm.xlane v5, v4;
	v6 =	vadd.f32 v59, v6  }
0x4dc: {  	v55 =	vadd.f32 v41, v55;
	v59 =	vmul.f32 v41, v41;
	v56 =	vadd.f32 v56, v44  }
0x4dd: {  	v1 =	vadd.f32 v31, v1;
	v54 =	vmul.f32 v31, v31;
	v51 =	vadd.f32 v50, v51  }
0x4de: {  	v5 =	vadd.f32 v5, v61;
	v44 =	vperm.xlane v6, v4;
	v57 =	vadd.f32 v59, v57  }
0x4df: {  	v52 =	vadd.f32 v54, v52;
	v33 =	vadd.f32 v62, v33;
	v62 =	vperm.xlane v51, v0  }
0x4e0: {  	v6 =	vadd.f32 v44, v6;
	v5 =	vmul.f32 $1.562500000e-02, v5;
	v44 =	vadd.f32 v60, v53  }
0x4e1: {  	v53 =	vmul.f32 v50, v50;
	v1 =	vadd.f32 v33, v1;
	v51 =	vadd.f32 v51, v62  }
0x4e2: {  	v6 =	vmul.f32 $1.562500000e-02, v6;
	v60 =	vmul.f32 v5, v5;
	v55 =	vadd.f32 v44, v55  }
0x4e3: {  	v58 =	vmul.f32 v44, v44;
	v53 =	vadd.f32 v53, v56;
	v46 =	vsub.f32 v46, v5  }
0x4e4: {  	v45 =	vsub.f32 v45, v5;
	v47 =	vsub.f32 v47, v5;
	v62 =	vperm.xlane v1, v0  }
0x4e5: {  	v6 =	vsub.f32 v6, v60;
	v54 =	vperm.xlane v55, v0;
	v60 =	vmul.f32 v33, v33  }
0x4e6: {  	v57 =	vadd.f32 v58, v57;
	v58 =	vperm.xlane v53, v0;
	v1 =	vadd.f32 v1, v62  }
0x4e7: {  	v26 =	vmul.f32 v26, v14;
	v6 =	vadd.f32 $9.999999740e-06, v6;
	v52 =	vadd.f32 v60, v52  }
0x4e8: {  	v54 =	vadd.f32 v55, v54;
	v56 =	vperm.xlane v57, v0;
	v53 =	vadd.f32 v58, v53  }
0x4e9: {  	v60 =	vshrl.u32 v6, $0x1;
	v6 =	vmul.f32 $5.000000000e-01, v6;
	v59 =	vperm.xlane v52, v0  }
0x4ea: {  	v56 =	vadd.f32 v56, v57;
	v57 =	vperm.xlane v54, v2;
	v55 =	vsub.s32 $0x5F3759DF, v60  }
0x4eb: {  	v60 =	vperm.xlane v51, v2;
	v58 =	vmul.f32 v55, v6;
	v52 =	vadd.f32 v59, v52  }
0x4ec: {  	v59 =	vperm.xlane v1, v2;
	v54 =	vadd.f32 v54, v57;
	v57 =	vperm.xlane v56, v2  }
0x4ed: {  	v61 =	vld [tilespmem:$0x1FFB0];
	v5 =	vsub.f32 v49, v5;
	v51 =	vadd.f32 v51, v60;
	v60 =	vperm.xlane v53, v2  }
0x4ee: {  	v58 =	vmul.f32 v55, v58;
	v1 =	vadd.f32 v1, v59;
	v56 =	vadd.f32 v57, v56  }
0x4ef: {  	v57 =	vperm.xlane v54, v3;
	v59 =	vperm.xlane v51, v3;
	v53 =	vadd.f32 v60, v53  }
0x4f0: {  	v60 =	vperm.xlane v52, v2;
	v58 =	vsub.f32 $1.500000000e+00, v58;
	v62 =	vperm.xlane v1, v3  }
0x4f1: {  	v54 =	vadd.f32 v54, v57;
	v51 =	vadd.f32 v51, v59;
	v59 =	vperm.xlane v53, v3  }
0x4f2: {  	v39 =	vadd.f32 v39, v61;
	v52 =	vadd.f32 v60, v52;
	v55 =	vmul.f32 v55, v58  }
0x4f3: {  	v1 =	vadd.f32 v1, v62;
	v62 =	vperm.xlane v54, v4;
	v53 =	vadd.f32 v59, v53  }
0x4f4: {  	v26 =	vadd.f32 v26, v61;
	v58 =	vperm.xlane v52, v3;
	v60 =	vperm.xlane v51, v4  }
0x4f5: {  	v6 =	vmul.f32 v55, v6;
	v54 =	vadd.f32 v54, v62;
	v59 =	vperm.xlane v53, v4  }
0x4f6: {  	v52 =	vadd.f32 v58, v52;
	v51 =	vadd.f32 v51, v60;
	v58 =	vld [tilespmem:$0x1FFC0];
	v60 =	vperm.xlane v1, v4  }
0x4f7: {  	v6 =	vmul.f32 v6, v55;
	v54 =	vmul.f32 $1.562500000e-02, v54;
	v53 =	vadd.f32 v59, v53  }
0x4f8: {  	v51 =	vmul.f32 $1.562500000e-02, v51;
	v1 =	vadd.f32 v1, v60;
	v60 =	vperm.xlane v52, v4  }
0x4f9: {  	v57 =	vperm.xlane v56, v3;
	v6 =	vsub.f32 $1.500000000e+00, v6;
	v49 =	vmul.f32 $1.562500000e-02, v53  }
0x4fa: {  	v62 =	vmul.f32 v51, v51;
	v52 =	vadd.f32 v60, v52;
	v60 =	vmul.f32 v54, v54  }
0x4fb: {  	v56 =	vadd.f32 v57, v56;
	v1 =	vmul.f32 $1.562500000e-02, v1;
	v36 =	vmul.f32 v36, v58  }
0x4fc: {  	v34 =	vsub.f32 v34, v54;
	v6 =	vmul.f32 v6, v55;
	v35 =	vmul.f32 v35, v58  }
0x4fd: {  	s2 =	sadd.s32 $0x3, s1;
	v10 =	vld [tilespmem:$0x1FFE0];
	v55 =	vadd.s32 v7, v17;
	v27 =	vmul.f32 v27, v58;
	v49 =	vsub.f32 v49, v62  }
0x4fe: {  	v62 =	vmov s2;
	v23 =	vsub.f32 v23, v1;
	v46 =	vmul.f32 v6, v46  }
0x4ff: {  	v45 =	vmul.f32 v6, v45;
	v36 =	vadd.f32 v36, v15;
	v47 =	vmul.f32 v6, v47  }
0x500: {  	v5 =	vmul.f32 v6, v5;
	v6 =	vperm.xlane v56, v4;
	v53 =	vand.u32 $0x7F, v62  }
0x501: {  	v35 =	vadd.f32 v35, v15;
	v27 =	vadd.f32 v27, v15;
	v57 =	vadd.s32 v7, v53  }
0x502: {  	v6 =	vadd.f32 v6, v56;
	v56 =	vadd.s32 v10, v53;
	[tilespmem:v20+s22+$0x0] =	vst.idx.msk $0xffff, v36  }
0x503: {  	v49 =	vadd.f32 $9.999999740e-06, v49;
	v46 =	vmul.f32 v46, v58;
	v59 =	vmul.f32 v45, v12;
	[tilespmem:v22+s22+$0x0] =	vst.idx.msk $0xffff, v35  }
0x504: {  	v52 =	vmul.f32 $1.562500000e-02, v52;
	v22 =	vsub.f32 v48, v51;
	v35 =	vsub.f32 v50, v51;
	[tilespmem:v21+s22+$0x0] =	vst.idx.msk $0xffff, v37  }
0x505: {  	v5 =	vmul.f32 v5, v14;
	v50 =	vsub.f32 v40, v54;
	v45 =	vmul.f32 $5.000000000e-01, v49;
	[tilespmem:v55+s22+$0x0] =	vst.idx.msk $0xffff, v32  }
0x506: {  	v62 =	vshrl.u32 v49, $0x1;
	v55 =	vmul.f32 v1, v1;
	v6 =	vmul.f32 $1.562500000e-02, v6;
	[tilespmem:v19+s22+$0x0] =	vst.idx.msk $0xffff, v38  }
0x507: {  	v19 =	vadd.s32 v8, v53;
	v46 =	vadd.f32 v46, v15;
	v36 =	vadd.f32 v59, v11  }
0x508: {  	v37 =	vsub.s32 $0x5F3759DF, v62;
	v5 =	vadd.f32 v5, v61;
	[tilespmem:v18+s22+$0x0] =	vst.idx.msk $0xffff, v39;
	v18 =	vsub.f32 v43, v51  }
0x509: {  	v49 =	vmul.f32 v37, v45;
	v39 =	vsub.f32 v42, v51;
	v6 =	vsub.f32 v6, v60  }
0x50a: {  	v32 =	vsub.f32 v52, v55;
	v51 =	vadd.s32 v10, v16;
	[tilespmem:v56+s22+$0x0] =	vst.idx.msk $0xffff, v46  }
0x50b: {  	v46 =	vadd.s32 v9, v53;
	v6 =	vadd.f32 $9.999999740e-06, v6;
	[tilespmem:v57+s22+$0x0] =	vst.idx.msk $0xffff, v36;
	v57 =	vmul.f32 v47, v13  }
0x50c: {  	v60 =	vadd.s32 v8, v17;
	v17 =	vadd.s32 v9, v17;
	v21 =	vmul.f32 v37, v49  }
0x50d: {  	v56 =	vshrl.u32 v6, $0x1;
	v6 =	vmul.f32 $5.000000000e-01, v6;
	v20 =	vadd.f32 v57, v63  }
0x50e: {  	v48 =	vadd.f32 $9.999999740e-06, v32;
	v21 =	vsub.f32 $1.500000000e+00, v21;
	v59 =	vsub.s32 $0x5F3759DF, v56  }
0x50f: {  	v47 =	vmul.f32 v30, v13;
	v62 =	vmul.f32 v59, v6;
	[tilespmem:v19+s22+$0x0] =	vst.idx.msk $0xffff, v20  }
0x510: {  	v21 =	vmul.f32 v37, v21;
	v20 =	vmul.f32 $5.000000000e-01, v48;
	[tilespmem:v46+s22+$0x0] =	vst.idx.msk $0xffff, v5;
	v5 =	vshrl.u32 v48, $0x1  }
0x511: {  	v36 =	vadd.f32 v24, v61;
	v37 =	vmul.f32 v59, v62;
	v5 =	vsub.s32 $0x5F3759DF, v5  }
0x512: {  	v57 =	vsub.f32 v44, v54;
	v55 =	vmul.f32 v21, v45;
	v53 =	vmul.f32 v5, v20  }
0x513: {  	v52 =	vadd.s32 v7, v16;
	[tilespmem:v60+s22+$0x0] =	vst.idx.msk $0xffff, v25;
	v56 =	vsub.f32 v41, v54;
	v49 =	vsub.f32 $1.500000000e+00, v37  }
0x514: {  	v19 =	vadd.f32 v47, v63;
	v38 =	vmul.f32 v55, v21;
	v37 =	vmul.f32 v5, v53  }
0x515: {  	v45 =	vsub.f32 v29, v1;
	v62 =	vadd.f32 v28, v11;
	v30 =	vmul.f32 v59, v49  }
0x516: {  	[tilespmem:v17+s22+$0x0] =	vst.idx.msk $0xffff, v26;
	v60 =	vsub.f32 $1.500000000e+00, v38;
	v59 =	vadd.s32 v8, v16;
	v17 =	vsub.f32 $1.500000000e+00, v37  }
0x517: {  	v16 =	vadd.s32 v9, v16;
	v37 =	vmov s1;
	v6 =	vmul.f32 v30, v6  }
0x518: {  	[tilespmem:v51+s22+$0x0] =	vst.idx.msk $0xffff, v27;
	v42 =	vand.u32 $0x7C, v37;
	v5 =	vmul.f32 v5, v17;
	v17 =	vmul.f32 v60, v21  }
0x519: {  	[tilespmem:v52+s22+$0x0] =	vst.idx.msk $0xffff, v62;
	v24 =	vadd.s32 v7, v42;
	v6 =	vmul.f32 v6, v30  }
0x51a: {  	s31 =	sadd.s32 $0x2, s1;
	v44 =	vadd.s32 v8, v42;
	v38 =	vmul.f32 v5, v20;
	v18 =	vmul.f32 v17, v18  }
0x51b: {  	v54 =	vmov s31;
	[tilespmem:v59+s22+$0x0] =	vst.idx.msk $0xffff, v19;
	v43 =	vmul.f32 v17, v39;
	v22 =	vmul.f32 v17, v22  }
0x51c: {  	v17 =	vmul.f32 v17, v35;
	v6 =	vsub.f32 $1.500000000e+00, v6;
	[tilespmem:v16+s22+$0x0] =	vst.idx.msk $0xffff, v36;
	v18 =	vmul.f32 v18, v58  }
0x51d: {  	v16 =	vadd.s32 v10, v42;
	v21 =	vmul.f32 v43, v12;
	v22 =	vmul.f32 v22, v13  }
0x51e: {  	v20 =	vadd.s32 v9, v42;
	v19 =	vmul.f32 v38, v5;
	v6 =	vmul.f32 v6, v30  }
0x51f: {  	v17 =	vmul.f32 v17, v14;
	v18 =	vadd.f32 v18, v15;
	v21 =	vadd.f32 v21, v11  }
0x520: {  	v46 =	vadd.f32 v22, v63;
	v19 =	vsub.f32 $1.500000000e+00, v19;
	v47 =	vmul.f32 v6, v50  }
0x521: {  	s16 =	sadd.s32 $0x1, s1;
	v17 =	vadd.f32 v17, v61;
	v48 =	vmul.f32 v6, v34;
	v52 =	vmul.f32 v6, v56  }
0x522: {  	v6 =	vmul.f32 v6, v57;
	[tilespmem:v16+s22+$0x0] =	vst.idx.msk $0xffff, v18;
	v16 =	vmov s16;
	v5 =	vmul.f32 v19, v5  }
0x523: {  	v18 =	vand.u32 $0x7E, v54;
	[tilespmem:v24+s22+$0x0] =	vst.idx.msk $0xffff, v21;
	v16 =	vand.u32 $0x7D, v16;
	v21 =	vmul.f32 v47, v58  }
0x524: {  	v51 =	vmul.f32 v48, v12;
	v55 =	vmul.f32 v52, v13;
	v59 =	vadd.s32 v7, v18  }
0x525: {  	v62 =	vadd.s32 v8, v18;
	[tilespmem:v44+s22+$0x0] =	vst.idx.msk $0xffff, v46;
	v49 =	vadd.s32 v10, v16  }
0x526: {  	v50 =	vadd.s32 v7, v16;
	v53 =	vadd.s32 v8, v16;
	v56 =	vmul.f32 v5, v45  }
0x527: {  	[tilespmem:v20+s22+$0x0] =	vst.idx.msk $0xffff, v17;
	v17 =	vsub.f32 v31, v1;
	v1 =	vsub.f32 v33, v1  }
0x528: {  	v57 =	vmul.f32 v5, v23;
	v16 =	vadd.s32 v9, v16;
	v21 =	vadd.f32 v21, v15  }
0x529: {  	v20 =	vadd.f32 v51, v11;
	v17 =	vmul.f32 v5, v17;
	v1 =	vmul.f32 v5, v1  }
0x52a: {  	v5 =	vmul.f32 v6, v14;
	v6 =	vadd.s32 v10, v18;
	[tilespmem:v49+s22+$0x0] =	vst.idx.msk $0xffff, v21  }
0x52b: {  	v21 =	vadd.f32 v55, v63;
	[tilespmem:v50+s22+$0x0] =	vst.idx.msk $0xffff, v20;
	v20 =	vmul.f32 v56, v58  }
0x52c: {  	v60 =	vmul.f32 v57, v12;
	v18 =	vadd.s32 v9, v18;
	v5 =	vadd.f32 v5, v61  }
0x52d: {  	v17 =	vmul.f32 v17, v13;
	[tilespmem:v53+s22+$0x0] =	vst.idx.msk $0xffff, v21;
	v20 =	vadd.f32 v20, v15  }
0x52e: {  	v1 =	vmul.f32 v1, v14;
	[tilespmem:v16+s22+$0x0] =	vst.idx.msk $0xffff, v5;
	v5 =	vadd.f32 v60, v11  }
0x52f: {  	s0 =	sadd.s32 s8, s0;
	[tilespmem:v6+s22+$0x0] =	vst.idx.msk $0xffff, v20;
	v6 =	vadd.f32 v17, v63  }
0x530: {  	s0 =	sshll.u32 s0, $0xA;
	v1 =	vadd.f32 v1, v61;
	[tilespmem:v59+s22+$0x0] =	vst.idx.msk $0xffff, v5  }
0x531: {  	s5 =	simm.s32 $0xE288;
	s0 =	sadd.s32 s3, s0;
	[tilespmem:v62+s22+$0x0] =	vst.idx.msk $0xffff, v6  }
0x532: {  	s12 =	sadd.s32 $0x0, s0;
	s2 =	simm.s32 $0x10;
	s1 =	simm.s32 $0xE200;
	v12 =	vmov v13;
	v10 =	vmov v58;
	v15 =	vmov v11;
	[tilespmem:v18+s22+$0x0] =	vst.idx.msk $0xffff, v1  }
.LBB2_17:
0x533: {  	[hbm4b:s12+s4] =	stream.linear.scatter [tilespmem:s1], [sflag:$0x6], $0x80, $0x38;
	[tilespmem:$0x12480] =	vst v63  }
0x534: {  	s12 =	smov.u32 s2;
	s1 =	smov.u32 s5;
	p1 =	sne.s32 s2, $0x3F0  }
.Ltmp9:
0x535: {  	s2 =	sadd.s32 $0x10, s2;
	(pc) =	sbr.rel @p1 .LBB2_17-.Ltmp9, $2  }
0x536: {  	_ =	sdelay $0x2  }
0x537: {  	s5 =	sadd.s32 $0x88, s5;
	s12 =	sadd.s32 s12, s0  }
.Ltmp10:
0x538: {  	(pc) =	sbr.rel @p0 .LBB2_20-.Ltmp10, $2  }
0x539: {  	_ =	sdelay $0x2  }
0x53a: {  	[hbm4b:s12+s4] =	stream.linear.scatter [tilespmem:s1], [sflag:$0x6], $0x80, $0x38;
	[tilespmem:$0x12480] =	vst v63  }
.Ltmp11:
0x53b: {  	(pc) =	sbr.rel .LBB2_2-.Ltmp11, $4  }
0x53c: {  	s0 =	sshll.u32 s30, $0x9;
	v6 =	vld [tilespmem:$0x1FFE0]  }
0x53d: {  	v11 =	vld [tilespmem:$0x1FF70];
	s0 =	sand.u32 $0x3FFFFE00, s0  }
0x53e: {  	s30 =	sadd.s32 $0x1, s30;
	v13 =	vld [tilespmem:$0x1FF80];
	s0 =	sadd.s32 $0x280, s0  }
0x53f: {  	v14 =	vld [tilespmem:$0x1FF90];
	[tilespmem:s17], [sflag:$0x2] =	stream.indirect.gather [hbm4b:s6+s15], $0x40, s0, s15, $0xb8  }
.LBB2_21:
0x540: {  	_ =	sfence.sel $0x180000  }
0x541: {  	[bflag:$0x0] =	sbarrier.arrive $0xFFFF  }
0x542: {  	_ =	strace $0x9000004A  }
0x543: {  	s0 =	stileid.u32;
	[bflag:$0x2] =	sbarrier.arrive $0xFFFF  }
0x544: {  	p0 =	sne.s32 s0, $0x0;
	s0 =	rddreg [dreg:$0x5]  }
0x545: {  	s0 =	sadd.s32 @!p0 $0x100000, s0  }
0x546: {  	[sflag:s0] =	ssyncadd.tile.s32 @!p0 $0x1;
	_ =	shalt  }
.Lfunc_end2:
_tile_overlayer_lowered:
.L_overlay_start_2:
0x547: {  	(tag) =	ssettag $0x2  }
0x548: {  	s0 =	rddreg [dreg:$0x0];
	s2 =	stileid.u32  }
0x549: {  	s1 =	rddreg [dreg:$0x1];
	p0 =	sne.s32 s2, $0x0  }
0x54a: {  	s3 =	rddreg [dreg:$0x2];
	[bflag:$0x3] =	sbarrier.arrive $0xFFFF;
	s2 =	simm.s32 @!p0 $0x1C07  }
0x54b: {  	[timem:s3], [sflag:s2] =	dma.local @!p0 [hbm:s0], s1  }
0x54c: {  	s0 =	simm.s32 @!p0 $0x7  }
0x54d: {  	_ =	swait.ge @!p0 [sflag:s0], s1  }
0x54e: {  	s1 =	ssub.s32 @!p0 $0x0, s1;
	[sflag:s0] =	ssyncset.done @!p0 $0x0  }
0x54f: {  	[sflag:s0] =	ssyncadd.s32 @!p0 s1  }
0x550: {  	[bflag:$0x3] =	sbarrier.arrive $0xFFFF  }
0x551: {  	_ =	shalt  }

</sc_bundles>
